<compile_context>
chip_gen: v7x
topology: tpu7x:2x2x1
jax: 0.10.2.dev20260603
libtpu: 0.0.44.dev20260713+nightly
codegen_flags: <defaults>
</compile_context>

<pallas_src>
import jax
import jax.numpy as jnp
from jax import lax
from jax.experimental import pallas as pl
from jax.experimental.pallas import tpu as pltpu
from jax.experimental.pallas import tpu_sc as plsc

N = 10000
E = 320000
HID = 128
HID2 = HID // 2
NC = 2
NS = 16
NW = NC * NS
EB = 80
EBF = 100
ROWS_ALL = E // EB
ROWS_F = E // EBF
RPW = ROWS_F // NW
RPT_DEG = ROWS_ALL // NS
NP = 10112
NPT = NP // NS
NPD = 10240
NPTD = NPD // NS
CH = 25
CHN = RPW // CH
RING = 3
DEG_K = 10
R_TC = 2000

f32 = jnp.float32


def _deg_body(em, ones_h, zeros_h, degs, idx_v, ones_v, acc_sh, ssem):
    cid = lax.axis_index("c")
    sid = lax.axis_index("s")
    pltpu.sync_copy(ones_h, ones_v)
    pltpu.sync_copy(zeros_h.at[pl.ds(sid * NPTD, NPTD)],
                    acc_sh.at[pl.ds(sid * NPTD, NPTD)])
    pltpu.sync_copy(em.at[cid, sid], idx_v)
    plsc.subcore_barrier()

    def outer(i, carry):
        descs = []
        for k in range(DEG_K):
            j = i * DEG_K + k
            descs.append(
                pltpu.async_copy(ones_v, acc_sh.at[idx_v.at[j]], ssem,
                                 add=True))
        for d in descs:
            d.wait()
        return carry

    lax.fori_loop(0, RPT_DEG // DEG_K, outer, 0)
    plsc.subcore_barrier()
    pltpu.sync_copy(acc_sh.at[pl.ds(sid * NPTD, NPTD)],
                    degs.at[pl.ds(cid * NPD + sid * NPTD, NPTD)])


def _deg_call(em, ones1, z1):
    mesh = plsc.VectorSubcoreMesh(core_axis_name="c", subcore_axis_name="s")
    return pl.kernel(
        _deg_body,
        out_type=jax.ShapeDtypeStruct((NC * NPD,), f32),
        mesh=mesh,
        scratch_types=[
            pltpu.VMEM((RPT_DEG, EB), jnp.int32),
            pltpu.VMEM((EB,), f32),
            pltpu.VMEM_SHARED((NPD,), f32),
            pltpu.SemaphoreType.DMA,
        ],
    )(em, ones1, z1)


def _scat_body(em, xs, zeros_h, out, sidx_v, didx_v, rows_v, acc_sh,
               gsems, ssems):
    cid = lax.axis_index("c")
    sid = lax.axis_index("s")
    wid = cid * NS + sid
    pltpu.sync_copy(zeros_h.at[pl.ds(sid * NPT, NPT)],
                    acc_sh.at[pl.ds(sid * NPT, NPT)])
    plsc.subcore_barrier()

    def chunk_loop(c, carry0):
        pltpu.sync_copy(em.at[0, wid, c], sidx_v)
        pltpu.sync_copy(em.at[1, wid, c], didx_v)

        def step(j, carry):
            k = lax.rem(j, RING)
            kp = lax.rem(j + RING - 1, RING)

            @pl.when(j >= RING)
            def _():
                pltpu.make_async_copy(rows_v.at[k], acc_sh.at[didx_v.at[j]],
                                      ssems.at[k]).wait()

            pltpu.async_copy(xs.at[sidx_v.at[j]], rows_v.at[k], gsems.at[k])

            @pl.when(j >= 1)
            def _():
                pltpu.make_async_copy(xs.at[sidx_v.at[j - 1]], rows_v.at[kp],
                                      gsems.at[kp]).wait()
                pltpu.async_copy(rows_v.at[kp], acc_sh.at[didx_v.at[j - 1]],
                                 ssems.at[kp], add=True)

            return carry

        lax.fori_loop(0, CH, step, 0)
        kl = (CH - 1) % RING
        pltpu.make_async_copy(xs.at[sidx_v.at[CH - 1]], rows_v.at[kl],
                              gsems.at[kl]).wait()
        pltpu.async_copy(rows_v.at[kl], acc_sh.at[didx_v.at[CH - 1]],
                         ssems.at[kl], add=True)
        for k in range(RING):
            pltpu.make_async_copy(rows_v.at[k], acc_sh.at[didx_v.at[k]],
                                  ssems.at[k]).wait()
        return carry0

    lax.fori_loop(0, CHN, chunk_loop, 0)
    plsc.subcore_barrier()
    pltpu.sync_copy(acc_sh.at[pl.ds(sid * NPT, NPT)],
                    out.at[cid, pl.ds(sid * NPT, NPT)])


def _scat_call(em, xs, zeros_h):
    mesh = plsc.VectorSubcoreMesh(core_axis_name="c", subcore_axis_name="s")

    return pl.kernel(
        _scat_body,
        out_type=jax.ShapeDtypeStruct((NC, NP, HID), f32),
        mesh=mesh,
        scratch_types=[
            pltpu.VMEM((CH, EBF), jnp.int32),
            pltpu.VMEM((CH, EBF), jnp.int32),
            pltpu.VMEM((RING, EBF, HID), f32),
            pltpu.VMEM_SHARED((NP, HID), f32),
            pltpu.SemaphoreType.DMA((RING,)),
            pltpu.SemaphoreType.DMA((RING,)),
        ],
    )(em, xs, zeros_h)


def _prep_body(di_ref, do_ref, cx_ref, cy_ref, xs0_ref, nd_ref, ns_ref):
    di = di_ref[...]
    nd = lax.rsqrt(jnp.maximum(di, 1.0))
    ns = lax.rsqrt(jnp.maximum(do_ref[...], 1.0))
    nd_ref[...] = nd
    ns_ref[...] = ns
    feats = jnp.concatenate(
        [di, cx_ref[...], cy_ref[...],
         jnp.zeros((R_TC, HID - 3), f32)], axis=1)
    xs0_ref[...] = feats * ns


def _prep_call(di, do, cx, cy):
    grid = (N // R_TC,)
    col = pl.BlockSpec((R_TC, 1), lambda i: (i, 0))
    return pl.pallas_call(
        _prep_body,
        grid=grid,
        in_specs=[col, col, col, col],
        out_specs=[pl.BlockSpec((R_TC, HID), lambda i: (i, 0)), col, col],
        out_shape=[
            jax.ShapeDtypeStruct((N, HID), f32),
            jax.ShapeDtypeStruct((N, 1), f32),
            jax.ShapeDtypeStruct((N, 1), f32),
        ],
    )(di, do, cx, cy)


def _mid_body(p_ref, nd_ref, ns_ref, w_ref, b_ref, xs_ref):
    agg = p_ref[0] + p_ref[1]
    t = jnp.dot(agg, w_ref[...], preferred_element_type=f32)
    h = jnp.maximum(t * nd_ref[...] + b_ref[...], 0.0)
    xs_ref[...] = h * ns_ref[...]


def _mid_call(p, nd, ns, W, b):
    grid = (N // R_TC,)
    col = pl.BlockSpec((R_TC, 1), lambda i: (i, 0))
    return pl.pallas_call(
        _mid_body,
        grid=grid,
        in_specs=[
            pl.BlockSpec((NC, R_TC, HID), lambda i: (0, i, 0)),
            col, col,
            pl.BlockSpec((HID, HID), lambda i: (0, 0)),
            pl.BlockSpec((1, HID), lambda i: (0, 0)),
        ],
        out_specs=pl.BlockSpec((R_TC, HID), lambda i: (i, 0)),
        out_shape=jax.ShapeDtypeStruct((N, HID), f32),
    )(p, nd, ns, W, b)


def _final_body(p_ref, nd_ref, w_ref, b_ref, wl1_ref, bl1_ref, wl2_ref,
                bl2_ref, h_ref, emb_ref, pred_ref):
    i = pl.program_id(0)
    agg = p_ref[0] + p_ref[1]
    t = jnp.dot(agg, w_ref[...], preferred_element_type=f32)
    h = jnp.maximum(t * nd_ref[...] + b_ref[...], 0.0)
    h_ref[...] = h
    s = jnp.sum(h, axis=0, keepdims=True)

    @pl.when(i == 0)
    def _():
        emb_ref[...] = s

    @pl.when(i > 0)
    def _():
        emb_ref[...] = emb_ref[...] + s

    @pl.when(i == pl.num_programs(0) - 1)
    def _():
        emb = emb_ref[...] * (1.0 / N)
        emb_ref[...] = emb
        t1 = jnp.maximum(
            jnp.dot(emb, wl1_ref[...], preferred_element_type=f32)
            + bl1_ref[...], 0.0)
        z = jnp.dot(t1, wl2_ref[...], preferred_element_type=f32) + bl2_ref[...]
        pred_ref[...] = 1.0 / (1.0 + jnp.exp(-z))


def _final_call(p, nd, W, b, Wl1, bl1, Wl2, bl2):
    grid = (N // R_TC,)
    col = pl.BlockSpec((R_TC, 1), lambda i: (i, 0))
    full = lambda r, c: pl.BlockSpec((r, c), lambda i: (0, 0))
    return pl.pallas_call(
        _final_body,
        grid=grid,
        in_specs=[
            pl.BlockSpec((NC, R_TC, HID), lambda i: (0, i, 0)),
            col,
            full(HID, HID), full(1, HID),
            full(HID, HID2), full(1, HID2),
            full(HID2, 1), full(1, 1),
        ],
        out_specs=[
            pl.BlockSpec((R_TC, HID), lambda i: (i, 0)),
            full(1, HID), full(1, 1),
        ],
        out_shape=[
            jax.ShapeDtypeStruct((N, HID), f32),
            jax.ShapeDtypeStruct((1, HID), f32),
            jax.ShapeDtypeStruct((1, 1), f32),
        ],
    )(p, nd, W, b, Wl1, bl1, Wl2, bl2)


def kernel(edge_index, coord_x, coord_y, W1, b1, W2, b2, W3, b3, W4, b4,
           W5, b5, Wl1, bl1, Wl2, bl2):
    ei = edge_index.astype(jnp.int32)
    emd = ei.reshape(2, NS, RPT_DEG, EB)
    em5 = ei.reshape(2, NW, CHN, CH, EBF)
    ones1 = jnp.ones((EB,), f32)
    z1 = jnp.zeros((NPD,), f32)
    z128 = jnp.zeros((NP, HID), f32)

    degs = _deg_call(emd, ones1, z1)
    deg_out = degs[:N].reshape(N, 1)
    deg_in = degs[NPD:NPD + N].reshape(N, 1)
    xs0, nd, ns = _prep_call(deg_in, deg_out,
                             coord_x.reshape(N, 1), coord_y.reshape(N, 1))

    W1p = jnp.zeros((HID, HID), f32).at[:3].set(W1)
    p = _scat_call(em5, xs0, z128)
    xs = _mid_call(p, nd, ns, W1p, b1.reshape(1, HID))
    for W, b in ((W2, b2), (W3, b3), (W4, b4)):
        p = _scat_call(em5, xs, z128)
        xs = _mid_call(p, nd, ns, W, b.reshape(1, HID))
    p = _scat_call(em5, xs, z128)
    h, emb, pred = _final_call(p, nd, W5, b5.reshape(1, HID),
                               Wl1, bl1.reshape(1, HID2),
                               Wl2, bl2.reshape(1, 1))
    return (pred, emb, h)

# --- scband reference (transcript-rebuilt; emitter-appended) ---
"""Pipeline reference for scband-gcn5-mn-coord-67980742361105 (READ-ONLY COPY).

The authoritative reference and input builder live on the scoring server;
editing this copy changes nothing except your own understanding.
"""

import jax, jax.numpy as jnp
import numpy as np

N = 10000
E = 320000
HID = 128
HID2 = HID // 2
OUT = 1


def setup_inputs(seed: int = 0) -> dict:
    key = jax.random.key(seed)
    ks = jax.random.split(key, 20)
    inp = {}
    inp['edge_index'] = jax.random.randint(ks[0], (2, E), 0, N)
    inp['coord_x'] = jax.random.uniform(ks[1], (N,), dtype=jnp.float32)
    inp['coord_y'] = jax.random.uniform(ks[2], (N,), dtype=jnp.float32)
    # GraphConv weights (DGL GraphConv: W + bias)
    inp['W1'] = jax.random.normal(ks[3], (3, HID), dtype=jnp.float32) * 0.1
    inp['b1'] = jnp.zeros((HID,), dtype=jnp.float32)
    inp['W2'] = jax.random.normal(ks[4], (HID, HID), dtype=jnp.float32) * 0.05
    inp['b2'] = jnp.zeros((HID,), dtype=jnp.float32)
    inp['W3'] = jax.random.normal(ks[5], (HID, HID), dtype=jnp.float32) * 0.05
    inp['b3'] = jnp.zeros((HID,), dtype=jnp.float32)
    inp['W4'] = jax.random.normal(ks[6], (HID, HID), dtype=jnp.float32) * 0.05
    inp['b4'] = jnp.zeros((HID,), dtype=jnp.float32)
    inp['W5'] = jax.random.normal(ks[7], (HID, HID), dtype=jnp.float32) * 0.05
    inp['b5'] = jnp.zeros((HID,), dtype=jnp.float32)
    # MLP head
    inp['Wl1'] = jax.random.normal(ks[8], (HID, HID2), dtype=jnp.float32) * 0.05
    inp['bl1'] = jnp.zeros((HID2,), dtype=jnp.float32)
    inp['Wl2'] = jax.random.normal(ks[9], (HID2, OUT), dtype=jnp.float32) * 0.05
    inp['bl2'] = jnp.zeros((OUT,), dtype=jnp.float32)
    return inp


def _graph_conv(h, src, dst, norm_src, norm_dst, W, b):
    # DGL GraphConv with norm='both': D_dst^{-1/2} A D_src^{-1/2} h W + b
    m = (h * norm_src[:, None])[src]
    agg = jax.ops.segment_sum(m, dst, num_segments=N)
    agg = agg * norm_dst[:, None]
    return agg @ W + b


def reference(edge_index, coord_x, coord_y, W1, b1, W2, b2, W3, b3, W4, b4, W5, b5, Wl1, bl1, Wl2, bl2):
    src = edge_index[0]
    dst = edge_index[1]
    ones_e = jnp.ones((E,), dtype=jnp.float32)
    deg_in = jax.ops.segment_sum(ones_e, dst, num_segments=N)
    deg_out = jax.ops.segment_sum(ones_e, src, num_segments=N)
    norm_src = 1.0 / jnp.sqrt(jnp.clip(deg_out, 1.0))
    norm_dst = 1.0 / jnp.sqrt(jnp.clip(deg_in, 1.0))

    h1 = deg_in.reshape(-1, 1)
    h2 = coord_x.reshape(-1, 1)
    h3 = coord_y.reshape(-1, 1)
    h_ = jnp.concatenate((h1, h2, h3), axis=1)

    h = jax.nn.relu(_graph_conv(h_, src, dst, norm_src, norm_dst, W1, b1))
    h = jax.nn.relu(_graph_conv(h, src, dst, norm_src, norm_dst, W2, b2))
    h = jax.nn.relu(_graph_conv(h, src, dst, norm_src, norm_dst, W3, b3))
    h = jax.nn.relu(_graph_conv(h, src, dst, norm_src, norm_dst, W4, b4))
    h = jax.nn.relu(_graph_conv(h, src, dst, norm_src, norm_dst, W5, b5))

    # dgl.mean_nodes over a single-graph batch -> [1, HID]
    graph_emb = jnp.mean(h, axis=0, keepdims=True)
    # dropout layers are identity in eval mode
    h_emb = jax.nn.relu(graph_emb @ Wl1 + bl1)
    pred = jax.nn.sigmoid(h_emb @ Wl2 + bl2)
    return (pred, graph_emb, h)

if __name__ == "__main__":
    import jax
    _d = setup_inputs()
    print(jax.jit(kernel)(*tuple(_d.values())))

</pallas_src>

<mosaic_0001>
#map = affine_map<(d0, d1) -> (0, 0, 0, 0, 0)>
#map1 = affine_map<(d0, d1) -> (0, 0)>
#map2 = affine_map<(d0, d1) -> (0, 0, 0)>
module attributes {stable_mosaic.version = 14 : i64} {
  func.func @_scat_body(%arg0: i32, %arg1: i32, %arg2: memref<2x32x4x25x100xi32, #tpu.memory_space<hbm>>, %arg3: memref<10000x128xf32, #tpu.memory_space<hbm>>, %arg4: memref<10112x128xf32, #tpu.memory_space<hbm>>, %arg5: memref<2x10112x128xf32, #tpu.memory_space<hbm>>, %arg6: memref<25x100xi32, #tpu.memory_space<vmem>>, %arg7: memref<25x100xi32, #tpu.memory_space<vmem>>, %arg8: memref<3x100x128xf32, #tpu.memory_space<vmem>>, %arg9: memref<10112x128xf32, #tpu.memory_space<vmem_shared>>, %arg10: memref<3x!tpu.dma_semaphore, #tpu.memory_space<semaphore_mem>>, %arg11: memref<3x!tpu.dma_semaphore, #tpu.memory_space<semaphore_mem>>) attributes {dimension_semantics = [#tpu.dimension_semantics<core_parallel>, #tpu.dimension_semantics<subcore_parallel>], iteration_bounds = array<i64: 2, 16>, scalar_prefetch = 0 : i64, scratch_operands = 6 : i64, tpu.core_type = #tpu.core_type<sc_vector_subcore>, window_params = [{transform_indices = #map}, {transform_indices = #map1}, {transform_indices = #map1}, {transform_indices = #map2}]} {
    %mul3A = arith.constant 16 : i32
    %mul3A_0 = arith.muli %arg0, %mul3A : i32
    %add3A = arith.addi %mul3A_0, %arg1 : i32
    %mul3A_1 = arith.constant 632 : i32
    %mul3A_2 = arith.muli %arg1, %mul3A_1 : i32
    %mul3A_3 = arith.constant 632 : i32
    %mul3A_4 = arith.muli %arg1, %mul3A_3 : i32
    "tpu.region"() ({
      %run_scoped3A = tpu.sem_alloc : memref<!tpu.dma_semaphore, #tpu.memory_space<semaphore_mem>>
      %dma_start3A = arith.constant 0 : i32
      %dma_start3A_15 = tpu.memref_slice %arg9[%mul3A_4, %dma_start3A] : memref<10112x128xf32, #tpu.memory_space<vmem_shared>> -> memref<632x128xf32, #tpu.memory_space<vmem_shared>>
      %dma_start3A_16 = arith.constant 0 : i32
      %dma_start3A_17 = tpu.memref_slice %arg4[%mul3A_2, %dma_start3A_16] : memref<10112x128xf32, #tpu.memory_space<hbm>> -> memref<632x128xf32, #tpu.memory_space<hbm>>
      tpu.enqueue_dma source(%dma_start3A_17 : memref<632x128xf32, #tpu.memory_space<hbm>>) target(%dma_start3A_15 : memref<632x128xf32, #tpu.memory_space<vmem_shared>>) target_semaphore(%run_scoped3A : memref<!tpu.dma_semaphore, #tpu.memory_space<semaphore_mem>>)
      %dma_wait3A = arith.constant 0 : i32
      %dma_wait3A_18 = tpu.memref_slice %arg9[%mul3A_4, %dma_wait3A] : memref<10112x128xf32, #tpu.memory_space<vmem_shared>> -> memref<632x128xf32, #tpu.memory_space<vmem_shared>>
      %dma_wait3A_19 = arith.constant 0 : i32
      %dma_wait3A_20 = tpu.memref_slice %arg4[%mul3A_2, %dma_wait3A_19] : memref<10112x128xf32, #tpu.memory_space<hbm>> -> memref<632x128xf32, #tpu.memory_space<hbm>>
      tpu.wait_dma2 semaphore(%run_scoped3A : memref<!tpu.dma_semaphore, #tpu.memory_space<semaphore_mem>>) src(%dma_wait3A_20 : memref<632x128xf32, #tpu.memory_space<hbm>>) dst(%dma_wait3A_18 : memref<632x128xf32, #tpu.memory_space<vmem_shared>>)
      tpu.yield
    }) : () -> ()
    %barrier3A = arith.constant 0 : index
    tpu.barrier barrier_id(%barrier3A)
    %scan3A = arith.constant 0 : i32
    %scan3A_5 = arith.constant 0 : i32
    %scan3A_6 = arith.constant 4 : i32
    %scan3A_7 = arith.addi %scan3A_5, %scan3A_6 : i32
    %scan3A_8 = arith.constant 1 : i32
    scf.for %scan3A_15 = %scan3A_5 to %scan3A_7 step %scan3A_8  : i32 {
      %run_scoped3A = arith.constant 0 : i32
      "tpu.region"() ({
        %run_scoped3A_96 = tpu.sem_alloc : memref<!tpu.dma_semaphore, #tpu.memory_space<semaphore_mem>>
        %dma_start3A_97 = arith.constant 0 : i32
        %dma_start3A_98 = arith.constant 0 : i32
        %dma_start3A_99 = tpu.memref_slice %arg2[%run_scoped3A, %add3A, %scan3A_15, %dma_start3A_97, %dma_start3A_98] : memref<2x32x4x25x100xi32, #tpu.memory_space<hbm>> -> memref<1x1x1x25x100xi32, #tpu.memory_space<hbm>>
        %dma_start3A_100 = tpu.memref_squeeze %dma_start3A_99 : memref<1x1x1x25x100xi32, #tpu.memory_space<hbm>> -> memref<25x100xi32, #tpu.memory_space<hbm>>
        %dma_start3A_101 = arith.constant 0 : i32
        %dma_start3A_102 = arith.constant 0 : i32
        %dma_start3A_103 = tpu.memref_slice %arg2[%run_scoped3A, %add3A, %scan3A_15, %dma_start3A_101, %dma_start3A_102] : memref<2x32x4x25x100xi32, #tpu.memory_space<hbm>> -> memref<1x1x1x25x100xi32, #tpu.memory_space<hbm>>
        %dma_start3A_104 = tpu.memref_squeeze %dma_start3A_103 : memref<1x1x1x25x100xi32, #tpu.memory_space<hbm>> -> memref<25x100xi32, #tpu.memory_space<hbm>>
        tpu.enqueue_dma source(%dma_start3A_104 : memref<25x100xi32, #tpu.memory_space<hbm>>) target(%arg6 : memref<25x100xi32, #tpu.memory_space<vmem>>) target_semaphore(%run_scoped3A_96 : memref<!tpu.dma_semaphore, #tpu.memory_space<semaphore_mem>>)
        %dma_wait3A_105 = arith.constant 0 : i32
        %dma_wait3A_106 = arith.constant 0 : i32
        %dma_wait3A_107 = tpu.memref_slice %arg2[%run_scoped3A, %add3A, %scan3A_15, %dma_wait3A_105, %dma_wait3A_106] : memref<2x32x4x25x100xi32, #tpu.memory_space<hbm>> -> memref<1x1x1x25x100xi32, #tpu.memory_space<hbm>>
        %dma_wait3A_108 = tpu.memref_squeeze %dma_wait3A_107 : memref<1x1x1x25x100xi32, #tpu.memory_space<hbm>> -> memref<25x100xi32, #tpu.memory_space<hbm>>
        %dma_wait3A_109 = arith.constant 0 : i32
        %dma_wait3A_110 = arith.constant 0 : i32
        %dma_wait3A_111 = tpu.memref_slice %arg2[%run_scoped3A, %add3A, %scan3A_15, %dma_wait3A_109, %dma_wait3A_110] : memref<2x32x4x25x100xi32, #tpu.memory_space<hbm>> -> memref<1x1x1x25x100xi32, #tpu.memory_space<hbm>>
        %dma_wait3A_112 = tpu.memref_squeeze %dma_wait3A_111 : memref<1x1x1x25x100xi32, #tpu.memory_space<hbm>> -> memref<25x100xi32, #tpu.memory_space<hbm>>
        tpu.wait_dma2 semaphore(%run_scoped3A_96 : memref<!tpu.dma_semaphore, #tpu.memory_space<semaphore_mem>>) src(%dma_wait3A_112 : memref<25x100xi32, #tpu.memory_space<hbm>>) dst(%arg6 : memref<25x100xi32, #tpu.memory_space<vmem>>)
        tpu.yield
      }) : () -> ()
      %run_scoped3A_16 = arith.constant 1 : i32
      "tpu.region"() ({
        %run_scoped3A_96 = tpu.sem_alloc : memref<!tpu.dma_semaphore, #tpu.memory_space<semaphore_mem>>
        %dma_start3A_97 = arith.constant 0 : i32
        %dma_start3A_98 = arith.constant 0 : i32
        %dma_start3A_99 = tpu.memref_slice %arg2[%run_scoped3A_16, %add3A, %scan3A_15, %dma_start3A_97, %dma_start3A_98] : memref<2x32x4x25x100xi32, #tpu.memory_space<hbm>> -> memref<1x1x1x25x100xi32, #tpu.memory_space<hbm>>
        %dma_start3A_100 = tpu.memref_squeeze %dma_start3A_99 : memref<1x1x1x25x100xi32, #tpu.memory_space<hbm>> -> memref<25x100xi32, #tpu.memory_space<hbm>>
        %dma_start3A_101 = arith.constant 0 : i32
        %dma_start3A_102 = arith.constant 0 : i32
        %dma_start3A_103 = tpu.memref_slice %arg2[%run_scoped3A_16, %add3A, %scan3A_15, %dma_start3A_101, %dma_start3A_102] : memref<2x32x4x25x100xi32, #tpu.memory_space<hbm>> -> memref<1x1x1x25x100xi32, #tpu.memory_space<hbm>>
        %dma_start3A_104 = tpu.memref_squeeze %dma_start3A_103 : memref<1x1x1x25x100xi32, #tpu.memory_space<hbm>> -> memref<25x100xi32, #tpu.memory_space<hbm>>
        tpu.enqueue_dma source(%dma_start3A_104 : memref<25x100xi32, #tpu.memory_space<hbm>>) target(%arg7 : memref<25x100xi32, #tpu.memory_space<vmem>>) target_semaphore(%run_scoped3A_96 : memref<!tpu.dma_semaphore, #tpu.memory_space<semaphore_mem>>)
        %dma_wait3A_105 = arith.constant 0 : i32
        %dma_wait3A_106 = arith.constant 0 : i32
        %dma_wait3A_107 = tpu.memref_slice %arg2[%run_scoped3A_16, %add3A, %scan3A_15, %dma_wait3A_105, %dma_wait3A_106] : memref<2x32x4x25x100xi32, #tpu.memory_space<hbm>> -> memref<1x1x1x25x100xi32, #tpu.memory_space<hbm>>
        %dma_wait3A_108 = tpu.memref_squeeze %dma_wait3A_107 : memref<1x1x1x25x100xi32, #tpu.memory_space<hbm>> -> memref<25x100xi32, #tpu.memory_space<hbm>>
        %dma_wait3A_109 = arith.constant 0 : i32
        %dma_wait3A_110 = arith.constant 0 : i32
        %dma_wait3A_111 = tpu.memref_slice %arg2[%run_scoped3A_16, %add3A, %scan3A_15, %dma_wait3A_109, %dma_wait3A_110] : memref<2x32x4x25x100xi32, #tpu.memory_space<hbm>> -> memref<1x1x1x25x100xi32, #tpu.memory_space<hbm>>
        %dma_wait3A_112 = tpu.memref_squeeze %dma_wait3A_111 : memref<1x1x1x25x100xi32, #tpu.memory_space<hbm>> -> memref<25x100xi32, #tpu.memory_space<hbm>>
        tpu.wait_dma2 semaphore(%run_scoped3A_96 : memref<!tpu.dma_semaphore, #tpu.memory_space<semaphore_mem>>) src(%dma_wait3A_112 : memref<25x100xi32, #tpu.memory_space<hbm>>) dst(%arg7 : memref<25x100xi32, #tpu.memory_space<vmem>>)
        tpu.yield
      }) : () -> ()
      %scan3A_17 = arith.constant 0 : i32
      %scan3A_18 = arith.constant 0 : i32
      %scan3A_19 = arith.constant 25 : i32
      %scan3A_20 = arith.addi %scan3A_18, %scan3A_19 : i32
      %scan3A_21 = arith.constant 1 : i32
      scf.for %scan3A_96 = %scan3A_18 to %scan3A_20 step %scan3A_21  : i32 {
        %rem3A = arith.constant 3 : i32
        %rem3A_97 = arith.remsi %scan3A_96, %rem3A : i32
        %add3A_98 = arith.constant 3 : i32
        %add3A_99 = arith.addi %scan3A_96, %add3A_98 : i32
        %sub3A = arith.constant 1 : i32
        %sub3A_100 = arith.subi %add3A_99, %sub3A : i32
        %rem3A_101 = arith.constant 3 : i32
        %rem3A_102 = arith.remsi %sub3A_100, %rem3A_101 : i32
        %ge3A = arith.constant 3 : i32
        %ge3A_103 = arith.cmpi sge, %scan3A_96, %ge3A : i32
        %convert_element_type3A = arith.extui %ge3A_103 : i1 to i32
        %cond3A = arith.constant 0 : i32
        %cond3A_104 = arith.cmpi ne, %convert_element_type3A, %cond3A : i32
        scf.if %cond3A_104 {
          %dma_wait3A_122 = arith.constant 0 : i32
          %dma_wait3A_123 = arith.constant 0 : i32
          %dma_wait3A_124 = tpu.memref_slice %arg8[%rem3A_97, %dma_wait3A_122, %dma_wait3A_123] : memref<3x100x128xf32, #tpu.memory_space<vmem>> -> memref<1x100x128xf32, #tpu.memory_space<vmem>>
          %dma_wait3A_125 = tpu.memref_squeeze %dma_wait3A_124 : memref<1x100x128xf32, #tpu.memory_space<vmem>> -> memref<100x128xf32, #tpu.memory_space<vmem>>
          %dma_wait3A_126 = arith.constant 0 : i32
          %dma_wait3A_127 = tpu.memref_slice %arg7[%scan3A_96, %dma_wait3A_126] : memref<25x100xi32, #tpu.memory_space<vmem>> -> memref<1x100xi32, #tpu.memory_space<vmem>>
          %dma_wait3A_128 = tpu.memref_squeeze %dma_wait3A_127 : memref<1x100xi32, #tpu.memory_space<vmem>> -> memref<100xi32, #tpu.memory_space<vmem>>
          %dma_wait3A_129 = arith.constant 0 : i32
          %dma_wait3A_130 = arith.constant 0 : i32
          %dma_wait3A_131 = tpu.memref_slice %arg9[%dma_wait3A_129, %dma_wait3A_130] : memref<10112x128xf32, #tpu.memory_space<vmem_shared>> -> memref<10112x128xf32, #tpu.memory_space<vmem_shared>>
          %dma_wait3A_132 = tpu.memref_slice %arg11[%rem3A_97] : memref<3x!tpu.dma_semaphore, #tpu.memory_space<semaphore_mem>> -> memref<1x!tpu.dma_semaphore, #tpu.memory_space<semaphore_mem>>
          %dma_wait3A_133 = tpu.memref_squeeze %dma_wait3A_132 : memref<1x!tpu.dma_semaphore, #tpu.memory_space<semaphore_mem>> -> memref<!tpu.dma_semaphore, #tpu.memory_space<semaphore_mem>>
          tpu.wait_indirect_dma semaphore(%dma_wait3A_133 : memref<!tpu.dma_semaphore, #tpu.memory_space<semaphore_mem>>) src(%dma_wait3A_125 : memref<100x128xf32, #tpu.memory_space<vmem>>) dst(%dma_wait3A_131 : memref<10112x128xf32, #tpu.memory_space<vmem_shared>>)
        } else {
        }
        %dma_start3A_105 = arith.constant 0 : i32
        %dma_start3A_106 = arith.constant 0 : i32
        %dma_start3A_107 = tpu.memref_slice %arg8[%rem3A_97, %dma_start3A_105, %dma_start3A_106] : memref<3x100x128xf32, #tpu.memory_space<vmem>> -> memref<1x100x128xf32, #tpu.memory_space<vmem>>
        %dma_start3A_108 = tpu.memref_squeeze %dma_start3A_107 : memref<1x100x128xf32, #tpu.memory_space<vmem>> -> memref<100x128xf32, #tpu.memory_space<vmem>>
        %dma_start3A_109 = arith.constant 0 : i32
        %dma_start3A_110 = tpu.memref_slice %arg6[%scan3A_96, %dma_start3A_109] : memref<25x100xi32, #tpu.memory_space<vmem>> -> memref<1x100xi32, #tpu.memory_space<vmem>>
        %dma_start3A_111 = tpu.memref_squeeze %dma_start3A_110 : memref<1x100xi32, #tpu.memory_space<vmem>> -> memref<100xi32, #tpu.memory_space<vmem>>
        %dma_start3A_112 = arith.constant 0 : i32
        %dma_start3A_113 = arith.constant 0 : i32
        %dma_start3A_114 = tpu.memref_slice %arg3[%dma_start3A_112, %dma_start3A_113] : memref<10000x128xf32, #tpu.memory_space<hbm>> -> memref<10000x128xf32, #tpu.memory_space<hbm>>
        %dma_start3A_115 = tpu.memref_slice %arg10[%rem3A_97] : memref<3x!tpu.dma_semaphore, #tpu.memory_space<semaphore_mem>> -> memref<1x!tpu.dma_semaphore, #tpu.memory_space<semaphore_mem>>
        %dma_start3A_116 = tpu.memref_squeeze %dma_start3A_115 : memref<1x!tpu.dma_semaphore, #tpu.memory_space<semaphore_mem>> -> memref<!tpu.dma_semaphore, #tpu.memory_space<semaphore_mem>>
        tpu.enqueue_indirect_dma source(%dma_start3A_114 : memref<10000x128xf32, #tpu.memory_space<hbm>>) target(%dma_start3A_108 : memref<100x128xf32, #tpu.memory_space<vmem>>) offsets(%dma_start3A_111 : memref<100xi32, #tpu.memory_space<vmem>>) semaphore(%dma_start3A_116 : memref<!tpu.dma_semaphore, #tpu.memory_space<semaphore_mem>>)
        %ge3A_117 = arith.constant 1 : i32
        %ge3A_118 = arith.cmpi sge, %scan3A_96, %ge3A_117 : i32
        %convert_element_type3A_119 = arith.extui %ge3A_118 : i1 to i32
        %cond3A_120 = arith.constant 0 : i32
        %cond3A_121 = arith.cmpi ne, %convert_element_type3A_119, %cond3A_120 : i32
        scf.if %cond3A_121 {
          %sub3A_122 = arith.constant 1 : i32
          %sub3A_123 = arith.subi %scan3A_96, %sub3A_122 : i32
          %dma_wait3A_124 = arith.constant 0 : i32
          %dma_wait3A_125 = arith.constant 0 : i32
          %dma_wait3A_126 = tpu.memref_slice %arg8[%rem3A_102, %dma_wait3A_124, %dma_wait3A_125] : memref<3x100x128xf32, #tpu.memory_space<vmem>> -> memref<1x100x128xf32, #tpu.memory_space<vmem>>
          %dma_wait3A_127 = tpu.memref_squeeze %dma_wait3A_126 : memref<1x100x128xf32, #tpu.memory_space<vmem>> -> memref<100x128xf32, #tpu.memory_space<vmem>>
          %dma_wait3A_128 = arith.constant 0 : i32
          %dma_wait3A_129 = tpu.memref_slice %arg6[%sub3A_123, %dma_wait3A_128] : memref<25x100xi32, #tpu.memory_space<vmem>> -> memref<1x100xi32, #tpu.memory_space<vmem>>
          %dma_wait3A_130 = tpu.memref_squeeze %dma_wait3A_129 : memref<1x100xi32, #tpu.memory_space<vmem>> -> memref<100xi32, #tpu.memory_space<vmem>>
          %dma_wait3A_131 = arith.constant 0 : i32
          %dma_wait3A_132 = arith.constant 0 : i32
          %dma_wait3A_133 = tpu.memref_slice %arg3[%dma_wait3A_131, %dma_wait3A_132] : memref<10000x128xf32, #tpu.memory_space<hbm>> -> memref<10000x128xf32, #tpu.memory_space<hbm>>
          %dma_wait3A_134 = tpu.memref_slice %arg10[%rem3A_102] : memref<3x!tpu.dma_semaphore, #tpu.memory_space<semaphore_mem>> -> memref<1x!tpu.dma_semaphore, #tpu.memory_space<semaphore_mem>>
          %dma_wait3A_135 = tpu.memref_squeeze %dma_wait3A_134 : memref<1x!tpu.dma_semaphore, #tpu.memory_space<semaphore_mem>> -> memref<!tpu.dma_semaphore, #tpu.memory_space<semaphore_mem>>
          tpu.wait_indirect_dma semaphore(%dma_wait3A_135 : memref<!tpu.dma_semaphore, #tpu.memory_space<semaphore_mem>>) src(%dma_wait3A_133 : memref<10000x128xf32, #tpu.memory_space<hbm>>) dst(%dma_wait3A_127 : memref<100x128xf32, #tpu.memory_space<vmem>>)
          %sub3A_136 = arith.constant 1 : i32
          %sub3A_137 = arith.subi %scan3A_96, %sub3A_136 : i32
          %dma_start3A_138 = arith.constant 0 : i32
          %dma_start3A_139 = arith.constant 0 : i32
          %dma_start3A_140 = tpu.memref_slice %arg8[%rem3A_102, %dma_start3A_138, %dma_start3A_139] : memref<3x100x128xf32, #tpu.memory_space<vmem>> -> memref<1x100x128xf32, #tpu.memory_space<vmem>>
          %dma_start3A_141 = tpu.memref_squeeze %dma_start3A_140 : memref<1x100x128xf32, #tpu.memory_space<vmem>> -> memref<100x128xf32, #tpu.memory_space<vmem>>
          %dma_start3A_142 = arith.constant 0 : i32
          %dma_start3A_143 = tpu.memref_slice %arg7[%sub3A_137, %dma_start3A_142] : memref<25x100xi32, #tpu.memory_space<vmem>> -> memref<1x100xi32, #tpu.memory_space<vmem>>
          %dma_start3A_144 = tpu.memref_squeeze %dma_start3A_143 : memref<1x100xi32, #tpu.memory_space<vmem>> -> memref<100xi32, #tpu.memory_space<vmem>>
          %dma_start3A_145 = arith.constant 0 : i32
          %dma_start3A_146 = arith.constant 0 : i32
          %dma_start3A_147 = tpu.memref_slice %arg9[%dma_start3A_145, %dma_start3A_146] : memref<10112x128xf32, #tpu.memory_space<vmem_shared>> -> memref<10112x128xf32, #tpu.memory_space<vmem_shared>>
          %dma_start3A_148 = tpu.memref_slice %arg11[%rem3A_102] : memref<3x!tpu.dma_semaphore, #tpu.memory_space<semaphore_mem>> -> memref<1x!tpu.dma_semaphore, #tpu.memory_space<semaphore_mem>>
          %dma_start3A_149 = tpu.memref_squeeze %dma_start3A_148 : memref<1x!tpu.dma_semaphore, #tpu.memory_space<semaphore_mem>> -> memref<!tpu.dma_semaphore, #tpu.memory_space<semaphore_mem>>
          tpu.enqueue_indirect_dma source(%dma_start3A_141 : memref<100x128xf32, #tpu.memory_space<vmem>>) target(%dma_start3A_147 : memref<10112x128xf32, #tpu.memory_space<vmem_shared>>) offsets(%dma_start3A_144 : memref<100xi32, #tpu.memory_space<vmem>>) semaphore(%dma_start3A_149 : memref<!tpu.dma_semaphore, #tpu.memory_space<semaphore_mem>>) {add = true}
        } else {
        }
      }
      %scan3A_22 = arith.constant 25 : i32
      %dma_wait3A = arith.constant 24 : i32
      %dma_wait3A_23 = arith.constant 0 : i32
      %dma_wait3A_24 = arith.constant 0 : i32
      %dma_wait3A_25 = arith.constant 0 : i32
      %dma_wait3A_26 = arith.constant 0 : i32
      %dma_wait3A_27 = tpu.memref_slice %arg8[%dma_wait3A_23, %dma_wait3A_25, %dma_wait3A_26] : memref<3x100x128xf32, #tpu.memory_space<vmem>> -> memref<1x100x128xf32, #tpu.memory_space<vmem>>
      %dma_wait3A_28 = tpu.memref_squeeze %dma_wait3A_27 : memref<1x100x128xf32, #tpu.memory_space<vmem>> -> memref<100x128xf32, #tpu.memory_space<vmem>>
      %dma_wait3A_29 = arith.constant 0 : i32
      %dma_wait3A_30 = tpu.memref_slice %arg6[%dma_wait3A, %dma_wait3A_29] : memref<25x100xi32, #tpu.memory_space<vmem>> -> memref<1x100xi32, #tpu.memory_space<vmem>>
      %dma_wait3A_31 = tpu.memref_squeeze %dma_wait3A_30 : memref<1x100xi32, #tpu.memory_space<vmem>> -> memref<100xi32, #tpu.memory_space<vmem>>
      %dma_wait3A_32 = arith.constant 0 : i32
      %dma_wait3A_33 = arith.constant 0 : i32
      %dma_wait3A_34 = tpu.memref_slice %arg3[%dma_wait3A_32, %dma_wait3A_33] : memref<10000x128xf32, #tpu.memory_space<hbm>> -> memref<10000x128xf32, #tpu.memory_space<hbm>>
      %dma_wait3A_35 = tpu.memref_slice %arg10[%dma_wait3A_24] : memref<3x!tpu.dma_semaphore, #tpu.memory_space<semaphore_mem>> -> memref<1x!tpu.dma_semaphore, #tpu.memory_space<semaphore_mem>>
      %dma_wait3A_36 = tpu.memref_squeeze %dma_wait3A_35 : memref<1x!tpu.dma_semaphore, #tpu.memory_space<semaphore_mem>> -> memref<!tpu.dma_semaphore, #tpu.memory_space<semaphore_mem>>
      tpu.wait_indirect_dma semaphore(%dma_wait3A_36 : memref<!tpu.dma_semaphore, #tpu.memory_space<semaphore_mem>>) src(%dma_wait3A_34 : memref<10000x128xf32, #tpu.memory_space<hbm>>) dst(%dma_wait3A_28 : memref<100x128xf32, #tpu.memory_space<vmem>>)
      %dma_start3A = arith.constant 0 : i32
      %dma_start3A_37 = arith.constant 24 : i32
      %dma_start3A_38 = arith.constant 0 : i32
      %dma_start3A_39 = arith.constant 0 : i32
      %dma_start3A_40 = arith.constant 0 : i32
      %dma_start3A_41 = tpu.memref_slice %arg8[%dma_start3A, %dma_start3A_39, %dma_start3A_40] : memref<3x100x128xf32, #tpu.memory_space<vmem>> -> memref<1x100x128xf32, #tpu.memory_space<vmem>>
      %dma_start3A_42 = tpu.memref_squeeze %dma_start3A_41 : memref<1x100x128xf32, #tpu.memory_space<vmem>> -> memref<100x128xf32, #tpu.memory_space<vmem>>
      %dma_start3A_43 = arith.constant 0 : i32
      %dma_start3A_44 = tpu.memref_slice %arg7[%dma_start3A_37, %dma_start3A_43] : memref<25x100xi32, #tpu.memory_space<vmem>> -> memref<1x100xi32, #tpu.memory_space<vmem>>
      %dma_start3A_45 = tpu.memref_squeeze %dma_start3A_44 : memref<1x100xi32, #tpu.memory_space<vmem>> -> memref<100xi32, #tpu.memory_space<vmem>>
      %dma_start3A_46 = arith.constant 0 : i32
      %dma_start3A_47 = arith.constant 0 : i32
      %dma_start3A_48 = tpu.memref_slice %arg9[%dma_start3A_46, %dma_start3A_47] : memref<10112x128xf32, #tpu.memory_space<vmem_shared>> -> memref<10112x128xf32, #tpu.memory_space<vmem_shared>>
      %dma_start3A_49 = tpu.memref_slice %arg11[%dma_start3A_38] : memref<3x!tpu.dma_semaphore, #tpu.memory_space<semaphore_mem>> -> memref<1x!tpu.dma_semaphore, #tpu.memory_space<semaphore_mem>>
      %dma_start3A_50 = tpu.memref_squeeze %dma_start3A_49 : memref<1x!tpu.dma_semaphore, #tpu.memory_space<semaphore_mem>> -> memref<!tpu.dma_semaphore, #tpu.memory_space<semaphore_mem>>
      tpu.enqueue_indirect_dma source(%dma_start3A_42 : memref<100x128xf32, #tpu.memory_space<vmem>>) target(%dma_start3A_48 : memref<10112x128xf32, #tpu.memory_space<vmem_shared>>) offsets(%dma_start3A_45 : memref<100xi32, #tpu.memory_space<vmem>>) semaphore(%dma_start3A_50 : memref<!tpu.dma_semaphore, #tpu.memory_space<semaphore_mem>>) {add = true}
      %dma_wait3A_51 = arith.constant 0 : i32
      %dma_wait3A_52 = arith.constant 0 : i32
      %dma_wait3A_53 = arith.constant 0 : i32
      %dma_wait3A_54 = arith.constant 0 : i32
      %dma_wait3A_55 = arith.constant 0 : i32
      %dma_wait3A_56 = tpu.memref_slice %arg8[%dma_wait3A_51, %dma_wait3A_54, %dma_wait3A_55] : memref<3x100x128xf32, #tpu.memory_space<vmem>> -> memref<1x100x128xf32, #tpu.memory_space<vmem>>
      %dma_wait3A_57 = tpu.memref_squeeze %dma_wait3A_56 : memref<1x100x128xf32, #tpu.memory_space<vmem>> -> memref<100x128xf32, #tpu.memory_space<vmem>>
      %dma_wait3A_58 = arith.constant 0 : i32
      %dma_wait3A_59 = tpu.memref_slice %arg7[%dma_wait3A_52, %dma_wait3A_58] : memref<25x100xi32, #tpu.memory_space<vmem>> -> memref<1x100xi32, #tpu.memory_space<vmem>>
      %dma_wait3A_60 = tpu.memref_squeeze %dma_wait3A_59 : memref<1x100xi32, #tpu.memory_space<vmem>> -> memref<100xi32, #tpu.memory_space<vmem>>
      %dma_wait3A_61 = arith.constant 0 : i32
      %dma_wait3A_62 = arith.constant 0 : i32
      %dma_wait3A_63 = tpu.memref_slice %arg9[%dma_wait3A_61, %dma_wait3A_62] : memref<10112x128xf32, #tpu.memory_space<vmem_shared>> -> memref<10112x128xf32, #tpu.memory_space<vmem_shared>>
      %dma_wait3A_64 = tpu.memref_slice %arg11[%dma_wait3A_53] : memref<3x!tpu.dma_semaphore, #tpu.memory_space<semaphore_mem>> -> memref<1x!tpu.dma_semaphore, #tpu.memory_space<semaphore_mem>>
      %dma_wait3A_65 = tpu.memref_squeeze %dma_wait3A_64 : memref<1x!tpu.dma_semaphore, #tpu.memory_space<semaphore_mem>> -> memref<!tpu.dma_semaphore, #tpu.memory_space<semaphore_mem>>
      tpu.wait_indirect_dma semaphore(%dma_wait3A_65 : memref<!tpu.dma_semaphore, #tpu.memory_space<semaphore_mem>>) src(%dma_wait3A_57 : memref<100x128xf32, #tpu.memory_space<vmem>>) dst(%dma_wait3A_63 : memref<10112x128xf32, #tpu.memory_space<vmem_shared>>)
      %dma_wait3A_66 = arith.constant 1 : i32
      %dma_wait3A_67 = arith.constant 1 : i32
      %dma_wait3A_68 = arith.constant 1 : i32
      %dma_wait3A_69 = arith.constant 0 : i32
      %dma_wait3A_70 = arith.constant 0 : i32
      %dma_wait3A_71 = tpu.memref_slice %arg8[%dma_wait3A_66, %dma_wait3A_69, %dma_wait3A_70] : memref<3x100x128xf32, #tpu.memory_space<vmem>> -> memref<1x100x128xf32, #tpu.memory_space<vmem>>
      %dma_wait3A_72 = tpu.memref_squeeze %dma_wait3A_71 : memref<1x100x128xf32, #tpu.memory_space<vmem>> -> memref<100x128xf32, #tpu.memory_space<vmem>>
      %dma_wait3A_73 = arith.constant 0 : i32
      %dma_wait3A_74 = tpu.memref_slice %arg7[%dma_wait3A_67, %dma_wait3A_73] : memref<25x100xi32, #tpu.memory_space<vmem>> -> memref<1x100xi32, #tpu.memory_space<vmem>>
      %dma_wait3A_75 = tpu.memref_squeeze %dma_wait3A_74 : memref<1x100xi32, #tpu.memory_space<vmem>> -> memref<100xi32, #tpu.memory_space<vmem>>
      %dma_wait3A_76 = arith.constant 0 : i32
      %dma_wait3A_77 = arith.constant 0 : i32
      %dma_wait3A_78 = tpu.memref_slice %arg9[%dma_wait3A_76, %dma_wait3A_77] : memref<10112x128xf32, #tpu.memory_space<vmem_shared>> -> memref<10112x128xf32, #tpu.memory_space<vmem_shared>>
      %dma_wait3A_79 = tpu.memref_slice %arg11[%dma_wait3A_68] : memref<3x!tpu.dma_semaphore, #tpu.memory_space<semaphore_mem>> -> memref<1x!tpu.dma_semaphore, #tpu.memory_space<semaphore_mem>>
      %dma_wait3A_80 = tpu.memref_squeeze %dma_wait3A_79 : memref<1x!tpu.dma_semaphore, #tpu.memory_space<semaphore_mem>> -> memref<!tpu.dma_semaphore, #tpu.memory_space<semaphore_mem>>
      tpu.wait_indirect_dma semaphore(%dma_wait3A_80 : memref<!tpu.dma_semaphore, #tpu.memory_space<semaphore_mem>>) src(%dma_wait3A_72 : memref<100x128xf32, #tpu.memory_space<vmem>>) dst(%dma_wait3A_78 : memref<10112x128xf32, #tpu.memory_space<vmem_shared>>)
      %dma_wait3A_81 = arith.constant 2 : i32
      %dma_wait3A_82 = arith.constant 2 : i32
      %dma_wait3A_83 = arith.constant 2 : i32
      %dma_wait3A_84 = arith.constant 0 : i32
      %dma_wait3A_85 = arith.constant 0 : i32
      %dma_wait3A_86 = tpu.memref_slice %arg8[%dma_wait3A_81, %dma_wait3A_84, %dma_wait3A_85] : memref<3x100x128xf32, #tpu.memory_space<vmem>> -> memref<1x100x128xf32, #tpu.memory_space<vmem>>
      %dma_wait3A_87 = tpu.memref_squeeze %dma_wait3A_86 : memref<1x100x128xf32, #tpu.memory_space<vmem>> -> memref<100x128xf32, #tpu.memory_space<vmem>>
      %dma_wait3A_88 = arith.constant 0 : i32
      %dma_wait3A_89 = tpu.memref_slice %arg7[%dma_wait3A_82, %dma_wait3A_88] : memref<25x100xi32, #tpu.memory_space<vmem>> -> memref<1x100xi32, #tpu.memory_space<vmem>>
      %dma_wait3A_90 = tpu.memref_squeeze %dma_wait3A_89 : memref<1x100xi32, #tpu.memory_space<vmem>> -> memref<100xi32, #tpu.memory_space<vmem>>
      %dma_wait3A_91 = arith.constant 0 : i32
      %dma_wait3A_92 = arith.constant 0 : i32
      %dma_wait3A_93 = tpu.memref_slice %arg9[%dma_wait3A_91, %dma_wait3A_92] : memref<10112x128xf32, #tpu.memory_space<vmem_shared>> -> memref<10112x128xf32, #tpu.memory_space<vmem_shared>>
      %dma_wait3A_94 = tpu.memref_slice %arg11[%dma_wait3A_83] : memref<3x!tpu.dma_semaphore, #tpu.memory_space<semaphore_mem>> -> memref<1x!tpu.dma_semaphore, #tpu.memory_space<semaphore_mem>>
      %dma_wait3A_95 = tpu.memref_squeeze %dma_wait3A_94 : memref<1x!tpu.dma_semaphore, #tpu.memory_space<semaphore_mem>> -> memref<!tpu.dma_semaphore, #tpu.memory_space<semaphore_mem>>
      tpu.wait_indirect_dma semaphore(%dma_wait3A_95 : memref<!tpu.dma_semaphore, #tpu.memory_space<semaphore_mem>>) src(%dma_wait3A_87 : memref<100x128xf32, #tpu.memory_space<vmem>>) dst(%dma_wait3A_93 : memref<10112x128xf32, #tpu.memory_space<vmem_shared>>)
    }
    %scan3A_9 = arith.constant 4 : i32
    %barrier3A_10 = arith.constant 0 : index
    tpu.barrier barrier_id(%barrier3A_10)
    %mul3A_11 = arith.constant 632 : i32
    %mul3A_12 = arith.muli %arg1, %mul3A_11 : i32
    %mul3A_13 = arith.constant 632 : i32
    %mul3A_14 = arith.muli %arg1, %mul3A_13 : i32
    "tpu.region"() ({
      %run_scoped3A = tpu.sem_alloc : memref<!tpu.dma_semaphore, #tpu.memory_space<semaphore_mem>>
      %dma_start3A = arith.constant 0 : i32
      %dma_start3A_15 = tpu.memref_slice %arg5[%arg0, %mul3A_14, %dma_start3A] : memref<2x10112x128xf32, #tpu.memory_space<hbm>> -> memref<1x632x128xf32, #tpu.memory_space<hbm>>
      %dma_start3A_16 = tpu.memref_squeeze %dma_start3A_15 : memref<1x632x128xf32, #tpu.memory_space<hbm>> -> memref<632x128xf32, #tpu.memory_space<hbm>>
      %dma_start3A_17 = arith.constant 0 : i32
      %dma_start3A_18 = tpu.memref_slice %arg9[%mul3A_12, %dma_start3A_17] : memref<10112x128xf32, #tpu.memory_space<vmem_shared>> -> memref<632x128xf32, #tpu.memory_space<vmem_shared>>
      tpu.enqueue_dma source(%dma_start3A_18 : memref<632x128xf32, #tpu.memory_space<vmem_shared>>) target(%dma_start3A_16 : memref<632x128xf32, #tpu.memory_space<hbm>>) target_semaphore(%run_scoped3A : memref<!tpu.dma_semaphore, #tpu.memory_space<semaphore_mem>>)
      %dma_wait3A = arith.constant 0 : i32
      %dma_wait3A_19 = tpu.memref_slice %arg5[%arg0, %mul3A_14, %dma_wait3A] : memref<2x10112x128xf32, #tpu.memory_space<hbm>> -> memref<1x632x128xf32, #tpu.memory_space<hbm>>
      %dma_wait3A_20 = tpu.memref_squeeze %dma_wait3A_19 : memref<1x632x128xf32, #tpu.memory_space<hbm>> -> memref<632x128xf32, #tpu.memory_space<hbm>>
      %dma_wait3A_21 = arith.constant 0 : i32
      %dma_wait3A_22 = tpu.memref_slice %arg9[%mul3A_12, %dma_wait3A_21] : memref<10112x128xf32, #tpu.memory_space<vmem_shared>> -> memref<632x128xf32, #tpu.memory_space<vmem_shared>>
      tpu.wait_dma2 semaphore(%run_scoped3A : memref<!tpu.dma_semaphore, #tpu.memory_space<semaphore_mem>>) src(%dma_wait3A_22 : memref<632x128xf32, #tpu.memory_space<vmem_shared>>) dst(%dma_wait3A_20 : memref<632x128xf32, #tpu.memory_space<hbm>>)
      tpu.yield
    }) : () -> ()
    return
  }
}

#map = affine_map<(d0, d1) -> (0, 0, 0, 0)>
#map1 = affine_map<(d0, d1) -> (0)>
module attributes {stable_mosaic.version = 14 : i64} {
  func.func @_deg_body(%arg0: i32, %arg1: i32, %arg2: memref<2x16x250x80xi32, #tpu.memory_space<hbm>>, %arg3: memref<80xf32, #tpu.memory_space<hbm>>, %arg4: memref<10240xf32, #tpu.memory_space<hbm>>, %arg5: memref<20480xf32, #tpu.memory_space<hbm>>, %arg6: memref<250x80xi32, #tpu.memory_space<vmem>>, %arg7: memref<80xf32, #tpu.memory_space<vmem>>, %arg8: memref<10240xf32, #tpu.memory_space<vmem_shared>>, %arg9: memref<!tpu.dma_semaphore, #tpu.memory_space<semaphore_mem>>) attributes {dimension_semantics = [#tpu.dimension_semantics<core_parallel>, #tpu.dimension_semantics<subcore_parallel>], iteration_bounds = array<i64: 2, 16>, scalar_prefetch = 0 : i64, scratch_operands = 4 : i64, tpu.core_type = #tpu.core_type<sc_vector_subcore>, window_params = [{transform_indices = #map}, {transform_indices = #map1}, {transform_indices = #map1}, {transform_indices = #map1}]} {
    "tpu.region"() ({
      %run_scoped3A = tpu.sem_alloc : memref<!tpu.dma_semaphore, #tpu.memory_space<semaphore_mem>>
      tpu.enqueue_dma source(%arg3 : memref<80xf32, #tpu.memory_space<hbm>>) target(%arg7 : memref<80xf32, #tpu.memory_space<vmem>>) target_semaphore(%run_scoped3A : memref<!tpu.dma_semaphore, #tpu.memory_space<semaphore_mem>>)
      tpu.wait_dma2 semaphore(%run_scoped3A : memref<!tpu.dma_semaphore, #tpu.memory_space<semaphore_mem>>) src(%arg3 : memref<80xf32, #tpu.memory_space<hbm>>) dst(%arg7 : memref<80xf32, #tpu.memory_space<vmem>>)
      tpu.yield
    }) : () -> ()
    %mul3A = arith.constant 640 : i32
    %mul3A_0 = arith.muli %arg1, %mul3A : i32
    %mul3A_1 = arith.constant 640 : i32
    %mul3A_2 = arith.muli %arg1, %mul3A_1 : i32
    "tpu.region"() ({
      %run_scoped3A = tpu.sem_alloc : memref<!tpu.dma_semaphore, #tpu.memory_space<semaphore_mem>>
      %dma_start3A = tpu.memref_slice %arg8[%mul3A_2] : memref<10240xf32, #tpu.memory_space<vmem_shared>> -> memref<640xf32, #tpu.memory_space<vmem_shared>>
      %dma_start3A_15 = tpu.memref_slice %arg4[%mul3A_0] : memref<10240xf32, #tpu.memory_space<hbm>> -> memref<640xf32, #tpu.memory_space<hbm>>
      tpu.enqueue_dma source(%dma_start3A_15 : memref<640xf32, #tpu.memory_space<hbm>>) target(%dma_start3A : memref<640xf32, #tpu.memory_space<vmem_shared>>) target_semaphore(%run_scoped3A : memref<!tpu.dma_semaphore, #tpu.memory_space<semaphore_mem>>)
      %dma_wait3A = tpu.memref_slice %arg8[%mul3A_2] : memref<10240xf32, #tpu.memory_space<vmem_shared>> -> memref<640xf32, #tpu.memory_space<vmem_shared>>
      %dma_wait3A_16 = tpu.memref_slice %arg4[%mul3A_0] : memref<10240xf32, #tpu.memory_space<hbm>> -> memref<640xf32, #tpu.memory_space<hbm>>
      tpu.wait_dma2 semaphore(%run_scoped3A : memref<!tpu.dma_semaphore, #tpu.memory_space<semaphore_mem>>) src(%dma_wait3A_16 : memref<640xf32, #tpu.memory_space<hbm>>) dst(%dma_wait3A : memref<640xf32, #tpu.memory_space<vmem_shared>>)
      tpu.yield
    }) : () -> ()
    "tpu.region"() ({
      %run_scoped3A = tpu.sem_alloc : memref<!tpu.dma_semaphore, #tpu.memory_space<semaphore_mem>>
      %dma_start3A = arith.constant 0 : i32
      %dma_start3A_15 = arith.constant 0 : i32
      %dma_start3A_16 = tpu.memref_slice %arg2[%arg0, %arg1, %dma_start3A, %dma_start3A_15] : memref<2x16x250x80xi32, #tpu.memory_space<hbm>> -> memref<1x1x250x80xi32, #tpu.memory_space<hbm>>
      %dma_start3A_17 = tpu.memref_squeeze %dma_start3A_16 : memref<1x1x250x80xi32, #tpu.memory_space<hbm>> -> memref<250x80xi32, #tpu.memory_space<hbm>>
      %dma_start3A_18 = arith.constant 0 : i32
      %dma_start3A_19 = arith.constant 0 : i32
      %dma_start3A_20 = tpu.memref_slice %arg2[%arg0, %arg1, %dma_start3A_18, %dma_start3A_19] : memref<2x16x250x80xi32, #tpu.memory_space<hbm>> -> memref<1x1x250x80xi32, #tpu.memory_space<hbm>>
      %dma_start3A_21 = tpu.memref_squeeze %dma_start3A_20 : memref<1x1x250x80xi32, #tpu.memory_space<hbm>> -> memref<250x80xi32, #tpu.memory_space<hbm>>
      tpu.enqueue_dma source(%dma_start3A_21 : memref<250x80xi32, #tpu.memory_space<hbm>>) target(%arg6 : memref<250x80xi32, #tpu.memory_space<vmem>>) target_semaphore(%run_scoped3A : memref<!tpu.dma_semaphore, #tpu.memory_space<semaphore_mem>>)
      %dma_wait3A = arith.constant 0 : i32
      %dma_wait3A_22 = arith.constant 0 : i32
      %dma_wait3A_23 = tpu.memref_slice %arg2[%arg0, %arg1, %dma_wait3A, %dma_wait3A_22] : memref<2x16x250x80xi32, #tpu.memory_space<hbm>> -> memref<1x1x250x80xi32, #tpu.memory_space<hbm>>
      %dma_wait3A_24 = tpu.memref_squeeze %dma_wait3A_23 : memref<1x1x250x80xi32, #tpu.memory_space<hbm>> -> memref<250x80xi32, #tpu.memory_space<hbm>>
      %dma_wait3A_25 = arith.constant 0 : i32
      %dma_wait3A_26 = arith.constant 0 : i32
      %dma_wait3A_27 = tpu.memref_slice %arg2[%arg0, %arg1, %dma_wait3A_25, %dma_wait3A_26] : memref<2x16x250x80xi32, #tpu.memory_space<hbm>> -> memref<1x1x250x80xi32, #tpu.memory_space<hbm>>
      %dma_wait3A_28 = tpu.memref_squeeze %dma_wait3A_27 : memref<1x1x250x80xi32, #tpu.memory_space<hbm>> -> memref<250x80xi32, #tpu.memory_space<hbm>>
      tpu.wait_dma2 semaphore(%run_scoped3A : memref<!tpu.dma_semaphore, #tpu.memory_space<semaphore_mem>>) src(%dma_wait3A_28 : memref<250x80xi32, #tpu.memory_space<hbm>>) dst(%arg6 : memref<250x80xi32, #tpu.memory_space<vmem>>)
      tpu.yield
    }) : () -> ()
    %barrier3A = arith.constant 0 : index
    tpu.barrier barrier_id(%barrier3A)
    %scan3A = arith.constant 0 : i32
    %scan3A_3 = arith.constant 0 : i32
    %scan3A_4 = arith.constant 25 : i32
    %scan3A_5 = arith.addi %scan3A_3, %scan3A_4 : i32
    %scan3A_6 = arith.constant 1 : i32
    scf.for %scan3A_15 = %scan3A_3 to %scan3A_5 step %scan3A_6  : i32 {
      %mul3A_16 = arith.constant 10 : i32
      %mul3A_17 = arith.muli %scan3A_15, %mul3A_16 : i32
      %add3A_18 = arith.constant 0 : i32
      %add3A_19 = arith.addi %mul3A_17, %add3A_18 : i32
      %dma_start3A = arith.constant 0 : i32
      %dma_start3A_20 = tpu.memref_slice %arg6[%add3A_19, %dma_start3A] : memref<250x80xi32, #tpu.memory_space<vmem>> -> memref<1x80xi32, #tpu.memory_space<vmem>>
      %dma_start3A_21 = tpu.memref_squeeze %dma_start3A_20 : memref<1x80xi32, #tpu.memory_space<vmem>> -> memref<80xi32, #tpu.memory_space<vmem>>
      %dma_start3A_22 = arith.constant 0 : i32
      %dma_start3A_23 = tpu.memref_slice %arg8[%dma_start3A_22] : memref<10240xf32, #tpu.memory_space<vmem_shared>> -> memref<10240xf32, #tpu.memory_space<vmem_shared>>
      tpu.enqueue_indirect_dma source(%arg7 : memref<80xf32, #tpu.memory_space<vmem>>) target(%dma_start3A_23 : memref<10240xf32, #tpu.memory_space<vmem_shared>>) offsets(%dma_start3A_21 : memref<80xi32, #tpu.memory_space<vmem>>) semaphore(%arg9 : memref<!tpu.dma_semaphore, #tpu.memory_space<semaphore_mem>>) {add = true}
      %mul3A_24 = arith.constant 10 : i32
      %mul3A_25 = arith.muli %scan3A_15, %mul3A_24 : i32
      %add3A_26 = arith.constant 1 : i32
      %add3A_27 = arith.addi %mul3A_25, %add3A_26 : i32
      %dma_start3A_28 = arith.constant 0 : i32
      %dma_start3A_29 = tpu.memref_slice %arg6[%add3A_27, %dma_start3A_28] : memref<250x80xi32, #tpu.memory_space<vmem>> -> memref<1x80xi32, #tpu.memory_space<vmem>>
      %dma_start3A_30 = tpu.memref_squeeze %dma_start3A_29 : memref<1x80xi32, #tpu.memory_space<vmem>> -> memref<80xi32, #tpu.memory_space<vmem>>
      %dma_start3A_31 = arith.constant 0 : i32
      %dma_start3A_32 = tpu.memref_slice %arg8[%dma_start3A_31] : memref<10240xf32, #tpu.memory_space<vmem_shared>> -> memref<10240xf32, #tpu.memory_space<vmem_shared>>
      tpu.enqueue_indirect_dma source(%arg7 : memref<80xf32, #tpu.memory_space<vmem>>) target(%dma_start3A_32 : memref<10240xf32, #tpu.memory_space<vmem_shared>>) offsets(%dma_start3A_30 : memref<80xi32, #tpu.memory_space<vmem>>) semaphore(%arg9 : memref<!tpu.dma_semaphore, #tpu.memory_space<semaphore_mem>>) {add = true}
      %mul3A_33 = arith.constant 10 : i32
      %mul3A_34 = arith.muli %scan3A_15, %mul3A_33 : i32
      %add3A_35 = arith.constant 2 : i32
      %add3A_36 = arith.addi %mul3A_34, %add3A_35 : i32
      %dma_start3A_37 = arith.constant 0 : i32
      %dma_start3A_38 = tpu.memref_slice %arg6[%add3A_36, %dma_start3A_37] : memref<250x80xi32, #tpu.memory_space<vmem>> -> memref<1x80xi32, #tpu.memory_space<vmem>>
      %dma_start3A_39 = tpu.memref_squeeze %dma_start3A_38 : memref<1x80xi32, #tpu.memory_space<vmem>> -> memref<80xi32, #tpu.memory_space<vmem>>
      %dma_start3A_40 = arith.constant 0 : i32
      %dma_start3A_41 = tpu.memref_slice %arg8[%dma_start3A_40] : memref<10240xf32, #tpu.memory_space<vmem_shared>> -> memref<10240xf32, #tpu.memory_space<vmem_shared>>
      tpu.enqueue_indirect_dma source(%arg7 : memref<80xf32, #tpu.memory_space<vmem>>) target(%dma_start3A_41 : memref<10240xf32, #tpu.memory_space<vmem_shared>>) offsets(%dma_start3A_39 : memref<80xi32, #tpu.memory_space<vmem>>) semaphore(%arg9 : memref<!tpu.dma_semaphore, #tpu.memory_space<semaphore_mem>>) {add = true}
      %mul3A_42 = arith.constant 10 : i32
      %mul3A_43 = arith.muli %scan3A_15, %mul3A_42 : i32
      %add3A_44 = arith.constant 3 : i32
      %add3A_45 = arith.addi %mul3A_43, %add3A_44 : i32
      %dma_start3A_46 = arith.constant 0 : i32
      %dma_start3A_47 = tpu.memref_slice %arg6[%add3A_45, %dma_start3A_46] : memref<250x80xi32, #tpu.memory_space<vmem>> -> memref<1x80xi32, #tpu.memory_space<vmem>>
      %dma_start3A_48 = tpu.memref_squeeze %dma_start3A_47 : memref<1x80xi32, #tpu.memory_space<vmem>> -> memref<80xi32, #tpu.memory_space<vmem>>
      %dma_start3A_49 = arith.constant 0 : i32
      %dma_start3A_50 = tpu.memref_slice %arg8[%dma_start3A_49] : memref<10240xf32, #tpu.memory_space<vmem_shared>> -> memref<10240xf32, #tpu.memory_space<vmem_shared>>
      tpu.enqueue_indirect_dma source(%arg7 : memref<80xf32, #tpu.memory_space<vmem>>) target(%dma_start3A_50 : memref<10240xf32, #tpu.memory_space<vmem_shared>>) offsets(%dma_start3A_48 : memref<80xi32, #tpu.memory_space<vmem>>) semaphore(%arg9 : memref<!tpu.dma_semaphore, #tpu.memory_space<semaphore_mem>>) {add = true}
      %mul3A_51 = arith.constant 10 : i32
      %mul3A_52 = arith.muli %scan3A_15, %mul3A_51 : i32
      %add3A_53 = arith.constant 4 : i32
      %add3A_54 = arith.addi %mul3A_52, %add3A_53 : i32
      %dma_start3A_55 = arith.constant 0 : i32
      %dma_start3A_56 = tpu.memref_slice %arg6[%add3A_54, %dma_start3A_55] : memref<250x80xi32, #tpu.memory_space<vmem>> -> memref<1x80xi32, #tpu.memory_space<vmem>>
      %dma_start3A_57 = tpu.memref_squeeze %dma_start3A_56 : memref<1x80xi32, #tpu.memory_space<vmem>> -> memref<80xi32, #tpu.memory_space<vmem>>
      %dma_start3A_58 = arith.constant 0 : i32
      %dma_start3A_59 = tpu.memref_slice %arg8[%dma_start3A_58] : memref<10240xf32, #tpu.memory_space<vmem_shared>> -> memref<10240xf32, #tpu.memory_space<vmem_shared>>
      tpu.enqueue_indirect_dma source(%arg7 : memref<80xf32, #tpu.memory_space<vmem>>) target(%dma_start3A_59 : memref<10240xf32, #tpu.memory_space<vmem_shared>>) offsets(%dma_start3A_57 : memref<80xi32, #tpu.memory_space<vmem>>) semaphore(%arg9 : memref<!tpu.dma_semaphore, #tpu.memory_space<semaphore_mem>>) {add = true}
      %mul3A_60 = arith.constant 10 : i32
      %mul3A_61 = arith.muli %scan3A_15, %mul3A_60 : i32
      %add3A_62 = arith.constant 5 : i32
      %add3A_63 = arith.addi %mul3A_61, %add3A_62 : i32
      %dma_start3A_64 = arith.constant 0 : i32
      %dma_start3A_65 = tpu.memref_slice %arg6[%add3A_63, %dma_start3A_64] : memref<250x80xi32, #tpu.memory_space<vmem>> -> memref<1x80xi32, #tpu.memory_space<vmem>>
      %dma_start3A_66 = tpu.memref_squeeze %dma_start3A_65 : memref<1x80xi32, #tpu.memory_space<vmem>> -> memref<80xi32, #tpu.memory_space<vmem>>
      %dma_start3A_67 = arith.constant 0 : i32
      %dma_start3A_68 = tpu.memref_slice %arg8[%dma_start3A_67] : memref<10240xf32, #tpu.memory_space<vmem_shared>> -> memref<10240xf32, #tpu.memory_space<vmem_shared>>
      tpu.enqueue_indirect_dma source(%arg7 : memref<80xf32, #tpu.memory_space<vmem>>) target(%dma_start3A_68 : memref<10240xf32, #tpu.memory_space<vmem_shared>>) offsets(%dma_start3A_66 : memref<80xi32, #tpu.memory_space<vmem>>) semaphore(%arg9 : memref<!tpu.dma_semaphore, #tpu.memory_space<semaphore_mem>>) {add = true}
      %mul3A_69 = arith.constant 10 : i32
      %mul3A_70 = arith.muli %scan3A_15, %mul3A_69 : i32
      %add3A_71 = arith.constant 6 : i32
      %add3A_72 = arith.addi %mul3A_70, %add3A_71 : i32
      %dma_start3A_73 = arith.constant 0 : i32
      %dma_start3A_74 = tpu.memref_slice %arg6[%add3A_72, %dma_start3A_73] : memref<250x80xi32, #tpu.memory_space<vmem>> -> memref<1x80xi32, #tpu.memory_space<vmem>>
      %dma_start3A_75 = tpu.memref_squeeze %dma_start3A_74 : memref<1x80xi32, #tpu.memory_space<vmem>> -> memref<80xi32, #tpu.memory_space<vmem>>
      %dma_start3A_76 = arith.constant 0 : i32
      %dma_start3A_77 = tpu.memref_slice %arg8[%dma_start3A_76] : memref<10240xf32, #tpu.memory_space<vmem_shared>> -> memref<10240xf32, #tpu.memory_space<vmem_shared>>
      tpu.enqueue_indirect_dma source(%arg7 : memref<80xf32, #tpu.memory_space<vmem>>) target(%dma_start3A_77 : memref<10240xf32, #tpu.memory_space<vmem_shared>>) offsets(%dma_start3A_75 : memref<80xi32, #tpu.memory_space<vmem>>) semaphore(%arg9 : memref<!tpu.dma_semaphore, #tpu.memory_space<semaphore_mem>>) {add = true}
      %mul3A_78 = arith.constant 10 : i32
      %mul3A_79 = arith.muli %scan3A_15, %mul3A_78 : i32
      %add3A_80 = arith.constant 7 : i32
      %add3A_81 = arith.addi %mul3A_79, %add3A_80 : i32
      %dma_start3A_82 = arith.constant 0 : i32
      %dma_start3A_83 = tpu.memref_slice %arg6[%add3A_81, %dma_start3A_82] : memref<250x80xi32, #tpu.memory_space<vmem>> -> memref<1x80xi32, #tpu.memory_space<vmem>>
      %dma_start3A_84 = tpu.memref_squeeze %dma_start3A_83 : memref<1x80xi32, #tpu.memory_space<vmem>> -> memref<80xi32, #tpu.memory_space<vmem>>
      %dma_start3A_85 = arith.constant 0 : i32
      %dma_start3A_86 = tpu.memref_slice %arg8[%dma_start3A_85] : memref<10240xf32, #tpu.memory_space<vmem_shared>> -> memref<10240xf32, #tpu.memory_space<vmem_shared>>
      tpu.enqueue_indirect_dma source(%arg7 : memref<80xf32, #tpu.memory_space<vmem>>) target(%dma_start3A_86 : memref<10240xf32, #tpu.memory_space<vmem_shared>>) offsets(%dma_start3A_84 : memref<80xi32, #tpu.memory_space<vmem>>) semaphore(%arg9 : memref<!tpu.dma_semaphore, #tpu.memory_space<semaphore_mem>>) {add = true}
      %mul3A_87 = arith.constant 10 : i32
      %mul3A_88 = arith.muli %scan3A_15, %mul3A_87 : i32
      %add3A_89 = arith.constant 8 : i32
      %add3A_90 = arith.addi %mul3A_88, %add3A_89 : i32
      %dma_start3A_91 = arith.constant 0 : i32
      %dma_start3A_92 = tpu.memref_slice %arg6[%add3A_90, %dma_start3A_91] : memref<250x80xi32, #tpu.memory_space<vmem>> -> memref<1x80xi32, #tpu.memory_space<vmem>>
      %dma_start3A_93 = tpu.memref_squeeze %dma_start3A_92 : memref<1x80xi32, #tpu.memory_space<vmem>> -> memref<80xi32, #tpu.memory_space<vmem>>
      %dma_start3A_94 = arith.constant 0 : i32
      %dma_start3A_95 = tpu.memref_slice %arg8[%dma_start3A_94] : memref<10240xf32, #tpu.memory_space<vmem_shared>> -> memref<10240xf32, #tpu.memory_space<vmem_shared>>
      tpu.enqueue_indirect_dma source(%arg7 : memref<80xf32, #tpu.memory_space<vmem>>) target(%dma_start3A_95 : memref<10240xf32, #tpu.memory_space<vmem_shared>>) offsets(%dma_start3A_93 : memref<80xi32, #tpu.memory_space<vmem>>) semaphore(%arg9 : memref<!tpu.dma_semaphore, #tpu.memory_space<semaphore_mem>>) {add = true}
      %mul3A_96 = arith.constant 10 : i32
      %mul3A_97 = arith.muli %scan3A_15, %mul3A_96 : i32
      %add3A_98 = arith.constant 9 : i32
      %add3A_99 = arith.addi %mul3A_97, %add3A_98 : i32
      %dma_start3A_100 = arith.constant 0 : i32
      %dma_start3A_101 = tpu.memref_slice %arg6[%add3A_99, %dma_start3A_100] : memref<250x80xi32, #tpu.memory_space<vmem>> -> memref<1x80xi32, #tpu.memory_space<vmem>>
      %dma_start3A_102 = tpu.memref_squeeze %dma_start3A_101 : memref<1x80xi32, #tpu.memory_space<vmem>> -> memref<80xi32, #tpu.memory_space<vmem>>
      %dma_start3A_103 = arith.constant 0 : i32
      %dma_start3A_104 = tpu.memref_slice %arg8[%dma_start3A_103] : memref<10240xf32, #tpu.memory_space<vmem_shared>> -> memref<10240xf32, #tpu.memory_space<vmem_shared>>
      tpu.enqueue_indirect_dma source(%arg7 : memref<80xf32, #tpu.memory_space<vmem>>) target(%dma_start3A_104 : memref<10240xf32, #tpu.memory_space<vmem_shared>>) offsets(%dma_start3A_102 : memref<80xi32, #tpu.memory_space<vmem>>) semaphore(%arg9 : memref<!tpu.dma_semaphore, #tpu.memory_space<semaphore_mem>>) {add = true}
      %dma_wait3A = arith.constant 0 : i32
      %dma_wait3A_105 = tpu.memref_slice %arg6[%add3A_19, %dma_wait3A] : memref<250x80xi32, #tpu.memory_space<vmem>> -> memref<1x80xi32, #tpu.memory_space<vmem>>
      %dma_wait3A_106 = tpu.memref_squeeze %dma_wait3A_105 : memref<1x80xi32, #tpu.memory_space<vmem>> -> memref<80xi32, #tpu.memory_space<vmem>>
      %dma_wait3A_107 = arith.constant 0 : i32
      %dma_wait3A_108 = tpu.memref_slice %arg8[%dma_wait3A_107] : memref<10240xf32, #tpu.memory_space<vmem_shared>> -> memref<10240xf32, #tpu.memory_space<vmem_shared>>
      tpu.wait_indirect_dma semaphore(%arg9 : memref<!tpu.dma_semaphore, #tpu.memory_space<semaphore_mem>>) src(%arg7 : memref<80xf32, #tpu.memory_space<vmem>>) dst(%dma_wait3A_108 : memref<10240xf32, #tpu.memory_space<vmem_shared>>)
      %dma_wait3A_109 = arith.constant 0 : i32
      %dma_wait3A_110 = tpu.memref_slice %arg6[%add3A_27, %dma_wait3A_109] : memref<250x80xi32, #tpu.memory_space<vmem>> -> memref<1x80xi32, #tpu.memory_space<vmem>>
      %dma_wait3A_111 = tpu.memref_squeeze %dma_wait3A_110 : memref<1x80xi32, #tpu.memory_space<vmem>> -> memref<80xi32, #tpu.memory_space<vmem>>
      %dma_wait3A_112 = arith.constant 0 : i32
      %dma_wait3A_113 = tpu.memref_slice %arg8[%dma_wait3A_112] : memref<10240xf32, #tpu.memory_space<vmem_shared>> -> memref<10240xf32, #tpu.memory_space<vmem_shared>>
      tpu.wait_indirect_dma semaphore(%arg9 : memref<!tpu.dma_semaphore, #tpu.memory_space<semaphore_mem>>) src(%arg7 : memref<80xf32, #tpu.memory_space<vmem>>) dst(%dma_wait3A_113 : memref<10240xf32, #tpu.memory_space<vmem_shared>>)
      %dma_wait3A_114 = arith.constant 0 : i32
      %dma_wait3A_115 = tpu.memref_slice %arg6[%add3A_36, %dma_wait3A_114] : memref<250x80xi32, #tpu.memory_space<vmem>> -> memref<1x80xi32, #tpu.memory_space<vmem>>
      %dma_wait3A_116 = tpu.memref_squeeze %dma_wait3A_115 : memref<1x80xi32, #tpu.memory_space<vmem>> -> memref<80xi32, #tpu.memory_space<vmem>>
      %dma_wait3A_117 = arith.constant 0 : i32
      %dma_wait3A_118 = tpu.memref_slice %arg8[%dma_wait3A_117] : memref<10240xf32, #tpu.memory_space<vmem_shared>> -> memref<10240xf32, #tpu.memory_space<vmem_shared>>
      tpu.wait_indirect_dma semaphore(%arg9 : memref<!tpu.dma_semaphore, #tpu.memory_space<semaphore_mem>>) src(%arg7 : memref<80xf32, #tpu.memory_space<vmem>>) dst(%dma_wait3A_118 : memref<10240xf32, #tpu.memory_space<vmem_shared>>)
      %dma_wait3A_119 = arith.constant 0 : i32
      %dma_wait3A_120 = tpu.memref_slice %arg6[%add3A_45, %dma_wait3A_119] : memref<250x80xi32, #tpu.memory_space<vmem>> -> memref<1x80xi32, #tpu.memory_space<vmem>>
      %dma_wait3A_121 = tpu.memref_squeeze %dma_wait3A_120 : memref<1x80xi32, #tpu.memory_space<vmem>> -> memref<80xi32, #tpu.memory_space<vmem>>
      %dma_wait3A_122 = arith.constant 0 : i32
      %dma_wait3A_123 = tpu.memref_slice %arg8[%dma_wait3A_122] : memref<10240xf32, #tpu.memory_space<vmem_shared>> -> memref<10240xf32, #tpu.memory_space<vmem_shared>>
      tpu.wait_indirect_dma semaphore(%arg9 : memref<!tpu.dma_semaphore, #tpu.memory_space<semaphore_mem>>) src(%arg7 : memref<80xf32, #tpu.memory_space<vmem>>) dst(%dma_wait3A_123 : memref<10240xf32, #tpu.memory_space<vmem_shared>>)
      %dma_wait3A_124 = arith.constant 0 : i32
      %dma_wait3A_125 = tpu.memref_slice %arg6[%add3A_54, %dma_wait3A_124] : memref<250x80xi32, #tpu.memory_space<vmem>> -> memref<1x80xi32, #tpu.memory_space<vmem>>
      %dma_wait3A_126 = tpu.memref_squeeze %dma_wait3A_125 : memref<1x80xi32, #tpu.memory_space<vmem>> -> memref<80xi32, #tpu.memory_space<vmem>>
      %dma_wait3A_127 = arith.constant 0 : i32
      %dma_wait3A_128 = tpu.memref_slice %arg8[%dma_wait3A_127] : memref<10240xf32, #tpu.memory_space<vmem_shared>> -> memref<10240xf32, #tpu.memory_space<vmem_shared>>
      tpu.wait_indirect_dma semaphore(%arg9 : memref<!tpu.dma_semaphore, #tpu.memory_space<semaphore_mem>>) src(%arg7 : memref<80xf32, #tpu.memory_space<vmem>>) dst(%dma_wait3A_128 : memref<10240xf32, #tpu.memory_space<vmem_shared>>)
      %dma_wait3A_129 = arith.constant 0 : i32
      %dma_wait3A_130 = tpu.memref_slice %arg6[%add3A_63, %dma_wait3A_129] : memref<250x80xi32, #tpu.memory_space<vmem>> -> memref<1x80xi32, #tpu.memory_space<vmem>>
      %dma_wait3A_131 = tpu.memref_squeeze %dma_wait3A_130 : memref<1x80xi32, #tpu.memory_space<vmem>> -> memref<80xi32, #tpu.memory_space<vmem>>
      %dma_wait3A_132 = arith.constant 0 : i32
      %dma_wait3A_133 = tpu.memref_slice %arg8[%dma_wait3A_132] : memref<10240xf32, #tpu.memory_space<vmem_shared>> -> memref<10240xf32, #tpu.memory_space<vmem_shared>>
      tpu.wait_indirect_dma semaphore(%arg9 : memref<!tpu.dma_semaphore, #tpu.memory_space<semaphore_mem>>) src(%arg7 : memref<80xf32, #tpu.memory_space<vmem>>) dst(%dma_wait3A_133 : memref<10240xf32, #tpu.memory_space<vmem_shared>>)
      %dma_wait3A_134 = arith.constant 0 : i32
      %dma_wait3A_135 = tpu.memref_slice %arg6[%add3A_72, %dma_wait3A_134] : memref<250x80xi32, #tpu.memory_space<vmem>> -> memref<1x80xi32, #tpu.memory_space<vmem>>
      %dma_wait3A_136 = tpu.memref_squeeze %dma_wait3A_135 : memref<1x80xi32, #tpu.memory_space<vmem>> -> memref<80xi32, #tpu.memory_space<vmem>>
      %dma_wait3A_137 = arith.constant 0 : i32
      %dma_wait3A_138 = tpu.memref_slice %arg8[%dma_wait3A_137] : memref<10240xf32, #tpu.memory_space<vmem_shared>> -> memref<10240xf32, #tpu.memory_space<vmem_shared>>
      tpu.wait_indirect_dma semaphore(%arg9 : memref<!tpu.dma_semaphore, #tpu.memory_space<semaphore_mem>>) src(%arg7 : memref<80xf32, #tpu.memory_space<vmem>>) dst(%dma_wait3A_138 : memref<10240xf32, #tpu.memory_space<vmem_shared>>)
      %dma_wait3A_139 = arith.constant 0 : i32
      %dma_wait3A_140 = tpu.memref_slice %arg6[%add3A_81, %dma_wait3A_139] : memref<250x80xi32, #tpu.memory_space<vmem>> -> memref<1x80xi32, #tpu.memory_space<vmem>>
      %dma_wait3A_141 = tpu.memref_squeeze %dma_wait3A_140 : memref<1x80xi32, #tpu.memory_space<vmem>> -> memref<80xi32, #tpu.memory_space<vmem>>
      %dma_wait3A_142 = arith.constant 0 : i32
      %dma_wait3A_143 = tpu.memref_slice %arg8[%dma_wait3A_142] : memref<10240xf32, #tpu.memory_space<vmem_shared>> -> memref<10240xf32, #tpu.memory_space<vmem_shared>>
      tpu.wait_indirect_dma semaphore(%arg9 : memref<!tpu.dma_semaphore, #tpu.memory_space<semaphore_mem>>) src(%arg7 : memref<80xf32, #tpu.memory_space<vmem>>) dst(%dma_wait3A_143 : memref<10240xf32, #tpu.memory_space<vmem_shared>>)
      %dma_wait3A_144 = arith.constant 0 : i32
      %dma_wait3A_145 = tpu.memref_slice %arg6[%add3A_90, %dma_wait3A_144] : memref<250x80xi32, #tpu.memory_space<vmem>> -> memref<1x80xi32, #tpu.memory_space<vmem>>
      %dma_wait3A_146 = tpu.memref_squeeze %dma_wait3A_145 : memref<1x80xi32, #tpu.memory_space<vmem>> -> memref<80xi32, #tpu.memory_space<vmem>>
      %dma_wait3A_147 = arith.constant 0 : i32
      %dma_wait3A_148 = tpu.memref_slice %arg8[%dma_wait3A_147] : memref<10240xf32, #tpu.memory_space<vmem_shared>> -> memref<10240xf32, #tpu.memory_space<vmem_shared>>
      tpu.wait_indirect_dma semaphore(%arg9 : memref<!tpu.dma_semaphore, #tpu.memory_space<semaphore_mem>>) src(%arg7 : memref<80xf32, #tpu.memory_space<vmem>>) dst(%dma_wait3A_148 : memref<10240xf32, #tpu.memory_space<vmem_shared>>)
      %dma_wait3A_149 = arith.constant 0 : i32
      %dma_wait3A_150 = tpu.memref_slice %arg6[%add3A_99, %dma_wait3A_149] : memref<250x80xi32, #tpu.memory_space<vmem>> -> memref<1x80xi32, #tpu.memory_space<vmem>>
      %dma_wait3A_151 = tpu.memref_squeeze %dma_wait3A_150 : memref<1x80xi32, #tpu.memory_space<vmem>> -> memref<80xi32, #tpu.memory_space<vmem>>
      %dma_wait3A_152 = arith.constant 0 : i32
      %dma_wait3A_153 = tpu.memref_slice %arg8[%dma_wait3A_152] : memref<10240xf32, #tpu.memory_space<vmem_shared>> -> memref<10240xf32, #tpu.memory_space<vmem_shared>>
      tpu.wait_indirect_dma semaphore(%arg9 : memref<!tpu.dma_semaphore, #tpu.memory_space<semaphore_mem>>) src(%arg7 : memref<80xf32, #tpu.memory_space<vmem>>) dst(%dma_wait3A_153 : memref<10240xf32, #tpu.memory_space<vmem_shared>>)
    }
    %scan3A_7 = arith.constant 25 : i32
    %barrier3A_8 = arith.constant 0 : index
    tpu.barrier barrier_id(%barrier3A_8)
    %mul3A_9 = arith.constant 640 : i32
    %mul3A_10 = arith.muli %arg1, %mul3A_9 : i32
    %mul3A_11 = arith.constant 10240 : i32
    %mul3A_12 = arith.muli %arg0, %mul3A_11 : i32
    %mul3A_13 = arith.constant 640 : i32
    %mul3A_14 = arith.muli %arg1, %mul3A_13 : i32
    %add3A = arith.addi %mul3A_12, %mul3A_14 : i32
    "tpu.region"() ({
      %run_scoped3A = tpu.sem_alloc : memref<!tpu.dma_semaphore, #tpu.memory_space<semaphore_mem>>
      %dma_start3A = tpu.memref_slice %arg5[%add3A] : memref<20480xf32, #tpu.memory_space<hbm>> -> memref<640xf32, #tpu.memory_space<hbm>>
      %dma_start3A_15 = tpu.memref_slice %arg8[%mul3A_10] : memref<10240xf32, #tpu.memory_space<vmem_shared>> -> memref<640xf32, #tpu.memory_space<vmem_shared>>
      tpu.enqueue_dma source(%dma_start3A_15 : memref<640xf32, #tpu.memory_space<vmem_shared>>) target(%dma_start3A : memref<640xf32, #tpu.memory_space<hbm>>) target_semaphore(%run_scoped3A : memref<!tpu.dma_semaphore, #tpu.memory_space<semaphore_mem>>)
      %dma_wait3A = tpu.memref_slice %arg5[%add3A] : memref<20480xf32, #tpu.memory_space<hbm>> -> memref<640xf32, #tpu.memory_space<hbm>>
      %dma_wait3A_16 = tpu.memref_slice %arg8[%mul3A_10] : memref<10240xf32, #tpu.memory_space<vmem_shared>> -> memref<640xf32, #tpu.memory_space<vmem_shared>>
      tpu.wait_dma2 semaphore(%run_scoped3A : memref<!tpu.dma_semaphore, #tpu.memory_space<semaphore_mem>>) src(%dma_wait3A_16 : memref<640xf32, #tpu.memory_space<vmem_shared>>) dst(%dma_wait3A : memref<640xf32, #tpu.memory_space<hbm>>)
      tpu.yield
    }) : () -> ()
    return
  }
}

#map = affine_map<(d0, d1) -> (0, 0, 0, 0, 0)>
#map1 = affine_map<(d0, d1) -> (0, 0)>
#map2 = affine_map<(d0, d1) -> (0, 0, 0)>
module attributes {stable_mosaic.version = 14 : i64} {
  func.func @_scat_body(%arg0: i32, %arg1: i32, %arg2: memref<2x32x4x25x100xi32, #tpu.memory_space<hbm>>, %arg3: memref<10000x128xf32, #tpu.memory_space<hbm>>, %arg4: memref<10112x128xf32, #tpu.memory_space<hbm>>, %arg5: memref<2x10112x128xf32, #tpu.memory_space<hbm>>, %arg6: memref<25x100xi32, #tpu.memory_space<vmem>>, %arg7: memref<25x100xi32, #tpu.memory_space<vmem>>, %arg8: memref<3x100x128xf32, #tpu.memory_space<vmem>>, %arg9: memref<10112x128xf32, #tpu.memory_space<vmem_shared>>, %arg10: memref<3x!tpu.dma_semaphore, #tpu.memory_space<semaphore_mem>>, %arg11: memref<3x!tpu.dma_semaphore, #tpu.memory_space<semaphore_mem>>) attributes {dimension_semantics = [#tpu.dimension_semantics<core_parallel>, #tpu.dimension_semantics<subcore_parallel>], iteration_bounds = array<i64: 2, 16>, scalar_prefetch = 0 : i64, scratch_operands = 6 : i64, tpu.core_type = #tpu.core_type<sc_vector_subcore>, window_params = [{transform_indices = #map}, {transform_indices = #map1}, {transform_indices = #map1}, {transform_indices = #map2}]} {
    %mul3A = arith.constant 16 : i32
    %mul3A_0 = arith.muli %arg0, %mul3A : i32
    %add3A = arith.addi %mul3A_0, %arg1 : i32
    %mul3A_1 = arith.constant 632 : i32
    %mul3A_2 = arith.muli %arg1, %mul3A_1 : i32
    %mul3A_3 = arith.constant 632 : i32
    %mul3A_4 = arith.muli %arg1, %mul3A_3 : i32
    "tpu.region"() ({
      %run_scoped3A = tpu.sem_alloc : memref<!tpu.dma_semaphore, #tpu.memory_space<semaphore_mem>>
      %dma_start3A = arith.constant 0 : i32
      %dma_start3A_15 = tpu.memref_slice %arg9[%mul3A_4, %dma_start3A] : memref<10112x128xf32, #tpu.memory_space<vmem_shared>> -> memref<632x128xf32, #tpu.memory_space<vmem_shared>>
      %dma_start3A_16 = arith.constant 0 : i32
      %dma_start3A_17 = tpu.memref_slice %arg4[%mul3A_2, %dma_start3A_16] : memref<10112x128xf32, #tpu.memory_space<hbm>> -> memref<632x128xf32, #tpu.memory_space<hbm>>
      tpu.enqueue_dma source(%dma_start3A_17 : memref<632x128xf32, #tpu.memory_space<hbm>>) target(%dma_start3A_15 : memref<632x128xf32, #tpu.memory_space<vmem_shared>>) target_semaphore(%run_scoped3A : memref<!tpu.dma_semaphore, #tpu.memory_space<semaphore_mem>>)
      %dma_wait3A = arith.constant 0 : i32
      %dma_wait3A_18 = tpu.memref_slice %arg9[%mul3A_4, %dma_wait3A] : memref<10112x128xf32, #tpu.memory_space<vmem_shared>> -> memref<632x128xf32, #tpu.memory_space<vmem_shared>>
      %dma_wait3A_19 = arith.constant 0 : i32
      %dma_wait3A_20 = tpu.memref_slice %arg4[%mul3A_2, %dma_wait3A_19] : memref<10112x128xf32, #tpu.memory_space<hbm>> -> memref<632x128xf32, #tpu.memory_space<hbm>>
      tpu.wait_dma2 semaphore(%run_scoped3A : memref<!tpu.dma_semaphore, #tpu.memory_space<semaphore_mem>>) src(%dma_wait3A_20 : memref<632x128xf32, #tpu.memory_space<hbm>>) dst(%dma_wait3A_18 : memref<632x128xf32, #tpu.memory_space<vmem_shared>>)
      tpu.yield
    }) : () -> ()
    %barrier3A = arith.constant 0 : index
    tpu.barrier barrier_id(%barrier3A)
    %scan3A = arith.constant 0 : i32
    %scan3A_5 = arith.constant 0 : i32
    %scan3A_6 = arith.constant 4 : i32
    %scan3A_7 = arith.addi %scan3A_5, %scan3A_6 : i32
    %scan3A_8 = arith.constant 1 : i32
    scf.for %scan3A_15 = %scan3A_5 to %scan3A_7 step %scan3A_8  : i32 {
      %run_scoped3A = arith.constant 0 : i32
      "tpu.region"() ({
        %run_scoped3A_96 = tpu.sem_alloc : memref<!tpu.dma_semaphore, #tpu.memory_space<semaphore_mem>>
        %dma_start3A_97 = arith.constant 0 : i32
        %dma_start3A_98 = arith.constant 0 : i32
        %dma_start3A_99 = tpu.memref_slice %arg2[%run_scoped3A, %add3A, %scan3A_15, %dma_start3A_97, %dma_start3A_98] : memref<2x32x4x25x100xi32, #tpu.memory_space<hbm>> -> memref<1x1x1x25x100xi32, #tpu.memory_space<hbm>>
        %dma_start3A_100 = tpu.memref_squeeze %dma_start3A_99 : memref<1x1x1x25x100xi32, #tpu.memory_space<hbm>> -> memref<25x100xi32, #tpu.memory_space<hbm>>
        %dma_start3A_101 = arith.constant 0 : i32
        %dma_start3A_102 = arith.constant 0 : i32
        %dma_start3A_103 = tpu.memref_slice %arg2[%run_scoped3A, %add3A, %scan3A_15, %dma_start3A_101, %dma_start3A_102] : memref<2x32x4x25x100xi32, #tpu.memory_space<hbm>> -> memref<1x1x1x25x100xi32, #tpu.memory_space<hbm>>
        %dma_start3A_104 = tpu.memref_squeeze %dma_start3A_103 : memref<1x1x1x25x100xi32, #tpu.memory_space<hbm>> -> memref<25x100xi32, #tpu.memory_space<hbm>>
        tpu.enqueue_dma source(%dma_start3A_104 : memref<25x100xi32, #tpu.memory_space<hbm>>) target(%arg6 : memref<25x100xi32, #tpu.memory_space<vmem>>) target_semaphore(%run_scoped3A_96 : memref<!tpu.dma_semaphore, #tpu.memory_space<semaphore_mem>>)
        %dma_wait3A_105 = arith.constant 0 : i32
        %dma_wait3A_106 = arith.constant 0 : i32
        %dma_wait3A_107 = tpu.memref_slice %arg2[%run_scoped3A, %add3A, %scan3A_15, %dma_wait3A_105, %dma_wait3A_106] : memref<2x32x4x25x100xi32, #tpu.memory_space<hbm>> -> memref<1x1x1x25x100xi32, #tpu.memory_space<hbm>>
        %dma_wait3A_108 = tpu.memref_squeeze %dma_wait3A_107 : memref<1x1x1x25x100xi32, #tpu.memory_space<hbm>> -> memref<25x100xi32, #tpu.memory_space<hbm>>
        %dma_wait3A_109 = arith.constant 0 : i32
        %dma_wait3A_110 = arith.constant 0 : i32
        %dma_wait3A_111 = tpu.memref_slice %arg2[%run_scoped3A, %add3A, %scan3A_15, %dma_wait3A_109, %dma_wait3A_110] : memref<2x32x4x25x100xi32, #tpu.memory_space<hbm>> -> memref<1x1x1x25x100xi32, #tpu.memory_space<hbm>>
        %dma_wait3A_112 = tpu.memref_squeeze %dma_wait3A_111 : memref<1x1x1x25x100xi32, #tpu.memory_space<hbm>> -> memref<25x100xi32, #tpu.memory_space<hbm>>
        tpu.wait_dma2 semaphore(%run_scoped3A_96 : memref<!tpu.dma_semaphore, #tpu.memory_space<semaphore_mem>>) src(%dma_wait3A_112 : memref<25x100xi32, #tpu.memory_space<hbm>>) dst(%arg6 : memref<25x100xi32, #tpu.memory_space<vmem>>)
        tpu.yield
      }) : () -> ()
      %run_scoped3A_16 = arith.constant 1 : i32
      "tpu.region"() ({
        %run_scoped3A_96 = tpu.sem_alloc : memref<!tpu.dma_semaphore, #tpu.memory_space<semaphore_mem>>
        %dma_start3A_97 = arith.constant 0 : i32
        %dma_start3A_98 = arith.constant 0 : i32
        %dma_start3A_99 = tpu.memref_slice %arg2[%run_scoped3A_16, %add3A, %scan3A_15, %dma_start3A_97, %dma_start3A_98] : memref<2x32x4x25x100xi32, #tpu.memory_space<hbm>> -> memref<1x1x1x25x100xi32, #tpu.memory_space<hbm>>
        %dma_start3A_100 = tpu.memref_squeeze %dma_start3A_99 : memref<1x1x1x25x100xi32, #tpu.memory_space<hbm>> -> memref<25x100xi32, #tpu.memory_space<hbm>>
        %dma_start3A_101 = arith.constant 0 : i32
        %dma_start3A_102 = arith.constant 0 : i32
        %dma_start3A_103 = tpu.memref_slice %arg2[%run_scoped3A_16, %add3A, %scan3A_15, %dma_start3A_101, %dma_start3A_102] : memref<2x32x4x25x100xi32, #tpu.memory_space<hbm>> -> memref<1x1x1x25x100xi32, #tpu.memory_space<hbm>>
        %dma_start3A_104 = tpu.memref_squeeze %dma_start3A_103 : memref<1x1x1x25x100xi32, #tpu.memory_space<hbm>> -> memref<25x100xi32, #tpu.memory_space<hbm>>
        tpu.enqueue_dma source(%dma_start3A_104 : memref<25x100xi32, #tpu.memory_space<hbm>>) target(%arg7 : memref<25x100xi32, #tpu.memory_space<vmem>>) target_semaphore(%run_scoped3A_96 : memref<!tpu.dma_semaphore, #tpu.memory_space<semaphore_mem>>)
        %dma_wait3A_105 = arith.constant 0 : i32
        %dma_wait3A_106 = arith.constant 0 : i32
        %dma_wait3A_107 = tpu.memref_slice %arg2[%run_scoped3A_16, %add3A, %scan3A_15, %dma_wait3A_105, %dma_wait3A_106] : memref<2x32x4x25x100xi32, #tpu.memory_space<hbm>> -> memref<1x1x1x25x100xi32, #tpu.memory_space<hbm>>
        %dma_wait3A_108 = tpu.memref_squeeze %dma_wait3A_107 : memref<1x1x1x25x100xi32, #tpu.memory_space<hbm>> -> memref<25x100xi32, #tpu.memory_space<hbm>>
        %dma_wait3A_109 = arith.constant 0 : i32
        %dma_wait3A_110 = arith.constant 0 : i32
        %dma_wait3A_111 = tpu.memref_slice %arg2[%run_scoped3A_16, %add3A, %scan3A_15, %dma_wait3A_109, %dma_wait3A_110] : memref<2x32x4x25x100xi32, #tpu.memory_space<hbm>> -> memref<1x1x1x25x100xi32, #tpu.memory_space<hbm>>
        %dma_wait3A_112 = tpu.memref_squeeze %dma_wait3A_111 : memref<1x1x1x25x100xi32, #tpu.memory_space<hbm>> -> memref<25x100xi32, #tpu.memory_space<hbm>>
        tpu.wait_dma2 semaphore(%run_scoped3A_96 : memref<!tpu.dma_semaphore, #tpu.memory_space<semaphore_mem>>) src(%dma_wait3A_112 : memref<25x100xi32, #tpu.memory_space<hbm>>) dst(%arg7 : memref<25x100xi32, #tpu.memory_space<vmem>>)
        tpu.yield
      }) : () -> ()
      %scan3A_17 = arith.constant 0 : i32
      %scan3A_18 = arith.constant 0 : i32
      %scan3A_19 = arith.constant 25 : i32
      %scan3A_20 = arith.addi %scan3A_18, %scan3A_19 : i32
      %scan3A_21 = arith.constant 1 : i32
      scf.for %scan3A_96 = %scan3A_18 to %scan3A_20 step %scan3A_21  : i32 {
        %rem3A = arith.constant 3 : i32
        %rem3A_97 = arith.remsi %scan3A_96, %rem3A : i32
        %add3A_98 = arith.constant 3 : i32
        %add3A_99 = arith.addi %scan3A_96, %add3A_98 : i32
        %sub3A = arith.constant 1 : i32
        %sub3A_100 = arith.subi %add3A_99, %sub3A : i32
        %rem3A_101 = arith.constant 3 : i32
        %rem3A_102 = arith.remsi %sub3A_100, %rem3A_101 : i32
        %ge3A = arith.constant 3 : i32
        %ge3A_103 = arith.cmpi sge, %scan3A_96, %ge3A : i32
        %convert_element_type3A = arith.extui %ge3A_103 : i1 to i32
        %cond3A = arith.constant 0 : i32
        %cond3A_104 = arith.cmpi ne, %convert_element_type3A, %cond3A : i32
        scf.if %cond3A_104 {
          %dma_wait3A_122 = arith.constant 0 : i32
          %dma_wait3A_123 = arith.constant 0 : i32
          %dma_wait3A_124 = tpu.memref_slice %arg8[%rem3A_97, %dma_wait3A_122, %dma_wait3A_123] : memref<3x100x128xf32, #tpu.memory_space<vmem>> -> memref<1x100x128xf32, #tpu.memory_space<vmem>>
          %dma_wait3A_125 = tpu.memref_squeeze %dma_wait3A_124 : memref<1x100x128xf32, #tpu.memory_space<vmem>> -> memref<100x128xf32, #tpu.memory_space<vmem>>
          %dma_wait3A_126 = arith.constant 0 : i32
          %dma_wait3A_127 = tpu.memref_slice %arg7[%scan3A_96, %dma_wait3A_126] : memref<25x100xi32, #tpu.memory_space<vmem>> -> memref<1x100xi32, #tpu.memory_space<vmem>>
          %dma_wait3A_128 = tpu.memref_squeeze %dma_wait3A_127 : memref<1x100xi32, #tpu.memory_space<vmem>> -> memref<100xi32, #tpu.memory_space<vmem>>
          %dma_wait3A_129 = arith.constant 0 : i32
          %dma_wait3A_130 = arith.constant 0 : i32
          %dma_wait3A_131 = tpu.memref_slice %arg9[%dma_wait3A_129, %dma_wait3A_130] : memref<10112x128xf32, #tpu.memory_space<vmem_shared>> -> memref<10112x128xf32, #tpu.memory_space<vmem_shared>>
          %dma_wait3A_132 = tpu.memref_slice %arg11[%rem3A_97] : memref<3x!tpu.dma_semaphore, #tpu.memory_space<semaphore_mem>> -> memref<1x!tpu.dma_semaphore, #tpu.memory_space<semaphore_mem>>
          %dma_wait3A_133 = tpu.memref_squeeze %dma_wait3A_132 : memref<1x!tpu.dma_semaphore, #tpu.memory_space<semaphore_mem>> -> memref<!tpu.dma_semaphore, #tpu.memory_space<semaphore_mem>>
          tpu.wait_indirect_dma semaphore(%dma_wait3A_133 : memref<!tpu.dma_semaphore, #tpu.memory_space<semaphore_mem>>) src(%dma_wait3A_125 : memref<100x128xf32, #tpu.memory_space<vmem>>) dst(%dma_wait3A_131 : memref<10112x128xf32, #tpu.memory_space<vmem_shared>>)
        } else {
        }
        %dma_start3A_105 = arith.constant 0 : i32
        %dma_start3A_106 = arith.constant 0 : i32
        %dma_start3A_107 = tpu.memref_slice %arg8[%rem3A_97, %dma_start3A_105, %dma_start3A_106] : memref<3x100x128xf32, #tpu.memory_space<vmem>> -> memref<1x100x128xf32, #tpu.memory_space<vmem>>
        %dma_start3A_108 = tpu.memref_squeeze %dma_start3A_107 : memref<1x100x128xf32, #tpu.memory_space<vmem>> -> memref<100x128xf32, #tpu.memory_space<vmem>>
        %dma_start3A_109 = arith.constant 0 : i32
        %dma_start3A_110 = tpu.memref_slice %arg6[%scan3A_96, %dma_start3A_109] : memref<25x100xi32, #tpu.memory_space<vmem>> -> memref<1x100xi32, #tpu.memory_space<vmem>>
        %dma_start3A_111 = tpu.memref_squeeze %dma_start3A_110 : memref<1x100xi32, #tpu.memory_space<vmem>> -> memref<100xi32, #tpu.memory_space<vmem>>
        %dma_start3A_112 = arith.constant 0 : i32
        %dma_start3A_113 = arith.constant 0 : i32
        %dma_start3A_114 = tpu.memref_slice %arg3[%dma_start3A_112, %dma_start3A_113] : memref<10000x128xf32, #tpu.memory_space<hbm>> -> memref<10000x128xf32, #tpu.memory_space<hbm>>
        %dma_start3A_115 = tpu.memref_slice %arg10[%rem3A_97] : memref<3x!tpu.dma_semaphore, #tpu.memory_space<semaphore_mem>> -> memref<1x!tpu.dma_semaphore, #tpu.memory_space<semaphore_mem>>
        %dma_start3A_116 = tpu.memref_squeeze %dma_start3A_115 : memref<1x!tpu.dma_semaphore, #tpu.memory_space<semaphore_mem>> -> memref<!tpu.dma_semaphore, #tpu.memory_space<semaphore_mem>>
        tpu.enqueue_indirect_dma source(%dma_start3A_114 : memref<10000x128xf32, #tpu.memory_space<hbm>>) target(%dma_start3A_108 : memref<100x128xf32, #tpu.memory_space<vmem>>) offsets(%dma_start3A_111 : memref<100xi32, #tpu.memory_space<vmem>>) semaphore(%dma_start3A_116 : memref<!tpu.dma_semaphore, #tpu.memory_space<semaphore_mem>>)
        %ge3A_117 = arith.constant 1 : i32
        %ge3A_118 = arith.cmpi sge, %scan3A_96, %ge3A_117 : i32
        %convert_element_type3A_119 = arith.extui %ge3A_118 : i1 to i32
        %cond3A_120 = arith.constant 0 : i32
        %cond3A_121 = arith.cmpi ne, %convert_element_type3A_119, %cond3A_120 : i32
        scf.if %cond3A_121 {
          %sub3A_122 = arith.constant 1 : i32
          %sub3A_123 = arith.subi %scan3A_96, %sub3A_122 : i32
          %dma_wait3A_124 = arith.constant 0 : i32
          %dma_wait3A_125 = arith.constant 0 : i32
          %dma_wait3A_126 = tpu.memref_slice %arg8[%rem3A_102, %dma_wait3A_124, %dma_wait3A_125] : memref<3x100x128xf32, #tpu.memory_space<vmem>> -> memref<1x100x128xf32, #tpu.memory_space<vmem>>
          %dma_wait3A_127 = tpu.memref_squeeze %dma_wait3A_126 : memref<1x100x128xf32, #tpu.memory_space<vmem>> -> memref<100x128xf32, #tpu.memory_space<vmem>>
          %dma_wait3A_128 = arith.constant 0 : i32
          %dma_wait3A_129 = tpu.memref_slice %arg6[%sub3A_123, %dma_wait3A_128] : memref<25x100xi32, #tpu.memory_space<vmem>> -> memref<1x100xi32, #tpu.memory_space<vmem>>
          %dma_wait3A_130 = tpu.memref_squeeze %dma_wait3A_129 : memref<1x100xi32, #tpu.memory_space<vmem>> -> memref<100xi32, #tpu.memory_space<vmem>>
          %dma_wait3A_131 = arith.constant 0 : i32
          %dma_wait3A_132 = arith.constant 0 : i32
          %dma_wait3A_133 = tpu.memref_slice %arg3[%dma_wait3A_131, %dma_wait3A_132] : memref<10000x128xf32, #tpu.memory_space<hbm>> -> memref<10000x128xf32, #tpu.memory_space<hbm>>
          %dma_wait3A_134 = tpu.memref_slice %arg10[%rem3A_102] : memref<3x!tpu.dma_semaphore, #tpu.memory_space<semaphore_mem>> -> memref<1x!tpu.dma_semaphore, #tpu.memory_space<semaphore_mem>>
          %dma_wait3A_135 = tpu.memref_squeeze %dma_wait3A_134 : memref<1x!tpu.dma_semaphore, #tpu.memory_space<semaphore_mem>> -> memref<!tpu.dma_semaphore, #tpu.memory_space<semaphore_mem>>
          tpu.wait_indirect_dma semaphore(%dma_wait3A_135 : memref<!tpu.dma_semaphore, #tpu.memory_space<semaphore_mem>>) src(%dma_wait3A_133 : memref<10000x128xf32, #tpu.memory_space<hbm>>) dst(%dma_wait3A_127 : memref<100x128xf32, #tpu.memory_space<vmem>>)
          %sub3A_136 = arith.constant 1 : i32
          %sub3A_137 = arith.subi %scan3A_96, %sub3A_136 : i32
          %dma_start3A_138 = arith.constant 0 : i32
          %dma_start3A_139 = arith.constant 0 : i32
          %dma_start3A_140 = tpu.memref_slice %arg8[%rem3A_102, %dma_start3A_138, %dma_start3A_139] : memref<3x100x128xf32, #tpu.memory_space<vmem>> -> memref<1x100x128xf32, #tpu.memory_space<vmem>>
          %dma_start3A_141 = tpu.memref_squeeze %dma_start3A_140 : memref<1x100x128xf32, #tpu.memory_space<vmem>> -> memref<100x128xf32, #tpu.memory_space<vmem>>
          %dma_start3A_142 = arith.constant 0 : i32
          %dma_start3A_143 = tpu.memref_slice %arg7[%sub3A_137, %dma_start3A_142] : memref<25x100xi32, #tpu.memory_space<vmem>> -> memref<1x100xi32, #tpu.memory_space<vmem>>
          %dma_start3A_144 = tpu.memref_squeeze %dma_start3A_143 : memref<1x100xi32, #tpu.memory_space<vmem>> -> memref<100xi32, #tpu.memory_space<vmem>>
          %dma_start3A_145 = arith.constant 0 : i32
          %dma_start3A_146 = arith.constant 0 : i32
          %dma_start3A_147 = tpu.memref_slice %arg9[%dma_start3A_145, %dma_start3A_146] : memref<10112x128xf32, #tpu.memory_space<vmem_shared>> -> memref<10112x128xf32, #tpu.memory_space<vmem_shared>>
          %dma_start3A_148 = tpu.memref_slice %arg11[%rem3A_102] : memref<3x!tpu.dma_semaphore, #tpu.memory_space<semaphore_mem>> -> memref<1x!tpu.dma_semaphore, #tpu.memory_space<semaphore_mem>>
          %dma_start3A_149 = tpu.memref_squeeze %dma_start3A_148 : memref<1x!tpu.dma_semaphore, #tpu.memory_space<semaphore_mem>> -> memref<!tpu.dma_semaphore, #tpu.memory_space<semaphore_mem>>
          tpu.enqueue_indirect_dma source(%dma_start3A_141 : memref<100x128xf32, #tpu.memory_space<vmem>>) target(%dma_start3A_147 : memref<10112x128xf32, #tpu.memory_space<vmem_shared>>) offsets(%dma_start3A_144 : memref<100xi32, #tpu.memory_space<vmem>>) semaphore(%dma_start3A_149 : memref<!tpu.dma_semaphore, #tpu.memory_space<semaphore_mem>>) {add = true}
        } else {
        }
      }
      %scan3A_22 = arith.constant 25 : i32
      %dma_wait3A = arith.constant 24 : i32
      %dma_wait3A_23 = arith.constant 0 : i32
      %dma_wait3A_24 = arith.constant 0 : i32
      %dma_wait3A_25 = arith.constant 0 : i32
      %dma_wait3A_26 = arith.constant 0 : i32
      %dma_wait3A_27 = tpu.memref_slice %arg8[%dma_wait3A_23, %dma_wait3A_25, %dma_wait3A_26] : memref<3x100x128xf32, #tpu.memory_space<vmem>> -> memref<1x100x128xf32, #tpu.memory_space<vmem>>
      %dma_wait3A_28 = tpu.memref_squeeze %dma_wait3A_27 : memref<1x100x128xf32, #tpu.memory_space<vmem>> -> memref<100x128xf32, #tpu.memory_space<vmem>>
      %dma_wait3A_29 = arith.constant 0 : i32
      %dma_wait3A_30 = tpu.memref_slice %arg6[%dma_wait3A, %dma_wait3A_29] : memref<25x100xi32, #tpu.memory_space<vmem>> -> memref<1x100xi32, #tpu.memory_space<vmem>>
      %dma_wait3A_31 = tpu.memref_squeeze %dma_wait3A_30 : memref<1x100xi32, #tpu.memory_space<vmem>> -> memref<100xi32, #tpu.memory_space<vmem>>
      %dma_wait3A_32 = arith.constant 0 : i32
      %dma_wait3A_33 = arith.constant 0 : i32
      %dma_wait3A_34 = tpu.memref_slice %arg3[%dma_wait3A_32, %dma_wait3A_33] : memref<10000x128xf32, #tpu.memory_space<hbm>> -> memref<10000x128xf32, #tpu.memory_space<hbm>>
      %dma_wait3A_35 = tpu.memref_slice %arg10[%dma_wait3A_24] : memref<3x!tpu.dma_semaphore, #tpu.memory_space<semaphore_mem>> -> memref<1x!tpu.dma_semaphore, #tpu.memory_space<semaphore_mem>>
      %dma_wait3A_36 = tpu.memref_squeeze %dma_wait3A_35 : memref<1x!tpu.dma_semaphore, #tpu.memory_space<semaphore_mem>> -> memref<!tpu.dma_semaphore, #tpu.memory_space<semaphore_mem>>
      tpu.wait_indirect_dma semaphore(%dma_wait3A_36 : memref<!tpu.dma_semaphore, #tpu.memory_space<semaphore_mem>>) src(%dma_wait3A_34 : memref<10000x128xf32, #tpu.memory_space<hbm>>) dst(%dma_wait3A_28 : memref<100x128xf32, #tpu.memory_space<vmem>>)
      %dma_start3A = arith.constant 0 : i32
      %dma_start3A_37 = arith.constant 24 : i32
      %dma_start3A_38 = arith.constant 0 : i32
      %dma_start3A_39 = arith.constant 0 : i32
      %dma_start3A_40 = arith.constant 0 : i32
      %dma_start3A_41 = tpu.memref_slice %arg8[%dma_start3A, %dma_start3A_39, %dma_start3A_40] : memref<3x100x128xf32, #tpu.memory_space<vmem>> -> memref<1x100x128xf32, #tpu.memory_space<vmem>>
      %dma_start3A_42 = tpu.memref_squeeze %dma_start3A_41 : memref<1x100x128xf32, #tpu.memory_space<vmem>> -> memref<100x128xf32, #tpu.memory_space<vmem>>
      %dma_start3A_43 = arith.constant 0 : i32
      %dma_start3A_44 = tpu.memref_slice %arg7[%dma_start3A_37, %dma_start3A_43] : memref<25x100xi32, #tpu.memory_space<vmem>> -> memref<1x100xi32, #tpu.memory_space<vmem>>
      %dma_start3A_45 = tpu.memref_squeeze %dma_start3A_44 : memref<1x100xi32, #tpu.memory_space<vmem>> -> memref<100xi32, #tpu.memory_space<vmem>>
      %dma_start3A_46 = arith.constant 0 : i32
      %dma_start3A_47 = arith.constant 0 : i32
      %dma_start3A_48 = tpu.memref_slice %arg9[%dma_start3A_46, %dma_start3A_47] : memref<10112x128xf32, #tpu.memory_space<vmem_shared>> -> memref<10112x128xf32, #tpu.memory_space<vmem_shared>>
      %dma_start3A_49 = tpu.memref_slice %arg11[%dma_start3A_38] : memref<3x!tpu.dma_semaphore, #tpu.memory_space<semaphore_mem>> -> memref<1x!tpu.dma_semaphore, #tpu.memory_space<semaphore_mem>>
      %dma_start3A_50 = tpu.memref_squeeze %dma_start3A_49 : memref<1x!tpu.dma_semaphore, #tpu.memory_space<semaphore_mem>> -> memref<!tpu.dma_semaphore, #tpu.memory_space<semaphore_mem>>
      tpu.enqueue_indirect_dma source(%dma_start3A_42 : memref<100x128xf32, #tpu.memory_space<vmem>>) target(%dma_start3A_48 : memref<10112x128xf32, #tpu.memory_space<vmem_shared>>) offsets(%dma_start3A_45 : memref<100xi32, #tpu.memory_space<vmem>>) semaphore(%dma_start3A_50 : memref<!tpu.dma_semaphore, #tpu.memory_space<semaphore_mem>>) {add = true}
      %dma_wait3A_51 = arith.constant 0 : i32
      %dma_wait3A_52 = arith.constant 0 : i32
      %dma_wait3A_53 = arith.constant 0 : i32
      %dma_wait3A_54 = arith.constant 0 : i32
      %dma_wait3A_55 = arith.constant 0 : i32
      %dma_wait3A_56 = tpu.memref_slice %arg8[%dma_wait3A_51, %dma_wait3A_54, %dma_wait3A_55] : memref<3x100x128xf32, #tpu.memory_space<vmem>> -> memref<1x100x128xf32, #tpu.memory_space<vmem>>
      %dma_wait3A_57 = tpu.memref_squeeze %dma_wait3A_56 : memref<1x100x128xf32, #tpu.memory_space<vmem>> -> memref<100x128xf32, #tpu.memory_space<vmem>>
      %dma_wait3A_58 = arith.constant 0 : i32
      %dma_wait3A_59 = tpu.memref_slice %arg7[%dma_wait3A_52, %dma_wait3A_58] : memref<25x100xi32, #tpu.memory_space<vmem>> -> memref<1x100xi32, #tpu.memory_space<vmem>>
      %dma_wait3A_60 = tpu.memref_squeeze %dma_wait3A_59 : memref<1x100xi32, #tpu.memory_space<vmem>> -> memref<100xi32, #tpu.memory_space<vmem>>
      %dma_wait3A_61 = arith.constant 0 : i32
      %dma_wait3A_62 = arith.constant 0 : i32
      %dma_wait3A_63 = tpu.memref_slice %arg9[%dma_wait3A_61, %dma_wait3A_62] : memref<10112x128xf32, #tpu.memory_space<vmem_shared>> -> memref<10112x128xf32, #tpu.memory_space<vmem_shared>>
      %dma_wait3A_64 = tpu.memref_slice %arg11[%dma_wait3A_53] : memref<3x!tpu.dma_semaphore, #tpu.memory_space<semaphore_mem>> -> memref<1x!tpu.dma_semaphore, #tpu.memory_space<semaphore_mem>>
      %dma_wait3A_65 = tpu.memref_squeeze %dma_wait3A_64 : memref<1x!tpu.dma_semaphore, #tpu.memory_space<semaphore_mem>> -> memref<!tpu.dma_semaphore, #tpu.memory_space<semaphore_mem>>
      tpu.wait_indirect_dma semaphore(%dma_wait3A_65 : memref<!tpu.dma_semaphore, #tpu.memory_space<semaphore_mem>>) src(%dma_wait3A_57 : memref<100x128xf32, #tpu.memory_space<vmem>>) dst(%dma_wait3A_63 : memref<10112x128xf32, #tpu.memory_space<vmem_shared>>)
      %dma_wait3A_66 = arith.constant 1 : i32
      %dma_wait3A_67 = arith.constant 1 : i32
      %dma_wait3A_68 = arith.constant 1 : i32
      %dma_wait3A_69 = arith.constant 0 : i32
      %dma_wait3A_70 = arith.constant 0 : i32
      %dma_wait3A_71 = tpu.memref_slice %arg8[%dma_wait3A_66, %dma_wait3A_69, %dma_wait3A_70] : memref<3x100x128xf32, #tpu.memory_space<vmem>> -> memref<1x100x128xf32, #tpu.memory_space<vmem>>
      %dma_wait3A_72 = tpu.memref_squeeze %dma_wait3A_71 : memref<1x100x128xf32, #tpu.memory_space<vmem>> -> memref<100x128xf32, #tpu.memory_space<vmem>>
      %dma_wait3A_73 = arith.constant 0 : i32
      %dma_wait3A_74 = tpu.memref_slice %arg7[%dma_wait3A_67, %dma_wait3A_73] : memref<25x100xi32, #tpu.memory_space<vmem>> -> memref<1x100xi32, #tpu.memory_space<vmem>>
      %dma_wait3A_75 = tpu.memref_squeeze %dma_wait3A_74 : memref<1x100xi32, #tpu.memory_space<vmem>> -> memref<100xi32, #tpu.memory_space<vmem>>
      %dma_wait3A_76 = arith.constant 0 : i32
      %dma_wait3A_77 = arith.constant 0 : i32
      %dma_wait3A_78 = tpu.memref_slice %arg9[%dma_wait3A_76, %dma_wait3A_77] : memref<10112x128xf32, #tpu.memory_space<vmem_shared>> -> memref<10112x128xf32, #tpu.memory_space<vmem_shared>>
      %dma_wait3A_79 = tpu.memref_slice %arg11[%dma_wait3A_68] : memref<3x!tpu.dma_semaphore, #tpu.memory_space<semaphore_mem>> -> memref<1x!tpu.dma_semaphore, #tpu.memory_space<semaphore_mem>>
      %dma_wait3A_80 = tpu.memref_squeeze %dma_wait3A_79 : memref<1x!tpu.dma_semaphore, #tpu.memory_space<semaphore_mem>> -> memref<!tpu.dma_semaphore, #tpu.memory_space<semaphore_mem>>
      tpu.wait_indirect_dma semaphore(%dma_wait3A_80 : memref<!tpu.dma_semaphore, #tpu.memory_space<semaphore_mem>>) src(%dma_wait3A_72 : memref<100x128xf32, #tpu.memory_space<vmem>>) dst(%dma_wait3A_78 : memref<10112x128xf32, #tpu.memory_space<vmem_shared>>)
      %dma_wait3A_81 = arith.constant 2 : i32
      %dma_wait3A_82 = arith.constant 2 : i32
      %dma_wait3A_83 = arith.constant 2 : i32
      %dma_wait3A_84 = arith.constant 0 : i32
      %dma_wait3A_85 = arith.constant 0 : i32
      %dma_wait3A_86 = tpu.memref_slice %arg8[%dma_wait3A_81, %dma_wait3A_84, %dma_wait3A_85] : memref<3x100x128xf32, #tpu.memory_space<vmem>> -> memref<1x100x128xf32, #tpu.memory_space<vmem>>
      %dma_wait3A_87 = tpu.memref_squeeze %dma_wait3A_86 : memref<1x100x128xf32, #tpu.memory_space<vmem>> -> memref<100x128xf32, #tpu.memory_space<vmem>>
      %dma_wait3A_88 = arith.constant 0 : i32
      %dma_wait3A_89 = tpu.memref_slice %arg7[%dma_wait3A_82, %dma_wait3A_88] : memref<25x100xi32, #tpu.memory_space<vmem>> -> memref<1x100xi32, #tpu.memory_space<vmem>>
      %dma_wait3A_90 = tpu.memref_squeeze %dma_wait3A_89 : memref<1x100xi32, #tpu.memory_space<vmem>> -> memref<100xi32, #tpu.memory_space<vmem>>
      %dma_wait3A_91 = arith.constant 0 : i32
      %dma_wait3A_92 = arith.constant 0 : i32
      %dma_wait3A_93 = tpu.memref_slice %arg9[%dma_wait3A_91, %dma_wait3A_92] : memref<10112x128xf32, #tpu.memory_space<vmem_shared>> -> memref<10112x128xf32, #tpu.memory_space<vmem_shared>>
      %dma_wait3A_94 = tpu.memref_slice %arg11[%dma_wait3A_83] : memref<3x!tpu.dma_semaphore, #tpu.memory_space<semaphore_mem>> -> memref<1x!tpu.dma_semaphore, #tpu.memory_space<semaphore_mem>>
      %dma_wait3A_95 = tpu.memref_squeeze %dma_wait3A_94 : memref<1x!tpu.dma_semaphore, #tpu.memory_space<semaphore_mem>> -> memref<!tpu.dma_semaphore, #tpu.memory_space<semaphore_mem>>
      tpu.wait_indirect_dma semaphore(%dma_wait3A_95 : memref<!tpu.dma_semaphore, #tpu.memory_space<semaphore_mem>>) src(%dma_wait3A_87 : memref<100x128xf32, #tpu.memory_space<vmem>>) dst(%dma_wait3A_93 : memref<10112x128xf32, #tpu.memory_space<vmem_shared>>)
    }
    %scan3A_9 = arith.constant 4 : i32
    %barrier3A_10 = arith.constant 0 : index
    tpu.barrier barrier_id(%barrier3A_10)
    %mul3A_11 = arith.constant 632 : i32
    %mul3A_12 = arith.muli %arg1, %mul3A_11 : i32
    %mul3A_13 = arith.constant 632 : i32
    %mul3A_14 = arith.muli %arg1, %mul3A_13 : i32
    "tpu.region"() ({
      %run_scoped3A = tpu.sem_alloc : memref<!tpu.dma_semaphore, #tpu.memory_space<semaphore_mem>>
      %dma_start3A = arith.constant 0 : i32
      %dma_start3A_15 = tpu.memref_slice %arg5[%arg0, %mul3A_14, %dma_start3A] : memref<2x10112x128xf32, #tpu.memory_space<hbm>> -> memref<1x632x128xf32, #tpu.memory_space<hbm>>
      %dma_start3A_16 = tpu.memref_squeeze %dma_start3A_15 : memref<1x632x128xf32, #tpu.memory_space<hbm>> -> memref<632x128xf32, #tpu.memory_space<hbm>>
      %dma_start3A_17 = arith.constant 0 : i32
      %dma_start3A_18 = tpu.memref_slice %arg9[%mul3A_12, %dma_start3A_17] : memref<10112x128xf32, #tpu.memory_space<vmem_shared>> -> memref<632x128xf32, #tpu.memory_space<vmem_shared>>
      tpu.enqueue_dma source(%dma_start3A_18 : memref<632x128xf32, #tpu.memory_space<vmem_shared>>) target(%dma_start3A_16 : memref<632x128xf32, #tpu.memory_space<hbm>>) target_semaphore(%run_scoped3A : memref<!tpu.dma_semaphore, #tpu.memory_space<semaphore_mem>>)
      %dma_wait3A = arith.constant 0 : i32
      %dma_wait3A_19 = tpu.memref_slice %arg5[%arg0, %mul3A_14, %dma_wait3A] : memref<2x10112x128xf32, #tpu.memory_space<hbm>> -> memref<1x632x128xf32, #tpu.memory_space<hbm>>
      %dma_wait3A_20 = tpu.memref_squeeze %dma_wait3A_19 : memref<1x632x128xf32, #tpu.memory_space<hbm>> -> memref<632x128xf32, #tpu.memory_space<hbm>>
      %dma_wait3A_21 = arith.constant 0 : i32
      %dma_wait3A_22 = tpu.memref_slice %arg9[%mul3A_12, %dma_wait3A_21] : memref<10112x128xf32, #tpu.memory_space<vmem_shared>> -> memref<632x128xf32, #tpu.memory_space<vmem_shared>>
      tpu.wait_dma2 semaphore(%run_scoped3A : memref<!tpu.dma_semaphore, #tpu.memory_space<semaphore_mem>>) src(%dma_wait3A_22 : memref<632x128xf32, #tpu.memory_space<vmem_shared>>) dst(%dma_wait3A_20 : memref<632x128xf32, #tpu.memory_space<hbm>>)
      tpu.yield
    }) : () -> ()
    return
  }
}

#map = affine_map<(d0, d1) -> (0, 0, 0, 0, 0)>
#map1 = affine_map<(d0, d1) -> (0, 0)>
#map2 = affine_map<(d0, d1) -> (0, 0, 0)>
module attributes {stable_mosaic.version = 14 : i64} {
  func.func @_scat_body(%arg0: i32, %arg1: i32, %arg2: memref<2x32x4x25x100xi32, #tpu.memory_space<hbm>>, %arg3: memref<10000x128xf32, #tpu.memory_space<hbm>>, %arg4: memref<10112x128xf32, #tpu.memory_space<hbm>>, %arg5: memref<2x10112x128xf32, #tpu.memory_space<hbm>>, %arg6: memref<25x100xi32, #tpu.memory_space<vmem>>, %arg7: memref<25x100xi32, #tpu.memory_space<vmem>>, %arg8: memref<3x100x128xf32, #tpu.memory_space<vmem>>, %arg9: memref<10112x128xf32, #tpu.memory_space<vmem_shared>>, %arg10: memref<3x!tpu.dma_semaphore, #tpu.memory_space<semaphore_mem>>, %arg11: memref<3x!tpu.dma_semaphore, #tpu.memory_space<semaphore_mem>>) attributes {dimension_semantics = [#tpu.dimension_semantics<core_parallel>, #tpu.dimension_semantics<subcore_parallel>], iteration_bounds = array<i64: 2, 16>, scalar_prefetch = 0 : i64, scratch_operands = 6 : i64, tpu.core_type = #tpu.core_type<sc_vector_subcore>, window_params = [{transform_indices = #map}, {transform_indices = #map1}, {transform_indices = #map1}, {transform_indices = #map2}]} {
    %mul3A = arith.constant 16 : i32
    %mul3A_0 = arith.muli %arg0, %mul3A : i32
    %add3A = arith.addi %mul3A_0, %arg1 : i32
    %mul3A_1 = arith.constant 632 : i32
    %mul3A_2 = arith.muli %arg1, %mul3A_1 : i32
    %mul3A_3 = arith.constant 632 : i32
    %mul3A_4 = arith.muli %arg1, %mul3A_3 : i32
    "tpu.region"() ({
      %run_scoped3A = tpu.sem_alloc : memref<!tpu.dma_semaphore, #tpu.memory_space<semaphore_mem>>
      %dma_start3A = arith.constant 0 : i32
      %dma_start3A_15 = tpu.memref_slice %arg9[%mul3A_4, %dma_start3A] : memref<10112x128xf32, #tpu.memory_space<vmem_shared>> -> memref<632x128xf32, #tpu.memory_space<vmem_shared>>
      %dma_start3A_16 = arith.constant 0 : i32
      %dma_start3A_17 = tpu.memref_slice %arg4[%mul3A_2, %dma_start3A_16] : memref<10112x128xf32, #tpu.memory_space<hbm>> -> memref<632x128xf32, #tpu.memory_space<hbm>>
      tpu.enqueue_dma source(%dma_start3A_17 : memref<632x128xf32, #tpu.memory_space<hbm>>) target(%dma_start3A_15 : memref<632x128xf32, #tpu.memory_space<vmem_shared>>) target_semaphore(%run_scoped3A : memref<!tpu.dma_semaphore, #tpu.memory_space<semaphore_mem>>)
      %dma_wait3A = arith.constant 0 : i32
      %dma_wait3A_18 = tpu.memref_slice %arg9[%mul3A_4, %dma_wait3A] : memref<10112x128xf32, #tpu.memory_space<vmem_shared>> -> memref<632x128xf32, #tpu.memory_space<vmem_shared>>
      %dma_wait3A_19 = arith.constant 0 : i32
      %dma_wait3A_20 = tpu.memref_slice %arg4[%mul3A_2, %dma_wait3A_19] : memref<10112x128xf32, #tpu.memory_space<hbm>> -> memref<632x128xf32, #tpu.memory_space<hbm>>
      tpu.wait_dma2 semaphore(%run_scoped3A : memref<!tpu.dma_semaphore, #tpu.memory_space<semaphore_mem>>) src(%dma_wait3A_20 : memref<632x128xf32, #tpu.memory_space<hbm>>) dst(%dma_wait3A_18 : memref<632x128xf32, #tpu.memory_space<vmem_shared>>)
      tpu.yield
    }) : () -> ()
    %barrier3A = arith.constant 0 : index
    tpu.barrier barrier_id(%barrier3A)
    %scan3A = arith.constant 0 : i32
    %scan3A_5 = arith.constant 0 : i32
    %scan3A_6 = arith.constant 4 : i32
    %scan3A_7 = arith.addi %scan3A_5, %scan3A_6 : i32
    %scan3A_8 = arith.constant 1 : i32
    scf.for %scan3A_15 = %scan3A_5 to %scan3A_7 step %scan3A_8  : i32 {
      %run_scoped3A = arith.constant 0 : i32
      "tpu.region"() ({
        %run_scoped3A_96 = tpu.sem_alloc : memref<!tpu.dma_semaphore, #tpu.memory_space<semaphore_mem>>
        %dma_start3A_97 = arith.constant 0 : i32
        %dma_start3A_98 = arith.constant 0 : i32
        %dma_start3A_99 = tpu.memref_slice %arg2[%run_scoped3A, %add3A, %scan3A_15, %dma_start3A_97, %dma_start3A_98] : memref<2x32x4x25x100xi32, #tpu.memory_space<hbm>> -> memref<1x1x1x25x100xi32, #tpu.memory_space<hbm>>
        %dma_start3A_100 = tpu.memref_squeeze %dma_start3A_99 : memref<1x1x1x25x100xi32, #tpu.memory_space<hbm>> -> memref<25x100xi32, #tpu.memory_space<hbm>>
        %dma_start3A_101 = arith.constant 0 : i32
        %dma_start3A_102 = arith.constant 0 : i32
        %dma_start3A_103 = tpu.memref_slice %arg2[%run_scoped3A, %add3A, %scan3A_15, %dma_start3A_101, %dma_start3A_102] : memref<2x32x4x25x100xi32, #tpu.memory_space<hbm>> -> memref<1x1x1x25x100xi32, #tpu.memory_space<hbm>>
        %dma_start3A_104 = tpu.memref_squeeze %dma_start3A_103 : memref<1x1x1x25x100xi32, #tpu.memory_space<hbm>> -> memref<25x100xi32, #tpu.memory_space<hbm>>
        tpu.enqueue_dma source(%dma_start3A_104 : memref<25x100xi32, #tpu.memory_space<hbm>>) target(%arg6 : memref<25x100xi32, #tpu.memory_space<vmem>>) target_semaphore(%run_scoped3A_96 : memref<!tpu.dma_semaphore, #tpu.memory_space<semaphore_mem>>)
        %dma_wait3A_105 = arith.constant 0 : i32
        %dma_wait3A_106 = arith.constant 0 : i32
        %dma_wait3A_107 = tpu.memref_slice %arg2[%run_scoped3A, %add3A, %scan3A_15, %dma_wait3A_105, %dma_wait3A_106] : memref<2x32x4x25x100xi32, #tpu.memory_space<hbm>> -> memref<1x1x1x25x100xi32, #tpu.memory_space<hbm>>
        %dma_wait3A_108 = tpu.memref_squeeze %dma_wait3A_107 : memref<1x1x1x25x100xi32, #tpu.memory_space<hbm>> -> memref<25x100xi32, #tpu.memory_space<hbm>>
        %dma_wait3A_109 = arith.constant 0 : i32
        %dma_wait3A_110 = arith.constant 0 : i32
        %dma_wait3A_111 = tpu.memref_slice %arg2[%run_scoped3A, %add3A, %scan3A_15, %dma_wait3A_109, %dma_wait3A_110] : memref<2x32x4x25x100xi32, #tpu.memory_space<hbm>> -> memref<1x1x1x25x100xi32, #tpu.memory_space<hbm>>
        %dma_wait3A_112 = tpu.memref_squeeze %dma_wait3A_111 : memref<1x1x1x25x100xi32, #tpu.memory_space<hbm>> -> memref<25x100xi32, #tpu.memory_space<hbm>>
        tpu.wait_dma2 semaphore(%run_scoped3A_96 : memref<!tpu.dma_semaphore, #tpu.memory_space<semaphore_mem>>) src(%dma_wait3A_112 : memref<25x100xi32, #tpu.memory_space<hbm>>) dst(%arg6 : memref<25x100xi32, #tpu.memory_space<vmem>>)
        tpu.yield
      }) : () -> ()
      %run_scoped3A_16 = arith.constant 1 : i32
      "tpu.region"() ({
        %run_scoped3A_96 = tpu.sem_alloc : memref<!tpu.dma_semaphore, #tpu.memory_space<semaphore_mem>>
        %dma_start3A_97 = arith.constant 0 : i32
        %dma_start3A_98 = arith.constant 0 : i32
        %dma_start3A_99 = tpu.memref_slice %arg2[%run_scoped3A_16, %add3A, %scan3A_15, %dma_start3A_97, %dma_start3A_98] : memref<2x32x4x25x100xi32, #tpu.memory_space<hbm>> -> memref<1x1x1x25x100xi32, #tpu.memory_space<hbm>>
        %dma_start3A_100 = tpu.memref_squeeze %dma_start3A_99 : memref<1x1x1x25x100xi32, #tpu.memory_space<hbm>> -> memref<25x100xi32, #tpu.memory_space<hbm>>
        %dma_start3A_101 = arith.constant 0 : i32
        %dma_start3A_102 = arith.constant 0 : i32
        %dma_start3A_103 = tpu.memref_slice %arg2[%run_scoped3A_16, %add3A, %scan3A_15, %dma_start3A_101, %dma_start3A_102] : memref<2x32x4x25x100xi32, #tpu.memory_space<hbm>> -> memref<1x1x1x25x100xi32, #tpu.memory_space<hbm>>
        %dma_start3A_104 = tpu.memref_squeeze %dma_start3A_103 : memref<1x1x1x25x100xi32, #tpu.memory_space<hbm>> -> memref<25x100xi32, #tpu.memory_space<hbm>>
        tpu.enqueue_dma source(%dma_start3A_104 : memref<25x100xi32, #tpu.memory_space<hbm>>) target(%arg7 : memref<25x100xi32, #tpu.memory_space<vmem>>) target_semaphore(%run_scoped3A_96 : memref<!tpu.dma_semaphore, #tpu.memory_space<semaphore_mem>>)
        %dma_wait3A_105 = arith.constant 0 : i32
        %dma_wait3A_106 = arith.constant 0 : i32
        %dma_wait3A_107 = tpu.memref_slice %arg2[%run_scoped3A_16, %add3A, %scan3A_15, %dma_wait3A_105, %dma_wait3A_106] : memref<2x32x4x25x100xi32, #tpu.memory_space<hbm>> -> memref<1x1x1x25x100xi32, #tpu.memory_space<hbm>>
        %dma_wait3A_108 = tpu.memref_squeeze %dma_wait3A_107 : memref<1x1x1x25x100xi32, #tpu.memory_space<hbm>> -> memref<25x100xi32, #tpu.memory_space<hbm>>
        %dma_wait3A_109 = arith.constant 0 : i32
        %dma_wait3A_110 = arith.constant 0 : i32
        %dma_wait3A_111 = tpu.memref_slice %arg2[%run_scoped3A_16, %add3A, %scan3A_15, %dma_wait3A_109, %dma_wait3A_110] : memref<2x32x4x25x100xi32, #tpu.memory_space<hbm>> -> memref<1x1x1x25x100xi32, #tpu.memory_space<hbm>>
        %dma_wait3A_112 = tpu.memref_squeeze %dma_wait3A_111 : memref<1x1x1x25x100xi32, #tpu.memory_space<hbm>> -> memref<25x100xi32, #tpu.memory_space<hbm>>
        tpu.wait_dma2 semaphore(%run_scoped3A_96 : memref<!tpu.dma_semaphore, #tpu.memory_space<semaphore_mem>>) src(%dma_wait3A_112 : memref<25x100xi32, #tpu.memory_space<hbm>>) dst(%arg7 : memref<25x100xi32, #tpu.memory_space<vmem>>)
        tpu.yield
      }) : () -> ()
      %scan3A_17 = arith.constant 0 : i32
      %scan3A_18 = arith.constant 0 : i32
      %scan3A_19 = arith.constant 25 : i32
      %scan3A_20 = arith.addi %scan3A_18, %scan3A_19 : i32
      %scan3A_21 = arith.constant 1 : i32
      scf.for %scan3A_96 = %scan3A_18 to %scan3A_20 step %scan3A_21  : i32 {
        %rem3A = arith.constant 3 : i32
        %rem3A_97 = arith.remsi %scan3A_96, %rem3A : i32
        %add3A_98 = arith.constant 3 : i32
        %add3A_99 = arith.addi %scan3A_96, %add3A_98 : i32
        %sub3A = arith.constant 1 : i32
        %sub3A_100 = arith.subi %add3A_99, %sub3A : i32
        %rem3A_101 = arith.constant 3 : i32
        %rem3A_102 = arith.remsi %sub3A_100, %rem3A_101 : i32
        %ge3A = arith.constant 3 : i32
        %ge3A_103 = arith.cmpi sge, %scan3A_96, %ge3A : i32
        %convert_element_type3A = arith.extui %ge3A_103 : i1 to i32
        %cond3A = arith.constant 0 : i32
        %cond3A_104 = arith.cmpi ne, %convert_element_type3A, %cond3A : i32
        scf.if %cond3A_104 {
          %dma_wait3A_122 = arith.constant 0 : i32
          %dma_wait3A_123 = arith.constant 0 : i32
          %dma_wait3A_124 = tpu.memref_slice %arg8[%rem3A_97, %dma_wait3A_122, %dma_wait3A_123] : memref<3x100x128xf32, #tpu.memory_space<vmem>> -> memref<1x100x128xf32, #tpu.memory_space<vmem>>
          %dma_wait3A_125 = tpu.memref_squeeze %dma_wait3A_124 : memref<1x100x128xf32, #tpu.memory_space<vmem>> -> memref<100x128xf32, #tpu.memory_space<vmem>>
          %dma_wait3A_126 = arith.constant 0 : i32
          %dma_wait3A_127 = tpu.memref_slice %arg7[%scan3A_96, %dma_wait3A_126] : memref<25x100xi32, #tpu.memory_space<vmem>> -> memref<1x100xi32, #tpu.memory_space<vmem>>
          %dma_wait3A_128 = tpu.memref_squeeze %dma_wait3A_127 : memref<1x100xi32, #tpu.memory_space<vmem>> -> memref<100xi32, #tpu.memory_space<vmem>>
          %dma_wait3A_129 = arith.constant 0 : i32
          %dma_wait3A_130 = arith.constant 0 : i32
          %dma_wait3A_131 = tpu.memref_slice %arg9[%dma_wait3A_129, %dma_wait3A_130] : memref<10112x128xf32, #tpu.memory_space<vmem_shared>> -> memref<10112x128xf32, #tpu.memory_space<vmem_shared>>
          %dma_wait3A_132 = tpu.memref_slice %arg11[%rem3A_97] : memref<3x!tpu.dma_semaphore, #tpu.memory_space<semaphore_mem>> -> memref<1x!tpu.dma_semaphore, #tpu.memory_space<semaphore_mem>>
          %dma_wait3A_133 = tpu.memref_squeeze %dma_wait3A_132 : memref<1x!tpu.dma_semaphore, #tpu.memory_space<semaphore_mem>> -> memref<!tpu.dma_semaphore, #tpu.memory_space<semaphore_mem>>
          tpu.wait_indirect_dma semaphore(%dma_wait3A_133 : memref<!tpu.dma_semaphore, #tpu.memory_space<semaphore_mem>>) src(%dma_wait3A_125 : memref<100x128xf32, #tpu.memory_space<vmem>>) dst(%dma_wait3A_131 : memref<10112x128xf32, #tpu.memory_space<vmem_shared>>)
        } else {
        }
        %dma_start3A_105 = arith.constant 0 : i32
        %dma_start3A_106 = arith.constant 0 : i32
        %dma_start3A_107 = tpu.memref_slice %arg8[%rem3A_97, %dma_start3A_105, %dma_start3A_106] : memref<3x100x128xf32, #tpu.memory_space<vmem>> -> memref<1x100x128xf32, #tpu.memory_space<vmem>>
        %dma_start3A_108 = tpu.memref_squeeze %dma_start3A_107 : memref<1x100x128xf32, #tpu.memory_space<vmem>> -> memref<100x128xf32, #tpu.memory_space<vmem>>
        %dma_start3A_109 = arith.constant 0 : i32
        %dma_start3A_110 = tpu.memref_slice %arg6[%scan3A_96, %dma_start3A_109] : memref<25x100xi32, #tpu.memory_space<vmem>> -> memref<1x100xi32, #tpu.memory_space<vmem>>
        %dma_start3A_111 = tpu.memref_squeeze %dma_start3A_110 : memref<1x100xi32, #tpu.memory_space<vmem>> -> memref<100xi32, #tpu.memory_space<vmem>>
        %dma_start3A_112 = arith.constant 0 : i32
        %dma_start3A_113 = arith.constant 0 : i32
        %dma_start3A_114 = tpu.memref_slice %arg3[%dma_start3A_112, %dma_start3A_113] : memref<10000x128xf32, #tpu.memory_space<hbm>> -> memref<10000x128xf32, #tpu.memory_space<hbm>>
        %dma_start3A_115 = tpu.memref_slice %arg10[%rem3A_97] : memref<3x!tpu.dma_semaphore, #tpu.memory_space<semaphore_mem>> -> memref<1x!tpu.dma_semaphore, #tpu.memory_space<semaphore_mem>>
        %dma_start3A_116 = tpu.memref_squeeze %dma_start3A_115 : memref<1x!tpu.dma_semaphore, #tpu.memory_space<semaphore_mem>> -> memref<!tpu.dma_semaphore, #tpu.memory_space<semaphore_mem>>
        tpu.enqueue_indirect_dma source(%dma_start3A_114 : memref<10000x128xf32, #tpu.memory_space<hbm>>) target(%dma_start3A_108 : memref<100x128xf32, #tpu.memory_space<vmem>>) offsets(%dma_start3A_111 : memref<100xi32, #tpu.memory_space<vmem>>) semaphore(%dma_start3A_116 : memref<!tpu.dma_semaphore, #tpu.memory_space<semaphore_mem>>)
        %ge3A_117 = arith.constant 1 : i32
        %ge3A_118 = arith.cmpi sge, %scan3A_96, %ge3A_117 : i32
        %convert_element_type3A_119 = arith.extui %ge3A_118 : i1 to i32
        %cond3A_120 = arith.constant 0 : i32
        %cond3A_121 = arith.cmpi ne, %convert_element_type3A_119, %cond3A_120 : i32
        scf.if %cond3A_121 {
          %sub3A_122 = arith.constant 1 : i32
          %sub3A_123 = arith.subi %scan3A_96, %sub3A_122 : i32
          %dma_wait3A_124 = arith.constant 0 : i32
          %dma_wait3A_125 = arith.constant 0 : i32
          %dma_wait3A_126 = tpu.memref_slice %arg8[%rem3A_102, %dma_wait3A_124, %dma_wait3A_125] : memref<3x100x128xf32, #tpu.memory_space<vmem>> -> memref<1x100x128xf32, #tpu.memory_space<vmem>>
          %dma_wait3A_127 = tpu.memref_squeeze %dma_wait3A_126 : memref<1x100x128xf32, #tpu.memory_space<vmem>> -> memref<100x128xf32, #tpu.memory_space<vmem>>
          %dma_wait3A_128 = arith.constant 0 : i32
          %dma_wait3A_129 = tpu.memref_slice %arg6[%sub3A_123, %dma_wait3A_128] : memref<25x100xi32, #tpu.memory_space<vmem>> -> memref<1x100xi32, #tpu.memory_space<vmem>>
          %dma_wait3A_130 = tpu.memref_squeeze %dma_wait3A_129 : memref<1x100xi32, #tpu.memory_space<vmem>> -> memref<100xi32, #tpu.memory_space<vmem>>
          %dma_wait3A_131 = arith.constant 0 : i32
          %dma_wait3A_132 = arith.constant 0 : i32
          %dma_wait3A_133 = tpu.memref_slice %arg3[%dma_wait3A_131, %dma_wait3A_132] : memref<10000x128xf32, #tpu.memory_space<hbm>> -> memref<10000x128xf32, #tpu.memory_space<hbm>>
          %dma_wait3A_134 = tpu.memref_slice %arg10[%rem3A_102] : memref<3x!tpu.dma_semaphore, #tpu.memory_space<semaphore_mem>> -> memref<1x!tpu.dma_semaphore, #tpu.memory_space<semaphore_mem>>
          %dma_wait3A_135 = tpu.memref_squeeze %dma_wait3A_134 : memref<1x!tpu.dma_semaphore, #tpu.memory_space<semaphore_mem>> -> memref<!tpu.dma_semaphore, #tpu.memory_space<semaphore_mem>>
          tpu.wait_indirect_dma semaphore(%dma_wait3A_135 : memref<!tpu.dma_semaphore, #tpu.memory_space<semaphore_mem>>) src(%dma_wait3A_133 : memref<10000x128xf32, #tpu.memory_space<hbm>>) dst(%dma_wait3A_127 : memref<100x128xf32, #tpu.memory_space<vmem>>)
          %sub3A_136 = arith.constant 1 : i32
          %sub3A_137 = arith.subi %scan3A_96, %sub3A_136 : i32
          %dma_start3A_138 = arith.constant 0 : i32
          %dma_start3A_139 = arith.constant 0 : i32
          %dma_start3A_140 = tpu.memref_slice %arg8[%rem3A_102, %dma_start3A_138, %dma_start3A_139] : memref<3x100x128xf32, #tpu.memory_space<vmem>> -> memref<1x100x128xf32, #tpu.memory_space<vmem>>
          %dma_start3A_141 = tpu.memref_squeeze %dma_start3A_140 : memref<1x100x128xf32, #tpu.memory_space<vmem>> -> memref<100x128xf32, #tpu.memory_space<vmem>>
          %dma_start3A_142 = arith.constant 0 : i32
          %dma_start3A_143 = tpu.memref_slice %arg7[%sub3A_137, %dma_start3A_142] : memref<25x100xi32, #tpu.memory_space<vmem>> -> memref<1x100xi32, #tpu.memory_space<vmem>>
          %dma_start3A_144 = tpu.memref_squeeze %dma_start3A_143 : memref<1x100xi32, #tpu.memory_space<vmem>> -> memref<100xi32, #tpu.memory_space<vmem>>
          %dma_start3A_145 = arith.constant 0 : i32
          %dma_start3A_146 = arith.constant 0 : i32
          %dma_start3A_147 = tpu.memref_slice %arg9[%dma_start3A_145, %dma_start3A_146] : memref<10112x128xf32, #tpu.memory_space<vmem_shared>> -> memref<10112x128xf32, #tpu.memory_space<vmem_shared>>
          %dma_start3A_148 = tpu.memref_slice %arg11[%rem3A_102] : memref<3x!tpu.dma_semaphore, #tpu.memory_space<semaphore_mem>> -> memref<1x!tpu.dma_semaphore, #tpu.memory_space<semaphore_mem>>
          %dma_start3A_149 = tpu.memref_squeeze %dma_start3A_148 : memref<1x!tpu.dma_semaphore, #tpu.memory_space<semaphore_mem>> -> memref<!tpu.dma_semaphore, #tpu.memory_space<semaphore_mem>>
          tpu.enqueue_indirect_dma source(%dma_start3A_141 : memref<100x128xf32, #tpu.memory_space<vmem>>) target(%dma_start3A_147 : memref<10112x128xf32, #tpu.memory_space<vmem_shared>>) offsets(%dma_start3A_144 : memref<100xi32, #tpu.memory_space<vmem>>) semaphore(%dma_start3A_149 : memref<!tpu.dma_semaphore, #tpu.memory_space<semaphore_mem>>) {add = true}
        } else {
        }
      }
      %scan3A_22 = arith.constant 25 : i32
      %dma_wait3A = arith.constant 24 : i32
      %dma_wait3A_23 = arith.constant 0 : i32
      %dma_wait3A_24 = arith.constant 0 : i32
      %dma_wait3A_25 = arith.constant 0 : i32
      %dma_wait3A_26 = arith.constant 0 : i32
      %dma_wait3A_27 = tpu.memref_slice %arg8[%dma_wait3A_23, %dma_wait3A_25, %dma_wait3A_26] : memref<3x100x128xf32, #tpu.memory_space<vmem>> -> memref<1x100x128xf32, #tpu.memory_space<vmem>>
      %dma_wait3A_28 = tpu.memref_squeeze %dma_wait3A_27 : memref<1x100x128xf32, #tpu.memory_space<vmem>> -> memref<100x128xf32, #tpu.memory_space<vmem>>
      %dma_wait3A_29 = arith.constant 0 : i32
      %dma_wait3A_30 = tpu.memref_slice %arg6[%dma_wait3A, %dma_wait3A_29] : memref<25x100xi32, #tpu.memory_space<vmem>> -> memref<1x100xi32, #tpu.memory_space<vmem>>
      %dma_wait3A_31 = tpu.memref_squeeze %dma_wait3A_30 : memref<1x100xi32, #tpu.memory_space<vmem>> -> memref<100xi32, #tpu.memory_space<vmem>>
      %dma_wait3A_32 = arith.constant 0 : i32
      %dma_wait3A_33 = arith.constant 0 : i32
      %dma_wait3A_34 = tpu.memref_slice %arg3[%dma_wait3A_32, %dma_wait3A_33] : memref<10000x128xf32, #tpu.memory_space<hbm>> -> memref<10000x128xf32, #tpu.memory_space<hbm>>
      %dma_wait3A_35 = tpu.memref_slice %arg10[%dma_wait3A_24] : memref<3x!tpu.dma_semaphore, #tpu.memory_space<semaphore_mem>> -> memref<1x!tpu.dma_semaphore, #tpu.memory_space<semaphore_mem>>
      %dma_wait3A_36 = tpu.memref_squeeze %dma_wait3A_35 : memref<1x!tpu.dma_semaphore, #tpu.memory_space<semaphore_mem>> -> memref<!tpu.dma_semaphore, #tpu.memory_space<semaphore_mem>>
      tpu.wait_indirect_dma semaphore(%dma_wait3A_36 : memref<!tpu.dma_semaphore, #tpu.memory_space<semaphore_mem>>) src(%dma_wait3A_34 : memref<10000x128xf32, #tpu.memory_space<hbm>>) dst(%dma_wait3A_28 : memref<100x128xf32, #tpu.memory_space<vmem>>)
      %dma_start3A = arith.constant 0 : i32
      %dma_start3A_37 = arith.constant 24 : i32
      %dma_start3A_38 = arith.constant 0 : i32
      %dma_start3A_39 = arith.constant 0 : i32
      %dma_start3A_40 = arith.constant 0 : i32
      %dma_start3A_41 = tpu.memref_slice %arg8[%dma_start3A, %dma_start3A_39, %dma_start3A_40] : memref<3x100x128xf32, #tpu.memory_space<vmem>> -> memref<1x100x128xf32, #tpu.memory_space<vmem>>
      %dma_start3A_42 = tpu.memref_squeeze %dma_start3A_41 : memref<1x100x128xf32, #tpu.memory_space<vmem>> -> memref<100x128xf32, #tpu.memory_space<vmem>>
      %dma_start3A_43 = arith.constant 0 : i32
      %dma_start3A_44 = tpu.memref_slice %arg7[%dma_start3A_37, %dma_start3A_43] : memref<25x100xi32, #tpu.memory_space<vmem>> -> memref<1x100xi32, #tpu.memory_space<vmem>>
      %dma_start3A_45 = tpu.memref_squeeze %dma_start3A_44 : memref<1x100xi32, #tpu.memory_space<vmem>> -> memref<100xi32, #tpu.memory_space<vmem>>
      %dma_start3A_46 = arith.constant 0 : i32
      %dma_start3A_47 = arith.constant 0 : i32
      %dma_start3A_48 = tpu.memref_slice %arg9[%dma_start3A_46, %dma_start3A_47] : memref<10112x128xf32, #tpu.memory_space<vmem_shared>> -> memref<10112x128xf32, #tpu.memory_space<vmem_shared>>
      %dma_start3A_49 = tpu.memref_slice %arg11[%dma_start3A_38] : memref<3x!tpu.dma_semaphore, #tpu.memory_space<semaphore_mem>> -> memref<1x!tpu.dma_semaphore, #tpu.memory_space<semaphore_mem>>
      %dma_start3A_50 = tpu.memref_squeeze %dma_start3A_49 : memref<1x!tpu.dma_semaphore, #tpu.memory_space<semaphore_mem>> -> memref<!tpu.dma_semaphore, #tpu.memory_space<semaphore_mem>>
      tpu.enqueue_indirect_dma source(%dma_start3A_42 : memref<100x128xf32, #tpu.memory_space<vmem>>) target(%dma_start3A_48 : memref<10112x128xf32, #tpu.memory_space<vmem_shared>>) offsets(%dma_start3A_45 : memref<100xi32, #tpu.memory_space<vmem>>) semaphore(%dma_start3A_50 : memref<!tpu.dma_semaphore, #tpu.memory_space<semaphore_mem>>) {add = true}
      %dma_wait3A_51 = arith.constant 0 : i32
      %dma_wait3A_52 = arith.constant 0 : i32
      %dma_wait3A_53 = arith.constant 0 : i32
      %dma_wait3A_54 = arith.constant 0 : i32
      %dma_wait3A_55 = arith.constant 0 : i32
      %dma_wait3A_56 = tpu.memref_slice %arg8[%dma_wait3A_51, %dma_wait3A_54, %dma_wait3A_55] : memref<3x100x128xf32, #tpu.memory_space<vmem>> -> memref<1x100x128xf32, #tpu.memory_space<vmem>>
      %dma_wait3A_57 = tpu.memref_squeeze %dma_wait3A_56 : memref<1x100x128xf32, #tpu.memory_space<vmem>> -> memref<100x128xf32, #tpu.memory_space<vmem>>
      %dma_wait3A_58 = arith.constant 0 : i32
      %dma_wait3A_59 = tpu.memref_slice %arg7[%dma_wait3A_52, %dma_wait3A_58] : memref<25x100xi32, #tpu.memory_space<vmem>> -> memref<1x100xi32, #tpu.memory_space<vmem>>
      %dma_wait3A_60 = tpu.memref_squeeze %dma_wait3A_59 : memref<1x100xi32, #tpu.memory_space<vmem>> -> memref<100xi32, #tpu.memory_space<vmem>>
      %dma_wait3A_61 = arith.constant 0 : i32
      %dma_wait3A_62 = arith.constant 0 : i32
      %dma_wait3A_63 = tpu.memref_slice %arg9[%dma_wait3A_61, %dma_wait3A_62] : memref<10112x128xf32, #tpu.memory_space<vmem_shared>> -> memref<10112x128xf32, #tpu.memory_space<vmem_shared>>
      %dma_wait3A_64 = tpu.memref_slice %arg11[%dma_wait3A_53] : memref<3x!tpu.dma_semaphore, #tpu.memory_space<semaphore_mem>> -> memref<1x!tpu.dma_semaphore, #tpu.memory_space<semaphore_mem>>
      %dma_wait3A_65 = tpu.memref_squeeze %dma_wait3A_64 : memref<1x!tpu.dma_semaphore, #tpu.memory_space<semaphore_mem>> -> memref<!tpu.dma_semaphore, #tpu.memory_space<semaphore_mem>>
      tpu.wait_indirect_dma semaphore(%dma_wait3A_65 : memref<!tpu.dma_semaphore, #tpu.memory_space<semaphore_mem>>) src(%dma_wait3A_57 : memref<100x128xf32, #tpu.memory_space<vmem>>) dst(%dma_wait3A_63 : memref<10112x128xf32, #tpu.memory_space<vmem_shared>>)
      %dma_wait3A_66 = arith.constant 1 : i32
      %dma_wait3A_67 = arith.constant 1 : i32
      %dma_wait3A_68 = arith.constant 1 : i32
      %dma_wait3A_69 = arith.constant 0 : i32
      %dma_wait3A_70 = arith.constant 0 : i32
      %dma_wait3A_71 = tpu.memref_slice %arg8[%dma_wait3A_66, %dma_wait3A_69, %dma_wait3A_70] : memref<3x100x128xf32, #tpu.memory_space<vmem>> -> memref<1x100x128xf32, #tpu.memory_space<vmem>>
      %dma_wait3A_72 = tpu.memref_squeeze %dma_wait3A_71 : memref<1x100x128xf32, #tpu.memory_space<vmem>> -> memref<100x128xf32, #tpu.memory_space<vmem>>
      %dma_wait3A_73 = arith.constant 0 : i32
      %dma_wait3A_74 = tpu.memref_slice %arg7[%dma_wait3A_67, %dma_wait3A_73] : memref<25x100xi32, #tpu.memory_space<vmem>> -> memref<1x100xi32, #tpu.memory_space<vmem>>
      %dma_wait3A_75 = tpu.memref_squeeze %dma_wait3A_74 : memref<1x100xi32, #tpu.memory_space<vmem>> -> memref<100xi32, #tpu.memory_space<vmem>>
      %dma_wait3A_76 = arith.constant 0 : i32
      %dma_wait3A_77 = arith.constant 0 : i32
      %dma_wait3A_78 = tpu.memref_slice %arg9[%dma_wait3A_76, %dma_wait3A_77] : memref<10112x128xf32, #tpu.memory_space<vmem_shared>> -> memref<10112x128xf32, #tpu.memory_space<vmem_shared>>
      %dma_wait3A_79 = tpu.memref_slice %arg11[%dma_wait3A_68] : memref<3x!tpu.dma_semaphore, #tpu.memory_space<semaphore_mem>> -> memref<1x!tpu.dma_semaphore, #tpu.memory_space<semaphore_mem>>
      %dma_wait3A_80 = tpu.memref_squeeze %dma_wait3A_79 : memref<1x!tpu.dma_semaphore, #tpu.memory_space<semaphore_mem>> -> memref<!tpu.dma_semaphore, #tpu.memory_space<semaphore_mem>>
      tpu.wait_indirect_dma semaphore(%dma_wait3A_80 : memref<!tpu.dma_semaphore, #tpu.memory_space<semaphore_mem>>) src(%dma_wait3A_72 : memref<100x128xf32, #tpu.memory_space<vmem>>) dst(%dma_wait3A_78 : memref<10112x128xf32, #tpu.memory_space<vmem_shared>>)
      %dma_wait3A_81 = arith.constant 2 : i32
      %dma_wait3A_82 = arith.constant 2 : i32
      %dma_wait3A_83 = arith.constant 2 : i32
      %dma_wait3A_84 = arith.constant 0 : i32
      %dma_wait3A_85 = arith.constant 0 : i32
      %dma_wait3A_86 = tpu.memref_slice %arg8[%dma_wait3A_81, %dma_wait3A_84, %dma_wait3A_85] : memref<3x100x128xf32, #tpu.memory_space<vmem>> -> memref<1x100x128xf32, #tpu.memory_space<vmem>>
      %dma_wait3A_87 = tpu.memref_squeeze %dma_wait3A_86 : memref<1x100x128xf32, #tpu.memory_space<vmem>> -> memref<100x128xf32, #tpu.memory_space<vmem>>
      %dma_wait3A_88 = arith.constant 0 : i32
      %dma_wait3A_89 = tpu.memref_slice %arg7[%dma_wait3A_82, %dma_wait3A_88] : memref<25x100xi32, #tpu.memory_space<vmem>> -> memref<1x100xi32, #tpu.memory_space<vmem>>
      %dma_wait3A_90 = tpu.memref_squeeze %dma_wait3A_89 : memref<1x100xi32, #tpu.memory_space<vmem>> -> memref<100xi32, #tpu.memory_space<vmem>>
      %dma_wait3A_91 = arith.constant 0 : i32
      %dma_wait3A_92 = arith.constant 0 : i32
      %dma_wait3A_93 = tpu.memref_slice %arg9[%dma_wait3A_91, %dma_wait3A_92] : memref<10112x128xf32, #tpu.memory_space<vmem_shared>> -> memref<10112x128xf32, #tpu.memory_space<vmem_shared>>
      %dma_wait3A_94 = tpu.memref_slice %arg11[%dma_wait3A_83] : memref<3x!tpu.dma_semaphore, #tpu.memory_space<semaphore_mem>> -> memref<1x!tpu.dma_semaphore, #tpu.memory_space<semaphore_mem>>
      %dma_wait3A_95 = tpu.memref_squeeze %dma_wait3A_94 : memref<1x!tpu.dma_semaphore, #tpu.memory_space<semaphore_mem>> -> memref<!tpu.dma_semaphore, #tpu.memory_space<semaphore_mem>>
      tpu.wait_indirect_dma semaphore(%dma_wait3A_95 : memref<!tpu.dma_semaphore, #tpu.memory_space<semaphore_mem>>) src(%dma_wait3A_87 : memref<100x128xf32, #tpu.memory_space<vmem>>) dst(%dma_wait3A_93 : memref<10112x128xf32, #tpu.memory_space<vmem_shared>>)
    }
    %scan3A_9 = arith.constant 4 : i32
    %barrier3A_10 = arith.constant 0 : index
    tpu.barrier barrier_id(%barrier3A_10)
    %mul3A_11 = arith.constant 632 : i32
    %mul3A_12 = arith.muli %arg1, %mul3A_11 : i32
    %mul3A_13 = arith.constant 632 : i32
    %mul3A_14 = arith.muli %arg1, %mul3A_13 : i32
    "tpu.region"() ({
      %run_scoped3A = tpu.sem_alloc : memref<!tpu.dma_semaphore, #tpu.memory_space<semaphore_mem>>
      %dma_start3A = arith.constant 0 : i32
      %dma_start3A_15 = tpu.memref_slice %arg5[%arg0, %mul3A_14, %dma_start3A] : memref<2x10112x128xf32, #tpu.memory_space<hbm>> -> memref<1x632x128xf32, #tpu.memory_space<hbm>>
      %dma_start3A_16 = tpu.memref_squeeze %dma_start3A_15 : memref<1x632x128xf32, #tpu.memory_space<hbm>> -> memref<632x128xf32, #tpu.memory_space<hbm>>
      %dma_start3A_17 = arith.constant 0 : i32
      %dma_start3A_18 = tpu.memref_slice %arg9[%mul3A_12, %dma_start3A_17] : memref<10112x128xf32, #tpu.memory_space<vmem_shared>> -> memref<632x128xf32, #tpu.memory_space<vmem_shared>>
      tpu.enqueue_dma source(%dma_start3A_18 : memref<632x128xf32, #tpu.memory_space<vmem_shared>>) target(%dma_start3A_16 : memref<632x128xf32, #tpu.memory_space<hbm>>) target_semaphore(%run_scoped3A : memref<!tpu.dma_semaphore, #tpu.memory_space<semaphore_mem>>)
      %dma_wait3A = arith.constant 0 : i32
      %dma_wait3A_19 = tpu.memref_slice %arg5[%arg0, %mul3A_14, %dma_wait3A] : memref<2x10112x128xf32, #tpu.memory_space<hbm>> -> memref<1x632x128xf32, #tpu.memory_space<hbm>>
      %dma_wait3A_20 = tpu.memref_squeeze %dma_wait3A_19 : memref<1x632x128xf32, #tpu.memory_space<hbm>> -> memref<632x128xf32, #tpu.memory_space<hbm>>
      %dma_wait3A_21 = arith.constant 0 : i32
      %dma_wait3A_22 = tpu.memref_slice %arg9[%mul3A_12, %dma_wait3A_21] : memref<10112x128xf32, #tpu.memory_space<vmem_shared>> -> memref<632x128xf32, #tpu.memory_space<vmem_shared>>
      tpu.wait_dma2 semaphore(%run_scoped3A : memref<!tpu.dma_semaphore, #tpu.memory_space<semaphore_mem>>) src(%dma_wait3A_22 : memref<632x128xf32, #tpu.memory_space<vmem_shared>>) dst(%dma_wait3A_20 : memref<632x128xf32, #tpu.memory_space<hbm>>)
      tpu.yield
    }) : () -> ()
    return
  }
}

#map = affine_map<(d0, d1) -> (0, 0, 0, 0, 0)>
#map1 = affine_map<(d0, d1) -> (0, 0)>
#map2 = affine_map<(d0, d1) -> (0, 0, 0)>
module attributes {stable_mosaic.version = 14 : i64} {
  func.func @_scat_body(%arg0: i32, %arg1: i32, %arg2: memref<2x32x4x25x100xi32, #tpu.memory_space<hbm>>, %arg3: memref<10000x128xf32, #tpu.memory_space<hbm>>, %arg4: memref<10112x128xf32, #tpu.memory_space<hbm>>, %arg5: memref<2x10112x128xf32, #tpu.memory_space<hbm>>, %arg6: memref<25x100xi32, #tpu.memory_space<vmem>>, %arg7: memref<25x100xi32, #tpu.memory_space<vmem>>, %arg8: memref<3x100x128xf32, #tpu.memory_space<vmem>>, %arg9: memref<10112x128xf32, #tpu.memory_space<vmem_shared>>, %arg10: memref<3x!tpu.dma_semaphore, #tpu.memory_space<semaphore_mem>>, %arg11: memref<3x!tpu.dma_semaphore, #tpu.memory_space<semaphore_mem>>) attributes {dimension_semantics = [#tpu.dimension_semantics<core_parallel>, #tpu.dimension_semantics<subcore_parallel>], iteration_bounds = array<i64: 2, 16>, scalar_prefetch = 0 : i64, scratch_operands = 6 : i64, tpu.core_type = #tpu.core_type<sc_vector_subcore>, window_params = [{transform_indices = #map}, {transform_indices = #map1}, {transform_indices = #map1}, {transform_indices = #map2}]} {
    %mul3A = arith.constant 16 : i32
    %mul3A_0 = arith.muli %arg0, %mul3A : i32
    %add3A = arith.addi %mul3A_0, %arg1 : i32
    %mul3A_1 = arith.constant 632 : i32
    %mul3A_2 = arith.muli %arg1, %mul3A_1 : i32
    %mul3A_3 = arith.constant 632 : i32
    %mul3A_4 = arith.muli %arg1, %mul3A_3 : i32
    "tpu.region"() ({
      %run_scoped3A = tpu.sem_alloc : memref<!tpu.dma_semaphore, #tpu.memory_space<semaphore_mem>>
      %dma_start3A = arith.constant 0 : i32
      %dma_start3A_15 = tpu.memref_slice %arg9[%mul3A_4, %dma_start3A] : memref<10112x128xf32, #tpu.memory_space<vmem_shared>> -> memref<632x128xf32, #tpu.memory_space<vmem_shared>>
      %dma_start3A_16 = arith.constant 0 : i32
      %dma_start3A_17 = tpu.memref_slice %arg4[%mul3A_2, %dma_start3A_16] : memref<10112x128xf32, #tpu.memory_space<hbm>> -> memref<632x128xf32, #tpu.memory_space<hbm>>
      tpu.enqueue_dma source(%dma_start3A_17 : memref<632x128xf32, #tpu.memory_space<hbm>>) target(%dma_start3A_15 : memref<632x128xf32, #tpu.memory_space<vmem_shared>>) target_semaphore(%run_scoped3A : memref<!tpu.dma_semaphore, #tpu.memory_space<semaphore_mem>>)
      %dma_wait3A = arith.constant 0 : i32
      %dma_wait3A_18 = tpu.memref_slice %arg9[%mul3A_4, %dma_wait3A] : memref<10112x128xf32, #tpu.memory_space<vmem_shared>> -> memref<632x128xf32, #tpu.memory_space<vmem_shared>>
      %dma_wait3A_19 = arith.constant 0 : i32
      %dma_wait3A_20 = tpu.memref_slice %arg4[%mul3A_2, %dma_wait3A_19] : memref<10112x128xf32, #tpu.memory_space<hbm>> -> memref<632x128xf32, #tpu.memory_space<hbm>>
      tpu.wait_dma2 semaphore(%run_scoped3A : memref<!tpu.dma_semaphore, #tpu.memory_space<semaphore_mem>>) src(%dma_wait3A_20 : memref<632x128xf32, #tpu.memory_space<hbm>>) dst(%dma_wait3A_18 : memref<632x128xf32, #tpu.memory_space<vmem_shared>>)
      tpu.yield
    }) : () -> ()
    %barrier3A = arith.constant 0 : index
    tpu.barrier barrier_id(%barrier3A)
    %scan3A = arith.constant 0 : i32
    %scan3A_5 = arith.constant 0 : i32
    %scan3A_6 = arith.constant 4 : i32
    %scan3A_7 = arith.addi %scan3A_5, %scan3A_6 : i32
    %scan3A_8 = arith.constant 1 : i32
    scf.for %scan3A_15 = %scan3A_5 to %scan3A_7 step %scan3A_8  : i32 {
      %run_scoped3A = arith.constant 0 : i32
      "tpu.region"() ({
        %run_scoped3A_96 = tpu.sem_alloc : memref<!tpu.dma_semaphore, #tpu.memory_space<semaphore_mem>>
        %dma_start3A_97 = arith.constant 0 : i32
        %dma_start3A_98 = arith.constant 0 : i32
        %dma_start3A_99 = tpu.memref_slice %arg2[%run_scoped3A, %add3A, %scan3A_15, %dma_start3A_97, %dma_start3A_98] : memref<2x32x4x25x100xi32, #tpu.memory_space<hbm>> -> memref<1x1x1x25x100xi32, #tpu.memory_space<hbm>>
        %dma_start3A_100 = tpu.memref_squeeze %dma_start3A_99 : memref<1x1x1x25x100xi32, #tpu.memory_space<hbm>> -> memref<25x100xi32, #tpu.memory_space<hbm>>
        %dma_start3A_101 = arith.constant 0 : i32
        %dma_start3A_102 = arith.constant 0 : i32
        %dma_start3A_103 = tpu.memref_slice %arg2[%run_scoped3A, %add3A, %scan3A_15, %dma_start3A_101, %dma_start3A_102] : memref<2x32x4x25x100xi32, #tpu.memory_space<hbm>> -> memref<1x1x1x25x100xi32, #tpu.memory_space<hbm>>
        %dma_start3A_104 = tpu.memref_squeeze %dma_start3A_103 : memref<1x1x1x25x100xi32, #tpu.memory_space<hbm>> -> memref<25x100xi32, #tpu.memory_space<hbm>>
        tpu.enqueue_dma source(%dma_start3A_104 : memref<25x100xi32, #tpu.memory_space<hbm>>) target(%arg6 : memref<25x100xi32, #tpu.memory_space<vmem>>) target_semaphore(%run_scoped3A_96 : memref<!tpu.dma_semaphore, #tpu.memory_space<semaphore_mem>>)
        %dma_wait3A_105 = arith.constant 0 : i32
        %dma_wait3A_106 = arith.constant 0 : i32
        %dma_wait3A_107 = tpu.memref_slice %arg2[%run_scoped3A, %add3A, %scan3A_15, %dma_wait3A_105, %dma_wait3A_106] : memref<2x32x4x25x100xi32, #tpu.memory_space<hbm>> -> memref<1x1x1x25x100xi32, #tpu.memory_space<hbm>>
        %dma_wait3A_108 = tpu.memref_squeeze %dma_wait3A_107 : memref<1x1x1x25x100xi32, #tpu.memory_space<hbm>> -> memref<25x100xi32, #tpu.memory_space<hbm>>
        %dma_wait3A_109 = arith.constant 0 : i32
        %dma_wait3A_110 = arith.constant 0 : i32
        %dma_wait3A_111 = tpu.memref_slice %arg2[%run_scoped3A, %add3A, %scan3A_15, %dma_wait3A_109, %dma_wait3A_110] : memref<2x32x4x25x100xi32, #tpu.memory_space<hbm>> -> memref<1x1x1x25x100xi32, #tpu.memory_space<hbm>>
        %dma_wait3A_112 = tpu.memref_squeeze %dma_wait3A_111 : memref<1x1x1x25x100xi32, #tpu.memory_space<hbm>> -> memref<25x100xi32, #tpu.memory_space<hbm>>
        tpu.wait_dma2 semaphore(%run_scoped3A_96 : memref<!tpu.dma_semaphore, #tpu.memory_space<semaphore_mem>>) src(%dma_wait3A_112 : memref<25x100xi32, #tpu.memory_space<hbm>>) dst(%arg6 : memref<25x100xi32, #tpu.memory_space<vmem>>)
        tpu.yield
      }) : () -> ()
      %run_scoped3A_16 = arith.constant 1 : i32
      "tpu.region"() ({
        %run_scoped3A_96 = tpu.sem_alloc : memref<!tpu.dma_semaphore, #tpu.memory_space<semaphore_mem>>
        %dma_start3A_97 = arith.constant 0 : i32
        %dma_start3A_98 = arith.constant 0 : i32
        %dma_start3A_99 = tpu.memref_slice %arg2[%run_scoped3A_16, %add3A, %scan3A_15, %dma_start3A_97, %dma_start3A_98] : memref<2x32x4x25x100xi32, #tpu.memory_space<hbm>> -> memref<1x1x1x25x100xi32, #tpu.memory_space<hbm>>
        %dma_start3A_100 = tpu.memref_squeeze %dma_start3A_99 : memref<1x1x1x25x100xi32, #tpu.memory_space<hbm>> -> memref<25x100xi32, #tpu.memory_space<hbm>>
        %dma_start3A_101 = arith.constant 0 : i32
        %dma_start3A_102 = arith.constant 0 : i32
        %dma_start3A_103 = tpu.memref_slice %arg2[%run_scoped3A_16, %add3A, %scan3A_15, %dma_start3A_101, %dma_start3A_102] : memref<2x32x4x25x100xi32, #tpu.memory_space<hbm>> -> memref<1x1x1x25x100xi32, #tpu.memory_space<hbm>>
        %dma_start3A_104 = tpu.memref_squeeze %dma_start3A_103 : memref<1x1x1x25x100xi32, #tpu.memory_space<hbm>> -> memref<25x100xi32, #tpu.memory_space<hbm>>
        tpu.enqueue_dma source(%dma_start3A_104 : memref<25x100xi32, #tpu.memory_space<hbm>>) target(%arg7 : memref<25x100xi32, #tpu.memory_space<vmem>>) target_semaphore(%run_scoped3A_96 : memref<!tpu.dma_semaphore, #tpu.memory_space<semaphore_mem>>)
        %dma_wait3A_105 = arith.constant 0 : i32
        %dma_wait3A_106 = arith.constant 0 : i32
        %dma_wait3A_107 = tpu.memref_slice %arg2[%run_scoped3A_16, %add3A, %scan3A_15, %dma_wait3A_105, %dma_wait3A_106] : memref<2x32x4x25x100xi32, #tpu.memory_space<hbm>> -> memref<1x1x1x25x100xi32, #tpu.memory_space<hbm>>
        %dma_wait3A_108 = tpu.memref_squeeze %dma_wait3A_107 : memref<1x1x1x25x100xi32, #tpu.memory_space<hbm>> -> memref<25x100xi32, #tpu.memory_space<hbm>>
        %dma_wait3A_109 = arith.constant 0 : i32
        %dma_wait3A_110 = arith.constant 0 : i32
        %dma_wait3A_111 = tpu.memref_slice %arg2[%run_scoped3A_16, %add3A, %scan3A_15, %dma_wait3A_109, %dma_wait3A_110] : memref<2x32x4x25x100xi32, #tpu.memory_space<hbm>> -> memref<1x1x1x25x100xi32, #tpu.memory_space<hbm>>
        %dma_wait3A_112 = tpu.memref_squeeze %dma_wait3A_111 : memref<1x1x1x25x100xi32, #tpu.memory_space<hbm>> -> memref<25x100xi32, #tpu.memory_space<hbm>>
        tpu.wait_dma2 semaphore(%run_scoped3A_96 : memref<!tpu.dma_semaphore, #tpu.memory_space<semaphore_mem>>) src(%dma_wait3A_112 : memref<25x100xi32, #tpu.memory_space<hbm>>) dst(%arg7 : memref<25x100xi32, #tpu.memory_space<vmem>>)
        tpu.yield
      }) : () -> ()
      %scan3A_17 = arith.constant 0 : i32
      %scan3A_18 = arith.constant 0 : i32
      %scan3A_19 = arith.constant 25 : i32
      %scan3A_20 = arith.addi %scan3A_18, %scan3A_19 : i32
      %scan3A_21 = arith.constant 1 : i32
      scf.for %scan3A_96 = %scan3A_18 to %scan3A_20 step %scan3A_21  : i32 {
        %rem3A = arith.constant 3 : i32
        %rem3A_97 = arith.remsi %scan3A_96, %rem3A : i32
        %add3A_98 = arith.constant 3 : i32
        %add3A_99 = arith.addi %scan3A_96, %add3A_98 : i32
        %sub3A = arith.constant 1 : i32
        %sub3A_100 = arith.subi %add3A_99, %sub3A : i32
        %rem3A_101 = arith.constant 3 : i32
        %rem3A_102 = arith.remsi %sub3A_100, %rem3A_101 : i32
        %ge3A = arith.constant 3 : i32
        %ge3A_103 = arith.cmpi sge, %scan3A_96, %ge3A : i32
        %convert_element_type3A = arith.extui %ge3A_103 : i1 to i32
        %cond3A = arith.constant 0 : i32
        %cond3A_104 = arith.cmpi ne, %convert_element_type3A, %cond3A : i32
        scf.if %cond3A_104 {
          %dma_wait3A_122 = arith.constant 0 : i32
          %dma_wait3A_123 = arith.constant 0 : i32
          %dma_wait3A_124 = tpu.memref_slice %arg8[%rem3A_97, %dma_wait3A_122, %dma_wait3A_123] : memref<3x100x128xf32, #tpu.memory_space<vmem>> -> memref<1x100x128xf32, #tpu.memory_space<vmem>>
          %dma_wait3A_125 = tpu.memref_squeeze %dma_wait3A_124 : memref<1x100x128xf32, #tpu.memory_space<vmem>> -> memref<100x128xf32, #tpu.memory_space<vmem>>
          %dma_wait3A_126 = arith.constant 0 : i32
          %dma_wait3A_127 = tpu.memref_slice %arg7[%scan3A_96, %dma_wait3A_126] : memref<25x100xi32, #tpu.memory_space<vmem>> -> memref<1x100xi32, #tpu.memory_space<vmem>>
          %dma_wait3A_128 = tpu.memref_squeeze %dma_wait3A_127 : memref<1x100xi32, #tpu.memory_space<vmem>> -> memref<100xi32, #tpu.memory_space<vmem>>
          %dma_wait3A_129 = arith.constant 0 : i32
          %dma_wait3A_130 = arith.constant 0 : i32
          %dma_wait3A_131 = tpu.memref_slice %arg9[%dma_wait3A_129, %dma_wait3A_130] : memref<10112x128xf32, #tpu.memory_space<vmem_shared>> -> memref<10112x128xf32, #tpu.memory_space<vmem_shared>>
          %dma_wait3A_132 = tpu.memref_slice %arg11[%rem3A_97] : memref<3x!tpu.dma_semaphore, #tpu.memory_space<semaphore_mem>> -> memref<1x!tpu.dma_semaphore, #tpu.memory_space<semaphore_mem>>
          %dma_wait3A_133 = tpu.memref_squeeze %dma_wait3A_132 : memref<1x!tpu.dma_semaphore, #tpu.memory_space<semaphore_mem>> -> memref<!tpu.dma_semaphore, #tpu.memory_space<semaphore_mem>>
          tpu.wait_indirect_dma semaphore(%dma_wait3A_133 : memref<!tpu.dma_semaphore, #tpu.memory_space<semaphore_mem>>) src(%dma_wait3A_125 : memref<100x128xf32, #tpu.memory_space<vmem>>) dst(%dma_wait3A_131 : memref<10112x128xf32, #tpu.memory_space<vmem_shared>>)
        } else {
        }
        %dma_start3A_105 = arith.constant 0 : i32
        %dma_start3A_106 = arith.constant 0 : i32
        %dma_start3A_107 = tpu.memref_slice %arg8[%rem3A_97, %dma_start3A_105, %dma_start3A_106] : memref<3x100x128xf32, #tpu.memory_space<vmem>> -> memref<1x100x128xf32, #tpu.memory_space<vmem>>
        %dma_start3A_108 = tpu.memref_squeeze %dma_start3A_107 : memref<1x100x128xf32, #tpu.memory_space<vmem>> -> memref<100x128xf32, #tpu.memory_space<vmem>>
        %dma_start3A_109 = arith.constant 0 : i32
        %dma_start3A_110 = tpu.memref_slice %arg6[%scan3A_96, %dma_start3A_109] : memref<25x100xi32, #tpu.memory_space<vmem>> -> memref<1x100xi32, #tpu.memory_space<vmem>>
        %dma_start3A_111 = tpu.memref_squeeze %dma_start3A_110 : memref<1x100xi32, #tpu.memory_space<vmem>> -> memref<100xi32, #tpu.memory_space<vmem>>
        %dma_start3A_112 = arith.constant 0 : i32
        %dma_start3A_113 = arith.constant 0 : i32
        %dma_start3A_114 = tpu.memref_slice %arg3[%dma_start3A_112, %dma_start3A_113] : memref<10000x128xf32, #tpu.memory_space<hbm>> -> memref<10000x128xf32, #tpu.memory_space<hbm>>
        %dma_start3A_115 = tpu.memref_slice %arg10[%rem3A_97] : memref<3x!tpu.dma_semaphore, #tpu.memory_space<semaphore_mem>> -> memref<1x!tpu.dma_semaphore, #tpu.memory_space<semaphore_mem>>
        %dma_start3A_116 = tpu.memref_squeeze %dma_start3A_115 : memref<1x!tpu.dma_semaphore, #tpu.memory_space<semaphore_mem>> -> memref<!tpu.dma_semaphore, #tpu.memory_space<semaphore_mem>>
        tpu.enqueue_indirect_dma source(%dma_start3A_114 : memref<10000x128xf32, #tpu.memory_space<hbm>>) target(%dma_start3A_108 : memref<100x128xf32, #tpu.memory_space<vmem>>) offsets(%dma_start3A_111 : memref<100xi32, #tpu.memory_space<vmem>>) semaphore(%dma_start3A_116 : memref<!tpu.dma_semaphore, #tpu.memory_space<semaphore_mem>>)
        %ge3A_117 = arith.constant 1 : i32
        %ge3A_118 = arith.cmpi sge, %scan3A_96, %ge3A_117 : i32
        %convert_element_type3A_119 = arith.extui %ge3A_118 : i1 to i32
        %cond3A_120 = arith.constant 0 : i32
        %cond3A_121 = arith.cmpi ne, %convert_element_type3A_119, %cond3A_120 : i32
        scf.if %cond3A_121 {
          %sub3A_122 = arith.constant 1 : i32
          %sub3A_123 = arith.subi %scan3A_96, %sub3A_122 : i32
          %dma_wait3A_124 = arith.constant 0 : i32
          %dma_wait3A_125 = arith.constant 0 : i32
          %dma_wait3A_126 = tpu.memref_slice %arg8[%rem3A_102, %dma_wait3A_124, %dma_wait3A_125] : memref<3x100x128xf32, #tpu.memory_space<vmem>> -> memref<1x100x128xf32, #tpu.memory_space<vmem>>
          %dma_wait3A_127 = tpu.memref_squeeze %dma_wait3A_126 : memref<1x100x128xf32, #tpu.memory_space<vmem>> -> memref<100x128xf32, #tpu.memory_space<vmem>>
          %dma_wait3A_128 = arith.constant 0 : i32
          %dma_wait3A_129 = tpu.memref_slice %arg6[%sub3A_123, %dma_wait3A_128] : memref<25x100xi32, #tpu.memory_space<vmem>> -> memref<1x100xi32, #tpu.memory_space<vmem>>
          %dma_wait3A_130 = tpu.memref_squeeze %dma_wait3A_129 : memref<1x100xi32, #tpu.memory_space<vmem>> -> memref<100xi32, #tpu.memory_space<vmem>>
          %dma_wait3A_131 = arith.constant 0 : i32
          %dma_wait3A_132 = arith.constant 0 : i32
          %dma_wait3A_133 = tpu.memref_slice %arg3[%dma_wait3A_131, %dma_wait3A_132] : memref<10000x128xf32, #tpu.memory_space<hbm>> -> memref<10000x128xf32, #tpu.memory_space<hbm>>
          %dma_wait3A_134 = tpu.memref_slice %arg10[%rem3A_102] : memref<3x!tpu.dma_semaphore, #tpu.memory_space<semaphore_mem>> -> memref<1x!tpu.dma_semaphore, #tpu.memory_space<semaphore_mem>>
          %dma_wait3A_135 = tpu.memref_squeeze %dma_wait3A_134 : memref<1x!tpu.dma_semaphore, #tpu.memory_space<semaphore_mem>> -> memref<!tpu.dma_semaphore, #tpu.memory_space<semaphore_mem>>
          tpu.wait_indirect_dma semaphore(%dma_wait3A_135 : memref<!tpu.dma_semaphore, #tpu.memory_space<semaphore_mem>>) src(%dma_wait3A_133 : memref<10000x128xf32, #tpu.memory_space<hbm>>) dst(%dma_wait3A_127 : memref<100x128xf32, #tpu.memory_space<vmem>>)
          %sub3A_136 = arith.constant 1 : i32
          %sub3A_137 = arith.subi %scan3A_96, %sub3A_136 : i32
          %dma_start3A_138 = arith.constant 0 : i32
          %dma_start3A_139 = arith.constant 0 : i32
          %dma_start3A_140 = tpu.memref_slice %arg8[%rem3A_102, %dma_start3A_138, %dma_start3A_139] : memref<3x100x128xf32, #tpu.memory_space<vmem>> -> memref<1x100x128xf32, #tpu.memory_space<vmem>>
          %dma_start3A_141 = tpu.memref_squeeze %dma_start3A_140 : memref<1x100x128xf32, #tpu.memory_space<vmem>> -> memref<100x128xf32, #tpu.memory_space<vmem>>
          %dma_start3A_142 = arith.constant 0 : i32
          %dma_start3A_143 = tpu.memref_slice %arg7[%sub3A_137, %dma_start3A_142] : memref<25x100xi32, #tpu.memory_space<vmem>> -> memref<1x100xi32, #tpu.memory_space<vmem>>
          %dma_start3A_144 = tpu.memref_squeeze %dma_start3A_143 : memref<1x100xi32, #tpu.memory_space<vmem>> -> memref<100xi32, #tpu.memory_space<vmem>>
          %dma_start3A_145 = arith.constant 0 : i32
          %dma_start3A_146 = arith.constant 0 : i32
          %dma_start3A_147 = tpu.memref_slice %arg9[%dma_start3A_145, %dma_start3A_146] : memref<10112x128xf32, #tpu.memory_space<vmem_shared>> -> memref<10112x128xf32, #tpu.memory_space<vmem_shared>>
          %dma_start3A_148 = tpu.memref_slice %arg11[%rem3A_102] : memref<3x!tpu.dma_semaphore, #tpu.memory_space<semaphore_mem>> -> memref<1x!tpu.dma_semaphore, #tpu.memory_space<semaphore_mem>>
          %dma_start3A_149 = tpu.memref_squeeze %dma_start3A_148 : memref<1x!tpu.dma_semaphore, #tpu.memory_space<semaphore_mem>> -> memref<!tpu.dma_semaphore, #tpu.memory_space<semaphore_mem>>
          tpu.enqueue_indirect_dma source(%dma_start3A_141 : memref<100x128xf32, #tpu.memory_space<vmem>>) target(%dma_start3A_147 : memref<10112x128xf32, #tpu.memory_space<vmem_shared>>) offsets(%dma_start3A_144 : memref<100xi32, #tpu.memory_space<vmem>>) semaphore(%dma_start3A_149 : memref<!tpu.dma_semaphore, #tpu.memory_space<semaphore_mem>>) {add = true}
        } else {
        }
      }
      %scan3A_22 = arith.constant 25 : i32
      %dma_wait3A = arith.constant 24 : i32
      %dma_wait3A_23 = arith.constant 0 : i32
      %dma_wait3A_24 = arith.constant 0 : i32
      %dma_wait3A_25 = arith.constant 0 : i32
      %dma_wait3A_26 = arith.constant 0 : i32
      %dma_wait3A_27 = tpu.memref_slice %arg8[%dma_wait3A_23, %dma_wait3A_25, %dma_wait3A_26] : memref<3x100x128xf32, #tpu.memory_space<vmem>> -> memref<1x100x128xf32, #tpu.memory_space<vmem>>
      %dma_wait3A_28 = tpu.memref_squeeze %dma_wait3A_27 : memref<1x100x128xf32, #tpu.memory_space<vmem>> -> memref<100x128xf32, #tpu.memory_space<vmem>>
      %dma_wait3A_29 = arith.constant 0 : i32
      %dma_wait3A_30 = tpu.memref_slice %arg6[%dma_wait3A, %dma_wait3A_29] : memref<25x100xi32, #tpu.memory_space<vmem>> -> memref<1x100xi32, #tpu.memory_space<vmem>>
      %dma_wait3A_31 = tpu.memref_squeeze %dma_wait3A_30 : memref<1x100xi32, #tpu.memory_space<vmem>> -> memref<100xi32, #tpu.memory_space<vmem>>
      %dma_wait3A_32 = arith.constant 0 : i32
      %dma_wait3A_33 = arith.constant 0 : i32
      %dma_wait3A_34 = tpu.memref_slice %arg3[%dma_wait3A_32, %dma_wait3A_33] : memref<10000x128xf32, #tpu.memory_space<hbm>> -> memref<10000x128xf32, #tpu.memory_space<hbm>>
      %dma_wait3A_35 = tpu.memref_slice %arg10[%dma_wait3A_24] : memref<3x!tpu.dma_semaphore, #tpu.memory_space<semaphore_mem>> -> memref<1x!tpu.dma_semaphore, #tpu.memory_space<semaphore_mem>>
      %dma_wait3A_36 = tpu.memref_squeeze %dma_wait3A_35 : memref<1x!tpu.dma_semaphore, #tpu.memory_space<semaphore_mem>> -> memref<!tpu.dma_semaphore, #tpu.memory_space<semaphore_mem>>
      tpu.wait_indirect_dma semaphore(%dma_wait3A_36 : memref<!tpu.dma_semaphore, #tpu.memory_space<semaphore_mem>>) src(%dma_wait3A_34 : memref<10000x128xf32, #tpu.memory_space<hbm>>) dst(%dma_wait3A_28 : memref<100x128xf32, #tpu.memory_space<vmem>>)
      %dma_start3A = arith.constant 0 : i32
      %dma_start3A_37 = arith.constant 24 : i32
      %dma_start3A_38 = arith.constant 0 : i32
      %dma_start3A_39 = arith.constant 0 : i32
      %dma_start3A_40 = arith.constant 0 : i32
      %dma_start3A_41 = tpu.memref_slice %arg8[%dma_start3A, %dma_start3A_39, %dma_start3A_40] : memref<3x100x128xf32, #tpu.memory_space<vmem>> -> memref<1x100x128xf32, #tpu.memory_space<vmem>>
      %dma_start3A_42 = tpu.memref_squeeze %dma_start3A_41 : memref<1x100x128xf32, #tpu.memory_space<vmem>> -> memref<100x128xf32, #tpu.memory_space<vmem>>
      %dma_start3A_43 = arith.constant 0 : i32
      %dma_start3A_44 = tpu.memref_slice %arg7[%dma_start3A_37, %dma_start3A_43] : memref<25x100xi32, #tpu.memory_space<vmem>> -> memref<1x100xi32, #tpu.memory_space<vmem>>
      %dma_start3A_45 = tpu.memref_squeeze %dma_start3A_44 : memref<1x100xi32, #tpu.memory_space<vmem>> -> memref<100xi32, #tpu.memory_space<vmem>>
      %dma_start3A_46 = arith.constant 0 : i32
      %dma_start3A_47 = arith.constant 0 : i32
      %dma_start3A_48 = tpu.memref_slice %arg9[%dma_start3A_46, %dma_start3A_47] : memref<10112x128xf32, #tpu.memory_space<vmem_shared>> -> memref<10112x128xf32, #tpu.memory_space<vmem_shared>>
      %dma_start3A_49 = tpu.memref_slice %arg11[%dma_start3A_38] : memref<3x!tpu.dma_semaphore, #tpu.memory_space<semaphore_mem>> -> memref<1x!tpu.dma_semaphore, #tpu.memory_space<semaphore_mem>>
      %dma_start3A_50 = tpu.memref_squeeze %dma_start3A_49 : memref<1x!tpu.dma_semaphore, #tpu.memory_space<semaphore_mem>> -> memref<!tpu.dma_semaphore, #tpu.memory_space<semaphore_mem>>
      tpu.enqueue_indirect_dma source(%dma_start3A_42 : memref<100x128xf32, #tpu.memory_space<vmem>>) target(%dma_start3A_48 : memref<10112x128xf32, #tpu.memory_space<vmem_shared>>) offsets(%dma_start3A_45 : memref<100xi32, #tpu.memory_space<vmem>>) semaphore(%dma_start3A_50 : memref<!tpu.dma_semaphore, #tpu.memory_space<semaphore_mem>>) {add = true}
      %dma_wait3A_51 = arith.constant 0 : i32
      %dma_wait3A_52 = arith.constant 0 : i32
      %dma_wait3A_53 = arith.constant 0 : i32
      %dma_wait3A_54 = arith.constant 0 : i32
      %dma_wait3A_55 = arith.constant 0 : i32
      %dma_wait3A_56 = tpu.memref_slice %arg8[%dma_wait3A_51, %dma_wait3A_54, %dma_wait3A_55] : memref<3x100x128xf32, #tpu.memory_space<vmem>> -> memref<1x100x128xf32, #tpu.memory_space<vmem>>
      %dma_wait3A_57 = tpu.memref_squeeze %dma_wait3A_56 : memref<1x100x128xf32, #tpu.memory_space<vmem>> -> memref<100x128xf32, #tpu.memory_space<vmem>>
      %dma_wait3A_58 = arith.constant 0 : i32
      %dma_wait3A_59 = tpu.memref_slice %arg7[%dma_wait3A_52, %dma_wait3A_58] : memref<25x100xi32, #tpu.memory_space<vmem>> -> memref<1x100xi32, #tpu.memory_space<vmem>>
      %dma_wait3A_60 = tpu.memref_squeeze %dma_wait3A_59 : memref<1x100xi32, #tpu.memory_space<vmem>> -> memref<100xi32, #tpu.memory_space<vmem>>
      %dma_wait3A_61 = arith.constant 0 : i32
      %dma_wait3A_62 = arith.constant 0 : i32
      %dma_wait3A_63 = tpu.memref_slice %arg9[%dma_wait3A_61, %dma_wait3A_62] : memref<10112x128xf32, #tpu.memory_space<vmem_shared>> -> memref<10112x128xf32, #tpu.memory_space<vmem_shared>>
      %dma_wait3A_64 = tpu.memref_slice %arg11[%dma_wait3A_53] : memref<3x!tpu.dma_semaphore, #tpu.memory_space<semaphore_mem>> -> memref<1x!tpu.dma_semaphore, #tpu.memory_space<semaphore_mem>>
      %dma_wait3A_65 = tpu.memref_squeeze %dma_wait3A_64 : memref<1x!tpu.dma_semaphore, #tpu.memory_space<semaphore_mem>> -> memref<!tpu.dma_semaphore, #tpu.memory_space<semaphore_mem>>
      tpu.wait_indirect_dma semaphore(%dma_wait3A_65 : memref<!tpu.dma_semaphore, #tpu.memory_space<semaphore_mem>>) src(%dma_wait3A_57 : memref<100x128xf32, #tpu.memory_space<vmem>>) dst(%dma_wait3A_63 : memref<10112x128xf32, #tpu.memory_space<vmem_shared>>)
      %dma_wait3A_66 = arith.constant 1 : i32
      %dma_wait3A_67 = arith.constant 1 : i32
      %dma_wait3A_68 = arith.constant 1 : i32
      %dma_wait3A_69 = arith.constant 0 : i32
      %dma_wait3A_70 = arith.constant 0 : i32
      %dma_wait3A_71 = tpu.memref_slice %arg8[%dma_wait3A_66, %dma_wait3A_69, %dma_wait3A_70] : memref<3x100x128xf32, #tpu.memory_space<vmem>> -> memref<1x100x128xf32, #tpu.memory_space<vmem>>
      %dma_wait3A_72 = tpu.memref_squeeze %dma_wait3A_71 : memref<1x100x128xf32, #tpu.memory_space<vmem>> -> memref<100x128xf32, #tpu.memory_space<vmem>>
      %dma_wait3A_73 = arith.constant 0 : i32
      %dma_wait3A_74 = tpu.memref_slice %arg7[%dma_wait3A_67, %dma_wait3A_73] : memref<25x100xi32, #tpu.memory_space<vmem>> -> memref<1x100xi32, #tpu.memory_space<vmem>>
      %dma_wait3A_75 = tpu.memref_squeeze %dma_wait3A_74 : memref<1x100xi32, #tpu.memory_space<vmem>> -> memref<100xi32, #tpu.memory_space<vmem>>
      %dma_wait3A_76 = arith.constant 0 : i32
      %dma_wait3A_77 = arith.constant 0 : i32
      %dma_wait3A_78 = tpu.memref_slice %arg9[%dma_wait3A_76, %dma_wait3A_77] : memref<10112x128xf32, #tpu.memory_space<vmem_shared>> -> memref<10112x128xf32, #tpu.memory_space<vmem_shared>>
      %dma_wait3A_79 = tpu.memref_slice %arg11[%dma_wait3A_68] : memref<3x!tpu.dma_semaphore, #tpu.memory_space<semaphore_mem>> -> memref<1x!tpu.dma_semaphore, #tpu.memory_space<semaphore_mem>>
      %dma_wait3A_80 = tpu.memref_squeeze %dma_wait3A_79 : memref<1x!tpu.dma_semaphore, #tpu.memory_space<semaphore_mem>> -> memref<!tpu.dma_semaphore, #tpu.memory_space<semaphore_mem>>
      tpu.wait_indirect_dma semaphore(%dma_wait3A_80 : memref<!tpu.dma_semaphore, #tpu.memory_space<semaphore_mem>>) src(%dma_wait3A_72 : memref<100x128xf32, #tpu.memory_space<vmem>>) dst(%dma_wait3A_78 : memref<10112x128xf32, #tpu.memory_space<vmem_shared>>)
      %dma_wait3A_81 = arith.constant 2 : i32
      %dma_wait3A_82 = arith.constant 2 : i32
      %dma_wait3A_83 = arith.constant 2 : i32
      %dma_wait3A_84 = arith.constant 0 : i32
      %dma_wait3A_85 = arith.constant 0 : i32
      %dma_wait3A_86 = tpu.memref_slice %arg8[%dma_wait3A_81, %dma_wait3A_84, %dma_wait3A_85] : memref<3x100x128xf32, #tpu.memory_space<vmem>> -> memref<1x100x128xf32, #tpu.memory_space<vmem>>
      %dma_wait3A_87 = tpu.memref_squeeze %dma_wait3A_86 : memref<1x100x128xf32, #tpu.memory_space<vmem>> -> memref<100x128xf32, #tpu.memory_space<vmem>>
      %dma_wait3A_88 = arith.constant 0 : i32
      %dma_wait3A_89 = tpu.memref_slice %arg7[%dma_wait3A_82, %dma_wait3A_88] : memref<25x100xi32, #tpu.memory_space<vmem>> -> memref<1x100xi32, #tpu.memory_space<vmem>>
      %dma_wait3A_90 = tpu.memref_squeeze %dma_wait3A_89 : memref<1x100xi32, #tpu.memory_space<vmem>> -> memref<100xi32, #tpu.memory_space<vmem>>
      %dma_wait3A_91 = arith.constant 0 : i32
      %dma_wait3A_92 = arith.constant 0 : i32
      %dma_wait3A_93 = tpu.memref_slice %arg9[%dma_wait3A_91, %dma_wait3A_92] : memref<10112x128xf32, #tpu.memory_space<vmem_shared>> -> memref<10112x128xf32, #tpu.memory_space<vmem_shared>>
      %dma_wait3A_94 = tpu.memref_slice %arg11[%dma_wait3A_83] : memref<3x!tpu.dma_semaphore, #tpu.memory_space<semaphore_mem>> -> memref<1x!tpu.dma_semaphore, #tpu.memory_space<semaphore_mem>>
      %dma_wait3A_95 = tpu.memref_squeeze %dma_wait3A_94 : memref<1x!tpu.dma_semaphore, #tpu.memory_space<semaphore_mem>> -> memref<!tpu.dma_semaphore, #tpu.memory_space<semaphore_mem>>
      tpu.wait_indirect_dma semaphore(%dma_wait3A_95 : memref<!tpu.dma_semaphore, #tpu.memory_space<semaphore_mem>>) src(%dma_wait3A_87 : memref<100x128xf32, #tpu.memory_space<vmem>>) dst(%dma_wait3A_93 : memref<10112x128xf32, #tpu.memory_space<vmem_shared>>)
    }
    %scan3A_9 = arith.constant 4 : i32
    %barrier3A_10 = arith.constant 0 : index
    tpu.barrier barrier_id(%barrier3A_10)
    %mul3A_11 = arith.constant 632 : i32
    %mul3A_12 = arith.muli %arg1, %mul3A_11 : i32
    %mul3A_13 = arith.constant 632 : i32
    %mul3A_14 = arith.muli %arg1, %mul3A_13 : i32
    "tpu.region"() ({
      %run_scoped3A = tpu.sem_alloc : memref<!tpu.dma_semaphore, #tpu.memory_space<semaphore_mem>>
      %dma_start3A = arith.constant 0 : i32
      %dma_start3A_15 = tpu.memref_slice %arg5[%arg0, %mul3A_14, %dma_start3A] : memref<2x10112x128xf32, #tpu.memory_space<hbm>> -> memref<1x632x128xf32, #tpu.memory_space<hbm>>
      %dma_start3A_16 = tpu.memref_squeeze %dma_start3A_15 : memref<1x632x128xf32, #tpu.memory_space<hbm>> -> memref<632x128xf32, #tpu.memory_space<hbm>>
      %dma_start3A_17 = arith.constant 0 : i32
      %dma_start3A_18 = tpu.memref_slice %arg9[%mul3A_12, %dma_start3A_17] : memref<10112x128xf32, #tpu.memory_space<vmem_shared>> -> memref<632x128xf32, #tpu.memory_space<vmem_shared>>
      tpu.enqueue_dma source(%dma_start3A_18 : memref<632x128xf32, #tpu.memory_space<vmem_shared>>) target(%dma_start3A_16 : memref<632x128xf32, #tpu.memory_space<hbm>>) target_semaphore(%run_scoped3A : memref<!tpu.dma_semaphore, #tpu.memory_space<semaphore_mem>>)
      %dma_wait3A = arith.constant 0 : i32
      %dma_wait3A_19 = tpu.memref_slice %arg5[%arg0, %mul3A_14, %dma_wait3A] : memref<2x10112x128xf32, #tpu.memory_space<hbm>> -> memref<1x632x128xf32, #tpu.memory_space<hbm>>
      %dma_wait3A_20 = tpu.memref_squeeze %dma_wait3A_19 : memref<1x632x128xf32, #tpu.memory_space<hbm>> -> memref<632x128xf32, #tpu.memory_space<hbm>>
      %dma_wait3A_21 = arith.constant 0 : i32
      %dma_wait3A_22 = tpu.memref_slice %arg9[%mul3A_12, %dma_wait3A_21] : memref<10112x128xf32, #tpu.memory_space<vmem_shared>> -> memref<632x128xf32, #tpu.memory_space<vmem_shared>>
      tpu.wait_dma2 semaphore(%run_scoped3A : memref<!tpu.dma_semaphore, #tpu.memory_space<semaphore_mem>>) src(%dma_wait3A_22 : memref<632x128xf32, #tpu.memory_space<vmem_shared>>) dst(%dma_wait3A_20 : memref<632x128xf32, #tpu.memory_space<hbm>>)
      tpu.yield
    }) : () -> ()
    return
  }
}

#map = affine_map<(d0, d1) -> (0, 0, 0, 0, 0)>
#map1 = affine_map<(d0, d1) -> (0, 0)>
#map2 = affine_map<(d0, d1) -> (0, 0, 0)>
module attributes {stable_mosaic.version = 14 : i64} {
  func.func @_scat_body(%arg0: i32, %arg1: i32, %arg2: memref<2x32x4x25x100xi32, #tpu.memory_space<hbm>>, %arg3: memref<10000x128xf32, #tpu.memory_space<hbm>>, %arg4: memref<10112x128xf32, #tpu.memory_space<hbm>>, %arg5: memref<2x10112x128xf32, #tpu.memory_space<hbm>>, %arg6: memref<25x100xi32, #tpu.memory_space<vmem>>, %arg7: memref<25x100xi32, #tpu.memory_space<vmem>>, %arg8: memref<3x100x128xf32, #tpu.memory_space<vmem>>, %arg9: memref<10112x128xf32, #tpu.memory_space<vmem_shared>>, %arg10: memref<3x!tpu.dma_semaphore, #tpu.memory_space<semaphore_mem>>, %arg11: memref<3x!tpu.dma_semaphore, #tpu.memory_space<semaphore_mem>>) attributes {dimension_semantics = [#tpu.dimension_semantics<core_parallel>, #tpu.dimension_semantics<subcore_parallel>], iteration_bounds = array<i64: 2, 16>, scalar_prefetch = 0 : i64, scratch_operands = 6 : i64, tpu.core_type = #tpu.core_type<sc_vector_subcore>, window_params = [{transform_indices = #map}, {transform_indices = #map1}, {transform_indices = #map1}, {transform_indices = #map2}]} {
    %mul3A = arith.constant 16 : i32
    %mul3A_0 = arith.muli %arg0, %mul3A : i32
    %add3A = arith.addi %mul3A_0, %arg1 : i32
    %mul3A_1 = arith.constant 632 : i32
    %mul3A_2 = arith.muli %arg1, %mul3A_1 : i32
    %mul3A_3 = arith.constant 632 : i32
    %mul3A_4 = arith.muli %arg1, %mul3A_3 : i32
    "tpu.region"() ({
      %run_scoped3A = tpu.sem_alloc : memref<!tpu.dma_semaphore, #tpu.memory_space<semaphore_mem>>
      %dma_start3A = arith.constant 0 : i32
      %dma_start3A_15 = tpu.memref_slice %arg9[%mul3A_4, %dma_start3A] : memref<10112x128xf32, #tpu.memory_space<vmem_shared>> -> memref<632x128xf32, #tpu.memory_space<vmem_shared>>
      %dma_start3A_16 = arith.constant 0 : i32
      %dma_start3A_17 = tpu.memref_slice %arg4[%mul3A_2, %dma_start3A_16] : memref<10112x128xf32, #tpu.memory_space<hbm>> -> memref<632x128xf32, #tpu.memory_space<hbm>>
      tpu.enqueue_dma source(%dma_start3A_17 : memref<632x128xf32, #tpu.memory_space<hbm>>) target(%dma_start3A_15 : memref<632x128xf32, #tpu.memory_space<vmem_shared>>) target_semaphore(%run_scoped3A : memref<!tpu.dma_semaphore, #tpu.memory_space<semaphore_mem>>)
      %dma_wait3A = arith.constant 0 : i32
      %dma_wait3A_18 = tpu.memref_slice %arg9[%mul3A_4, %dma_wait3A] : memref<10112x128xf32, #tpu.memory_space<vmem_shared>> -> memref<632x128xf32, #tpu.memory_space<vmem_shared>>
      %dma_wait3A_19 = arith.constant 0 : i32
      %dma_wait3A_20 = tpu.memref_slice %arg4[%mul3A_2, %dma_wait3A_19] : memref<10112x128xf32, #tpu.memory_space<hbm>> -> memref<632x128xf32, #tpu.memory_space<hbm>>
      tpu.wait_dma2 semaphore(%run_scoped3A : memref<!tpu.dma_semaphore, #tpu.memory_space<semaphore_mem>>) src(%dma_wait3A_20 : memref<632x128xf32, #tpu.memory_space<hbm>>) dst(%dma_wait3A_18 : memref<632x128xf32, #tpu.memory_space<vmem_shared>>)
      tpu.yield
    }) : () -> ()
    %barrier3A = arith.constant 0 : index
    tpu.barrier barrier_id(%barrier3A)
    %scan3A = arith.constant 0 : i32
    %scan3A_5 = arith.constant 0 : i32
    %scan3A_6 = arith.constant 4 : i32
    %scan3A_7 = arith.addi %scan3A_5, %scan3A_6 : i32
    %scan3A_8 = arith.constant 1 : i32
    scf.for %scan3A_15 = %scan3A_5 to %scan3A_7 step %scan3A_8  : i32 {
      %run_scoped3A = arith.constant 0 : i32
      "tpu.region"() ({
        %run_scoped3A_96 = tpu.sem_alloc : memref<!tpu.dma_semaphore, #tpu.memory_space<semaphore_mem>>
        %dma_start3A_97 = arith.constant 0 : i32
        %dma_start3A_98 = arith.constant 0 : i32
        %dma_start3A_99 = tpu.memref_slice %arg2[%run_scoped3A, %add3A, %scan3A_15, %dma_start3A_97, %dma_start3A_98] : memref<2x32x4x25x100xi32, #tpu.memory_space<hbm>> -> memref<1x1x1x25x100xi32, #tpu.memory_space<hbm>>
        %dma_start3A_100 = tpu.memref_squeeze %dma_start3A_99 : memref<1x1x1x25x100xi32, #tpu.memory_space<hbm>> -> memref<25x100xi32, #tpu.memory_space<hbm>>
        %dma_start3A_101 = arith.constant 0 : i32
        %dma_start3A_102 = arith.constant 0 : i32
        %dma_start3A_103 = tpu.memref_slice %arg2[%run_scoped3A, %add3A, %scan3A_15, %dma_start3A_101, %dma_start3A_102] : memref<2x32x4x25x100xi32, #tpu.memory_space<hbm>> -> memref<1x1x1x25x100xi32, #tpu.memory_space<hbm>>
        %dma_start3A_104 = tpu.memref_squeeze %dma_start3A_103 : memref<1x1x1x25x100xi32, #tpu.memory_space<hbm>> -> memref<25x100xi32, #tpu.memory_space<hbm>>
        tpu.enqueue_dma source(%dma_start3A_104 : memref<25x100xi32, #tpu.memory_space<hbm>>) target(%arg6 : memref<25x100xi32, #tpu.memory_space<vmem>>) target_semaphore(%run_scoped3A_96 : memref<!tpu.dma_semaphore, #tpu.memory_space<semaphore_mem>>)
        %dma_wait3A_105 = arith.constant 0 : i32
        %dma_wait3A_106 = arith.constant 0 : i32
        %dma_wait3A_107 = tpu.memref_slice %arg2[%run_scoped3A, %add3A, %scan3A_15, %dma_wait3A_105, %dma_wait3A_106] : memref<2x32x4x25x100xi32, #tpu.memory_space<hbm>> -> memref<1x1x1x25x100xi32, #tpu.memory_space<hbm>>
        %dma_wait3A_108 = tpu.memref_squeeze %dma_wait3A_107 : memref<1x1x1x25x100xi32, #tpu.memory_space<hbm>> -> memref<25x100xi32, #tpu.memory_space<hbm>>
        %dma_wait3A_109 = arith.constant 0 : i32
        %dma_wait3A_110 = arith.constant 0 : i32
        %dma_wait3A_111 = tpu.memref_slice %arg2[%run_scoped3A, %add3A, %scan3A_15, %dma_wait3A_109, %dma_wait3A_110] : memref<2x32x4x25x100xi32, #tpu.memory_space<hbm>> -> memref<1x1x1x25x100xi32, #tpu.memory_space<hbm>>
        %dma_wait3A_112 = tpu.memref_squeeze %dma_wait3A_111 : memref<1x1x1x25x100xi32, #tpu.memory_space<hbm>> -> memref<25x100xi32, #tpu.memory_space<hbm>>
        tpu.wait_dma2 semaphore(%run_scoped3A_96 : memref<!tpu.dma_semaphore, #tpu.memory_space<semaphore_mem>>) src(%dma_wait3A_112 : memref<25x100xi32, #tpu.memory_space<hbm>>) dst(%arg6 : memref<25x100xi32, #tpu.memory_space<vmem>>)
        tpu.yield
      }) : () -> ()
      %run_scoped3A_16 = arith.constant 1 : i32
      "tpu.region"() ({
        %run_scoped3A_96 = tpu.sem_alloc : memref<!tpu.dma_semaphore, #tpu.memory_space<semaphore_mem>>
        %dma_start3A_97 = arith.constant 0 : i32
        %dma_start3A_98 = arith.constant 0 : i32
        %dma_start3A_99 = tpu.memref_slice %arg2[%run_scoped3A_16, %add3A, %scan3A_15, %dma_start3A_97, %dma_start3A_98] : memref<2x32x4x25x100xi32, #tpu.memory_space<hbm>> -> memref<1x1x1x25x100xi32, #tpu.memory_space<hbm>>
        %dma_start3A_100 = tpu.memref_squeeze %dma_start3A_99 : memref<1x1x1x25x100xi32, #tpu.memory_space<hbm>> -> memref<25x100xi32, #tpu.memory_space<hbm>>
        %dma_start3A_101 = arith.constant 0 : i32
        %dma_start3A_102 = arith.constant 0 : i32
        %dma_start3A_103 = tpu.memref_slice %arg2[%run_scoped3A_16, %add3A, %scan3A_15, %dma_start3A_101, %dma_start3A_102] : memref<2x32x4x25x100xi32, #tpu.memory_space<hbm>> -> memref<1x1x1x25x100xi32, #tpu.memory_space<hbm>>
        %dma_start3A_104 = tpu.memref_squeeze %dma_start3A_103 : memref<1x1x1x25x100xi32, #tpu.memory_space<hbm>> -> memref<25x100xi32, #tpu.memory_space<hbm>>
        tpu.enqueue_dma source(%dma_start3A_104 : memref<25x100xi32, #tpu.memory_space<hbm>>) target(%arg7 : memref<25x100xi32, #tpu.memory_space<vmem>>) target_semaphore(%run_scoped3A_96 : memref<!tpu.dma_semaphore, #tpu.memory_space<semaphore_mem>>)
        %dma_wait3A_105 = arith.constant 0 : i32
        %dma_wait3A_106 = arith.constant 0 : i32
        %dma_wait3A_107 = tpu.memref_slice %arg2[%run_scoped3A_16, %add3A, %scan3A_15, %dma_wait3A_105, %dma_wait3A_106] : memref<2x32x4x25x100xi32, #tpu.memory_space<hbm>> -> memref<1x1x1x25x100xi32, #tpu.memory_space<hbm>>
        %dma_wait3A_108 = tpu.memref_squeeze %dma_wait3A_107 : memref<1x1x1x25x100xi32, #tpu.memory_space<hbm>> -> memref<25x100xi32, #tpu.memory_space<hbm>>
        %dma_wait3A_109 = arith.constant 0 : i32
        %dma_wait3A_110 = arith.constant 0 : i32
        %dma_wait3A_111 = tpu.memref_slice %arg2[%run_scoped3A_16, %add3A, %scan3A_15, %dma_wait3A_109, %dma_wait3A_110] : memref<2x32x4x25x100xi32, #tpu.memory_space<hbm>> -> memref<1x1x1x25x100xi32, #tpu.memory_space<hbm>>
        %dma_wait3A_112 = tpu.memref_squeeze %dma_wait3A_111 : memref<1x1x1x25x100xi32, #tpu.memory_space<hbm>> -> memref<25x100xi32, #tpu.memory_space<hbm>>
        tpu.wait_dma2 semaphore(%run_scoped3A_96 : memref<!tpu.dma_semaphore, #tpu.memory_space<semaphore_mem>>) src(%dma_wait3A_112 : memref<25x100xi32, #tpu.memory_space<hbm>>) dst(%arg7 : memref<25x100xi32, #tpu.memory_space<vmem>>)
        tpu.yield
      }) : () -> ()
      %scan3A_17 = arith.constant 0 : i32
      %scan3A_18 = arith.constant 0 : i32
      %scan3A_19 = arith.constant 25 : i32
      %scan3A_20 = arith.addi %scan3A_18, %scan3A_19 : i32
      %scan3A_21 = arith.constant 1 : i32
      scf.for %scan3A_96 = %scan3A_18 to %scan3A_20 step %scan3A_21  : i32 {
        %rem3A = arith.constant 3 : i32
        %rem3A_97 = arith.remsi %scan3A_96, %rem3A : i32
        %add3A_98 = arith.constant 3 : i32
        %add3A_99 = arith.addi %scan3A_96, %add3A_98 : i32
        %sub3A = arith.constant 1 : i32
        %sub3A_100 = arith.subi %add3A_99, %sub3A : i32
        %rem3A_101 = arith.constant 3 : i32
        %rem3A_102 = arith.remsi %sub3A_100, %rem3A_101 : i32
        %ge3A = arith.constant 3 : i32
        %ge3A_103 = arith.cmpi sge, %scan3A_96, %ge3A : i32
        %convert_element_type3A = arith.extui %ge3A_103 : i1 to i32
        %cond3A = arith.constant 0 : i32
        %cond3A_104 = arith.cmpi ne, %convert_element_type3A, %cond3A : i32
        scf.if %cond3A_104 {
          %dma_wait3A_122 = arith.constant 0 : i32
          %dma_wait3A_123 = arith.constant 0 : i32
          %dma_wait3A_124 = tpu.memref_slice %arg8[%rem3A_97, %dma_wait3A_122, %dma_wait3A_123] : memref<3x100x128xf32, #tpu.memory_space<vmem>> -> memref<1x100x128xf32, #tpu.memory_space<vmem>>
          %dma_wait3A_125 = tpu.memref_squeeze %dma_wait3A_124 : memref<1x100x128xf32, #tpu.memory_space<vmem>> -> memref<100x128xf32, #tpu.memory_space<vmem>>
          %dma_wait3A_126 = arith.constant 0 : i32
          %dma_wait3A_127 = tpu.memref_slice %arg7[%scan3A_96, %dma_wait3A_126] : memref<25x100xi32, #tpu.memory_space<vmem>> -> memref<1x100xi32, #tpu.memory_space<vmem>>
          %dma_wait3A_128 = tpu.memref_squeeze %dma_wait3A_127 : memref<1x100xi32, #tpu.memory_space<vmem>> -> memref<100xi32, #tpu.memory_space<vmem>>
          %dma_wait3A_129 = arith.constant 0 : i32
          %dma_wait3A_130 = arith.constant 0 : i32
          %dma_wait3A_131 = tpu.memref_slice %arg9[%dma_wait3A_129, %dma_wait3A_130] : memref<10112x128xf32, #tpu.memory_space<vmem_shared>> -> memref<10112x128xf32, #tpu.memory_space<vmem_shared>>
          %dma_wait3A_132 = tpu.memref_slice %arg11[%rem3A_97] : memref<3x!tpu.dma_semaphore, #tpu.memory_space<semaphore_mem>> -> memref<1x!tpu.dma_semaphore, #tpu.memory_space<semaphore_mem>>
          %dma_wait3A_133 = tpu.memref_squeeze %dma_wait3A_132 : memref<1x!tpu.dma_semaphore, #tpu.memory_space<semaphore_mem>> -> memref<!tpu.dma_semaphore, #tpu.memory_space<semaphore_mem>>
          tpu.wait_indirect_dma semaphore(%dma_wait3A_133 : memref<!tpu.dma_semaphore, #tpu.memory_space<semaphore_mem>>) src(%dma_wait3A_125 : memref<100x128xf32, #tpu.memory_space<vmem>>) dst(%dma_wait3A_131 : memref<10112x128xf32, #tpu.memory_space<vmem_shared>>)
        } else {
        }
        %dma_start3A_105 = arith.constant 0 : i32
        %dma_start3A_106 = arith.constant 0 : i32
        %dma_start3A_107 = tpu.memref_slice %arg8[%rem3A_97, %dma_start3A_105, %dma_start3A_106] : memref<3x100x128xf32, #tpu.memory_space<vmem>> -> memref<1x100x128xf32, #tpu.memory_space<vmem>>
        %dma_start3A_108 = tpu.memref_squeeze %dma_start3A_107 : memref<1x100x128xf32, #tpu.memory_space<vmem>> -> memref<100x128xf32, #tpu.memory_space<vmem>>
        %dma_start3A_109 = arith.constant 0 : i32
        %dma_start3A_110 = tpu.memref_slice %arg6[%scan3A_96, %dma_start3A_109] : memref<25x100xi32, #tpu.memory_space<vmem>> -> memref<1x100xi32, #tpu.memory_space<vmem>>
        %dma_start3A_111 = tpu.memref_squeeze %dma_start3A_110 : memref<1x100xi32, #tpu.memory_space<vmem>> -> memref<100xi32, #tpu.memory_space<vmem>>
        %dma_start3A_112 = arith.constant 0 : i32
        %dma_start3A_113 = arith.constant 0 : i32
        %dma_start3A_114 = tpu.memref_slice %arg3[%dma_start3A_112, %dma_start3A_113] : memref<10000x128xf32, #tpu.memory_space<hbm>> -> memref<10000x128xf32, #tpu.memory_space<hbm>>
        %dma_start3A_115 = tpu.memref_slice %arg10[%rem3A_97] : memref<3x!tpu.dma_semaphore, #tpu.memory_space<semaphore_mem>> -> memref<1x!tpu.dma_semaphore, #tpu.memory_space<semaphore_mem>>
        %dma_start3A_116 = tpu.memref_squeeze %dma_start3A_115 : memref<1x!tpu.dma_semaphore, #tpu.memory_space<semaphore_mem>> -> memref<!tpu.dma_semaphore, #tpu.memory_space<semaphore_mem>>
        tpu.enqueue_indirect_dma source(%dma_start3A_114 : memref<10000x128xf32, #tpu.memory_space<hbm>>) target(%dma_start3A_108 : memref<100x128xf32, #tpu.memory_space<vmem>>) offsets(%dma_start3A_111 : memref<100xi32, #tpu.memory_space<vmem>>) semaphore(%dma_start3A_116 : memref<!tpu.dma_semaphore, #tpu.memory_space<semaphore_mem>>)
        %ge3A_117 = arith.constant 1 : i32
        %ge3A_118 = arith.cmpi sge, %scan3A_96, %ge3A_117 : i32
        %convert_element_type3A_119 = arith.extui %ge3A_118 : i1 to i32
        %cond3A_120 = arith.constant 0 : i32
        %cond3A_121 = arith.cmpi ne, %convert_element_type3A_119, %cond3A_120 : i32
        scf.if %cond3A_121 {
          %sub3A_122 = arith.constant 1 : i32
          %sub3A_123 = arith.subi %scan3A_96, %sub3A_122 : i32
          %dma_wait3A_124 = arith.constant 0 : i32
          %dma_wait3A_125 = arith.constant 0 : i32
          %dma_wait3A_126 = tpu.memref_slice %arg8[%rem3A_102, %dma_wait3A_124, %dma_wait3A_125] : memref<3x100x128xf32, #tpu.memory_space<vmem>> -> memref<1x100x128xf32, #tpu.memory_space<vmem>>
          %dma_wait3A_127 = tpu.memref_squeeze %dma_wait3A_126 : memref<1x100x128xf32, #tpu.memory_space<vmem>> -> memref<100x128xf32, #tpu.memory_space<vmem>>
          %dma_wait3A_128 = arith.constant 0 : i32
          %dma_wait3A_129 = tpu.memref_slice %arg6[%sub3A_123, %dma_wait3A_128] : memref<25x100xi32, #tpu.memory_space<vmem>> -> memref<1x100xi32, #tpu.memory_space<vmem>>
          %dma_wait3A_130 = tpu.memref_squeeze %dma_wait3A_129 : memref<1x100xi32, #tpu.memory_space<vmem>> -> memref<100xi32, #tpu.memory_space<vmem>>
          %dma_wait3A_131 = arith.constant 0 : i32
          %dma_wait3A_132 = arith.constant 0 : i32
          %dma_wait3A_133 = tpu.memref_slice %arg3[%dma_wait3A_131, %dma_wait3A_132] : memref<10000x128xf32, #tpu.memory_space<hbm>> -> memref<10000x128xf32, #tpu.memory_space<hbm>>
          %dma_wait3A_134 = tpu.memref_slice %arg10[%rem3A_102] : memref<3x!tpu.dma_semaphore, #tpu.memory_space<semaphore_mem>> -> memref<1x!tpu.dma_semaphore, #tpu.memory_space<semaphore_mem>>
          %dma_wait3A_135 = tpu.memref_squeeze %dma_wait3A_134 : memref<1x!tpu.dma_semaphore, #tpu.memory_space<semaphore_mem>> -> memref<!tpu.dma_semaphore, #tpu.memory_space<semaphore_mem>>
          tpu.wait_indirect_dma semaphore(%dma_wait3A_135 : memref<!tpu.dma_semaphore, #tpu.memory_space<semaphore_mem>>) src(%dma_wait3A_133 : memref<10000x128xf32, #tpu.memory_space<hbm>>) dst(%dma_wait3A_127 : memref<100x128xf32, #tpu.memory_space<vmem>>)
          %sub3A_136 = arith.constant 1 : i32
          %sub3A_137 = arith.subi %scan3A_96, %sub3A_136 : i32
          %dma_start3A_138 = arith.constant 0 : i32
          %dma_start3A_139 = arith.constant 0 : i32
          %dma_start3A_140 = tpu.memref_slice %arg8[%rem3A_102, %dma_start3A_138, %dma_start3A_139] : memref<3x100x128xf32, #tpu.memory_space<vmem>> -> memref<1x100x128xf32, #tpu.memory_space<vmem>>
          %dma_start3A_141 = tpu.memref_squeeze %dma_start3A_140 : memref<1x100x128xf32, #tpu.memory_space<vmem>> -> memref<100x128xf32, #tpu.memory_space<vmem>>
          %dma_start3A_142 = arith.constant 0 : i32
          %dma_start3A_143 = tpu.memref_slice %arg7[%sub3A_137, %dma_start3A_142] : memref<25x100xi32, #tpu.memory_space<vmem>> -> memref<1x100xi32, #tpu.memory_space<vmem>>
          %dma_start3A_144 = tpu.memref_squeeze %dma_start3A_143 : memref<1x100xi32, #tpu.memory_space<vmem>> -> memref<100xi32, #tpu.memory_space<vmem>>
          %dma_start3A_145 = arith.constant 0 : i32
          %dma_start3A_146 = arith.constant 0 : i32
          %dma_start3A_147 = tpu.memref_slice %arg9[%dma_start3A_145, %dma_start3A_146] : memref<10112x128xf32, #tpu.memory_space<vmem_shared>> -> memref<10112x128xf32, #tpu.memory_space<vmem_shared>>
          %dma_start3A_148 = tpu.memref_slice %arg11[%rem3A_102] : memref<3x!tpu.dma_semaphore, #tpu.memory_space<semaphore_mem>> -> memref<1x!tpu.dma_semaphore, #tpu.memory_space<semaphore_mem>>
          %dma_start3A_149 = tpu.memref_squeeze %dma_start3A_148 : memref<1x!tpu.dma_semaphore, #tpu.memory_space<semaphore_mem>> -> memref<!tpu.dma_semaphore, #tpu.memory_space<semaphore_mem>>
          tpu.enqueue_indirect_dma source(%dma_start3A_141 : memref<100x128xf32, #tpu.memory_space<vmem>>) target(%dma_start3A_147 : memref<10112x128xf32, #tpu.memory_space<vmem_shared>>) offsets(%dma_start3A_144 : memref<100xi32, #tpu.memory_space<vmem>>) semaphore(%dma_start3A_149 : memref<!tpu.dma_semaphore, #tpu.memory_space<semaphore_mem>>) {add = true}
        } else {
        }
      }
      %scan3A_22 = arith.constant 25 : i32
      %dma_wait3A = arith.constant 24 : i32
      %dma_wait3A_23 = arith.constant 0 : i32
      %dma_wait3A_24 = arith.constant 0 : i32
      %dma_wait3A_25 = arith.constant 0 : i32
      %dma_wait3A_26 = arith.constant 0 : i32
      %dma_wait3A_27 = tpu.memref_slice %arg8[%dma_wait3A_23, %dma_wait3A_25, %dma_wait3A_26] : memref<3x100x128xf32, #tpu.memory_space<vmem>> -> memref<1x100x128xf32, #tpu.memory_space<vmem>>
      %dma_wait3A_28 = tpu.memref_squeeze %dma_wait3A_27 : memref<1x100x128xf32, #tpu.memory_space<vmem>> -> memref<100x128xf32, #tpu.memory_space<vmem>>
      %dma_wait3A_29 = arith.constant 0 : i32
      %dma_wait3A_30 = tpu.memref_slice %arg6[%dma_wait3A, %dma_wait3A_29] : memref<25x100xi32, #tpu.memory_space<vmem>> -> memref<1x100xi32, #tpu.memory_space<vmem>>
      %dma_wait3A_31 = tpu.memref_squeeze %dma_wait3A_30 : memref<1x100xi32, #tpu.memory_space<vmem>> -> memref<100xi32, #tpu.memory_space<vmem>>
      %dma_wait3A_32 = arith.constant 0 : i32
      %dma_wait3A_33 = arith.constant 0 : i32
      %dma_wait3A_34 = tpu.memref_slice %arg3[%dma_wait3A_32, %dma_wait3A_33] : memref<10000x128xf32, #tpu.memory_space<hbm>> -> memref<10000x128xf32, #tpu.memory_space<hbm>>
      %dma_wait3A_35 = tpu.memref_slice %arg10[%dma_wait3A_24] : memref<3x!tpu.dma_semaphore, #tpu.memory_space<semaphore_mem>> -> memref<1x!tpu.dma_semaphore, #tpu.memory_space<semaphore_mem>>
      %dma_wait3A_36 = tpu.memref_squeeze %dma_wait3A_35 : memref<1x!tpu.dma_semaphore, #tpu.memory_space<semaphore_mem>> -> memref<!tpu.dma_semaphore, #tpu.memory_space<semaphore_mem>>
      tpu.wait_indirect_dma semaphore(%dma_wait3A_36 : memref<!tpu.dma_semaphore, #tpu.memory_space<semaphore_mem>>) src(%dma_wait3A_34 : memref<10000x128xf32, #tpu.memory_space<hbm>>) dst(%dma_wait3A_28 : memref<100x128xf32, #tpu.memory_space<vmem>>)
      %dma_start3A = arith.constant 0 : i32
      %dma_start3A_37 = arith.constant 24 : i32
      %dma_start3A_38 = arith.constant 0 : i32
      %dma_start3A_39 = arith.constant 0 : i32
      %dma_start3A_40 = arith.constant 0 : i32
      %dma_start3A_41 = tpu.memref_slice %arg8[%dma_start3A, %dma_start3A_39, %dma_start3A_40] : memref<3x100x128xf32, #tpu.memory_space<vmem>> -> memref<1x100x128xf32, #tpu.memory_space<vmem>>
      %dma_start3A_42 = tpu.memref_squeeze %dma_start3A_41 : memref<1x100x128xf32, #tpu.memory_space<vmem>> -> memref<100x128xf32, #tpu.memory_space<vmem>>
      %dma_start3A_43 = arith.constant 0 : i32
      %dma_start3A_44 = tpu.memref_slice %arg7[%dma_start3A_37, %dma_start3A_43] : memref<25x100xi32, #tpu.memory_space<vmem>> -> memref<1x100xi32, #tpu.memory_space<vmem>>
      %dma_start3A_45 = tpu.memref_squeeze %dma_start3A_44 : memref<1x100xi32, #tpu.memory_space<vmem>> -> memref<100xi32, #tpu.memory_space<vmem>>
      %dma_start3A_46 = arith.constant 0 : i32
      %dma_start3A_47 = arith.constant 0 : i32
      %dma_start3A_48 = tpu.memref_slice %arg9[%dma_start3A_46, %dma_start3A_47] : memref<10112x128xf32, #tpu.memory_space<vmem_shared>> -> memref<10112x128xf32, #tpu.memory_space<vmem_shared>>
      %dma_start3A_49 = tpu.memref_slice %arg11[%dma_start3A_38] : memref<3x!tpu.dma_semaphore, #tpu.memory_space<semaphore_mem>> -> memref<1x!tpu.dma_semaphore, #tpu.memory_space<semaphore_mem>>
      %dma_start3A_50 = tpu.memref_squeeze %dma_start3A_49 : memref<1x!tpu.dma_semaphore, #tpu.memory_space<semaphore_mem>> -> memref<!tpu.dma_semaphore, #tpu.memory_space<semaphore_mem>>
      tpu.enqueue_indirect_dma source(%dma_start3A_42 : memref<100x128xf32, #tpu.memory_space<vmem>>) target(%dma_start3A_48 : memref<10112x128xf32, #tpu.memory_space<vmem_shared>>) offsets(%dma_start3A_45 : memref<100xi32, #tpu.memory_space<vmem>>) semaphore(%dma_start3A_50 : memref<!tpu.dma_semaphore, #tpu.memory_space<semaphore_mem>>) {add = true}
      %dma_wait3A_51 = arith.constant 0 : i32
      %dma_wait3A_52 = arith.constant 0 : i32
      %dma_wait3A_53 = arith.constant 0 : i32
      %dma_wait3A_54 = arith.constant 0 : i32
      %dma_wait3A_55 = arith.constant 0 : i32
      %dma_wait3A_56 = tpu.memref_slice %arg8[%dma_wait3A_51, %dma_wait3A_54, %dma_wait3A_55] : memref<3x100x128xf32, #tpu.memory_space<vmem>> -> memref<1x100x128xf32, #tpu.memory_space<vmem>>
      %dma_wait3A_57 = tpu.memref_squeeze %dma_wait3A_56 : memref<1x100x128xf32, #tpu.memory_space<vmem>> -> memref<100x128xf32, #tpu.memory_space<vmem>>
      %dma_wait3A_58 = arith.constant 0 : i32
      %dma_wait3A_59 = tpu.memref_slice %arg7[%dma_wait3A_52, %dma_wait3A_58] : memref<25x100xi32, #tpu.memory_space<vmem>> -> memref<1x100xi32, #tpu.memory_space<vmem>>
      %dma_wait3A_60 = tpu.memref_squeeze %dma_wait3A_59 : memref<1x100xi32, #tpu.memory_space<vmem>> -> memref<100xi32, #tpu.memory_space<vmem>>
      %dma_wait3A_61 = arith.constant 0 : i32
      %dma_wait3A_62 = arith.constant 0 : i32
      %dma_wait3A_63 = tpu.memref_slice %arg9[%dma_wait3A_61, %dma_wait3A_62] : memref<10112x128xf32, #tpu.memory_space<vmem_shared>> -> memref<10112x128xf32, #tpu.memory_space<vmem_shared>>
      %dma_wait3A_64 = tpu.memref_slice %arg11[%dma_wait3A_53] : memref<3x!tpu.dma_semaphore, #tpu.memory_space<semaphore_mem>> -> memref<1x!tpu.dma_semaphore, #tpu.memory_space<semaphore_mem>>
      %dma_wait3A_65 = tpu.memref_squeeze %dma_wait3A_64 : memref<1x!tpu.dma_semaphore, #tpu.memory_space<semaphore_mem>> -> memref<!tpu.dma_semaphore, #tpu.memory_space<semaphore_mem>>
      tpu.wait_indirect_dma semaphore(%dma_wait3A_65 : memref<!tpu.dma_semaphore, #tpu.memory_space<semaphore_mem>>) src(%dma_wait3A_57 : memref<100x128xf32, #tpu.memory_space<vmem>>) dst(%dma_wait3A_63 : memref<10112x128xf32, #tpu.memory_space<vmem_shared>>)
      %dma_wait3A_66 = arith.constant 1 : i32
      %dma_wait3A_67 = arith.constant 1 : i32
      %dma_wait3A_68 = arith.constant 1 : i32
      %dma_wait3A_69 = arith.constant 0 : i32
      %dma_wait3A_70 = arith.constant 0 : i32
      %dma_wait3A_71 = tpu.memref_slice %arg8[%dma_wait3A_66, %dma_wait3A_69, %dma_wait3A_70] : memref<3x100x128xf32, #tpu.memory_space<vmem>> -> memref<1x100x128xf32, #tpu.memory_space<vmem>>
      %dma_wait3A_72 = tpu.memref_squeeze %dma_wait3A_71 : memref<1x100x128xf32, #tpu.memory_space<vmem>> -> memref<100x128xf32, #tpu.memory_space<vmem>>
      %dma_wait3A_73 = arith.constant 0 : i32
      %dma_wait3A_74 = tpu.memref_slice %arg7[%dma_wait3A_67, %dma_wait3A_73] : memref<25x100xi32, #tpu.memory_space<vmem>> -> memref<1x100xi32, #tpu.memory_space<vmem>>
      %dma_wait3A_75 = tpu.memref_squeeze %dma_wait3A_74 : memref<1x100xi32, #tpu.memory_space<vmem>> -> memref<100xi32, #tpu.memory_space<vmem>>
      %dma_wait3A_76 = arith.constant 0 : i32
      %dma_wait3A_77 = arith.constant 0 : i32
      %dma_wait3A_78 = tpu.memref_slice %arg9[%dma_wait3A_76, %dma_wait3A_77] : memref<10112x128xf32, #tpu.memory_space<vmem_shared>> -> memref<10112x128xf32, #tpu.memory_space<vmem_shared>>
      %dma_wait3A_79 = tpu.memref_slice %arg11[%dma_wait3A_68] : memref<3x!tpu.dma_semaphore, #tpu.memory_space<semaphore_mem>> -> memref<1x!tpu.dma_semaphore, #tpu.memory_space<semaphore_mem>>
      %dma_wait3A_80 = tpu.memref_squeeze %dma_wait3A_79 : memref<1x!tpu.dma_semaphore, #tpu.memory_space<semaphore_mem>> -> memref<!tpu.dma_semaphore, #tpu.memory_space<semaphore_mem>>
      tpu.wait_indirect_dma semaphore(%dma_wait3A_80 : memref<!tpu.dma_semaphore, #tpu.memory_space<semaphore_mem>>) src(%dma_wait3A_72 : memref<100x128xf32, #tpu.memory_space<vmem>>) dst(%dma_wait3A_78 : memref<10112x128xf32, #tpu.memory_space<vmem_shared>>)
      %dma_wait3A_81 = arith.constant 2 : i32
      %dma_wait3A_82 = arith.constant 2 : i32
      %dma_wait3A_83 = arith.constant 2 : i32
      %dma_wait3A_84 = arith.constant 0 : i32
      %dma_wait3A_85 = arith.constant 0 : i32
      %dma_wait3A_86 = tpu.memref_slice %arg8[%dma_wait3A_81, %dma_wait3A_84, %dma_wait3A_85] : memref<3x100x128xf32, #tpu.memory_space<vmem>> -> memref<1x100x128xf32, #tpu.memory_space<vmem>>
      %dma_wait3A_87 = tpu.memref_squeeze %dma_wait3A_86 : memref<1x100x128xf32, #tpu.memory_space<vmem>> -> memref<100x128xf32, #tpu.memory_space<vmem>>
      %dma_wait3A_88 = arith.constant 0 : i32
      %dma_wait3A_89 = tpu.memref_slice %arg7[%dma_wait3A_82, %dma_wait3A_88] : memref<25x100xi32, #tpu.memory_space<vmem>> -> memref<1x100xi32, #tpu.memory_space<vmem>>
      %dma_wait3A_90 = tpu.memref_squeeze %dma_wait3A_89 : memref<1x100xi32, #tpu.memory_space<vmem>> -> memref<100xi32, #tpu.memory_space<vmem>>
      %dma_wait3A_91 = arith.constant 0 : i32
      %dma_wait3A_92 = arith.constant 0 : i32
      %dma_wait3A_93 = tpu.memref_slice %arg9[%dma_wait3A_91, %dma_wait3A_92] : memref<10112x128xf32, #tpu.memory_space<vmem_shared>> -> memref<10112x128xf32, #tpu.memory_space<vmem_shared>>
      %dma_wait3A_94 = tpu.memref_slice %arg11[%dma_wait3A_83] : memref<3x!tpu.dma_semaphore, #tpu.memory_space<semaphore_mem>> -> memref<1x!tpu.dma_semaphore, #tpu.memory_space<semaphore_mem>>
      %dma_wait3A_95 = tpu.memref_squeeze %dma_wait3A_94 : memref<1x!tpu.dma_semaphore, #tpu.memory_space<semaphore_mem>> -> memref<!tpu.dma_semaphore, #tpu.memory_space<semaphore_mem>>
      tpu.wait_indirect_dma semaphore(%dma_wait3A_95 : memref<!tpu.dma_semaphore, #tpu.memory_space<semaphore_mem>>) src(%dma_wait3A_87 : memref<100x128xf32, #tpu.memory_space<vmem>>) dst(%dma_wait3A_93 : memref<10112x128xf32, #tpu.memory_space<vmem_shared>>)
    }
    %scan3A_9 = arith.constant 4 : i32
    %barrier3A_10 = arith.constant 0 : index
    tpu.barrier barrier_id(%barrier3A_10)
    %mul3A_11 = arith.constant 632 : i32
    %mul3A_12 = arith.muli %arg1, %mul3A_11 : i32
    %mul3A_13 = arith.constant 632 : i32
    %mul3A_14 = arith.muli %arg1, %mul3A_13 : i32
    "tpu.region"() ({
      %run_scoped3A = tpu.sem_alloc : memref<!tpu.dma_semaphore, #tpu.memory_space<semaphore_mem>>
      %dma_start3A = arith.constant 0 : i32
      %dma_start3A_15 = tpu.memref_slice %arg5[%arg0, %mul3A_14, %dma_start3A] : memref<2x10112x128xf32, #tpu.memory_space<hbm>> -> memref<1x632x128xf32, #tpu.memory_space<hbm>>
      %dma_start3A_16 = tpu.memref_squeeze %dma_start3A_15 : memref<1x632x128xf32, #tpu.memory_space<hbm>> -> memref<632x128xf32, #tpu.memory_space<hbm>>
      %dma_start3A_17 = arith.constant 0 : i32
      %dma_start3A_18 = tpu.memref_slice %arg9[%mul3A_12, %dma_start3A_17] : memref<10112x128xf32, #tpu.memory_space<vmem_shared>> -> memref<632x128xf32, #tpu.memory_space<vmem_shared>>
      tpu.enqueue_dma source(%dma_start3A_18 : memref<632x128xf32, #tpu.memory_space<vmem_shared>>) target(%dma_start3A_16 : memref<632x128xf32, #tpu.memory_space<hbm>>) target_semaphore(%run_scoped3A : memref<!tpu.dma_semaphore, #tpu.memory_space<semaphore_mem>>)
      %dma_wait3A = arith.constant 0 : i32
      %dma_wait3A_19 = tpu.memref_slice %arg5[%arg0, %mul3A_14, %dma_wait3A] : memref<2x10112x128xf32, #tpu.memory_space<hbm>> -> memref<1x632x128xf32, #tpu.memory_space<hbm>>
      %dma_wait3A_20 = tpu.memref_squeeze %dma_wait3A_19 : memref<1x632x128xf32, #tpu.memory_space<hbm>> -> memref<632x128xf32, #tpu.memory_space<hbm>>
      %dma_wait3A_21 = arith.constant 0 : i32
      %dma_wait3A_22 = tpu.memref_slice %arg9[%mul3A_12, %dma_wait3A_21] : memref<10112x128xf32, #tpu.memory_space<vmem_shared>> -> memref<632x128xf32, #tpu.memory_space<vmem_shared>>
      tpu.wait_dma2 semaphore(%run_scoped3A : memref<!tpu.dma_semaphore, #tpu.memory_space<semaphore_mem>>) src(%dma_wait3A_22 : memref<632x128xf32, #tpu.memory_space<vmem_shared>>) dst(%dma_wait3A_20 : memref<632x128xf32, #tpu.memory_space<hbm>>)
      tpu.yield
    }) : () -> ()
    return
  }
}

module attributes {stable_mosaic.version = 14 : i64} {
  func.func @_prep_body(%arg0: i32, %arg1: memref<2000x1xf32, #tpu.memory_space<vmem>>, %arg2: memref<2000x1xf32, #tpu.memory_space<vmem>>, %arg3: memref<2000x1xf32, #tpu.memory_space<vmem>>, %arg4: memref<2000x1xf32, #tpu.memory_space<vmem>>, %arg5: memref<2000x128xf32, #tpu.memory_space<vmem>>, %arg6: memref<2000x1xf32, #tpu.memory_space<vmem>>, %arg7: memref<2000x1xf32, #tpu.memory_space<vmem>>) attributes {dimension_semantics = [#tpu.dimension_semantics<arbitrary>], iteration_bounds = array<i64: 5>, scalar_prefetch = 0 : i64, scratch_operands = 0 : i64, tpu.core_type = #tpu.core_type<tc>, window_params = [{transform_indices = @transform_0, window_bounds = array<i64: 2000, 1>}, {transform_indices = @transform_1, window_bounds = array<i64: 2000, 1>}, {transform_indices = @transform_2, window_bounds = array<i64: 2000, 1>}, {transform_indices = @transform_3, window_bounds = array<i64: 2000, 1>}, {transform_indices = @transform_4, window_bounds = array<i64: 2000, 128>}, {transform_indices = @transform_5, window_bounds = array<i64: 2000, 1>}, {transform_indices = @transform_6, window_bounds = array<i64: 2000, 1>}]} {
    %get3A = arith.constant 0 : index
    %get3A_0 = arith.constant 0 : index
    %get3A_1 = vector.load %arg1[%get3A, %get3A_0] : memref<2000x1xf32, #tpu.memory_space<vmem>>, vector<2000x1xf32>
    %max3A = arith.constant 1.000000e+00 : f32
    %max3A_2 = vector.broadcast %max3A : f32 to vector<2000x1xf32>
    %max3A_3 = arith.maximumf %get3A_1, %max3A_2 : vector<2000x1xf32>
    %rsqrt3A = math.rsqrt %max3A_3 : vector<2000x1xf32>
    %get3A_4 = arith.constant 0 : index
    %get3A_5 = arith.constant 0 : index
    %get3A_6 = vector.load %arg2[%get3A_4, %get3A_5] : memref<2000x1xf32, #tpu.memory_space<vmem>>, vector<2000x1xf32>
    %max3A_7 = arith.constant 1.000000e+00 : f32
    %max3A_8 = vector.broadcast %max3A_7 : f32 to vector<2000x1xf32>
    %max3A_9 = arith.maximumf %get3A_6, %max3A_8 : vector<2000x1xf32>
    %rsqrt3A_10 = math.rsqrt %max3A_9 : vector<2000x1xf32>
    %swap3A = arith.constant 0 : index
    %swap3A_11 = arith.constant 0 : index
    %swap3A_12 = vector.load %arg6[%swap3A, %swap3A_11] : memref<2000x1xf32, #tpu.memory_space<vmem>>, vector<2000x1xf32>
    tpu.vector_store %arg6[%swap3A, %swap3A_11], %rsqrt3A {strides = array<i32>} : memref<2000x1xf32, #tpu.memory_space<vmem>>, vector<2000x1xf32>,
    %swap3A_13 = arith.constant 0 : index
    %swap3A_14 = arith.constant 0 : index
    %swap3A_15 = vector.load %arg7[%swap3A_13, %swap3A_14] : memref<2000x1xf32, #tpu.memory_space<vmem>>, vector<2000x1xf32>
    tpu.vector_store %arg7[%swap3A_13, %swap3A_14], %rsqrt3A_10 {strides = array<i32>} : memref<2000x1xf32, #tpu.memory_space<vmem>>, vector<2000x1xf32>,
    %get3A_16 = arith.constant 0 : index
    %get3A_17 = arith.constant 0 : index
    %get3A_18 = vector.load %arg3[%get3A_16, %get3A_17] : memref<2000x1xf32, #tpu.memory_space<vmem>>, vector<2000x1xf32>
    %get3A_19 = arith.constant 0 : index
    %get3A_20 = arith.constant 0 : index
    %get3A_21 = vector.load %arg4[%get3A_19, %get3A_20] : memref<2000x1xf32, #tpu.memory_space<vmem>>, vector<2000x1xf32>
    %broadcast_in_dim3A = arith.constant 0.000000e+00 : f32
    %broadcast_in_dim3A_22 = vector.broadcast %broadcast_in_dim3A : f32 to vector<2000x125xf32>
    %concatenate3A = tpu.concatenate %get3A_1, %get3A_18, %get3A_21, %broadcast_in_dim3A_22 in 1 : vector<2000x1xf32>, vector<2000x1xf32>, vector<2000x1xf32>, vector<2000x125xf32> -> vector<2000x128xf32>
    %mul3A = vector.broadcast %rsqrt3A_10 : vector<2000x1xf32> to vector<2000x128xf32>
    %mul3A_23 = arith.mulf %concatenate3A, %mul3A : vector<2000x128xf32>
    %swap3A_24 = arith.constant 0 : index
    %swap3A_25 = arith.constant 0 : index
    %swap3A_26 = vector.load %arg5[%swap3A_24, %swap3A_25] : memref<2000x128xf32, #tpu.memory_space<vmem>>, vector<2000x128xf32>
    tpu.vector_store %arg5[%swap3A_24, %swap3A_25], %mul3A_23 {strides = array<i32>} : memref<2000x128xf32, #tpu.memory_space<vmem>>, vector<2000x128xf32>,
    return
  }
  func.func @transform_0(%arg0: i32) -> (i32, i32) {
    %c0_i32 = arith.constant 0 : i32
    %c0_i32_0 = arith.constant 0 : i32
    return %arg0, %c0_i32 : i32, i32
  }
  func.func @transform_1(%arg0: i32) -> (i32, i32) {
    %c0_i32 = arith.constant 0 : i32
    %c0_i32_0 = arith.constant 0 : i32
    return %arg0, %c0_i32 : i32, i32
  }
  func.func @transform_2(%arg0: i32) -> (i32, i32) {
    %c0_i32 = arith.constant 0 : i32
    %c0_i32_0 = arith.constant 0 : i32
    return %arg0, %c0_i32 : i32, i32
  }
  func.func @transform_3(%arg0: i32) -> (i32, i32) {
    %c0_i32 = arith.constant 0 : i32
    %c0_i32_0 = arith.constant 0 : i32
    return %arg0, %c0_i32 : i32, i32
  }
  func.func @transform_4(%arg0: i32) -> (i32, i32) {
    %c0_i32 = arith.constant 0 : i32
    %c0_i32_0 = arith.constant 0 : i32
    return %arg0, %c0_i32 : i32, i32
  }
  func.func @transform_5(%arg0: i32) -> (i32, i32) {
    %c0_i32 = arith.constant 0 : i32
    %c0_i32_0 = arith.constant 0 : i32
    return %arg0, %c0_i32 : i32, i32
  }
  func.func @transform_6(%arg0: i32) -> (i32, i32) {
    %c0_i32 = arith.constant 0 : i32
    %c0_i32_0 = arith.constant 0 : i32
    return %arg0, %c0_i32 : i32, i32
  }
}

module attributes {stable_mosaic.version = 14 : i64} {
  func.func @_mid_body(%arg0: i32, %arg1: memref<2x2000x128xf32, #tpu.memory_space<vmem>>, %arg2: memref<2000x1xf32, #tpu.memory_space<vmem>>, %arg3: memref<2000x1xf32, #tpu.memory_space<vmem>>, %arg4: memref<128x128xf32, #tpu.memory_space<vmem>>, %arg5: memref<1x128xf32, #tpu.memory_space<vmem>>, %arg6: memref<2000x128xf32, #tpu.memory_space<vmem>>) attributes {dimension_semantics = [#tpu.dimension_semantics<arbitrary>], iteration_bounds = array<i64: 5>, scalar_prefetch = 0 : i64, scratch_operands = 0 : i64, tpu.core_type = #tpu.core_type<tc>, window_params = [{transform_indices = @transform_0, window_bounds = array<i64: 2, 2000, 128>}, {transform_indices = @transform_1, window_bounds = array<i64: 2000, 1>}, {transform_indices = @transform_2, window_bounds = array<i64: 2000, 1>}, {pipeline_mode = #tpu.pipeline_mode<synchronous>, transform_indices = @transform_3, window_bounds = array<i64: 128, 128>}, {pipeline_mode = #tpu.pipeline_mode<synchronous>, transform_indices = @transform_4, window_bounds = array<i64: 1, 128>}, {transform_indices = @transform_5, window_bounds = array<i64: 2000, 128>}]} {
    %get3A = arith.constant 0 : index
    %get3A_0 = arith.constant 0 : index
    %get3A_1 = arith.constant 0 : index
    %get3A_2 = vector.load %arg1[%get3A, %get3A_0, %get3A_1] : memref<2x2000x128xf32, #tpu.memory_space<vmem>>, vector<1x2000x128xf32>
    %get3A_3 = vector.shape_cast %get3A_2 : vector<1x2000x128xf32> to vector<2000x128xf32>
    %get3A_4 = arith.constant 1 : index
    %get3A_5 = arith.constant 0 : index
    %get3A_6 = arith.constant 0 : index
    %get3A_7 = vector.load %arg1[%get3A_4, %get3A_5, %get3A_6] : memref<2x2000x128xf32, #tpu.memory_space<vmem>>, vector<1x2000x128xf32>
    %get3A_8 = vector.shape_cast %get3A_7 : vector<1x2000x128xf32> to vector<2000x128xf32>
    %add3A = arith.addf %get3A_3, %get3A_8 : vector<2000x128xf32>
    %get3A_9 = arith.constant 0 : index
    %get3A_10 = arith.constant 0 : index
    %get3A_11 = vector.load %arg4[%get3A_9, %get3A_10] : memref<128x128xf32, #tpu.memory_space<vmem>>, vector<128x128xf32>
    %dot_general3A = arith.constant dense<0.000000e+00> : vector<2000x128xf32>
    %dot_general3A_12 = tpu.matmul %add3A, %get3A_11, %dot_general3A {dimension_numbers = #tpu.dot_dimension_numbers<[1], [0], [0], [1], [0, 0, 1, 1], [], []>, transpose_lhs_hint = false} : vector<2000x128xf32>, vector<128x128xf32>, vector<2000x128xf32> -> vector<2000x128xf32>
    %get3A_13 = arith.constant 0 : index
    %get3A_14 = arith.constant 0 : index
    %get3A_15 = vector.load %arg2[%get3A_13, %get3A_14] : memref<2000x1xf32, #tpu.memory_space<vmem>>, vector<2000x1xf32>
    %mul3A = vector.broadcast %get3A_15 : vector<2000x1xf32> to vector<2000x128xf32>
    %mul3A_16 = arith.mulf %dot_general3A_12, %mul3A : vector<2000x128xf32>
    %get3A_17 = arith.constant 0 : index
    %get3A_18 = arith.constant 0 : index
    %get3A_19 = vector.load %arg5[%get3A_17, %get3A_18] : memref<1x128xf32, #tpu.memory_space<vmem>>, vector<1x128xf32>
    %add3A_20 = vector.broadcast %get3A_19 : vector<1x128xf32> to vector<2000x128xf32>
    %add3A_21 = arith.addf %mul3A_16, %add3A_20 : vector<2000x128xf32>
    %max3A = arith.constant 0.000000e+00 : f32
    %max3A_22 = vector.broadcast %max3A : f32 to vector<2000x128xf32>
    %max3A_23 = arith.maximumf %add3A_21, %max3A_22 : vector<2000x128xf32>
    %get3A_24 = arith.constant 0 : index
    %get3A_25 = arith.constant 0 : index
    %get3A_26 = vector.load %arg3[%get3A_24, %get3A_25] : memref<2000x1xf32, #tpu.memory_space<vmem>>, vector<2000x1xf32>
    %mul3A_27 = vector.broadcast %get3A_26 : vector<2000x1xf32> to vector<2000x128xf32>
    %mul3A_28 = arith.mulf %max3A_23, %mul3A_27 : vector<2000x128xf32>
    %swap3A = arith.constant 0 : index
    %swap3A_29 = arith.constant 0 : index
    %swap3A_30 = vector.load %arg6[%swap3A, %swap3A_29] : memref<2000x128xf32, #tpu.memory_space<vmem>>, vector<2000x128xf32>
    tpu.vector_store %arg6[%swap3A, %swap3A_29], %mul3A_28 {strides = array<i32>} : memref<2000x128xf32, #tpu.memory_space<vmem>>, vector<2000x128xf32>,
    return
  }
  func.func @transform_0(%arg0: i32) -> (i32, i32, i32) {
    %c0_i32 = arith.constant 0 : i32
    %c0_i32_0 = arith.constant 0 : i32
    %c0_i32_1 = arith.constant 0 : i32
    return %c0_i32, %arg0, %c0_i32_0 : i32, i32, i32
  }
  func.func @transform_1(%arg0: i32) -> (i32, i32) {
    %c0_i32 = arith.constant 0 : i32
    %c0_i32_0 = arith.constant 0 : i32
    return %arg0, %c0_i32 : i32, i32
  }
  func.func @transform_2(%arg0: i32) -> (i32, i32) {
    %c0_i32 = arith.constant 0 : i32
    %c0_i32_0 = arith.constant 0 : i32
    return %arg0, %c0_i32 : i32, i32
  }
  func.func @transform_3(%arg0: i32) -> (i32, i32) {
    %c0_i32 = arith.constant 0 : i32
    %c0_i32_0 = arith.constant 0 : i32
    %c0_i32_1 = arith.constant 0 : i32
    return %c0_i32, %c0_i32_0 : i32, i32
  }
  func.func @transform_4(%arg0: i32) -> (i32, i32) {
    %c0_i32 = arith.constant 0 : i32
    %c0_i32_0 = arith.constant 0 : i32
    %c0_i32_1 = arith.constant 0 : i32
    return %c0_i32, %c0_i32_0 : i32, i32
  }
  func.func @transform_5(%arg0: i32) -> (i32, i32) {
    %c0_i32 = arith.constant 0 : i32
    %c0_i32_0 = arith.constant 0 : i32
    return %arg0, %c0_i32 : i32, i32
  }
}

module attributes {stable_mosaic.version = 14 : i64} {
  func.func @_final_body(%arg0: i32, %arg1: memref<2x2000x128xf32, #tpu.memory_space<vmem>>, %arg2: memref<2000x1xf32, #tpu.memory_space<vmem>>, %arg3: memref<128x128xf32, #tpu.memory_space<vmem>>, %arg4: memref<1x128xf32, #tpu.memory_space<vmem>>, %arg5: memref<128x64xf32, #tpu.memory_space<vmem>>, %arg6: memref<1x64xf32, #tpu.memory_space<vmem>>, %arg7: memref<64x1xf32, #tpu.memory_space<vmem>>, %arg8: memref<1x1xf32, #tpu.memory_space<vmem>>, %arg9: memref<2000x128xf32, #tpu.memory_space<vmem>>, %arg10: memref<1x128xf32, #tpu.memory_space<vmem>>, %arg11: memref<1x1xf32, #tpu.memory_space<vmem>>) attributes {dimension_semantics = [#tpu.dimension_semantics<arbitrary>], iteration_bounds = array<i64: 5>, scalar_prefetch = 0 : i64, scratch_operands = 0 : i64, tpu.core_type = #tpu.core_type<tc>, window_params = [{transform_indices = @transform_0, window_bounds = array<i64: 2, 2000, 128>}, {transform_indices = @transform_1, window_bounds = array<i64: 2000, 1>}, {pipeline_mode = #tpu.pipeline_mode<synchronous>, transform_indices = @transform_2, window_bounds = array<i64: 128, 128>}, {pipeline_mode = #tpu.pipeline_mode<synchronous>, transform_indices = @transform_3, window_bounds = array<i64: 1, 128>}, {pipeline_mode = #tpu.pipeline_mode<synchronous>, transform_indices = @transform_4, window_bounds = array<i64: 128, 64>}, {pipeline_mode = #tpu.pipeline_mode<synchronous>, transform_indices = @transform_5, window_bounds = array<i64: 1, 64>}, {pipeline_mode = #tpu.pipeline_mode<synchronous>, transform_indices = @transform_6, window_bounds = array<i64: 64, 1>}, {pipeline_mode = #tpu.pipeline_mode<synchronous>, transform_indices = @transform_7, window_bounds = array<i64: 1, 1>}, {transform_indices = @transform_8, window_bounds = array<i64: 2000, 128>}, {pipeline_mode = #tpu.pipeline_mode<synchronous>, transform_indices = @transform_9, window_bounds = array<i64: 1, 128>}, {pipeline_mode = #tpu.pipeline_mode<synchronous>, transform_indices = @transform_10, window_bounds = array<i64: 1, 1>}]} {
    %get3A = arith.constant 0 : index
    %get3A_0 = arith.constant 0 : index
    %get3A_1 = arith.constant 0 : index
    %get3A_2 = vector.load %arg1[%get3A, %get3A_0, %get3A_1] : memref<2x2000x128xf32, #tpu.memory_space<vmem>>, vector<1x2000x128xf32>
    %get3A_3 = vector.shape_cast %get3A_2 : vector<1x2000x128xf32> to vector<2000x128xf32>
    %get3A_4 = arith.constant 1 : index
    %get3A_5 = arith.constant 0 : index
    %get3A_6 = arith.constant 0 : index
    %get3A_7 = vector.load %arg1[%get3A_4, %get3A_5, %get3A_6] : memref<2x2000x128xf32, #tpu.memory_space<vmem>>, vector<1x2000x128xf32>
    %get3A_8 = vector.shape_cast %get3A_7 : vector<1x2000x128xf32> to vector<2000x128xf32>
    %add3A = arith.addf %get3A_3, %get3A_8 : vector<2000x128xf32>
    %get3A_9 = arith.constant 0 : index
    %get3A_10 = arith.constant 0 : index
    %get3A_11 = vector.load %arg3[%get3A_9, %get3A_10] : memref<128x128xf32, #tpu.memory_space<vmem>>, vector<128x128xf32>
    %dot_general3A = arith.constant dense<0.000000e+00> : vector<2000x128xf32>
    %dot_general3A_12 = tpu.matmul %add3A, %get3A_11, %dot_general3A {dimension_numbers = #tpu.dot_dimension_numbers<[1], [0], [0], [1], [0, 0, 1, 1], [], []>, transpose_lhs_hint = false} : vector<2000x128xf32>, vector<128x128xf32>, vector<2000x128xf32> -> vector<2000x128xf32>
    %get3A_13 = arith.constant 0 : index
    %get3A_14 = arith.constant 0 : index
    %get3A_15 = vector.load %arg2[%get3A_13, %get3A_14] : memref<2000x1xf32, #tpu.memory_space<vmem>>, vector<2000x1xf32>
    %mul3A = vector.broadcast %get3A_15 : vector<2000x1xf32> to vector<2000x128xf32>
    %mul3A_16 = arith.mulf %dot_general3A_12, %mul3A : vector<2000x128xf32>
    %get3A_17 = arith.constant 0 : index
    %get3A_18 = arith.constant 0 : index
    %get3A_19 = vector.load %arg4[%get3A_17, %get3A_18] : memref<1x128xf32, #tpu.memory_space<vmem>>, vector<1x128xf32>
    %add3A_20 = vector.broadcast %get3A_19 : vector<1x128xf32> to vector<2000x128xf32>
    %add3A_21 = arith.addf %mul3A_16, %add3A_20 : vector<2000x128xf32>
    %max3A = arith.constant 0.000000e+00 : f32
    %max3A_22 = vector.broadcast %max3A : f32 to vector<2000x128xf32>
    %max3A_23 = arith.maximumf %add3A_21, %max3A_22 : vector<2000x128xf32>
    %swap3A = arith.constant 0 : index
    %swap3A_24 = arith.constant 0 : index
    %swap3A_25 = vector.load %arg9[%swap3A, %swap3A_24] : memref<2000x128xf32, #tpu.memory_space<vmem>>, vector<2000x128xf32>
    tpu.vector_store %arg9[%swap3A, %swap3A_24], %max3A_23 {strides = array<i32>} : memref<2000x128xf32, #tpu.memory_space<vmem>>, vector<2000x128xf32>,
    %reduce_sum3A = arith.constant dense<0.000000e+00> : vector<128xf32>
    %reduce_sum3A_26 = vector.multi_reduction <add>, %max3A_23, %reduce_sum3A [0] : vector<2000x128xf32> to vector<128xf32>
    %broadcast_in_dim3A = vector.shape_cast %reduce_sum3A_26 : vector<128xf32> to vector<1x128xf32>
    %eq3A = arith.constant 0 : i32
    %eq3A_27 = arith.cmpi eq, %arg0, %eq3A : i32
    %convert_element_type3A = arith.extui %eq3A_27 : i1 to i32
    %cond3A = arith.constant 0 : i32
    %cond3A_28 = arith.cmpi ne, %convert_element_type3A, %cond3A : i32
    scf.if %cond3A_28 {
      %swap3A_38 = arith.constant 0 : index
      %swap3A_39 = arith.constant 0 : index
      %swap3A_40 = vector.load %arg10[%swap3A_38, %swap3A_39] : memref<1x128xf32, #tpu.memory_space<vmem>>, vector<1x128xf32>
      tpu.vector_store %arg10[%swap3A_38, %swap3A_39], %broadcast_in_dim3A {strides = array<i32>} : memref<1x128xf32, #tpu.memory_space<vmem>>, vector<1x128xf32>,
    } else {
    }
    %gt3A = arith.constant 0 : i32
    %gt3A_29 = arith.cmpi sgt, %arg0, %gt3A : i32
    %convert_element_type3A_30 = arith.extui %gt3A_29 : i1 to i32
    %cond3A_31 = arith.constant 0 : i32
    %cond3A_32 = arith.cmpi ne, %convert_element_type3A_30, %cond3A_31 : i32
    scf.if %cond3A_32 {
      %get3A_38 = arith.constant 0 : index
      %get3A_39 = arith.constant 0 : index
      %get3A_40 = vector.load %arg10[%get3A_38, %get3A_39] : memref<1x128xf32, #tpu.memory_space<vmem>>, vector<1x128xf32>
      %add3A_41 = arith.addf %get3A_40, %broadcast_in_dim3A : vector<1x128xf32>
      %swap3A_42 = arith.constant 0 : index
      %swap3A_43 = arith.constant 0 : index
      %swap3A_44 = vector.load %arg10[%swap3A_42, %swap3A_43] : memref<1x128xf32, #tpu.memory_space<vmem>>, vector<1x128xf32>
      tpu.vector_store %arg10[%swap3A_42, %swap3A_43], %add3A_41 {strides = array<i32>} : memref<1x128xf32, #tpu.memory_space<vmem>>, vector<1x128xf32>,
    } else {
    }
    %eq3A_33 = arith.constant 4 : i32
    %eq3A_34 = arith.cmpi eq, %arg0, %eq3A_33 : i32
    %convert_element_type3A_35 = arith.extui %eq3A_34 : i1 to i32
    %cond3A_36 = arith.constant 0 : i32
    %cond3A_37 = arith.cmpi ne, %convert_element_type3A_35, %cond3A_36 : i32
    scf.if %cond3A_37 {
      %get3A_38 = arith.constant 0 : index
      %get3A_39 = arith.constant 0 : index
      %get3A_40 = vector.load %arg10[%get3A_38, %get3A_39] : memref<1x128xf32, #tpu.memory_space<vmem>>, vector<1x128xf32>
      %mul3A_41 = arith.constant 9.99999974E-5 : f32
      %mul3A_42 = vector.broadcast %mul3A_41 : f32 to vector<1x128xf32>
      %mul3A_43 = arith.mulf %get3A_40, %mul3A_42 : vector<1x128xf32>
      %swap3A_44 = arith.constant 0 : index
      %swap3A_45 = arith.constant 0 : index
      %swap3A_46 = vector.load %arg10[%swap3A_44, %swap3A_45] : memref<1x128xf32, #tpu.memory_space<vmem>>, vector<1x128xf32>
      tpu.vector_store %arg10[%swap3A_44, %swap3A_45], %mul3A_43 {strides = array<i32>} : memref<1x128xf32, #tpu.memory_space<vmem>>, vector<1x128xf32>,
      %get3A_47 = arith.constant 0 : index
      %get3A_48 = arith.constant 0 : index
      %get3A_49 = vector.load %arg5[%get3A_47, %get3A_48] : memref<128x64xf32, #tpu.memory_space<vmem>>, vector<128x64xf32>
      %dot_general3A_50 = arith.constant dense<0.000000e+00> : vector<1x64xf32>
      %dot_general3A_51 = tpu.matmul %mul3A_43, %get3A_49, %dot_general3A_50 {dimension_numbers = #tpu.dot_dimension_numbers<[1], [0], [0], [1], [0, 0, 1, 1], [], []>, transpose_lhs_hint = false} : vector<1x128xf32>, vector<128x64xf32>, vector<1x64xf32> -> vector<1x64xf32>
      %get3A_52 = arith.constant 0 : index
      %get3A_53 = arith.constant 0 : index
      %get3A_54 = vector.load %arg6[%get3A_52, %get3A_53] : memref<1x64xf32, #tpu.memory_space<vmem>>, vector<1x64xf32>
      %add3A_55 = arith.addf %dot_general3A_51, %get3A_54 : vector<1x64xf32>
      %max3A_56 = arith.constant 0.000000e+00 : f32
      %max3A_57 = vector.broadcast %max3A_56 : f32 to vector<1x64xf32>
      %max3A_58 = arith.maximumf %add3A_55, %max3A_57 : vector<1x64xf32>
      %get3A_59 = arith.constant 0 : index
      %get3A_60 = arith.constant 0 : index
      %get3A_61 = vector.load %arg7[%get3A_59, %get3A_60] : memref<64x1xf32, #tpu.memory_space<vmem>>, vector<64x1xf32>
      %dot_general3A_62 = arith.constant dense<0.000000e+00> : vector<1x1xf32>
      %dot_general3A_63 = tpu.matmul %max3A_58, %get3A_61, %dot_general3A_62 {dimension_numbers = #tpu.dot_dimension_numbers<[1], [0], [0], [1], [0, 0, 1, 1], [], []>, transpose_lhs_hint = false} : vector<1x64xf32>, vector<64x1xf32>, vector<1x1xf32> -> vector<1x1xf32>
      %get3A_64 = arith.constant 0 : index
      %get3A_65 = arith.constant 0 : index
      %get3A_66 = vector.load %arg8[%get3A_64, %get3A_65] : memref<1x1xf32, #tpu.memory_space<vmem>>, vector<1x1xf32>
      %add3A_67 = arith.addf %dot_general3A_63, %get3A_66 : vector<1x1xf32>
      %neg3A = arith.constant 0.000000e+00 : f32
      %neg3A_68 = vector.broadcast %neg3A : f32 to vector<1x1xf32>
      %neg3A_69 = arith.subf %neg3A_68, %add3A_67 : vector<1x1xf32>
      %exp3A = math.exp %neg3A_69 : vector<1x1xf32>
      %add3A_70 = arith.constant 1.000000e+00 : f32
      %add3A_71 = vector.broadcast %add3A_70 : f32 to vector<1x1xf32>
      %add3A_72 = arith.addf %add3A_71, %exp3A : vector<1x1xf32>
      %div3A = arith.constant 1.000000e+00 : f32
      %div3A_73 = vector.broadcast %div3A : f32 to vector<1x1xf32>
      %div3A_74 = arith.divf %div3A_73, %add3A_72 : vector<1x1xf32>
      %swap3A_75 = arith.constant 0 : index
      %swap3A_76 = arith.constant 0 : index
      %swap3A_77 = vector.load %arg11[%swap3A_75, %swap3A_76] : memref<1x1xf32, #tpu.memory_space<vmem>>, vector<1x1xf32>
      tpu.vector_store %arg11[%swap3A_75, %swap3A_76], %div3A_74 {strides = array<i32>} : memref<1x1xf32, #tpu.memory_space<vmem>>, vector<1x1xf32>,
    } else {
    }
    return
  }
  func.func @transform_0(%arg0: i32) -> (i32, i32, i32) {
    %c0_i32 = arith.constant 0 : i32
    %c0_i32_0 = arith.constant 0 : i32
    %c0_i32_1 = arith.constant 0 : i32
    return %c0_i32, %arg0, %c0_i32_0 : i32, i32, i32
  }
  func.func @transform_1(%arg0: i32) -> (i32, i32) {
    %c0_i32 = arith.constant 0 : i32
    %c0_i32_0 = arith.constant 0 : i32
    return %arg0, %c0_i32 : i32, i32
  }
  func.func @transform_2(%arg0: i32) -> (i32, i32) {
    %c0_i32 = arith.constant 0 : i32
    %c0_i32_0 = arith.constant 0 : i32
    %c0_i32_1 = arith.constant 0 : i32
    return %c0_i32, %c0_i32_0 : i32, i32
  }
  func.func @transform_3(%arg0: i32) -> (i32, i32) {
    %c0_i32 = arith.constant 0 : i32
    %c0_i32_0 = arith.constant 0 : i32
    %c0_i32_1 = arith.constant 0 : i32
    return %c0_i32, %c0_i32_0 : i32, i32
  }
  func.func @transform_4(%arg0: i32) -> (i32, i32) {
    %c0_i32 = arith.constant 0 : i32
    %c0_i32_0 = arith.constant 0 : i32
    %c0_i32_1 = arith.constant 0 : i32
    return %c0_i32, %c0_i32_0 : i32, i32
  }
  func.func @transform_5(%arg0: i32) -> (i32, i32) {
    %c0_i32 = arith.constant 0 : i32
    %c0_i32_0 = arith.constant 0 : i32
    %c0_i32_1 = arith.constant 0 : i32
    return %c0_i32, %c0_i32_0 : i32, i32
  }
  func.func @transform_6(%arg0: i32) -> (i32, i32) {
    %c0_i32 = arith.constant 0 : i32
    %c0_i32_0 = arith.constant 0 : i32
    %c0_i32_1 = arith.constant 0 : i32
    return %c0_i32, %c0_i32_0 : i32, i32
  }
  func.func @transform_7(%arg0: i32) -> (i32, i32) {
    %c0_i32 = arith.constant 0 : i32
    %c0_i32_0 = arith.constant 0 : i32
    %c0_i32_1 = arith.constant 0 : i32
    return %c0_i32, %c0_i32_0 : i32, i32
  }
  func.func @transform_8(%arg0: i32) -> (i32, i32) {
    %c0_i32 = arith.constant 0 : i32
    %c0_i32_0 = arith.constant 0 : i32
    return %arg0, %c0_i32 : i32, i32
  }
  func.func @transform_9(%arg0: i32) -> (i32, i32) {
    %c0_i32 = arith.constant 0 : i32
    %c0_i32_0 = arith.constant 0 : i32
    %c0_i32_1 = arith.constant 0 : i32
    return %c0_i32, %c0_i32_0 : i32, i32
  }
  func.func @transform_10(%arg0: i32) -> (i32, i32) {
    %c0_i32 = arith.constant 0 : i32
    %c0_i32_0 = arith.constant 0 : i32
    %c0_i32_1 = arith.constant 0 : i32
    return %c0_i32, %c0_i32_0 : i32, i32
  }
}

</mosaic_0001>

<sc_bundles>
// kernel: kernel.14.cloned.1.call-start
scs
__scs_entry_jumppad:
0x0: {  	(pc) =	sbr.rel $0x88, $3  }
0x1: {  	(tag) =	ssettag $0x0;
	lr =	simm.s32 $0x1  }
0x2: {  	[smem:$0x3F90] =	sst lr;
	_ =	strace $0xD0000000  }
0x3: {  	_ = 	snop  }
0x4: {  	_ = 	snop  }
0x5: {  	_ = 	snop  }
0x6: {  	_ = 	snop  }
0x7: {  	_ = 	snop  }
__scs_overlays_trampoline_lowered:
0x8: {  	[smem:$0x3F9F] =	sst s0  }
0x9: {  	[smem:$0x3FA0] =	sst s1  }
0xa: {  	[smem:$0x3FA1] =	sst s2  }
0xb: {  	[smem:$0x3FA2] =	sst s3  }
0xc: {  	[smem:$0x3FA3] =	sst s4  }
0xd: {  	[smem:$0x3FA4] =	sst s5  }
0xe: {  	[smem:$0x3FA5] =	sst s6  }
0xf: {  	[smem:$0x3FA6] =	sst s7  }
0x10: {  	[smem:$0x3FA7] =	sst s8  }
0x11: {  	[smem:$0x3FA8] =	sst s9;
	s0 =	simm.s32 @!p0 $0x0  }
0x12: {  	s1 =	sld [smem:$0x3F8E];
	s0 =	simm.s32 @p0 $0x1  }
0x13: {  	[smem:$0x3FA9] =	sst s0;
	s0 =	simm.s32 @!p1 $0x0  }
0x14: {  	s2 =	sld [smem:$0x3F8D];
	s0 =	simm.s32 @p1 $0x1  }
0x15: {  	[smem:$0x3FAA] =	sst s0;
	s0 =	simm.s32 @!p2 $0x0  }
0x16: {  	s3 =	sld [smem:$0x3FDB];
	s0 =	simm.s32 @p2 $0x1  }
0x17: {  	s4 =	simm.s32 $0x1BF5;
	[smem:$0x3FAC] =	sst s0  }
0x18: {  	s0 =	sld [smem:$0x3F8F];
	_ =	swait.ge [sflag:s4], $0x0  }
0x19: {  	s7 =	sld [smem:$0x3F90]  }
0x1a: {  	s8 =	sadd.s32 $0xFFFFE003, lr  }
0x1b: {  	s9 =	sadd.s32 $0xFFFFFEF7, lr;
	s5 =	simm.s32 $0xFFFFFFFF;
	p2 =	slt.u32 s8, $0xFFFFF086  }
0x1c: {  	p1 =	slt.u32 s9, $0xF7A;
	s5 =	simm.s32 @!p2 $0x0  }
0x1d: {  	s5 =	simm.s32 @p1 $0x1;
	p0 =	seq.s32 s7, s2  }
0x1e: {  	s7 =	smul.u32 @!p0 $0xF7A, s2;
	p2 =	seq.s32 @!p0 s5, $0x0  }
0x1f: {  	s9 =	smul.u32 $0xF7A, s1;
	s8 =	simm.s32 @!p0 $0x1BF5;
	p2 =	por !p2, p0  }
0x20: {  	[sflag:s8] =	ssyncset.s32 @!p0 $0xFFFFF086;
	s6 =	sadd.s32 @!p0 s3, s7;
	s7 =	simm.s32 @!p0 $0x108  }
0x21: {  	s3 =	sadd.s32 s3, s9;
	s6 =	sadd.s32 @!p0 $0x88, s6;
	s7 =	simm.s32 @p2 $0x1082  }
0x22: {  	[simem:s7], [sflag:s8] =	dma.local @!p0 [hbm:s6], $0xF7A  }
0x23: {  	s9 =	sor.u32 $0xD0000000, s2;
	s6 =	simm.s32 $0x108;
	_ =	swait.ge @!p0 [sflag:s8], $0x0  }
0x24: {  	s3 =	sadd.s32 $0x88, s3;
	s6 =	simm.s32 @!p1 $0x1082;
	[sflag:s4] =	ssyncset.s32 $0xFFFFF086  }
0x25: {  	[simem:s6], [sflag:s4] =	dma.local [hbm:s3], $0xF7A  }
0x26: {  	[smem:$0x3F90] =	sst s1;
	(tag) =	ssettag s2;
	_ =	strace s9  }
0x27: {  	s1 =	sld [smem:$0x3FA0]  }
0x28: {  	s2 =	sld [smem:$0x3FA1]  }
0x29: {  	s4 =	sld [smem:$0x3FA3]  }
0x2a: {  	p0 =	seq.s32 s5, $0x0;
	s5 =	sld [smem:$0x3FA4]  }
0x2b: {  	s6 =	sld [smem:$0x3FA5]  }
0x2c: {  	s7 =	sld [smem:$0x3FA6]  }
0x2d: {  	s3 =	simm.s32 $0x108;
	s8 =	sld [smem:$0x3FA7]  }
0x2e: {  	s3 =	simm.s32 @!p0 $0x1082;
	s9 =	sld [smem:$0x3FA8]  }
0x2f: {  	lr =	sadd.s32 s0, s3;
	s0 =	sld [smem:$0x3F9F]  }
0x30: {  	s3 =	sld [smem:$0x3FA2]  }
0x31: {  	[smem:$0x3FAB] =	sst s10  }
0x32: {  	s10 =	sld [smem:$0x3FA9];
	_ =	sdelay $0x3  }
0x33: {  	p0 =	seq.s32 s10, $0x1;
	s10 =	sld [smem:$0x3FAB];
	_ =	sdelay $0x3  }
0x34: {  	[smem:$0x3FAB] =	sst s10  }
0x35: {  	s10 =	sld [smem:$0x3FAA];
	_ =	sdelay $0x3  }
0x36: {  	p1 =	seq.s32 s10, $0x1;
	s10 =	sld [smem:$0x3FAB];
	_ =	sdelay $0x3  }
0x37: {  	[smem:$0x3FAB] =	sst s10  }
0x38: {  	s10 =	sld [smem:$0x3FAC]  }
0x39: {  	_ = 	snop;
	(pc) =	sbr.ind lr, $3  }
0x3a: {  	_ = 	snop  }
0x3b: {  	_ = 	snop  }
0x3c: {  	p2 =	seq.s32 s10, $0x1;
	s10 =	sld [smem:$0x3FAB]  }
0x3d: {  	_ =	shalt  }
0x3e: {  	_ =	shalt  }
0x3f: {  	_ =	shalt  }
0x40: {  	_ =	shalt  }
0x41: {  	_ =	shalt  }
0x42: {  	_ =	shalt  }
0x43: {  	_ =	shalt  }
0x44: {  	_ =	shalt  }
0x45: {  	_ =	shalt  }
0x46: {  	_ =	shalt  }
0x47: {  	_ =	shalt  }
0x48: {  	_ =	shalt  }
0x49: {  	_ =	shalt  }
0x4a: {  	_ =	shalt  }
0x4b: {  	_ =	shalt  }
0x4c: {  	_ =	shalt  }
0x4d: {  	_ =	shalt  }
0x4e: {  	_ =	shalt  }
0x4f: {  	_ =	shalt  }
0x50: {  	_ =	shalt  }
0x51: {  	_ =	shalt  }
0x52: {  	_ =	shalt  }
0x53: {  	_ =	shalt  }
0x54: {  	_ =	shalt  }
0x55: {  	_ =	shalt  }
0x56: {  	_ =	shalt  }
0x57: {  	_ =	shalt  }
0x58: {  	_ =	shalt  }
0x59: {  	_ =	shalt  }
0x5a: {  	_ =	shalt  }
0x5b: {  	_ =	shalt  }
0x5c: {  	_ =	shalt  }
0x5d: {  	_ =	shalt  }
0x5e: {  	_ =	shalt  }
0x5f: {  	_ =	shalt  }
0x60: {  	_ =	shalt  }
0x61: {  	_ =	shalt  }
0x62: {  	_ =	shalt  }
0x63: {  	_ =	shalt  }
0x64: {  	_ =	shalt  }
0x65: {  	_ =	shalt  }
0x66: {  	_ =	shalt  }
0x67: {  	_ =	shalt  }
0x68: {  	_ =	shalt  }
0x69: {  	_ =	shalt  }
0x6a: {  	_ =	shalt  }
0x6b: {  	_ =	shalt  }
0x6c: {  	_ =	shalt  }
0x6d: {  	_ =	shalt  }
0x6e: {  	_ =	shalt  }
0x6f: {  	_ =	shalt  }
0x70: {  	_ =	shalt  }
0x71: {  	_ =	shalt  }
0x72: {  	_ =	shalt  }
0x73: {  	_ =	shalt  }
0x74: {  	_ =	shalt  }
0x75: {  	_ =	shalt  }
0x76: {  	_ =	shalt  }
0x77: {  	_ =	shalt  }
0x78: {  	_ =	shalt  }
0x79: {  	_ =	shalt  }
0x7a: {  	_ =	shalt  }
0x7b: {  	_ =	shalt  }
0x7c: {  	_ =	shalt  }
0x7d: {  	_ =	shalt  }
0x7e: {  	_ =	shalt  }
0x7f: {  	_ =	shalt  }
0x80: {  	_ =	shalt  }
0x81: {  	_ =	shalt  }
0x82: {  	_ =	shalt  }
0x83: {  	_ =	shalt  }
0x84: {  	_ =	shalt  }
0x85: {  	_ =	shalt  }
0x86: {  	_ =	shalt  }
0x87: {  	_ =	shalt  }
.Lfunc_end0:
.L_simem_size_0:
called_computation_lowered:
.L_overlay_start_0:
0x88: {  	s2 =	sld [smem:$0x3FD9]  }
0x89: {  	s3 =	sld [smem:$0x3FFE];
	_ =	sdelay $0x1  }
0x8a: {  	s1 =	srdreg.scid  }
0x8b: {  	s0 =	sand.u32 $0x1, s1  }
0x8c: {  	s14 =	sshll.u32 s0, $0xA;
	s2 =	sadd.s32 s3, s2  }
0x8d: {  	s2 =	sadd.s32 s2, s14  }
0x8e: {  	[smem:$0x3FB7] =	sst s2  }
0x8f: {  	_ = 	snop  }
0x90: {  	s2 =	sld [smem:$0x3FD0];
	_ =	sdelay $0x2  }
0x91: {  	s15 =	simm.s32 $0xA;
	s4 =	simm.s32 $0x10  }
0x92: {  	[smem:s4], [sflag:s15] =	dma.local [hbm:s2], $0x1  }
0x93: {  	_ =	swait.eq [sflag:s15], $0x1  }
0x94: {  	[sflag:s15] =	ssyncset.done $0x0  }
0x95: {  	s16 =	sld [smem:$0x10];
	[sflag:s15] =	ssyncadd.s32 $0xFFFFFFFF  }
0x96: {  	s17 =	sld [smem:$0x12];
	(tm) =	ssettm $0x1  }
0x97: {  	s18 =	sld [smem:$0x3FFB];
	_ =	sdelay $0x3  }
0x98: {  	_ =	strace s18  }
0x99: {  	s4 =	sld [smem:$0x3FFC];
	_ =	sdelay $0x3  }
0x9a: {  	_ =	strace s4  }
0x9b: {  	s4 =	sld [smem:$0x3FFD];
	_ =	sdelay $0x3  }
0x9c: {  	_ =	strace s4  }
0x9d: {  	_ =	strace $0x8FFFFFFF  }
0x9e: {  	s19 =	sld [smem:$0x3FDB];
	_ =	sdelay $0x1  }
0x9f: {  	s5 =	simm.s32 $_scs_section_size  }
0xa0: {  	s6 =	simm.s32 $_size__tile_overlayer_lowered;
	s7 =	simm.s32 $_tile_overlayer_lowered  }
0xa1: {  	s22 =	simm.s32 $0x1BFF;
	s21 =	sshll.u32 s7, $0x1;
	s4 =	sadd.s32 s5, s19  }
0xa2: {  	s8 =	simm.s32 $0x0;
	s20 =	sshll.u32 s6, $0x1;
	s6 =	sadd.s32 s21, s4  }
0xa3: {  	[timem:s8], [sflag:s22] =	dma.local [hbm:s6], s20  }
0xa4: {  	_ =	swait.ge [sflag:s22], s20  }
0xa5: {  	s5 =	ssub.s32 $0x0, s20;
	[sflag:s22] =	ssyncset.done $0x0  }
0xa6: {  	[sflag:s22] =	ssyncadd.s32 s5;
	_ =	sdelay $0x1  }
0xa7: {  	s23 =	simm.s32 $0x1B8B  }
0xa8: {  	_ =	swait.ge [sflag:s23], $0x1  }
0xa9: {  	[sflag:s23] =	ssyncset.done $0x0  }
0xaa: {  	s25 =	simm.s32 $0x1B8E;
	s24 =	sld [smem:$0x3FFE];
	[sflag:s23] =	ssyncadd.s32 $0xFFFFFFFF  }
0xab: {  	s26 =	simm.s32 $execute0_lowered;
	[smem:$0x3FD2] =	sst s25  }
0xac: {  	s6 =	sshll.u32 s26, $0x1;
	_ =	strace $0x80000046;
	[dreg:$0x1] =	wrdreg $0xFFFFFFFF  }
0xad: {  	s28 =	simm.s32 $_size_execute0_lowered;
	s4 =	sadd.s32 s4, s6;
	[dreg:$0x0] =	wrdreg $0x0  }
0xae: {  	s6 =	sshll.u32 s28, $0x1;
	[dreg:$0x2] =	wrdreg s4  }
0xaf: {  	[dreg:$0x3] =	wrdreg s6  }
0xb0: {  	[dreg:$0x4] =	wrdreg $0xC0  }
0xb1: {  	_ =	task [dreg:s8], $0x5FFFF  }
0xb2: {  	[dreg:$0x1] =	wrdreg $0xFFFFFFFF  }
0xb3: {  	[dreg:$0x0] =	wrdreg $0x60  }
0xb4: {  	[dreg:$0x2] =	wrdreg s17  }
0xb5: {  	[dreg:$0x3] =	wrdreg s16  }
0xb6: {  	[dreg:$0x4] =	wrdreg s24  }
0xb7: {  	[dreg:$0x5] =	wrdreg $0x80800  }
0xb8: {  	[dreg:$0x6] =	wrdreg $0x9  }
0xb9: {  	_ =	task.clear_ibuf [dreg:s8], $0x7FFFF;
	_ =	strace $0x90000046  }
0xba: {  	s29 =	simm.s32 $0x9;
	_ =	strace $0x80000048  }
0xbb: {  	_ =	swait.ge [sflag:s29], $0x1  }
0xbc: {  	[sflag:s29] =	ssyncadd.s32 $0xFFFFFFFF  }
0xbd: {  	_ =	strace $0x90000048  }
0xbe: {  	_ =	sfence  }
0xbf: {  	s30 =	sld [smem:$0x0];
	_ =	sdelay $0x2  }
0xc0: {  	s31 =	sshll.u32 s1, $0xD;
	s1 =	sshrl.u32 s1, $0x2  }
0xc1: {  	s3 =	sand.u32 $0x4000, s31;
	s1 =	sadd.s32 s1, s30  }
0xc2: {  	s0 =	sor.u32 s3, s0;
	s1 =	sshll.u32 s1, $0x11  }
0xc3: {  	s0 =	sor.u32 s1, s0  }
0xc4: {  	s0 =	sadd.s32 $0x8F2B, s0  }
0xc5: {  	[sflag:s0] =	ssyncadd.remote.s32 $0x1  }
0xc6: {  	_ =	sfence.sel $0xFFFF  }
0xc7: {  	[dreg:$0x0] =	wrdreg $0xFFFFFFFF;
	(pc) =	sbr.abs _section_cstart, $3  }
0xc8: {  	[dreg:$0x1] =	wrdreg $0xFFFFFFFF  }
0xc9: {  	_ =	task.clear_ibuf [dreg:s8], $0x2FFFF;
	_ =	strace $0x9FFFFFFF  }
0xca: {  	(tm) =	ssettm $0x7FFFFFFF  }
0xcb: {  	_ =	shalt  }
tec
execute0_lowered:
.L_overlay_start_1:
0x0: {  	(tag) =	ssettag $0x1  }
0x1: {  	s5 =	rddreg [dreg:$0x0]  }
0x2: {  	s2 =	rddreg [dreg:$0x1]  }
0x3: {  	s6 =	rddreg [dreg:$0x2]  }
0x4: {  	s3 =	rddreg [dreg:$0x3]  }
0x5: {  	s0 =	rddreg [dreg:$0x4]  }
0x6: {  	s1 =	stileid.u32;
	s7 =	srdreg.scid  }
0x7: {  	s4 =	simm.s32 $0x0;
	s13 =	simm.s32 $0x50;
	s14 =	simm.s32 $0x1  }
0x8: {  	s15 =	simm.s32 $0x0;
	s8 =	smul.u32 $0x280, s1;
	s7 =	sand.u32 $0x1, s7  }
0x9: {  	[smem:$0x7FF] =	sst s4;
	s29 =	sshll.u32 s1, $0xC;
	s31 =	sshll.u32 s1, $0x6  }
0xa: {  	s9 =	smul.u32 $0x2800, s7;
	_ =	strace $0x80000047;
	s11 =	ssub.s32 $0x2, s7  }
0xb: {  	s7 =	sshll.u32 s7, $0x10;
	s10 =	sshrl.u32 s8, $0x3;
	s12 =	sshrl.u32 s11, $0x1  }
0xc: {  	s30 =	sadd.s32 s8, s3;
	s9 =	sadd.s32 s8, s9;
	s10 =	sadd.s32 s10, s6  }
0xd: {  	s11 =	ssub.s32 s11, s12;
	s12 =	sshrl.u32 s30, $0x3;
	s9 =	sshrl.u32 s9, $0x3  }
0xe: {  	s8 =	smax.u32 s11, $0x1;
	s11 =	sor.u32 $0x1C02, s31;
	s9 =	sadd.s32 s9, s6  }
0xf: {  	s6 =	sadd.s32 s5, s29;
	s5 =	sadd.s32 $0x4A00, s10;
	s10 =	simm.s32 $0x2  }
0x10: {  	s6 =	sadd.s32 s7, s6;
	s7 =	sadd.s32 $0x5000, s9;
	s9 =	simm.s32 $0x8000  }
.LBB2_1:
0x11: {  	[tilespmem:s9], [sflag:$0x2] =	stream.linear.gather [hbm4b:s2+s4], $0x80, $0x38;
	[tilespmem:$0x8300] =	vst v63  }
0x12: {  	_ =	swait.ge [sflag:s10], $0x80  }
0x13: {  	[sflag:s10] =	ssyncset.done $0x0  }
0x14: {  	[sflag:s10] =	ssyncadd.s32 $0xFFFFFF80  }
0x15: {  	[spmem:s12], [sflag:s11] =	dma.local [hbm:s5], $0x50  }
0x16: {  	_ =	swait.ge [sflag:s10], $0x50  }
0x17: {  	[sflag:s10] =	ssyncset.done $0x0  }
0x18: {  	[sflag:s10] =	ssyncadd.s32 $0xFFFFFFB0  }
0x19: {  	[tilespmem:s4], [sflag:$0x2] =	stream.linear.gather [hbm4b:s6+s4], $0x7D00, $0x38;
	[tilespmem:$0x8300] =	vst v63  }
0x1a: {  	_ =	swait.ge [sflag:s10], $0x7D00  }
0x1b: {  	[sflag:s10] =	ssyncset.done $0x0  }
0x1c: {  	[sflag:s10] =	ssyncadd.s32 $0xFFFF8300  }
0x1d: {  	s16 =	simm.s32 $0x0;
	[bflag:$0x0] =	sbarrier.arrive $0xFFFF  }
0x1e: {  	[spmem:s3] =	stream.indirect.scatter.add.f32 [tilespmem:s9], [sflag:$0x1], $0x1, s16, s13, $0xb8;
	[tilespmem:$0x8300] =	vst v63  }
0x1f: {  	s22 =	simm.s32 $0x80  }
0x20: {  	[spmem:s3] =	stream.indirect.scatter.add.f32 [tilespmem:s9], [sflag:$0x1], $0x1, s22, s13, $0xb8;
	[tilespmem:$0x8300] =	vst v63  }
0x21: {  	s23 =	simm.s32 $0x100  }
0x22: {  	[spmem:s3] =	stream.indirect.scatter.add.f32 [tilespmem:s9], [sflag:$0x1], $0x1, s23, s13, $0xb8;
	[tilespmem:$0x8300] =	vst v63  }
0x23: {  	s24 =	simm.s32 $0x180  }
0x24: {  	[spmem:s3] =	stream.indirect.scatter.add.f32 [tilespmem:s9], [sflag:$0x1], $0x1, s24, s13, $0xb8;
	[tilespmem:$0x8300] =	vst v63  }
0x25: {  	s25 =	simm.s32 $0x200  }
0x26: {  	[spmem:s3] =	stream.indirect.scatter.add.f32 [tilespmem:s9], [sflag:$0x1], $0x1, s25, s13, $0xb8;
	[tilespmem:$0x8300] =	vst v63  }
0x27: {  	s26 =	simm.s32 $0x280  }
0x28: {  	[spmem:s3] =	stream.indirect.scatter.add.f32 [tilespmem:s9], [sflag:$0x1], $0x1, s26, s13, $0xb8;
	[tilespmem:$0x8300] =	vst v63  }
0x29: {  	s28 =	simm.s32 $0x300  }
0x2a: {  	[spmem:s3] =	stream.indirect.scatter.add.f32 [tilespmem:s9], [sflag:$0x1], $0x1, s28, s13, $0xb8;
	[tilespmem:$0x8300] =	vst v63  }
0x2b: {  	s29 =	simm.s32 $0x380  }
0x2c: {  	[spmem:s3] =	stream.indirect.scatter.add.f32 [tilespmem:s9], [sflag:$0x1], $0x1, s29, s13, $0xb8;
	[tilespmem:$0x8300] =	vst v63  }
0x2d: {  	s30 =	simm.s32 $0x400  }
0x2e: {  	[spmem:s3] =	stream.indirect.scatter.add.f32 [tilespmem:s9], [sflag:$0x1], $0x1, s30, s13, $0xb8;
	[tilespmem:$0x8300] =	vst v63  }
0x2f: {  	s31 =	simm.s32 $0x480  }
0x30: {  	[spmem:s3] =	stream.indirect.scatter.add.f32 [tilespmem:s9], [sflag:$0x1], $0x1, s31, s13, $0xb8;
	[tilespmem:$0x8300] =	vst v63  }
0x31: {  	_ =	swait.ge [sflag:s14], $0x50  }
0x32: {  	[sflag:s14] =	ssyncset.done $0x0  }
0x33: {  	[sflag:s14] =	ssyncadd.s32 $0xFFFFFFB0  }
0x34: {  	_ =	swait.ge [sflag:s14], $0x50  }
0x35: {  	[sflag:s14] =	ssyncset.done $0x0  }
0x36: {  	[sflag:s14] =	ssyncadd.s32 $0xFFFFFFB0  }
0x37: {  	_ =	swait.ge [sflag:s14], $0x50  }
0x38: {  	[sflag:s14] =	ssyncset.done $0x0  }
0x39: {  	[sflag:s14] =	ssyncadd.s32 $0xFFFFFFB0  }
0x3a: {  	_ =	swait.ge [sflag:s14], $0x50  }
0x3b: {  	[sflag:s14] =	ssyncset.done $0x0  }
0x3c: {  	[sflag:s14] =	ssyncadd.s32 $0xFFFFFFB0  }
0x3d: {  	_ =	swait.ge [sflag:s14], $0x50  }
0x3e: {  	[sflag:s14] =	ssyncset.done $0x0  }
0x3f: {  	[sflag:s14] =	ssyncadd.s32 $0xFFFFFFB0  }
0x40: {  	_ =	swait.ge [sflag:s14], $0x50  }
0x41: {  	[sflag:s14] =	ssyncset.done $0x0  }
0x42: {  	[sflag:s14] =	ssyncadd.s32 $0xFFFFFFB0  }
0x43: {  	_ =	swait.ge [sflag:s14], $0x50  }
0x44: {  	[sflag:s14] =	ssyncset.done $0x0  }
0x45: {  	[sflag:s14] =	ssyncadd.s32 $0xFFFFFFB0  }
0x46: {  	_ =	swait.ge [sflag:s14], $0x50  }
0x47: {  	[sflag:s14] =	ssyncset.done $0x0  }
0x48: {  	[sflag:s14] =	ssyncadd.s32 $0xFFFFFFB0  }
0x49: {  	_ =	swait.ge [sflag:s14], $0x50  }
0x4a: {  	[sflag:s14] =	ssyncset.done $0x0  }
0x4b: {  	[sflag:s14] =	ssyncadd.s32 $0xFFFFFFB0  }
0x4c: {  	_ =	swait.ge [sflag:s14], $0x50  }
0x4d: {  	s18 =	simm.s32 $0x2800;
	s16 =	simm.s32 $0x1400;
	[sflag:s14] =	ssyncset.done $0x0  }
.LBB2_2:
0x4e: {  	s19 =	sshra.s32 s16, $0x2  }
0x4f: {  	[sflag:s14] =	ssyncadd.s32 $0xFFFFFFB0;
	s16 =	smov.u32 s18;
	s17 =	sadd.s32 $0x1400, s18  }
0x50: {  	[spmem:s3] =	stream.indirect.scatter.add.f32 [tilespmem:s9], [sflag:$0x1], $0x1, s19, s13, $0xb8;
	[tilespmem:$0x8300] =	vst v63  }
0x51: {  	p0 =	sne.s32 s18, $0x1E000;
	s18 =	sadd.s32 $0x80, s19  }
0x52: {  	[spmem:s3] =	stream.indirect.scatter.add.f32 [tilespmem:s9], [sflag:$0x1], $0x1, s18, s13, $0xb8;
	[tilespmem:$0x8300] =	vst v63  }
0x53: {  	s18 =	sadd.s32 $0x100, s19  }
0x54: {  	[spmem:s3] =	stream.indirect.scatter.add.f32 [tilespmem:s9], [sflag:$0x1], $0x1, s18, s13, $0xb8;
	[tilespmem:$0x8300] =	vst v63  }
0x55: {  	s18 =	sadd.s32 $0x180, s19  }
0x56: {  	[spmem:s3] =	stream.indirect.scatter.add.f32 [tilespmem:s9], [sflag:$0x1], $0x1, s18, s13, $0xb8;
	[tilespmem:$0x8300] =	vst v63  }
0x57: {  	s18 =	sadd.s32 $0x200, s19  }
0x58: {  	[spmem:s3] =	stream.indirect.scatter.add.f32 [tilespmem:s9], [sflag:$0x1], $0x1, s18, s13, $0xb8;
	[tilespmem:$0x8300] =	vst v63  }
0x59: {  	s18 =	sadd.s32 $0x280, s19  }
0x5a: {  	[spmem:s3] =	stream.indirect.scatter.add.f32 [tilespmem:s9], [sflag:$0x1], $0x1, s18, s13, $0xb8;
	[tilespmem:$0x8300] =	vst v63  }
0x5b: {  	s18 =	sadd.s32 $0x300, s19  }
0x5c: {  	[spmem:s3] =	stream.indirect.scatter.add.f32 [tilespmem:s9], [sflag:$0x1], $0x1, s18, s13, $0xb8;
	[tilespmem:$0x8300] =	vst v63  }
0x5d: {  	s18 =	sadd.s32 $0x380, s19  }
0x5e: {  	[spmem:s3] =	stream.indirect.scatter.add.f32 [tilespmem:s9], [sflag:$0x1], $0x1, s18, s13, $0xb8;
	[tilespmem:$0x8300] =	vst v63  }
0x5f: {  	s18 =	sadd.s32 $0x400, s19  }
0x60: {  	[spmem:s3] =	stream.indirect.scatter.add.f32 [tilespmem:s9], [sflag:$0x1], $0x1, s18, s13, $0xb8;
	[tilespmem:$0x8300] =	vst v63  }
0x61: {  	s18 =	sadd.s32 $0x480, s19  }
0x62: {  	[spmem:s3] =	stream.indirect.scatter.add.f32 [tilespmem:s9], [sflag:$0x1], $0x1, s18, s13, $0xb8;
	[tilespmem:$0x8300] =	vst v63  }
0x63: {  	_ =	swait.ge [sflag:s14], $0x50  }
0x64: {  	[sflag:s14] =	ssyncset.done $0x0  }
0x65: {  	[sflag:s14] =	ssyncadd.s32 $0xFFFFFFB0  }
0x66: {  	_ =	swait.ge [sflag:s14], $0x50  }
0x67: {  	[sflag:s14] =	ssyncset.done $0x0  }
0x68: {  	[sflag:s14] =	ssyncadd.s32 $0xFFFFFFB0  }
0x69: {  	_ =	swait.ge [sflag:s14], $0x50  }
0x6a: {  	[sflag:s14] =	ssyncset.done $0x0  }
0x6b: {  	[sflag:s14] =	ssyncadd.s32 $0xFFFFFFB0  }
0x6c: {  	_ =	swait.ge [sflag:s14], $0x50  }
0x6d: {  	[sflag:s14] =	ssyncset.done $0x0  }
0x6e: {  	[sflag:s14] =	ssyncadd.s32 $0xFFFFFFB0  }
0x6f: {  	_ =	swait.ge [sflag:s14], $0x50  }
0x70: {  	[sflag:s14] =	ssyncset.done $0x0  }
0x71: {  	[sflag:s14] =	ssyncadd.s32 $0xFFFFFFB0  }
0x72: {  	_ =	swait.ge [sflag:s14], $0x50  }
0x73: {  	[sflag:s14] =	ssyncset.done $0x0  }
0x74: {  	[sflag:s14] =	ssyncadd.s32 $0xFFFFFFB0  }
0x75: {  	_ =	swait.ge [sflag:s14], $0x50  }
0x76: {  	[sflag:s14] =	ssyncset.done $0x0  }
0x77: {  	[sflag:s14] =	ssyncadd.s32 $0xFFFFFFB0  }
0x78: {  	_ =	swait.ge [sflag:s14], $0x50  }
0x79: {  	[sflag:s14] =	ssyncset.done $0x0  }
0x7a: {  	[sflag:s14] =	ssyncadd.s32 $0xFFFFFFB0  }
.Ltmp0:
0x7b: {  	_ =	swait.ge [sflag:s14], $0x50;
	(pc) =	sbr.rel @p0 .LBB2_2-.Ltmp0, $4  }
0x7c: {  	[sflag:s14] =	ssyncset.done $0x0  }
0x7d: {  	[sflag:s14] =	ssyncadd.s32 $0xFFFFFFB0  }
0x7e: {  	_ =	swait.ge [sflag:s14], $0x50  }
0x7f: {  	s18 =	smov.u32 s17;
	[sflag:s14] =	ssyncset.done $0x0  }
0x80: {  	s16 =	sshra.s32 s16, $0x2;
	[sflag:s14] =	ssyncadd.s32 $0xFFFFFFB0  }
0x81: {  	[spmem:s3] =	stream.indirect.scatter.add.f32 [tilespmem:s9], [sflag:$0x1], $0x1, s16, s13, $0xb8;
	[tilespmem:$0x8300] =	vst v63  }
0x82: {  	s17 =	sadd.s32 $0x80, s16  }
0x83: {  	[spmem:s3] =	stream.indirect.scatter.add.f32 [tilespmem:s9], [sflag:$0x1], $0x1, s17, s13, $0xb8;
	[tilespmem:$0x8300] =	vst v63  }
0x84: {  	s24 =	sadd.s32 $0x100, s16  }
0x85: {  	[spmem:s3] =	stream.indirect.scatter.add.f32 [tilespmem:s9], [sflag:$0x1], $0x1, s24, s13, $0xb8;
	[tilespmem:$0x8300] =	vst v63  }
0x86: {  	s25 =	sadd.s32 $0x180, s16  }
0x87: {  	[spmem:s3] =	stream.indirect.scatter.add.f32 [tilespmem:s9], [sflag:$0x1], $0x1, s25, s13, $0xb8;
	[tilespmem:$0x8300] =	vst v63  }
0x88: {  	s26 =	sadd.s32 $0x200, s16  }
0x89: {  	[spmem:s3] =	stream.indirect.scatter.add.f32 [tilespmem:s9], [sflag:$0x1], $0x1, s26, s13, $0xb8;
	[tilespmem:$0x8300] =	vst v63  }
0x8a: {  	s28 =	sadd.s32 $0x280, s16  }
0x8b: {  	[spmem:s3] =	stream.indirect.scatter.add.f32 [tilespmem:s9], [sflag:$0x1], $0x1, s28, s13, $0xb8;
	[tilespmem:$0x8300] =	vst v63  }
0x8c: {  	s29 =	sadd.s32 $0x300, s16  }
0x8d: {  	[spmem:s3] =	stream.indirect.scatter.add.f32 [tilespmem:s9], [sflag:$0x1], $0x1, s29, s13, $0xb8;
	[tilespmem:$0x8300] =	vst v63  }
0x8e: {  	s30 =	sadd.s32 $0x380, s16  }
0x8f: {  	[spmem:s3] =	stream.indirect.scatter.add.f32 [tilespmem:s9], [sflag:$0x1], $0x1, s30, s13, $0xb8;
	[tilespmem:$0x8300] =	vst v63  }
0x90: {  	s31 =	sadd.s32 $0x400, s16  }
0x91: {  	[spmem:s3] =	stream.indirect.scatter.add.f32 [tilespmem:s9], [sflag:$0x1], $0x1, s31, s13, $0xb8;
	[tilespmem:$0x8300] =	vst v63  }
0x92: {  	s16 =	sadd.s32 $0x480, s16  }
0x93: {  	[spmem:s3] =	stream.indirect.scatter.add.f32 [tilespmem:s9], [sflag:$0x1], $0x1, s16, s13, $0xb8;
	[tilespmem:$0x8300] =	vst v63  }
0x94: {  	_ =	swait.ge [sflag:s14], $0x50  }
0x95: {  	[sflag:s14] =	ssyncset.done $0x0  }
0x96: {  	[sflag:s14] =	ssyncadd.s32 $0xFFFFFFB0  }
0x97: {  	_ =	swait.ge [sflag:s14], $0x50  }
0x98: {  	[sflag:s14] =	ssyncset.done $0x0  }
0x99: {  	[sflag:s14] =	ssyncadd.s32 $0xFFFFFFB0  }
0x9a: {  	_ =	swait.ge [sflag:s14], $0x50  }
0x9b: {  	[sflag:s14] =	ssyncset.done $0x0  }
0x9c: {  	[sflag:s14] =	ssyncadd.s32 $0xFFFFFFB0  }
0x9d: {  	_ =	swait.ge [sflag:s14], $0x50  }
0x9e: {  	[sflag:s14] =	ssyncset.done $0x0  }
0x9f: {  	[sflag:s14] =	ssyncadd.s32 $0xFFFFFFB0  }
0xa0: {  	_ =	swait.ge [sflag:s14], $0x50  }
0xa1: {  	[sflag:s14] =	ssyncset.done $0x0  }
0xa2: {  	[sflag:s14] =	ssyncadd.s32 $0xFFFFFFB0  }
0xa3: {  	_ =	swait.ge [sflag:s14], $0x50  }
0xa4: {  	[sflag:s14] =	ssyncset.done $0x0  }
0xa5: {  	[sflag:s14] =	ssyncadd.s32 $0xFFFFFFB0  }
0xa6: {  	_ =	swait.ge [sflag:s14], $0x50  }
0xa7: {  	[sflag:s14] =	ssyncset.done $0x0  }
0xa8: {  	[sflag:s14] =	ssyncadd.s32 $0xFFFFFFB0  }
0xa9: {  	_ =	swait.ge [sflag:s14], $0x50  }
0xaa: {  	[sflag:s14] =	ssyncset.done $0x0  }
0xab: {  	[sflag:s14] =	ssyncadd.s32 $0xFFFFFFB0  }
0xac: {  	_ =	swait.ge [sflag:s14], $0x50  }
0xad: {  	[sflag:s14] =	ssyncset.done $0x0  }
0xae: {  	[sflag:s14] =	ssyncadd.s32 $0xFFFFFFB0  }
0xaf: {  	_ =	swait.ge [sflag:s14], $0x50  }
0xb0: {  	s15 =	sadd.s32 $0x1, s15;
	[sflag:s14] =	ssyncset.done $0x0  }
0xb1: {  	p0 =	sne.s32 s15, s8;
	[sflag:s14] =	ssyncadd.s32 $0xFFFFFFB0  }
.Ltmp1:
0xb2: {  	[bflag:$0x0] =	sbarrier.arrive $0xFFFF;
	(pc) =	sbr.rel @p0 .LBB2_1-.Ltmp1, $4  }
0xb3: {  	[hbm:s7], [sflag:s11] =	dma.local [spmem:s12], $0x50  }
0xb4: {  	_ =	swait.ge [sflag:s10], $0x50  }
0xb5: {  	[sflag:s10] =	ssyncset.done $0x0  }
0xb6: {  	[sflag:s10] =	ssyncadd.s32 $0xFFFFFFB0  }
0xb7: {  	_ =	sfence.sel $0x180000  }
0xb8: {  	[bflag:$0x0] =	sbarrier.arrive $0xFFFF  }
0xb9: {  	p0 =	sne.s32 s1, $0x0;
	_ =	strace $0x90000047  }
0xba: {  	s0 =	sadd.s32 @!p0 $0x100000, s0;
	[bflag:$0x2] =	sbarrier.arrive $0xFFFF  }
0xbb: {  	[sflag:s0] =	ssyncadd.tile.s32 @!p0 $0x1;
	_ =	shalt  }
.Lfunc_end2:
_tile_overlayer_lowered:
.L_overlay_start_2:
0xbc: {  	(tag) =	ssettag $0x2  }
0xbd: {  	s0 =	rddreg [dreg:$0x0];
	s2 =	stileid.u32  }
0xbe: {  	s1 =	rddreg [dreg:$0x1];
	p0 =	sne.s32 s2, $0x0  }
0xbf: {  	s3 =	rddreg [dreg:$0x2];
	[bflag:$0x3] =	sbarrier.arrive $0xFFFF;
	s2 =	simm.s32 @!p0 $0x1C02  }
0xc0: {  	[timem:s3], [sflag:s2] =	dma.local @!p0 [hbm:s0], s1  }
0xc1: {  	s0 =	simm.s32 @!p0 $0x2  }
0xc2: {  	_ =	swait.ge @!p0 [sflag:s0], s1  }
0xc3: {  	s1 =	ssub.s32 @!p0 $0x0, s1;
	[sflag:s0] =	ssyncset.done @!p0 $0x0  }
0xc4: {  	[sflag:s0] =	ssyncadd.s32 @!p0 s1  }
0xc5: {  	[bflag:$0x3] =	sbarrier.arrive $0xFFFF  }
0xc6: {  	_ =	shalt  }

// kernel: kernel.17.cloned.1.call-start
scs
__scs_entry_jumppad:
0x0: {  	(pc) =	sbr.rel $0x88, $3  }
0x1: {  	(tag) =	ssettag $0x0;
	lr =	simm.s32 $0x1  }
0x2: {  	[smem:$0x3F90] =	sst lr;
	_ =	strace $0xD0000000  }
0x3: {  	_ = 	snop  }
0x4: {  	_ = 	snop  }
0x5: {  	_ = 	snop  }
0x6: {  	_ = 	snop  }
0x7: {  	_ = 	snop  }
__scs_overlays_trampoline_lowered:
0x8: {  	[smem:$0x3F9F] =	sst s0  }
0x9: {  	[smem:$0x3FA0] =	sst s1  }
0xa: {  	[smem:$0x3FA1] =	sst s2  }
0xb: {  	[smem:$0x3FA2] =	sst s3  }
0xc: {  	[smem:$0x3FA3] =	sst s4  }
0xd: {  	[smem:$0x3FA4] =	sst s5  }
0xe: {  	[smem:$0x3FA5] =	sst s6  }
0xf: {  	[smem:$0x3FA6] =	sst s7  }
0x10: {  	[smem:$0x3FA7] =	sst s8  }
0x11: {  	[smem:$0x3FA8] =	sst s9;
	s0 =	simm.s32 @!p0 $0x0  }
0x12: {  	s1 =	sld [smem:$0x3F8E];
	s0 =	simm.s32 @p0 $0x1  }
0x13: {  	[smem:$0x3FA9] =	sst s0;
	s0 =	simm.s32 @!p1 $0x0  }
0x14: {  	s2 =	sld [smem:$0x3F8D];
	s0 =	simm.s32 @p1 $0x1  }
0x15: {  	[smem:$0x3FAA] =	sst s0;
	s0 =	simm.s32 @!p2 $0x0  }
0x16: {  	s3 =	sld [smem:$0x3FDB];
	s0 =	simm.s32 @p2 $0x1  }
0x17: {  	s4 =	simm.s32 $0x1BF5;
	[smem:$0x3FAC] =	sst s0  }
0x18: {  	s0 =	sld [smem:$0x3F8F];
	_ =	swait.ge [sflag:s4], $0x0  }
0x19: {  	s7 =	sld [smem:$0x3F90]  }
0x1a: {  	s8 =	sadd.s32 $0xFFFFE003, lr  }
0x1b: {  	s9 =	sadd.s32 $0xFFFFFEF7, lr;
	s5 =	simm.s32 $0xFFFFFFFF;
	p2 =	slt.u32 s8, $0xFFFFF086  }
0x1c: {  	p1 =	slt.u32 s9, $0xF7A;
	s5 =	simm.s32 @!p2 $0x0  }
0x1d: {  	s5 =	simm.s32 @p1 $0x1;
	p0 =	seq.s32 s7, s2  }
0x1e: {  	s7 =	smul.u32 @!p0 $0xF7A, s2;
	p2 =	seq.s32 @!p0 s5, $0x0  }
0x1f: {  	s9 =	smul.u32 $0xF7A, s1;
	s8 =	simm.s32 @!p0 $0x1BF5;
	p2 =	por !p2, p0  }
0x20: {  	[sflag:s8] =	ssyncset.s32 @!p0 $0xFFFFF086;
	s6 =	sadd.s32 @!p0 s3, s7;
	s7 =	simm.s32 @!p0 $0x108  }
0x21: {  	s3 =	sadd.s32 s3, s9;
	s6 =	sadd.s32 @!p0 $0x88, s6;
	s7 =	simm.s32 @p2 $0x1082  }
0x22: {  	[simem:s7], [sflag:s8] =	dma.local @!p0 [hbm:s6], $0xF7A  }
0x23: {  	s9 =	sor.u32 $0xD0000000, s2;
	s6 =	simm.s32 $0x108;
	_ =	swait.ge @!p0 [sflag:s8], $0x0  }
0x24: {  	s3 =	sadd.s32 $0x88, s3;
	s6 =	simm.s32 @!p1 $0x1082;
	[sflag:s4] =	ssyncset.s32 $0xFFFFF086  }
0x25: {  	[simem:s6], [sflag:s4] =	dma.local [hbm:s3], $0xF7A  }
0x26: {  	[smem:$0x3F90] =	sst s1;
	(tag) =	ssettag s2;
	_ =	strace s9  }
0x27: {  	s1 =	sld [smem:$0x3FA0]  }
0x28: {  	s2 =	sld [smem:$0x3FA1]  }
0x29: {  	s4 =	sld [smem:$0x3FA3]  }
0x2a: {  	p0 =	seq.s32 s5, $0x0;
	s5 =	sld [smem:$0x3FA4]  }
0x2b: {  	s6 =	sld [smem:$0x3FA5]  }
0x2c: {  	s7 =	sld [smem:$0x3FA6]  }
0x2d: {  	s3 =	simm.s32 $0x108;
	s8 =	sld [smem:$0x3FA7]  }
0x2e: {  	s3 =	simm.s32 @!p0 $0x1082;
	s9 =	sld [smem:$0x3FA8]  }
0x2f: {  	lr =	sadd.s32 s0, s3;
	s0 =	sld [smem:$0x3F9F]  }
0x30: {  	s3 =	sld [smem:$0x3FA2]  }
0x31: {  	[smem:$0x3FAB] =	sst s10  }
0x32: {  	s10 =	sld [smem:$0x3FA9];
	_ =	sdelay $0x3  }
0x33: {  	p0 =	seq.s32 s10, $0x1;
	s10 =	sld [smem:$0x3FAB];
	_ =	sdelay $0x3  }
0x34: {  	[smem:$0x3FAB] =	sst s10  }
0x35: {  	s10 =	sld [smem:$0x3FAA];
	_ =	sdelay $0x3  }
0x36: {  	p1 =	seq.s32 s10, $0x1;
	s10 =	sld [smem:$0x3FAB];
	_ =	sdelay $0x3  }
0x37: {  	[smem:$0x3FAB] =	sst s10  }
0x38: {  	s10 =	sld [smem:$0x3FAC]  }
0x39: {  	_ = 	snop;
	(pc) =	sbr.ind lr, $3  }
0x3a: {  	_ = 	snop  }
0x3b: {  	_ = 	snop  }
0x3c: {  	p2 =	seq.s32 s10, $0x1;
	s10 =	sld [smem:$0x3FAB]  }
0x3d: {  	_ =	shalt  }
0x3e: {  	_ =	shalt  }
0x3f: {  	_ =	shalt  }
0x40: {  	_ =	shalt  }
0x41: {  	_ =	shalt  }
0x42: {  	_ =	shalt  }
0x43: {  	_ =	shalt  }
0x44: {  	_ =	shalt  }
0x45: {  	_ =	shalt  }
0x46: {  	_ =	shalt  }
0x47: {  	_ =	shalt  }
0x48: {  	_ =	shalt  }
0x49: {  	_ =	shalt  }
0x4a: {  	_ =	shalt  }
0x4b: {  	_ =	shalt  }
0x4c: {  	_ =	shalt  }
0x4d: {  	_ =	shalt  }
0x4e: {  	_ =	shalt  }
0x4f: {  	_ =	shalt  }
0x50: {  	_ =	shalt  }
0x51: {  	_ =	shalt  }
0x52: {  	_ =	shalt  }
0x53: {  	_ =	shalt  }
0x54: {  	_ =	shalt  }
0x55: {  	_ =	shalt  }
0x56: {  	_ =	shalt  }
0x57: {  	_ =	shalt  }
0x58: {  	_ =	shalt  }
0x59: {  	_ =	shalt  }
0x5a: {  	_ =	shalt  }
0x5b: {  	_ =	shalt  }
0x5c: {  	_ =	shalt  }
0x5d: {  	_ =	shalt  }
0x5e: {  	_ =	shalt  }
0x5f: {  	_ =	shalt  }
0x60: {  	_ =	shalt  }
0x61: {  	_ =	shalt  }
0x62: {  	_ =	shalt  }
0x63: {  	_ =	shalt  }
0x64: {  	_ =	shalt  }
0x65: {  	_ =	shalt  }
0x66: {  	_ =	shalt  }
0x67: {  	_ =	shalt  }
0x68: {  	_ =	shalt  }
0x69: {  	_ =	shalt  }
0x6a: {  	_ =	shalt  }
0x6b: {  	_ =	shalt  }
0x6c: {  	_ =	shalt  }
0x6d: {  	_ =	shalt  }
0x6e: {  	_ =	shalt  }
0x6f: {  	_ =	shalt  }
0x70: {  	_ =	shalt  }
0x71: {  	_ =	shalt  }
0x72: {  	_ =	shalt  }
0x73: {  	_ =	shalt  }
0x74: {  	_ =	shalt  }
0x75: {  	_ =	shalt  }
0x76: {  	_ =	shalt  }
0x77: {  	_ =	shalt  }
0x78: {  	_ =	shalt  }
0x79: {  	_ =	shalt  }
0x7a: {  	_ =	shalt  }
0x7b: {  	_ =	shalt  }
0x7c: {  	_ =	shalt  }
0x7d: {  	_ =	shalt  }
0x7e: {  	_ =	shalt  }
0x7f: {  	_ =	shalt  }
0x80: {  	_ =	shalt  }
0x81: {  	_ =	shalt  }
0x82: {  	_ =	shalt  }
0x83: {  	_ =	shalt  }
0x84: {  	_ =	shalt  }
0x85: {  	_ =	shalt  }
0x86: {  	_ =	shalt  }
0x87: {  	_ =	shalt  }
.Lfunc_end0:
.L_simem_size_0:
called_computation.1_lowered:
.L_overlay_start_0:
0x88: {  	s2 =	sld [smem:$0x3FD9]  }
0x89: {  	s3 =	sld [smem:$0x3FFE];
	_ =	sdelay $0x1  }
0x8a: {  	s1 =	srdreg.scid  }
0x8b: {  	s0 =	sand.u32 $0x1, s1  }
0x8c: {  	s14 =	sshll.u32 s0, $0xA;
	s2 =	sadd.s32 s3, s2  }
0x8d: {  	s2 =	sadd.s32 s2, s14  }
0x8e: {  	[smem:$0x3FB7] =	sst s2  }
0x8f: {  	_ = 	snop  }
0x90: {  	s2 =	sld [smem:$0x3FD0];
	_ =	sdelay $0x2  }
0x91: {  	s15 =	simm.s32 $0xA;
	s4 =	simm.s32 $0x10  }
0x92: {  	[smem:s4], [sflag:s15] =	dma.local [hbm:s2], $0x1  }
0x93: {  	_ =	swait.eq [sflag:s15], $0x1  }
0x94: {  	[sflag:s15] =	ssyncset.done $0x0  }
0x95: {  	[sflag:s15] =	ssyncadd.s32 $0xFFFFFFFF  }
0x96: {  	s16 =	sld [smem:$0x12];
	(tm) =	ssettm $0x1  }
0x97: {  	s17 =	sld [smem:$0x3FFB];
	_ =	sdelay $0x3  }
0x98: {  	_ =	strace s17  }
0x99: {  	s3 =	sld [smem:$0x3FFC];
	_ =	sdelay $0x3  }
0x9a: {  	_ =	strace s3  }
0x9b: {  	s3 =	sld [smem:$0x3FFD];
	_ =	sdelay $0x3  }
0x9c: {  	_ =	strace s3  }
0x9d: {  	_ =	strace $0x8FFFFFFF  }
0x9e: {  	s18 =	sld [smem:$0x3FDB];
	_ =	sdelay $0x1  }
0x9f: {  	s19 =	simm.s32 $_scs_section_size  }
0xa0: {  	s5 =	simm.s32 $_size__tile_overlayer_lowered;
	s6 =	simm.s32 $_tile_overlayer_lowered  }
0xa1: {  	s22 =	simm.s32 $0x1BFF;
	s21 =	sshll.u32 s6, $0x1;
	s3 =	sadd.s32 s19, s18  }
0xa2: {  	s7 =	simm.s32 $0x0;
	s20 =	sshll.u32 s5, $0x1;
	s5 =	sadd.s32 s21, s3  }
0xa3: {  	[timem:s7], [sflag:s22] =	dma.local [hbm:s5], s20  }
0xa4: {  	_ =	swait.ge [sflag:s22], s20  }
0xa5: {  	s4 =	ssub.s32 $0x0, s20;
	[sflag:s22] =	ssyncset.done $0x0  }
0xa6: {  	[sflag:s22] =	ssyncadd.s32 s4;
	_ =	sdelay $0x1  }
0xa7: {  	s23 =	simm.s32 $0x1B8B  }
0xa8: {  	_ =	swait.ge [sflag:s23], $0x1  }
0xa9: {  	[sflag:s23] =	ssyncset.done $0x0  }
0xaa: {  	s25 =	simm.s32 $0x1B8E;
	s24 =	sld [smem:$0x3FFE];
	[sflag:s23] =	ssyncadd.s32 $0xFFFFFFFF  }
0xab: {  	s26 =	simm.s32 $execute0_lowered;
	[smem:$0x3FD2] =	sst s25  }
0xac: {  	s5 =	sshll.u32 s26, $0x1;
	_ =	strace $0x80000049;
	[dreg:$0x1] =	wrdreg $0xFFFFFFFF  }
0xad: {  	s28 =	simm.s32 $_size_execute0_lowered;
	s3 =	sadd.s32 s3, s5;
	[dreg:$0x0] =	wrdreg $0x0  }
0xae: {  	s5 =	sshll.u32 s28, $0x1;
	[dreg:$0x2] =	wrdreg s3  }
0xaf: {  	[dreg:$0x3] =	wrdreg s5  }
0xb0: {  	[dreg:$0x4] =	wrdreg $0xC0  }
0xb1: {  	_ =	task [dreg:s7], $0x5FFFF  }
0xb2: {  	[dreg:$0x1] =	wrdreg $0xFFFFFFFF  }
0xb3: {  	[dreg:$0x0] =	wrdreg $0x60  }
0xb4: {  	[dreg:$0x2] =	wrdreg s24  }
0xb5: {  	[dreg:$0x3] =	wrdreg s16  }
0xb6: {  	[dreg:$0x4] =	wrdreg $0xBC000  }
0xb7: {  	[dreg:$0x5] =	wrdreg $0x9  }
0xb8: {  	_ =	task.clear_ibuf [dreg:s7], $0x6FFFF;
	_ =	strace $0x90000049  }
0xb9: {  	s29 =	simm.s32 $0x9;
	_ =	strace $0x8000004B  }
0xba: {  	_ =	swait.ge [sflag:s29], $0x1  }
0xbb: {  	[sflag:s29] =	ssyncadd.s32 $0xFFFFFFFF  }
0xbc: {  	_ =	strace $0x9000004B  }
0xbd: {  	_ =	sfence  }
0xbe: {  	s30 =	sld [smem:$0x0];
	_ =	sdelay $0x2  }
0xbf: {  	s31 =	sshll.u32 s1, $0xD;
	s1 =	sshrl.u32 s1, $0x2  }
0xc0: {  	s3 =	sand.u32 $0x4000, s31;
	s1 =	sadd.s32 s1, s30  }
0xc1: {  	s0 =	sor.u32 s3, s0;
	s1 =	sshll.u32 s1, $0x11  }
0xc2: {  	s0 =	sor.u32 s1, s0  }
0xc3: {  	s0 =	sadd.s32 $0x8F2B, s0  }
0xc4: {  	[sflag:s0] =	ssyncadd.remote.s32 $0x1  }
0xc5: {  	_ =	sfence.sel $0xFFFF  }
0xc6: {  	[dreg:$0x0] =	wrdreg $0xFFFFFFFF;
	(pc) =	sbr.abs _section_cstart, $3  }
0xc7: {  	[dreg:$0x1] =	wrdreg $0xFFFFFFFF  }
0xc8: {  	_ =	task.clear_ibuf [dreg:s7], $0x2FFFF;
	_ =	strace $0x9FFFFFFF  }
0xc9: {  	(tm) =	ssettm $0x7FFFFFFF  }
tec
execute0_lowered:
.L_overlay_start_1:
0x0: {  	(tag) =	ssettag $0x1  }
0x1: {  	s9 =	rddreg [dreg:$0x0]  }
0x2: {  	s2 =	rddreg [dreg:$0x1]  }
0x3: {  	s3 =	rddreg [dreg:$0x2]  }
0x4: {  	s0 =	rddreg [dreg:$0x3];
	s1 =	stileid.u32  }
0x5: {  	s5 =	srdreg.scid;
	s4 =	simm.s32 $0x0;
	s15 =	simm.s32 $0x64  }
0x6: {  	s16 =	simm.s32 $0x1;
	s17 =	simm.s32 $0x1C00;
	s18 =	simm.s32 $0x2000  }
0x7: {  	s19 =	simm.s32 $0x4;
	s20 =	simm.s32 $0x5;
	s21 =	simm.s32 $0x6  }
0x8: {  	s6 =	smul.u32 $0x13C00, s1;
	s7 =	sand.u32 $0x1, s5;
	[smem:$0x7FF] =	sst s4  }
0x9: {  	s5 =	sadd.s32 $0x5A00, s9;
	s28 =	smul.u32 $0x4F000, s1;
	s30 =	sshll.u32 s1, $0x6  }
0xa: {  	s14 =	sshll.u32 s1, $0xB;
	s8 =	smul.u32 $0x13C000, s7;
	_ =	strace $0x8000004A  }
0xb: {  	s11 =	ssub.s32 $0x2, s7;
	s31 =	sshll.u32 s7, $0xF;
	s7 =	sor.u32 $0x1C07, s30  }
0xc: {  	s10 =	sshrl.u32 s6, $0x3;
	s29 =	sshrl.u32 s11, $0x1;
	s6 =	sadd.s32 s6, s8  }
.Ltmp0:
0xd: {  	s10 =	sadd.s32 s10, s9;
	s8 =	sshrl.u32 s28, $0x2;
	(pc) =	sbr.rel .LBB2_1-.Ltmp0, $4  }
0xe: {  	s11 =	ssub.s32 s11, s29;
	s6 =	sshrl.u32 s6, $0x3;
	s13 =	sadd.s32 s8, s3  }
0xf: {  	s8 =	sor.u32 s14, s31;
	s11 =	smax.u32 s11, $0x1;
	s14 =	simm.s32 $0x1000  }
0x10: {  	s12 =	sadd.s32 s6, s9;
	s6 =	sadd.s32 $0x25A00, s10;
	s9 =	sadd.s32 $0x15A00, s9  }
0x11: {  	s10 =	sadd.s32 $0x4D200, s12;
	s12 =	sshrl.u32 s13, $0x3;
	s13 =	simm.s32 $0x7  }
.LBB2_9:
0x12: {  	s4 =	sadd.s32 $0x1, s4  }
0x13: {  	p0 =	sne.s32 s4, s11  }
.Ltmp1:
0x14: {  	[bflag:$0x0] =	sbarrier.arrive $0xFFFF;
	(pc) =	sbr.rel @!p0 .LBB2_10-.Ltmp1, $4  }
0x15: {  	[hbm:s10], [sflag:s7] =	dma.local [spmem:s12], $0x2780  }
0x16: {  	_ =	swait.ge [sflag:s13], $0x2780  }
0x17: {  	[sflag:s13] =	ssyncset.done $0x0  }
0x18: {  	[sflag:s13] =	ssyncadd.s32 $0xFFFFD880  }
.LBB2_1:
0x19: {  	[spmem:s12], [sflag:s7] =	dma.local [hbm:s6], $0x2780  }
.Ltmp2:
0x1a: {  	_ =	swait.ge [sflag:s13], $0x2780;
	(pc) =	sbr.rel .LBB2_2-.Ltmp2, $4  }
0x1b: {  	[sflag:s13] =	ssyncset.done $0x0  }
0x1c: {  	[sflag:s13] =	ssyncadd.s32 $0xFFFFD880  }
0x1d: {  	[bflag:$0x0] =	sbarrier.arrive $0xFFFF  }
0x1e: {  	s22 =	simm.s32 $0x0  }
.LBB2_8:
0x1f: {  	_ =	swait.ge [sflag:s16], $0x3200  }
0x20: {  	[sflag:s16] =	ssyncset.done $0x0  }
0x21: {  	[sflag:s16] =	ssyncadd.s32 $0xFFFFCE00  }
0x22: {  	[spmem:s3] =	stream.indirect.scatter.add.f32 [tilespmem:s18], [sflag:$0x4], $0x80, s17, s15, $0xb8;
	[tilespmem:$0x1F800] =	vst v63  }
0x23: {  	_ =	swait.ge [sflag:s19], $0x3200  }
0x24: {  	[sflag:s19] =	ssyncset.done $0x0  }
0x25: {  	s22 =	sadd.s32 $0x1, s22;
	[sflag:s19] =	ssyncadd.s32 $0xFFFFCE00  }
0x26: {  	p0 =	sne.s32 s22, $0x4;
	_ =	swait.ge [sflag:s20], $0x3200  }
.Ltmp3:
0x27: {  	[sflag:s20] =	ssyncset.done $0x0;
	(pc) =	sbr.rel @!p0 .LBB2_9-.Ltmp3, $4  }
0x28: {  	[sflag:s20] =	ssyncadd.s32 $0xFFFFCE00  }
0x29: {  	_ =	swait.ge [sflag:s21], $0x3200  }
0x2a: {  	[sflag:s21] =	ssyncset.done $0x0  }
0x2b: {  	[sflag:s21] =	ssyncadd.s32 $0xFFFFCE00  }
.LBB2_2:
0x2c: {  	s23 =	sshll.u32 s22, $0x9  }
0x2d: {  	s24 =	sadd.s32 s8, s23  }
0x2e: {  	s23 =	simm.s32 $0x0;
	s25 =	sadd.s32 s5, s24  }
0x2f: {  	[tilespmem:s23], [sflag:$0x7] =	stream.linear.gather [hbm4b:s25+s23], $0xC80, $0x38;
	[tilespmem:$0x1F800] =	vst v63  }
0x30: {  	_ =	swait.ge [sflag:s13], $0xC80  }
0x31: {  	[sflag:s13] =	ssyncset.done $0x0  }
.Ltmp4:
0x32: {  	s24 =	sadd.s32 s24, s9;
	[sflag:s13] =	ssyncadd.s32 $0xFFFFF380;
	(pc) =	sbr.rel .LBB2_3-.Ltmp4, $4  }
0x33: {  	[tilespmem:s14], [sflag:$0x7] =	stream.linear.gather [hbm4b:s24+s23], $0xC80, $0x38;
	[tilespmem:$0x1F800] =	vst v63  }
0x34: {  	_ =	swait.ge [sflag:s13], $0xC80  }
0x35: {  	[sflag:s13] =	ssyncset.done $0x0  }
0x36: {  	s25 =	simm.s32 $0x0;
	s24 =	simm.s32 $0xF80;
	[sflag:s13] =	ssyncadd.s32 $0xFFFFF380  }
.LBB2_4:
0x37: {  	s28 =	sadd.s32 $0x4, s26;
	s29 =	smul.u32 $0xD000, s26  }
0x38: {  	_ =	swait.ge [sflag:s28], $0x3200  }
0x39: {  	[sflag:s28] =	ssyncset.done $0x0;
	s29 =	sshrl.u32 s29, $0x2  }
0x3a: {  	s31 =	sadd.s32 $0x1, s26;
	[sflag:s28] =	ssyncadd.s32 $0xFFFFCE00;
	s30 =	sadd.s32 $0x2000, s29  }
0x3b: {  	[tilespmem:s30], [sflag:s31] =	stream.indirect.gather [hbm4b:s2+s15], $0x80, s23, s15, $0xb8;
	[tilespmem:$0x1F800] =	vst v63  }
.LBB2_6:
0x3c: {  	s26 =	sadd.s32 $0x2, s25  }
0x3d: {  	s28 =	sand.u32 $0xFF, s26  }
0x3e: {  	s28 =	smul.u32 $0xAB, s28;
	_ =	sdelay $0x1  }
0x3f: {  	s28 =	sshrl.u32 s28, $0x9  }
0x40: {  	s28 =	smul.u32 $0x3, s28;
	_ =	sdelay $0x1  }
0x41: {  	s26 =	ssub.s32 s26, s28  }
0x42: {  	s26 =	sand.u32 $0xFF, s26  }
0x43: {  	s31 =	smul.u32 $0xD000, s26;
	s29 =	sadd.s32 $0x1, s26  }
0x44: {  	_ =	swait.ge [sflag:s29], $0x3200  }
0x45: {  	s28 =	sshrl.u32 s31, $0x2;
	[sflag:s29] =	ssyncset.done $0x0  }
0x46: {  	s26 =	sadd.s32 $0x4, s26;
	s28 =	sadd.s32 $0x2000, s28;
	[sflag:s29] =	ssyncadd.s32 $0xFFFFCE00  }
0x47: {  	[spmem:s3] =	stream.indirect.scatter.add.f32 [tilespmem:s28], [sflag:s26], $0x80, s24, s15, $0xb8;
	[tilespmem:$0x1F800] =	vst v63  }
.LBB2_7:
0x48: {  	s25 =	sadd.s32 $0x1, s25  }
0x49: {  	p0 =	sne.s32 s25, $0x19  }
.Ltmp5:
0x4a: {  	_ = 	snop;
	(pc) =	sbr.rel @!p0 .LBB2_8-.Ltmp5, $2  }
0x4b: {  	_ =	sdelay $0x2  }
0x4c: {  	s24 =	sadd.s32 $0x80, s24;
	s23 =	sadd.s32 $0x80, s23  }
.LBB2_3:
0x4d: {  	s26 =	smul.u32 $0xAB, s25;
	_ =	sdelay $0x1  }
0x4e: {  	p0 =	slt.u32 s25, $0x3;
	s26 =	sshrl.u32 s26, $0x9  }
.Ltmp6:
0x4f: {  	s26 =	sand.u32 $0x7F, s26;
	(pc) =	sbr.rel @!p0 .LBB2_4-.Ltmp6, $3  }
0x50: {  	s26 =	smul.u32 $0x3, s26;
	_ =	sdelay $0x1  }
0x51: {  	s26 =	ssub.s32 s25, s26  }
0x52: {  	s26 =	sand.u32 $0xFF, s26  }
0x53: {  	s28 =	smul.u32 $0xD000, s26;
	p0 =	seq.s32 s25, $0x0  }
.Ltmp7:
0x54: {  	_ = 	snop;
	(pc) =	sbr.rel @!p0 .LBB2_6-.Ltmp7, $4  }
.Ltmp8:
0x55: {  	_ = 	snop;
	(pc) =	sbr.rel @p0 .LBB2_7-.Ltmp8, $4  }
0x56: {  	s28 =	sshrl.u32 s28, $0x2  }
0x57: {  	s31 =	sadd.s32 $0x1, s26;
	s28 =	sadd.s32 $0x2000, s28  }
0x58: {  	[tilespmem:s28], [sflag:s31] =	stream.indirect.gather [hbm4b:s2+s15], $0x80, s23, s15, $0xb8;
	[tilespmem:$0x1F800] =	vst v63  }
0x59: {  	_ = 	snop  }
.LBB2_10:
0x5a: {  	_ =	sfence.sel $0x180000  }
0x5b: {  	[bflag:$0x0] =	sbarrier.arrive $0xFFFF  }
0x5c: {  	p0 =	sne.s32 s1, $0x0;
	_ =	strace $0x9000004A  }
0x5d: {  	s0 =	sadd.s32 @!p0 $0x100000, s0;
	[bflag:$0x2] =	sbarrier.arrive $0xFFFF  }
0x5e: {  	[sflag:s0] =	ssyncadd.tile.s32 @!p0 $0x1;
	_ =	shalt  }
.Lfunc_end2:
_tile_overlayer_lowered:
.L_overlay_start_2:
0x5f: {  	(tag) =	ssettag $0x2  }
0x60: {  	s0 =	rddreg [dreg:$0x0];
	s2 =	stileid.u32  }
0x61: {  	s1 =	rddreg [dreg:$0x1];
	p0 =	sne.s32 s2, $0x0  }
0x62: {  	s3 =	rddreg [dreg:$0x2];
	[bflag:$0x3] =	sbarrier.arrive $0xFFFF;
	s2 =	simm.s32 @!p0 $0x1C07  }
0x63: {  	[timem:s3], [sflag:s2] =	dma.local @!p0 [hbm:s0], s1  }
0x64: {  	s0 =	simm.s32 @!p0 $0x7  }
0x65: {  	_ =	swait.ge @!p0 [sflag:s0], s1  }
0x66: {  	s1 =	ssub.s32 @!p0 $0x0, s1;
	[sflag:s0] =	ssyncset.done @!p0 $0x0  }
0x67: {  	[sflag:s0] =	ssyncadd.s32 @!p0 s1  }
0x68: {  	[bflag:$0x3] =	sbarrier.arrive $0xFFFF  }
0x69: {  	_ =	shalt  }

// kernel: kernel.20.cloned.1.call-start
scs
__scs_entry_jumppad:
0x0: {  	(pc) =	sbr.rel $0x88, $3  }
0x1: {  	(tag) =	ssettag $0x0;
	lr =	simm.s32 $0x1  }
0x2: {  	[smem:$0x3F90] =	sst lr;
	_ =	strace $0xD0000000  }
0x3: {  	_ = 	snop  }
0x4: {  	_ = 	snop  }
0x5: {  	_ = 	snop  }
0x6: {  	_ = 	snop  }
0x7: {  	_ = 	snop  }
__scs_overlays_trampoline_lowered:
0x8: {  	[smem:$0x3F9F] =	sst s0  }
0x9: {  	[smem:$0x3FA0] =	sst s1  }
0xa: {  	[smem:$0x3FA1] =	sst s2  }
0xb: {  	[smem:$0x3FA2] =	sst s3  }
0xc: {  	[smem:$0x3FA3] =	sst s4  }
0xd: {  	[smem:$0x3FA4] =	sst s5  }
0xe: {  	[smem:$0x3FA5] =	sst s6  }
0xf: {  	[smem:$0x3FA6] =	sst s7  }
0x10: {  	[smem:$0x3FA7] =	sst s8  }
0x11: {  	[smem:$0x3FA8] =	sst s9;
	s0 =	simm.s32 @!p0 $0x0  }
0x12: {  	s1 =	sld [smem:$0x3F8E];
	s0 =	simm.s32 @p0 $0x1  }
0x13: {  	[smem:$0x3FA9] =	sst s0;
	s0 =	simm.s32 @!p1 $0x0  }
0x14: {  	s2 =	sld [smem:$0x3F8D];
	s0 =	simm.s32 @p1 $0x1  }
0x15: {  	[smem:$0x3FAA] =	sst s0;
	s0 =	simm.s32 @!p2 $0x0  }
0x16: {  	s3 =	sld [smem:$0x3FDB];
	s0 =	simm.s32 @p2 $0x1  }
0x17: {  	s4 =	simm.s32 $0x1BF5;
	[smem:$0x3FAC] =	sst s0  }
0x18: {  	s0 =	sld [smem:$0x3F8F];
	_ =	swait.ge [sflag:s4], $0x0  }
0x19: {  	s7 =	sld [smem:$0x3F90]  }
0x1a: {  	s8 =	sadd.s32 $0xFFFFE003, lr  }
0x1b: {  	s9 =	sadd.s32 $0xFFFFFEF7, lr;
	s5 =	simm.s32 $0xFFFFFFFF;
	p2 =	slt.u32 s8, $0xFFFFF086  }
0x1c: {  	p1 =	slt.u32 s9, $0xF7A;
	s5 =	simm.s32 @!p2 $0x0  }
0x1d: {  	s5 =	simm.s32 @p1 $0x1;
	p0 =	seq.s32 s7, s2  }
0x1e: {  	s7 =	smul.u32 @!p0 $0xF7A, s2;
	p2 =	seq.s32 @!p0 s5, $0x0  }
0x1f: {  	s9 =	smul.u32 $0xF7A, s1;
	s8 =	simm.s32 @!p0 $0x1BF5;
	p2 =	por !p2, p0  }
0x20: {  	[sflag:s8] =	ssyncset.s32 @!p0 $0xFFFFF086;
	s6 =	sadd.s32 @!p0 s3, s7;
	s7 =	simm.s32 @!p0 $0x108  }
0x21: {  	s3 =	sadd.s32 s3, s9;
	s6 =	sadd.s32 @!p0 $0x88, s6;
	s7 =	simm.s32 @p2 $0x1082  }
0x22: {  	[simem:s7], [sflag:s8] =	dma.local @!p0 [hbm:s6], $0xF7A  }
0x23: {  	s9 =	sor.u32 $0xD0000000, s2;
	s6 =	simm.s32 $0x108;
	_ =	swait.ge @!p0 [sflag:s8], $0x0  }
0x24: {  	s3 =	sadd.s32 $0x88, s3;
	s6 =	simm.s32 @!p1 $0x1082;
	[sflag:s4] =	ssyncset.s32 $0xFFFFF086  }
0x25: {  	[simem:s6], [sflag:s4] =	dma.local [hbm:s3], $0xF7A  }
0x26: {  	[smem:$0x3F90] =	sst s1;
	(tag) =	ssettag s2;
	_ =	strace s9  }
0x27: {  	s1 =	sld [smem:$0x3FA0]  }
0x28: {  	s2 =	sld [smem:$0x3FA1]  }
0x29: {  	s4 =	sld [smem:$0x3FA3]  }
0x2a: {  	p0 =	seq.s32 s5, $0x0;
	s5 =	sld [smem:$0x3FA4]  }
0x2b: {  	s6 =	sld [smem:$0x3FA5]  }
0x2c: {  	s7 =	sld [smem:$0x3FA6]  }
0x2d: {  	s3 =	simm.s32 $0x108;
	s8 =	sld [smem:$0x3FA7]  }
0x2e: {  	s3 =	simm.s32 @!p0 $0x1082;
	s9 =	sld [smem:$0x3FA8]  }
0x2f: {  	lr =	sadd.s32 s0, s3;
	s0 =	sld [smem:$0x3F9F]  }
0x30: {  	s3 =	sld [smem:$0x3FA2]  }
0x31: {  	[smem:$0x3FAB] =	sst s10  }
0x32: {  	s10 =	sld [smem:$0x3FA9];
	_ =	sdelay $0x3  }
0x33: {  	p0 =	seq.s32 s10, $0x1;
	s10 =	sld [smem:$0x3FAB];
	_ =	sdelay $0x3  }
0x34: {  	[smem:$0x3FAB] =	sst s10  }
0x35: {  	s10 =	sld [smem:$0x3FAA];
	_ =	sdelay $0x3  }
0x36: {  	p1 =	seq.s32 s10, $0x1;
	s10 =	sld [smem:$0x3FAB];
	_ =	sdelay $0x3  }
0x37: {  	[smem:$0x3FAB] =	sst s10  }
0x38: {  	s10 =	sld [smem:$0x3FAC]  }
0x39: {  	_ = 	snop;
	(pc) =	sbr.ind lr, $3  }
0x3a: {  	_ = 	snop  }
0x3b: {  	_ = 	snop  }
0x3c: {  	p2 =	seq.s32 s10, $0x1;
	s10 =	sld [smem:$0x3FAB]  }
0x3d: {  	_ =	shalt  }
0x3e: {  	_ =	shalt  }
0x3f: {  	_ =	shalt  }
0x40: {  	_ =	shalt  }
0x41: {  	_ =	shalt  }
0x42: {  	_ =	shalt  }
0x43: {  	_ =	shalt  }
0x44: {  	_ =	shalt  }
0x45: {  	_ =	shalt  }
0x46: {  	_ =	shalt  }
0x47: {  	_ =	shalt  }
0x48: {  	_ =	shalt  }
0x49: {  	_ =	shalt  }
0x4a: {  	_ =	shalt  }
0x4b: {  	_ =	shalt  }
0x4c: {  	_ =	shalt  }
0x4d: {  	_ =	shalt  }
0x4e: {  	_ =	shalt  }
0x4f: {  	_ =	shalt  }
0x50: {  	_ =	shalt  }
0x51: {  	_ =	shalt  }
0x52: {  	_ =	shalt  }
0x53: {  	_ =	shalt  }
0x54: {  	_ =	shalt  }
0x55: {  	_ =	shalt  }
0x56: {  	_ =	shalt  }
0x57: {  	_ =	shalt  }
0x58: {  	_ =	shalt  }
0x59: {  	_ =	shalt  }
0x5a: {  	_ =	shalt  }
0x5b: {  	_ =	shalt  }
0x5c: {  	_ =	shalt  }
0x5d: {  	_ =	shalt  }
0x5e: {  	_ =	shalt  }
0x5f: {  	_ =	shalt  }
0x60: {  	_ =	shalt  }
0x61: {  	_ =	shalt  }
0x62: {  	_ =	shalt  }
0x63: {  	_ =	shalt  }
0x64: {  	_ =	shalt  }
0x65: {  	_ =	shalt  }
0x66: {  	_ =	shalt  }
0x67: {  	_ =	shalt  }
0x68: {  	_ =	shalt  }
0x69: {  	_ =	shalt  }
0x6a: {  	_ =	shalt  }
0x6b: {  	_ =	shalt  }
0x6c: {  	_ =	shalt  }
0x6d: {  	_ =	shalt  }
0x6e: {  	_ =	shalt  }
0x6f: {  	_ =	shalt  }
0x70: {  	_ =	shalt  }
0x71: {  	_ =	shalt  }
0x72: {  	_ =	shalt  }
0x73: {  	_ =	shalt  }
0x74: {  	_ =	shalt  }
0x75: {  	_ =	shalt  }
0x76: {  	_ =	shalt  }
0x77: {  	_ =	shalt  }
0x78: {  	_ =	shalt  }
0x79: {  	_ =	shalt  }
0x7a: {  	_ =	shalt  }
0x7b: {  	_ =	shalt  }
0x7c: {  	_ =	shalt  }
0x7d: {  	_ =	shalt  }
0x7e: {  	_ =	shalt  }
0x7f: {  	_ =	shalt  }
0x80: {  	_ =	shalt  }
0x81: {  	_ =	shalt  }
0x82: {  	_ =	shalt  }
0x83: {  	_ =	shalt  }
0x84: {  	_ =	shalt  }
0x85: {  	_ =	shalt  }
0x86: {  	_ =	shalt  }
0x87: {  	_ =	shalt  }
.Lfunc_end0:
.L_simem_size_0:
called_computation.2_lowered:
.L_overlay_start_0:
0x88: {  	s2 =	sld [smem:$0x3FD9]  }
0x89: {  	s3 =	sld [smem:$0x3FFE];
	_ =	sdelay $0x1  }
0x8a: {  	s1 =	srdreg.scid  }
0x8b: {  	s0 =	sand.u32 $0x1, s1  }
0x8c: {  	s14 =	sshll.u32 s0, $0xA;
	s2 =	sadd.s32 s3, s2  }
0x8d: {  	s2 =	sadd.s32 s2, s14  }
0x8e: {  	[smem:$0x3FB7] =	sst s2  }
0x8f: {  	_ = 	snop  }
0x90: {  	s2 =	sld [smem:$0x3FD0];
	_ =	sdelay $0x2  }
0x91: {  	s15 =	simm.s32 $0xA;
	s4 =	simm.s32 $0x10  }
0x92: {  	[smem:s4], [sflag:s15] =	dma.local [hbm:s2], $0x1  }
0x93: {  	_ =	swait.eq [sflag:s15], $0x1  }
0x94: {  	[sflag:s15] =	ssyncset.done $0x0  }
0x95: {  	[sflag:s15] =	ssyncadd.s32 $0xFFFFFFFF  }
0x96: {  	s16 =	sld [smem:$0x12];
	(tm) =	ssettm $0x1  }
0x97: {  	s17 =	sld [smem:$0x3FFB];
	_ =	sdelay $0x3  }
0x98: {  	_ =	strace s17  }
0x99: {  	s3 =	sld [smem:$0x3FFC];
	_ =	sdelay $0x3  }
0x9a: {  	_ =	strace s3  }
0x9b: {  	s3 =	sld [smem:$0x3FFD];
	_ =	sdelay $0x3  }
0x9c: {  	_ =	strace s3  }
0x9d: {  	_ =	strace $0x8FFFFFFF  }
0x9e: {  	s18 =	sld [smem:$0x3FDB];
	_ =	sdelay $0x1  }
0x9f: {  	s19 =	simm.s32 $_scs_section_size  }
0xa0: {  	s5 =	simm.s32 $_size__tile_overlayer_lowered;
	s6 =	simm.s32 $_tile_overlayer_lowered  }
0xa1: {  	s22 =	simm.s32 $0x1BFF;
	s21 =	sshll.u32 s6, $0x1;
	s3 =	sadd.s32 s19, s18  }
0xa2: {  	s7 =	simm.s32 $0x0;
	s20 =	sshll.u32 s5, $0x1;
	s5 =	sadd.s32 s21, s3  }
0xa3: {  	[timem:s7], [sflag:s22] =	dma.local [hbm:s5], s20  }
0xa4: {  	_ =	swait.ge [sflag:s22], s20  }
0xa5: {  	s4 =	ssub.s32 $0x0, s20;
	[sflag:s22] =	ssyncset.done $0x0  }
0xa6: {  	[sflag:s22] =	ssyncadd.s32 s4;
	_ =	sdelay $0x1  }
0xa7: {  	s23 =	simm.s32 $0x1B8B  }
0xa8: {  	_ =	swait.ge [sflag:s23], $0x1  }
0xa9: {  	[sflag:s23] =	ssyncset.done $0x0  }
0xaa: {  	s25 =	simm.s32 $0x1B8E;
	s24 =	sld [smem:$0x3FFE];
	[sflag:s23] =	ssyncadd.s32 $0xFFFFFFFF  }
0xab: {  	s26 =	simm.s32 $execute0_lowered;
	[smem:$0x3FD2] =	sst s25  }
0xac: {  	s5 =	sshll.u32 s26, $0x1;
	_ =	strace $0x8000004C;
	[dreg:$0x1] =	wrdreg $0xFFFFFFFF  }
0xad: {  	s28 =	simm.s32 $_size_execute0_lowered;
	s3 =	sadd.s32 s3, s5;
	[dreg:$0x0] =	wrdreg $0x0  }
0xae: {  	s5 =	sshll.u32 s28, $0x1;
	[dreg:$0x2] =	wrdreg s3  }
0xaf: {  	[dreg:$0x3] =	wrdreg s5  }
0xb0: {  	[dreg:$0x4] =	wrdreg $0xC0  }
0xb1: {  	_ =	task [dreg:s7], $0x5FFFF  }
0xb2: {  	[dreg:$0x1] =	wrdreg $0xFFFFFFFF  }
0xb3: {  	[dreg:$0x0] =	wrdreg $0x60  }
0xb4: {  	[dreg:$0x2] =	wrdreg s24  }
0xb5: {  	[dreg:$0x3] =	wrdreg s16  }
0xb6: {  	[dreg:$0x4] =	wrdreg $0xBC000  }
0xb7: {  	[dreg:$0x5] =	wrdreg $0x9  }
0xb8: {  	_ =	task.clear_ibuf [dreg:s7], $0x6FFFF;
	_ =	strace $0x9000004C  }
0xb9: {  	s29 =	simm.s32 $0x9;
	_ =	strace $0x8000004E  }
0xba: {  	_ =	swait.ge [sflag:s29], $0x1  }
0xbb: {  	[sflag:s29] =	ssyncadd.s32 $0xFFFFFFFF  }
0xbc: {  	_ =	strace $0x9000004E  }
0xbd: {  	_ =	sfence  }
0xbe: {  	s30 =	sld [smem:$0x0];
	_ =	sdelay $0x2  }
0xbf: {  	s31 =	sshll.u32 s1, $0xD;
	s1 =	sshrl.u32 s1, $0x2  }
0xc0: {  	s3 =	sand.u32 $0x4000, s31;
	s1 =	sadd.s32 s1, s30  }
0xc1: {  	s0 =	sor.u32 s3, s0;
	s1 =	sshll.u32 s1, $0x11  }
0xc2: {  	s0 =	sor.u32 s1, s0  }
0xc3: {  	s0 =	sadd.s32 $0x8F2B, s0  }
0xc4: {  	[sflag:s0] =	ssyncadd.remote.s32 $0x1  }
0xc5: {  	_ =	sfence.sel $0xFFFF  }
0xc6: {  	[dreg:$0x0] =	wrdreg $0xFFFFFFFF;
	(pc) =	sbr.abs _section_cstart, $3  }
0xc7: {  	[dreg:$0x1] =	wrdreg $0xFFFFFFFF  }
0xc8: {  	_ =	task.clear_ibuf [dreg:s7], $0x2FFFF;
	_ =	strace $0x9FFFFFFF  }
0xc9: {  	(tm) =	ssettm $0x7FFFFFFF  }
tec
execute0_lowered:
.L_overlay_start_1:
0x0: {  	(tag) =	ssettag $0x1  }
0x1: {  	s9 =	rddreg [dreg:$0x0]  }
0x2: {  	s2 =	rddreg [dreg:$0x1]  }
0x3: {  	s3 =	rddreg [dreg:$0x2]  }
0x4: {  	s0 =	rddreg [dreg:$0x3];
	s1 =	stileid.u32  }
0x5: {  	s5 =	srdreg.scid;
	s4 =	simm.s32 $0x0;
	s15 =	simm.s32 $0x64  }
0x6: {  	s16 =	simm.s32 $0x1;
	s17 =	simm.s32 $0x1C00;
	s18 =	simm.s32 $0x2000  }
0x7: {  	s19 =	simm.s32 $0x4;
	s20 =	simm.s32 $0x5;
	s21 =	simm.s32 $0x6  }
0x8: {  	s6 =	smul.u32 $0x13C00, s1;
	s7 =	sand.u32 $0x1, s5;
	[smem:$0x7FF] =	sst s4  }
0x9: {  	s5 =	sadd.s32 $0x5A00, s9;
	s28 =	smul.u32 $0x4F000, s1;
	s30 =	sshll.u32 s1, $0x6  }
0xa: {  	s14 =	sshll.u32 s1, $0xB;
	s8 =	smul.u32 $0x13C000, s7;
	_ =	strace $0x8000004D  }
0xb: {  	s11 =	ssub.s32 $0x2, s7;
	s31 =	sshll.u32 s7, $0xF;
	s7 =	sor.u32 $0x1C07, s30  }
0xc: {  	s10 =	sshrl.u32 s6, $0x3;
	s29 =	sshrl.u32 s11, $0x1;
	s6 =	sadd.s32 s6, s8  }
.Ltmp0:
0xd: {  	s10 =	sadd.s32 s10, s9;
	s8 =	sshrl.u32 s28, $0x2;
	(pc) =	sbr.rel .LBB2_1-.Ltmp0, $4  }
0xe: {  	s11 =	ssub.s32 s11, s29;
	s6 =	sshrl.u32 s6, $0x3;
	s13 =	sadd.s32 s8, s3  }
0xf: {  	s8 =	sor.u32 s14, s31;
	s11 =	smax.u32 s11, $0x1;
	s14 =	simm.s32 $0x1000  }
0x10: {  	s12 =	sadd.s32 s6, s9;
	s6 =	sadd.s32 $0x25A00, s10;
	s9 =	sadd.s32 $0x15A00, s9  }
0x11: {  	s10 =	sadd.s32 $0x4D200, s12;
	s12 =	sshrl.u32 s13, $0x3;
	s13 =	simm.s32 $0x7  }
.LBB2_9:
0x12: {  	s4 =	sadd.s32 $0x1, s4  }
0x13: {  	p0 =	sne.s32 s4, s11  }
.Ltmp1:
0x14: {  	[bflag:$0x0] =	sbarrier.arrive $0xFFFF;
	(pc) =	sbr.rel @!p0 .LBB2_10-.Ltmp1, $4  }
0x15: {  	[hbm:s10], [sflag:s7] =	dma.local [spmem:s12], $0x2780  }
0x16: {  	_ =	swait.ge [sflag:s13], $0x2780  }
0x17: {  	[sflag:s13] =	ssyncset.done $0x0  }
0x18: {  	[sflag:s13] =	ssyncadd.s32 $0xFFFFD880  }
.LBB2_1:
0x19: {  	[spmem:s12], [sflag:s7] =	dma.local [hbm:s6], $0x2780  }
.Ltmp2:
0x1a: {  	_ =	swait.ge [sflag:s13], $0x2780;
	(pc) =	sbr.rel .LBB2_2-.Ltmp2, $4  }
0x1b: {  	[sflag:s13] =	ssyncset.done $0x0  }
0x1c: {  	[sflag:s13] =	ssyncadd.s32 $0xFFFFD880  }
0x1d: {  	[bflag:$0x0] =	sbarrier.arrive $0xFFFF  }
0x1e: {  	s22 =	simm.s32 $0x0  }
.LBB2_8:
0x1f: {  	_ =	swait.ge [sflag:s16], $0x3200  }
0x20: {  	[sflag:s16] =	ssyncset.done $0x0  }
0x21: {  	[sflag:s16] =	ssyncadd.s32 $0xFFFFCE00  }
0x22: {  	[spmem:s3] =	stream.indirect.scatter.add.f32 [tilespmem:s18], [sflag:$0x4], $0x80, s17, s15, $0xb8;
	[tilespmem:$0x1F800] =	vst v63  }
0x23: {  	_ =	swait.ge [sflag:s19], $0x3200  }
0x24: {  	[sflag:s19] =	ssyncset.done $0x0  }
0x25: {  	s22 =	sadd.s32 $0x1, s22;
	[sflag:s19] =	ssyncadd.s32 $0xFFFFCE00  }
0x26: {  	p0 =	sne.s32 s22, $0x4;
	_ =	swait.ge [sflag:s20], $0x3200  }
.Ltmp3:
0x27: {  	[sflag:s20] =	ssyncset.done $0x0;
	(pc) =	sbr.rel @!p0 .LBB2_9-.Ltmp3, $4  }
0x28: {  	[sflag:s20] =	ssyncadd.s32 $0xFFFFCE00  }
0x29: {  	_ =	swait.ge [sflag:s21], $0x3200  }
0x2a: {  	[sflag:s21] =	ssyncset.done $0x0  }
0x2b: {  	[sflag:s21] =	ssyncadd.s32 $0xFFFFCE00  }
.LBB2_2:
0x2c: {  	s23 =	sshll.u32 s22, $0x9  }
0x2d: {  	s24 =	sadd.s32 s8, s23  }
0x2e: {  	s23 =	simm.s32 $0x0;
	s25 =	sadd.s32 s5, s24  }
0x2f: {  	[tilespmem:s23], [sflag:$0x7] =	stream.linear.gather [hbm4b:s25+s23], $0xC80, $0x38;
	[tilespmem:$0x1F800] =	vst v63  }
0x30: {  	_ =	swait.ge [sflag:s13], $0xC80  }
0x31: {  	[sflag:s13] =	ssyncset.done $0x0  }
.Ltmp4:
0x32: {  	s24 =	sadd.s32 s24, s9;
	[sflag:s13] =	ssyncadd.s32 $0xFFFFF380;
	(pc) =	sbr.rel .LBB2_3-.Ltmp4, $4  }
0x33: {  	[tilespmem:s14], [sflag:$0x7] =	stream.linear.gather [hbm4b:s24+s23], $0xC80, $0x38;
	[tilespmem:$0x1F800] =	vst v63  }
0x34: {  	_ =	swait.ge [sflag:s13], $0xC80  }
0x35: {  	[sflag:s13] =	ssyncset.done $0x0  }
0x36: {  	s25 =	simm.s32 $0x0;
	s24 =	simm.s32 $0xF80;
	[sflag:s13] =	ssyncadd.s32 $0xFFFFF380  }
.LBB2_4:
0x37: {  	s28 =	sadd.s32 $0x4, s26;
	s29 =	smul.u32 $0xD000, s26  }
0x38: {  	_ =	swait.ge [sflag:s28], $0x3200  }
0x39: {  	[sflag:s28] =	ssyncset.done $0x0;
	s29 =	sshrl.u32 s29, $0x2  }
0x3a: {  	s31 =	sadd.s32 $0x1, s26;
	[sflag:s28] =	ssyncadd.s32 $0xFFFFCE00;
	s30 =	sadd.s32 $0x2000, s29  }
0x3b: {  	[tilespmem:s30], [sflag:s31] =	stream.indirect.gather [hbm4b:s2+s15], $0x80, s23, s15, $0xb8;
	[tilespmem:$0x1F800] =	vst v63  }
.LBB2_6:
0x3c: {  	s26 =	sadd.s32 $0x2, s25  }
0x3d: {  	s28 =	sand.u32 $0xFF, s26  }
0x3e: {  	s28 =	smul.u32 $0xAB, s28;
	_ =	sdelay $0x1  }
0x3f: {  	s28 =	sshrl.u32 s28, $0x9  }
0x40: {  	s28 =	smul.u32 $0x3, s28;
	_ =	sdelay $0x1  }
0x41: {  	s26 =	ssub.s32 s26, s28  }
0x42: {  	s26 =	sand.u32 $0xFF, s26  }
0x43: {  	s31 =	smul.u32 $0xD000, s26;
	s29 =	sadd.s32 $0x1, s26  }
0x44: {  	_ =	swait.ge [sflag:s29], $0x3200  }
0x45: {  	s28 =	sshrl.u32 s31, $0x2;
	[sflag:s29] =	ssyncset.done $0x0  }
0x46: {  	s26 =	sadd.s32 $0x4, s26;
	s28 =	sadd.s32 $0x2000, s28;
	[sflag:s29] =	ssyncadd.s32 $0xFFFFCE00  }
0x47: {  	[spmem:s3] =	stream.indirect.scatter.add.f32 [tilespmem:s28], [sflag:s26], $0x80, s24, s15, $0xb8;
	[tilespmem:$0x1F800] =	vst v63  }
.LBB2_7:
0x48: {  	s25 =	sadd.s32 $0x1, s25  }
0x49: {  	p0 =	sne.s32 s25, $0x19  }
.Ltmp5:
0x4a: {  	_ = 	snop;
	(pc) =	sbr.rel @!p0 .LBB2_8-.Ltmp5, $2  }
0x4b: {  	_ =	sdelay $0x2  }
0x4c: {  	s24 =	sadd.s32 $0x80, s24;
	s23 =	sadd.s32 $0x80, s23  }
.LBB2_3:
0x4d: {  	s26 =	smul.u32 $0xAB, s25;
	_ =	sdelay $0x1  }
0x4e: {  	p0 =	slt.u32 s25, $0x3;
	s26 =	sshrl.u32 s26, $0x9  }
.Ltmp6:
0x4f: {  	s26 =	sand.u32 $0x7F, s26;
	(pc) =	sbr.rel @!p0 .LBB2_4-.Ltmp6, $3  }
0x50: {  	s26 =	smul.u32 $0x3, s26;
	_ =	sdelay $0x1  }
0x51: {  	s26 =	ssub.s32 s25, s26  }
0x52: {  	s26 =	sand.u32 $0xFF, s26  }
0x53: {  	s28 =	smul.u32 $0xD000, s26;
	p0 =	seq.s32 s25, $0x0  }
.Ltmp7:
0x54: {  	_ = 	snop;
	(pc) =	sbr.rel @!p0 .LBB2_6-.Ltmp7, $4  }
.Ltmp8:
0x55: {  	_ = 	snop;
	(pc) =	sbr.rel @p0 .LBB2_7-.Ltmp8, $4  }
0x56: {  	s28 =	sshrl.u32 s28, $0x2  }
0x57: {  	s31 =	sadd.s32 $0x1, s26;
	s28 =	sadd.s32 $0x2000, s28  }
0x58: {  	[tilespmem:s28], [sflag:s31] =	stream.indirect.gather [hbm4b:s2+s15], $0x80, s23, s15, $0xb8;
	[tilespmem:$0x1F800] =	vst v63  }
0x59: {  	_ = 	snop  }
.LBB2_10:
0x5a: {  	_ =	sfence.sel $0x180000  }
0x5b: {  	[bflag:$0x0] =	sbarrier.arrive $0xFFFF  }
0x5c: {  	p0 =	sne.s32 s1, $0x0;
	_ =	strace $0x9000004D  }
0x5d: {  	s0 =	sadd.s32 @!p0 $0x100000, s0;
	[bflag:$0x2] =	sbarrier.arrive $0xFFFF  }
0x5e: {  	[sflag:s0] =	ssyncadd.tile.s32 @!p0 $0x1;
	_ =	shalt  }
.Lfunc_end2:
_tile_overlayer_lowered:
.L_overlay_start_2:
0x5f: {  	(tag) =	ssettag $0x2  }
0x60: {  	s0 =	rddreg [dreg:$0x0];
	s2 =	stileid.u32  }
0x61: {  	s1 =	rddreg [dreg:$0x1];
	p0 =	sne.s32 s2, $0x0  }
0x62: {  	s3 =	rddreg [dreg:$0x2];
	[bflag:$0x3] =	sbarrier.arrive $0xFFFF;
	s2 =	simm.s32 @!p0 $0x1C07  }
0x63: {  	[timem:s3], [sflag:s2] =	dma.local @!p0 [hbm:s0], s1  }
0x64: {  	s0 =	simm.s32 @!p0 $0x7  }
0x65: {  	_ =	swait.ge @!p0 [sflag:s0], s1  }
0x66: {  	s1 =	ssub.s32 @!p0 $0x0, s1;
	[sflag:s0] =	ssyncset.done @!p0 $0x0  }
0x67: {  	[sflag:s0] =	ssyncadd.s32 @!p0 s1  }
0x68: {  	[bflag:$0x3] =	sbarrier.arrive $0xFFFF  }
0x69: {  	_ =	shalt  }

// kernel: kernel.23.cloned.1.call-start
scs
__scs_entry_jumppad:
0x0: {  	(pc) =	sbr.rel $0x88, $3  }
0x1: {  	(tag) =	ssettag $0x0;
	lr =	simm.s32 $0x1  }
0x2: {  	[smem:$0x3F90] =	sst lr;
	_ =	strace $0xD0000000  }
0x3: {  	_ = 	snop  }
0x4: {  	_ = 	snop  }
0x5: {  	_ = 	snop  }
0x6: {  	_ = 	snop  }
0x7: {  	_ = 	snop  }
__scs_overlays_trampoline_lowered:
0x8: {  	[smem:$0x3F9F] =	sst s0  }
0x9: {  	[smem:$0x3FA0] =	sst s1  }
0xa: {  	[smem:$0x3FA1] =	sst s2  }
0xb: {  	[smem:$0x3FA2] =	sst s3  }
0xc: {  	[smem:$0x3FA3] =	sst s4  }
0xd: {  	[smem:$0x3FA4] =	sst s5  }
0xe: {  	[smem:$0x3FA5] =	sst s6  }
0xf: {  	[smem:$0x3FA6] =	sst s7  }
0x10: {  	[smem:$0x3FA7] =	sst s8  }
0x11: {  	[smem:$0x3FA8] =	sst s9;
	s0 =	simm.s32 @!p0 $0x0  }
0x12: {  	s1 =	sld [smem:$0x3F8E];
	s0 =	simm.s32 @p0 $0x1  }
0x13: {  	[smem:$0x3FA9] =	sst s0;
	s0 =	simm.s32 @!p1 $0x0  }
0x14: {  	s2 =	sld [smem:$0x3F8D];
	s0 =	simm.s32 @p1 $0x1  }
0x15: {  	[smem:$0x3FAA] =	sst s0;
	s0 =	simm.s32 @!p2 $0x0  }
0x16: {  	s3 =	sld [smem:$0x3FDB];
	s0 =	simm.s32 @p2 $0x1  }
0x17: {  	s4 =	simm.s32 $0x1BF5;
	[smem:$0x3FAC] =	sst s0  }
0x18: {  	s0 =	sld [smem:$0x3F8F];
	_ =	swait.ge [sflag:s4], $0x0  }
0x19: {  	s7 =	sld [smem:$0x3F90]  }
0x1a: {  	s8 =	sadd.s32 $0xFFFFE003, lr  }
0x1b: {  	s9 =	sadd.s32 $0xFFFFFEF7, lr;
	s5 =	simm.s32 $0xFFFFFFFF;
	p2 =	slt.u32 s8, $0xFFFFF086  }
0x1c: {  	p1 =	slt.u32 s9, $0xF7A;
	s5 =	simm.s32 @!p2 $0x0  }
0x1d: {  	s5 =	simm.s32 @p1 $0x1;
	p0 =	seq.s32 s7, s2  }
0x1e: {  	s7 =	smul.u32 @!p0 $0xF7A, s2;
	p2 =	seq.s32 @!p0 s5, $0x0  }
0x1f: {  	s9 =	smul.u32 $0xF7A, s1;
	s8 =	simm.s32 @!p0 $0x1BF5;
	p2 =	por !p2, p0  }
0x20: {  	[sflag:s8] =	ssyncset.s32 @!p0 $0xFFFFF086;
	s6 =	sadd.s32 @!p0 s3, s7;
	s7 =	simm.s32 @!p0 $0x108  }
0x21: {  	s3 =	sadd.s32 s3, s9;
	s6 =	sadd.s32 @!p0 $0x88, s6;
	s7 =	simm.s32 @p2 $0x1082  }
0x22: {  	[simem:s7], [sflag:s8] =	dma.local @!p0 [hbm:s6], $0xF7A  }
0x23: {  	s9 =	sor.u32 $0xD0000000, s2;
	s6 =	simm.s32 $0x108;
	_ =	swait.ge @!p0 [sflag:s8], $0x0  }
0x24: {  	s3 =	sadd.s32 $0x88, s3;
	s6 =	simm.s32 @!p1 $0x1082;
	[sflag:s4] =	ssyncset.s32 $0xFFFFF086  }
0x25: {  	[simem:s6], [sflag:s4] =	dma.local [hbm:s3], $0xF7A  }
0x26: {  	[smem:$0x3F90] =	sst s1;
	(tag) =	ssettag s2;
	_ =	strace s9  }
0x27: {  	s1 =	sld [smem:$0x3FA0]  }
0x28: {  	s2 =	sld [smem:$0x3FA1]  }
0x29: {  	s4 =	sld [smem:$0x3FA3]  }
0x2a: {  	p0 =	seq.s32 s5, $0x0;
	s5 =	sld [smem:$0x3FA4]  }
0x2b: {  	s6 =	sld [smem:$0x3FA5]  }
0x2c: {  	s7 =	sld [smem:$0x3FA6]  }
0x2d: {  	s3 =	simm.s32 $0x108;
	s8 =	sld [smem:$0x3FA7]  }
0x2e: {  	s3 =	simm.s32 @!p0 $0x1082;
	s9 =	sld [smem:$0x3FA8]  }
0x2f: {  	lr =	sadd.s32 s0, s3;
	s0 =	sld [smem:$0x3F9F]  }
0x30: {  	s3 =	sld [smem:$0x3FA2]  }
0x31: {  	[smem:$0x3FAB] =	sst s10  }
0x32: {  	s10 =	sld [smem:$0x3FA9];
	_ =	sdelay $0x3  }
0x33: {  	p0 =	seq.s32 s10, $0x1;
	s10 =	sld [smem:$0x3FAB];
	_ =	sdelay $0x3  }
0x34: {  	[smem:$0x3FAB] =	sst s10  }
0x35: {  	s10 =	sld [smem:$0x3FAA];
	_ =	sdelay $0x3  }
0x36: {  	p1 =	seq.s32 s10, $0x1;
	s10 =	sld [smem:$0x3FAB];
	_ =	sdelay $0x3  }
0x37: {  	[smem:$0x3FAB] =	sst s10  }
0x38: {  	s10 =	sld [smem:$0x3FAC]  }
0x39: {  	_ = 	snop;
	(pc) =	sbr.ind lr, $3  }
0x3a: {  	_ = 	snop  }
0x3b: {  	_ = 	snop  }
0x3c: {  	p2 =	seq.s32 s10, $0x1;
	s10 =	sld [smem:$0x3FAB]  }
0x3d: {  	_ =	shalt  }
0x3e: {  	_ =	shalt  }
0x3f: {  	_ =	shalt  }
0x40: {  	_ =	shalt  }
0x41: {  	_ =	shalt  }
0x42: {  	_ =	shalt  }
0x43: {  	_ =	shalt  }
0x44: {  	_ =	shalt  }
0x45: {  	_ =	shalt  }
0x46: {  	_ =	shalt  }
0x47: {  	_ =	shalt  }
0x48: {  	_ =	shalt  }
0x49: {  	_ =	shalt  }
0x4a: {  	_ =	shalt  }
0x4b: {  	_ =	shalt  }
0x4c: {  	_ =	shalt  }
0x4d: {  	_ =	shalt  }
0x4e: {  	_ =	shalt  }
0x4f: {  	_ =	shalt  }
0x50: {  	_ =	shalt  }
0x51: {  	_ =	shalt  }
0x52: {  	_ =	shalt  }
0x53: {  	_ =	shalt  }
0x54: {  	_ =	shalt  }
0x55: {  	_ =	shalt  }
0x56: {  	_ =	shalt  }
0x57: {  	_ =	shalt  }
0x58: {  	_ =	shalt  }
0x59: {  	_ =	shalt  }
0x5a: {  	_ =	shalt  }
0x5b: {  	_ =	shalt  }
0x5c: {  	_ =	shalt  }
0x5d: {  	_ =	shalt  }
0x5e: {  	_ =	shalt  }
0x5f: {  	_ =	shalt  }
0x60: {  	_ =	shalt  }
0x61: {  	_ =	shalt  }
0x62: {  	_ =	shalt  }
0x63: {  	_ =	shalt  }
0x64: {  	_ =	shalt  }
0x65: {  	_ =	shalt  }
0x66: {  	_ =	shalt  }
0x67: {  	_ =	shalt  }
0x68: {  	_ =	shalt  }
0x69: {  	_ =	shalt  }
0x6a: {  	_ =	shalt  }
0x6b: {  	_ =	shalt  }
0x6c: {  	_ =	shalt  }
0x6d: {  	_ =	shalt  }
0x6e: {  	_ =	shalt  }
0x6f: {  	_ =	shalt  }
0x70: {  	_ =	shalt  }
0x71: {  	_ =	shalt  }
0x72: {  	_ =	shalt  }
0x73: {  	_ =	shalt  }
0x74: {  	_ =	shalt  }
0x75: {  	_ =	shalt  }
0x76: {  	_ =	shalt  }
0x77: {  	_ =	shalt  }
0x78: {  	_ =	shalt  }
0x79: {  	_ =	shalt  }
0x7a: {  	_ =	shalt  }
0x7b: {  	_ =	shalt  }
0x7c: {  	_ =	shalt  }
0x7d: {  	_ =	shalt  }
0x7e: {  	_ =	shalt  }
0x7f: {  	_ =	shalt  }
0x80: {  	_ =	shalt  }
0x81: {  	_ =	shalt  }
0x82: {  	_ =	shalt  }
0x83: {  	_ =	shalt  }
0x84: {  	_ =	shalt  }
0x85: {  	_ =	shalt  }
0x86: {  	_ =	shalt  }
0x87: {  	_ =	shalt  }
.Lfunc_end0:
.L_simem_size_0:
called_computation.3_lowered:
.L_overlay_start_0:
0x88: {  	s2 =	sld [smem:$0x3FD9]  }
0x89: {  	s3 =	sld [smem:$0x3FFE];
	_ =	sdelay $0x1  }
0x8a: {  	s1 =	srdreg.scid  }
0x8b: {  	s0 =	sand.u32 $0x1, s1  }
0x8c: {  	s14 =	sshll.u32 s0, $0xA;
	s2 =	sadd.s32 s3, s2  }
0x8d: {  	s2 =	sadd.s32 s2, s14  }
0x8e: {  	[smem:$0x3FB7] =	sst s2  }
0x8f: {  	_ = 	snop  }
0x90: {  	s2 =	sld [smem:$0x3FD0];
	_ =	sdelay $0x2  }
0x91: {  	s15 =	simm.s32 $0xA;
	s4 =	simm.s32 $0x10  }
0x92: {  	[smem:s4], [sflag:s15] =	dma.local [hbm:s2], $0x1  }
0x93: {  	_ =	swait.eq [sflag:s15], $0x1  }
0x94: {  	[sflag:s15] =	ssyncset.done $0x0  }
0x95: {  	[sflag:s15] =	ssyncadd.s32 $0xFFFFFFFF  }
0x96: {  	s16 =	sld [smem:$0x12];
	(tm) =	ssettm $0x1  }
0x97: {  	s17 =	sld [smem:$0x3FFB];
	_ =	sdelay $0x3  }
0x98: {  	_ =	strace s17  }
0x99: {  	s3 =	sld [smem:$0x3FFC];
	_ =	sdelay $0x3  }
0x9a: {  	_ =	strace s3  }
0x9b: {  	s3 =	sld [smem:$0x3FFD];
	_ =	sdelay $0x3  }
0x9c: {  	_ =	strace s3  }
0x9d: {  	_ =	strace $0x8FFFFFFF  }
0x9e: {  	s18 =	sld [smem:$0x3FDB];
	_ =	sdelay $0x1  }
0x9f: {  	s19 =	simm.s32 $_scs_section_size  }
0xa0: {  	s5 =	simm.s32 $_size__tile_overlayer_lowered;
	s6 =	simm.s32 $_tile_overlayer_lowered  }
0xa1: {  	s22 =	simm.s32 $0x1BFF;
	s21 =	sshll.u32 s6, $0x1;
	s3 =	sadd.s32 s19, s18  }
0xa2: {  	s7 =	simm.s32 $0x0;
	s20 =	sshll.u32 s5, $0x1;
	s5 =	sadd.s32 s21, s3  }
0xa3: {  	[timem:s7], [sflag:s22] =	dma.local [hbm:s5], s20  }
0xa4: {  	_ =	swait.ge [sflag:s22], s20  }
0xa5: {  	s4 =	ssub.s32 $0x0, s20;
	[sflag:s22] =	ssyncset.done $0x0  }
0xa6: {  	[sflag:s22] =	ssyncadd.s32 s4;
	_ =	sdelay $0x1  }
0xa7: {  	s23 =	simm.s32 $0x1B8B  }
0xa8: {  	_ =	swait.ge [sflag:s23], $0x1  }
0xa9: {  	[sflag:s23] =	ssyncset.done $0x0  }
0xaa: {  	s25 =	simm.s32 $0x1B8E;
	s24 =	sld [smem:$0x3FFE];
	[sflag:s23] =	ssyncadd.s32 $0xFFFFFFFF  }
0xab: {  	s26 =	simm.s32 $execute0_lowered;
	[smem:$0x3FD2] =	sst s25  }
0xac: {  	s5 =	sshll.u32 s26, $0x1;
	_ =	strace $0x8000004F;
	[dreg:$0x1] =	wrdreg $0xFFFFFFFF  }
0xad: {  	s28 =	simm.s32 $_size_execute0_lowered;
	s3 =	sadd.s32 s3, s5;
	[dreg:$0x0] =	wrdreg $0x0  }
0xae: {  	s5 =	sshll.u32 s28, $0x1;
	[dreg:$0x2] =	wrdreg s3  }
0xaf: {  	[dreg:$0x3] =	wrdreg s5  }
0xb0: {  	[dreg:$0x4] =	wrdreg $0xC0  }
0xb1: {  	_ =	task [dreg:s7], $0x5FFFF  }
0xb2: {  	[dreg:$0x1] =	wrdreg $0xFFFFFFFF  }
0xb3: {  	[dreg:$0x0] =	wrdreg $0x60  }
0xb4: {  	[dreg:$0x2] =	wrdreg s24  }
0xb5: {  	[dreg:$0x3] =	wrdreg s16  }
0xb6: {  	[dreg:$0x4] =	wrdreg $0xBC000  }
0xb7: {  	[dreg:$0x5] =	wrdreg $0x9  }
0xb8: {  	_ =	task.clear_ibuf [dreg:s7], $0x6FFFF;
	_ =	strace $0x9000004F  }
0xb9: {  	s29 =	simm.s32 $0x9;
	_ =	strace $0x80000051  }
0xba: {  	_ =	swait.ge [sflag:s29], $0x1  }
0xbb: {  	[sflag:s29] =	ssyncadd.s32 $0xFFFFFFFF  }
0xbc: {  	_ =	strace $0x90000051  }
0xbd: {  	_ =	sfence  }
0xbe: {  	s30 =	sld [smem:$0x0];
	_ =	sdelay $0x2  }
0xbf: {  	s31 =	sshll.u32 s1, $0xD;
	s1 =	sshrl.u32 s1, $0x2  }
0xc0: {  	s3 =	sand.u32 $0x4000, s31;
	s1 =	sadd.s32 s1, s30  }
0xc1: {  	s0 =	sor.u32 s3, s0;
	s1 =	sshll.u32 s1, $0x11  }
0xc2: {  	s0 =	sor.u32 s1, s0  }
0xc3: {  	s0 =	sadd.s32 $0x8F2B, s0  }
0xc4: {  	[sflag:s0] =	ssyncadd.remote.s32 $0x1  }
0xc5: {  	_ =	sfence.sel $0xFFFF  }
0xc6: {  	[dreg:$0x0] =	wrdreg $0xFFFFFFFF;
	(pc) =	sbr.abs _section_cstart, $3  }
0xc7: {  	[dreg:$0x1] =	wrdreg $0xFFFFFFFF  }
0xc8: {  	_ =	task.clear_ibuf [dreg:s7], $0x2FFFF;
	_ =	strace $0x9FFFFFFF  }
0xc9: {  	(tm) =	ssettm $0x7FFFFFFF  }
tec
execute0_lowered:
.L_overlay_start_1:
0x0: {  	(tag) =	ssettag $0x1  }
0x1: {  	s9 =	rddreg [dreg:$0x0]  }
0x2: {  	s2 =	rddreg [dreg:$0x1]  }
0x3: {  	s3 =	rddreg [dreg:$0x2]  }
0x4: {  	s0 =	rddreg [dreg:$0x3];
	s1 =	stileid.u32  }
0x5: {  	s5 =	srdreg.scid;
	s4 =	simm.s32 $0x0;
	s15 =	simm.s32 $0x64  }
0x6: {  	s16 =	simm.s32 $0x1;
	s17 =	simm.s32 $0x1C00;
	s18 =	simm.s32 $0x2000  }
0x7: {  	s19 =	simm.s32 $0x4;
	s20 =	simm.s32 $0x5;
	s21 =	simm.s32 $0x6  }
0x8: {  	s6 =	smul.u32 $0x13C00, s1;
	s7 =	sand.u32 $0x1, s5;
	[smem:$0x7FF] =	sst s4  }
0x9: {  	s5 =	sadd.s32 $0x5A00, s9;
	s28 =	smul.u32 $0x4F000, s1;
	s30 =	sshll.u32 s1, $0x6  }
0xa: {  	s14 =	sshll.u32 s1, $0xB;
	s8 =	smul.u32 $0x13C000, s7;
	_ =	strace $0x80000050  }
0xb: {  	s11 =	ssub.s32 $0x2, s7;
	s31 =	sshll.u32 s7, $0xF;
	s7 =	sor.u32 $0x1C07, s30  }
0xc: {  	s10 =	sshrl.u32 s6, $0x3;
	s29 =	sshrl.u32 s11, $0x1;
	s6 =	sadd.s32 s6, s8  }
.Ltmp0:
0xd: {  	s10 =	sadd.s32 s10, s9;
	s8 =	sshrl.u32 s28, $0x2;
	(pc) =	sbr.rel .LBB2_1-.Ltmp0, $4  }
0xe: {  	s11 =	ssub.s32 s11, s29;
	s6 =	sshrl.u32 s6, $0x3;
	s13 =	sadd.s32 s8, s3  }
0xf: {  	s8 =	sor.u32 s14, s31;
	s11 =	smax.u32 s11, $0x1;
	s14 =	simm.s32 $0x1000  }
0x10: {  	s12 =	sadd.s32 s6, s9;
	s6 =	sadd.s32 $0x25A00, s10;
	s9 =	sadd.s32 $0x15A00, s9  }
0x11: {  	s10 =	sadd.s32 $0x4D200, s12;
	s12 =	sshrl.u32 s13, $0x3;
	s13 =	simm.s32 $0x7  }
.LBB2_9:
0x12: {  	s4 =	sadd.s32 $0x1, s4  }
0x13: {  	p0 =	sne.s32 s4, s11  }
.Ltmp1:
0x14: {  	[bflag:$0x0] =	sbarrier.arrive $0xFFFF;
	(pc) =	sbr.rel @!p0 .LBB2_10-.Ltmp1, $4  }
0x15: {  	[hbm:s10], [sflag:s7] =	dma.local [spmem:s12], $0x2780  }
0x16: {  	_ =	swait.ge [sflag:s13], $0x2780  }
0x17: {  	[sflag:s13] =	ssyncset.done $0x0  }
0x18: {  	[sflag:s13] =	ssyncadd.s32 $0xFFFFD880  }
.LBB2_1:
0x19: {  	[spmem:s12], [sflag:s7] =	dma.local [hbm:s6], $0x2780  }
.Ltmp2:
0x1a: {  	_ =	swait.ge [sflag:s13], $0x2780;
	(pc) =	sbr.rel .LBB2_2-.Ltmp2, $4  }
0x1b: {  	[sflag:s13] =	ssyncset.done $0x0  }
0x1c: {  	[sflag:s13] =	ssyncadd.s32 $0xFFFFD880  }
0x1d: {  	[bflag:$0x0] =	sbarrier.arrive $0xFFFF  }
0x1e: {  	s22 =	simm.s32 $0x0  }
.LBB2_8:
0x1f: {  	_ =	swait.ge [sflag:s16], $0x3200  }
0x20: {  	[sflag:s16] =	ssyncset.done $0x0  }
0x21: {  	[sflag:s16] =	ssyncadd.s32 $0xFFFFCE00  }
0x22: {  	[spmem:s3] =	stream.indirect.scatter.add.f32 [tilespmem:s18], [sflag:$0x4], $0x80, s17, s15, $0xb8;
	[tilespmem:$0x1F800] =	vst v63  }
0x23: {  	_ =	swait.ge [sflag:s19], $0x3200  }
0x24: {  	[sflag:s19] =	ssyncset.done $0x0  }
0x25: {  	s22 =	sadd.s32 $0x1, s22;
	[sflag:s19] =	ssyncadd.s32 $0xFFFFCE00  }
0x26: {  	p0 =	sne.s32 s22, $0x4;
	_ =	swait.ge [sflag:s20], $0x3200  }
.Ltmp3:
0x27: {  	[sflag:s20] =	ssyncset.done $0x0;
	(pc) =	sbr.rel @!p0 .LBB2_9-.Ltmp3, $4  }
0x28: {  	[sflag:s20] =	ssyncadd.s32 $0xFFFFCE00  }
0x29: {  	_ =	swait.ge [sflag:s21], $0x3200  }
0x2a: {  	[sflag:s21] =	ssyncset.done $0x0  }
0x2b: {  	[sflag:s21] =	ssyncadd.s32 $0xFFFFCE00  }
.LBB2_2:
0x2c: {  	s23 =	sshll.u32 s22, $0x9  }
0x2d: {  	s24 =	sadd.s32 s8, s23  }
0x2e: {  	s23 =	simm.s32 $0x0;
	s25 =	sadd.s32 s5, s24  }
0x2f: {  	[tilespmem:s23], [sflag:$0x7] =	stream.linear.gather [hbm4b:s25+s23], $0xC80, $0x38;
	[tilespmem:$0x1F800] =	vst v63  }
0x30: {  	_ =	swait.ge [sflag:s13], $0xC80  }
0x31: {  	[sflag:s13] =	ssyncset.done $0x0  }
.Ltmp4:
0x32: {  	s24 =	sadd.s32 s24, s9;
	[sflag:s13] =	ssyncadd.s32 $0xFFFFF380;
	(pc) =	sbr.rel .LBB2_3-.Ltmp4, $4  }
0x33: {  	[tilespmem:s14], [sflag:$0x7] =	stream.linear.gather [hbm4b:s24+s23], $0xC80, $0x38;
	[tilespmem:$0x1F800] =	vst v63  }
0x34: {  	_ =	swait.ge [sflag:s13], $0xC80  }
0x35: {  	[sflag:s13] =	ssyncset.done $0x0  }
0x36: {  	s25 =	simm.s32 $0x0;
	s24 =	simm.s32 $0xF80;
	[sflag:s13] =	ssyncadd.s32 $0xFFFFF380  }
.LBB2_4:
0x37: {  	s28 =	sadd.s32 $0x4, s26;
	s29 =	smul.u32 $0xD000, s26  }
0x38: {  	_ =	swait.ge [sflag:s28], $0x3200  }
0x39: {  	[sflag:s28] =	ssyncset.done $0x0;
	s29 =	sshrl.u32 s29, $0x2  }
0x3a: {  	s31 =	sadd.s32 $0x1, s26;
	[sflag:s28] =	ssyncadd.s32 $0xFFFFCE00;
	s30 =	sadd.s32 $0x2000, s29  }
0x3b: {  	[tilespmem:s30], [sflag:s31] =	stream.indirect.gather [hbm4b:s2+s15], $0x80, s23, s15, $0xb8;
	[tilespmem:$0x1F800] =	vst v63  }
.LBB2_6:
0x3c: {  	s26 =	sadd.s32 $0x2, s25  }
0x3d: {  	s28 =	sand.u32 $0xFF, s26  }
0x3e: {  	s28 =	smul.u32 $0xAB, s28;
	_ =	sdelay $0x1  }
0x3f: {  	s28 =	sshrl.u32 s28, $0x9  }
0x40: {  	s28 =	smul.u32 $0x3, s28;
	_ =	sdelay $0x1  }
0x41: {  	s26 =	ssub.s32 s26, s28  }
0x42: {  	s26 =	sand.u32 $0xFF, s26  }
0x43: {  	s31 =	smul.u32 $0xD000, s26;
	s29 =	sadd.s32 $0x1, s26  }
0x44: {  	_ =	swait.ge [sflag:s29], $0x3200  }
0x45: {  	s28 =	sshrl.u32 s31, $0x2;
	[sflag:s29] =	ssyncset.done $0x0  }
0x46: {  	s26 =	sadd.s32 $0x4, s26;
	s28 =	sadd.s32 $0x2000, s28;
	[sflag:s29] =	ssyncadd.s32 $0xFFFFCE00  }
0x47: {  	[spmem:s3] =	stream.indirect.scatter.add.f32 [tilespmem:s28], [sflag:s26], $0x80, s24, s15, $0xb8;
	[tilespmem:$0x1F800] =	vst v63  }
.LBB2_7:
0x48: {  	s25 =	sadd.s32 $0x1, s25  }
0x49: {  	p0 =	sne.s32 s25, $0x19  }
.Ltmp5:
0x4a: {  	_ = 	snop;
	(pc) =	sbr.rel @!p0 .LBB2_8-.Ltmp5, $2  }
0x4b: {  	_ =	sdelay $0x2  }
0x4c: {  	s24 =	sadd.s32 $0x80, s24;
	s23 =	sadd.s32 $0x80, s23  }
.LBB2_3:
0x4d: {  	s26 =	smul.u32 $0xAB, s25;
	_ =	sdelay $0x1  }
0x4e: {  	p0 =	slt.u32 s25, $0x3;
	s26 =	sshrl.u32 s26, $0x9  }
.Ltmp6:
0x4f: {  	s26 =	sand.u32 $0x7F, s26;
	(pc) =	sbr.rel @!p0 .LBB2_4-.Ltmp6, $3  }
0x50: {  	s26 =	smul.u32 $0x3, s26;
	_ =	sdelay $0x1  }
0x51: {  	s26 =	ssub.s32 s25, s26  }
0x52: {  	s26 =	sand.u32 $0xFF, s26  }
0x53: {  	s28 =	smul.u32 $0xD000, s26;
	p0 =	seq.s32 s25, $0x0  }
.Ltmp7:
0x54: {  	_ = 	snop;
	(pc) =	sbr.rel @!p0 .LBB2_6-.Ltmp7, $4  }
.Ltmp8:
0x55: {  	_ = 	snop;
	(pc) =	sbr.rel @p0 .LBB2_7-.Ltmp8, $4  }
0x56: {  	s28 =	sshrl.u32 s28, $0x2  }
0x57: {  	s31 =	sadd.s32 $0x1, s26;
	s28 =	sadd.s32 $0x2000, s28  }
0x58: {  	[tilespmem:s28], [sflag:s31] =	stream.indirect.gather [hbm4b:s2+s15], $0x80, s23, s15, $0xb8;
	[tilespmem:$0x1F800] =	vst v63  }
0x59: {  	_ = 	snop  }
.LBB2_10:
0x5a: {  	_ =	sfence.sel $0x180000  }
0x5b: {  	[bflag:$0x0] =	sbarrier.arrive $0xFFFF  }
0x5c: {  	p0 =	sne.s32 s1, $0x0;
	_ =	strace $0x90000050  }
0x5d: {  	s0 =	sadd.s32 @!p0 $0x100000, s0;
	[bflag:$0x2] =	sbarrier.arrive $0xFFFF  }
0x5e: {  	[sflag:s0] =	ssyncadd.tile.s32 @!p0 $0x1;
	_ =	shalt  }
.Lfunc_end2:
_tile_overlayer_lowered:
.L_overlay_start_2:
0x5f: {  	(tag) =	ssettag $0x2  }
0x60: {  	s0 =	rddreg [dreg:$0x0];
	s2 =	stileid.u32  }
0x61: {  	s1 =	rddreg [dreg:$0x1];
	p0 =	sne.s32 s2, $0x0  }
0x62: {  	s3 =	rddreg [dreg:$0x2];
	[bflag:$0x3] =	sbarrier.arrive $0xFFFF;
	s2 =	simm.s32 @!p0 $0x1C07  }
0x63: {  	[timem:s3], [sflag:s2] =	dma.local @!p0 [hbm:s0], s1  }
0x64: {  	s0 =	simm.s32 @!p0 $0x7  }
0x65: {  	_ =	swait.ge @!p0 [sflag:s0], s1  }
0x66: {  	s1 =	ssub.s32 @!p0 $0x0, s1;
	[sflag:s0] =	ssyncset.done @!p0 $0x0  }
0x67: {  	[sflag:s0] =	ssyncadd.s32 @!p0 s1  }
0x68: {  	[bflag:$0x3] =	sbarrier.arrive $0xFFFF  }
0x69: {  	_ =	shalt  }

// kernel: kernel.26.cloned.1.call-start
scs
__scs_entry_jumppad:
0x0: {  	(pc) =	sbr.rel $0x88, $3  }
0x1: {  	(tag) =	ssettag $0x0;
	lr =	simm.s32 $0x1  }
0x2: {  	[smem:$0x3F90] =	sst lr;
	_ =	strace $0xD0000000  }
0x3: {  	_ = 	snop  }
0x4: {  	_ = 	snop  }
0x5: {  	_ = 	snop  }
0x6: {  	_ = 	snop  }
0x7: {  	_ = 	snop  }
__scs_overlays_trampoline_lowered:
0x8: {  	[smem:$0x3F9F] =	sst s0  }
0x9: {  	[smem:$0x3FA0] =	sst s1  }
0xa: {  	[smem:$0x3FA1] =	sst s2  }
0xb: {  	[smem:$0x3FA2] =	sst s3  }
0xc: {  	[smem:$0x3FA3] =	sst s4  }
0xd: {  	[smem:$0x3FA4] =	sst s5  }
0xe: {  	[smem:$0x3FA5] =	sst s6  }
0xf: {  	[smem:$0x3FA6] =	sst s7  }
0x10: {  	[smem:$0x3FA7] =	sst s8  }
0x11: {  	[smem:$0x3FA8] =	sst s9;
	s0 =	simm.s32 @!p0 $0x0  }
0x12: {  	s1 =	sld [smem:$0x3F8E];
	s0 =	simm.s32 @p0 $0x1  }
0x13: {  	[smem:$0x3FA9] =	sst s0;
	s0 =	simm.s32 @!p1 $0x0  }
0x14: {  	s2 =	sld [smem:$0x3F8D];
	s0 =	simm.s32 @p1 $0x1  }
0x15: {  	[smem:$0x3FAA] =	sst s0;
	s0 =	simm.s32 @!p2 $0x0  }
0x16: {  	s3 =	sld [smem:$0x3FDB];
	s0 =	simm.s32 @p2 $0x1  }
0x17: {  	s4 =	simm.s32 $0x1BF5;
	[smem:$0x3FAC] =	sst s0  }
0x18: {  	s0 =	sld [smem:$0x3F8F];
	_ =	swait.ge [sflag:s4], $0x0  }
0x19: {  	s7 =	sld [smem:$0x3F90]  }
0x1a: {  	s8 =	sadd.s32 $0xFFFFE003, lr  }
0x1b: {  	s9 =	sadd.s32 $0xFFFFFEF7, lr;
	s5 =	simm.s32 $0xFFFFFFFF;
	p2 =	slt.u32 s8, $0xFFFFF086  }
0x1c: {  	p1 =	slt.u32 s9, $0xF7A;
	s5 =	simm.s32 @!p2 $0x0  }
0x1d: {  	s5 =	simm.s32 @p1 $0x1;
	p0 =	seq.s32 s7, s2  }
0x1e: {  	s7 =	smul.u32 @!p0 $0xF7A, s2;
	p2 =	seq.s32 @!p0 s5, $0x0  }
0x1f: {  	s9 =	smul.u32 $0xF7A, s1;
	s8 =	simm.s32 @!p0 $0x1BF5;
	p2 =	por !p2, p0  }
0x20: {  	[sflag:s8] =	ssyncset.s32 @!p0 $0xFFFFF086;
	s6 =	sadd.s32 @!p0 s3, s7;
	s7 =	simm.s32 @!p0 $0x108  }
0x21: {  	s3 =	sadd.s32 s3, s9;
	s6 =	sadd.s32 @!p0 $0x88, s6;
	s7 =	simm.s32 @p2 $0x1082  }
0x22: {  	[simem:s7], [sflag:s8] =	dma.local @!p0 [hbm:s6], $0xF7A  }
0x23: {  	s9 =	sor.u32 $0xD0000000, s2;
	s6 =	simm.s32 $0x108;
	_ =	swait.ge @!p0 [sflag:s8], $0x0  }
0x24: {  	s3 =	sadd.s32 $0x88, s3;
	s6 =	simm.s32 @!p1 $0x1082;
	[sflag:s4] =	ssyncset.s32 $0xFFFFF086  }
0x25: {  	[simem:s6], [sflag:s4] =	dma.local [hbm:s3], $0xF7A  }
0x26: {  	[smem:$0x3F90] =	sst s1;
	(tag) =	ssettag s2;
	_ =	strace s9  }
0x27: {  	s1 =	sld [smem:$0x3FA0]  }
0x28: {  	s2 =	sld [smem:$0x3FA1]  }
0x29: {  	s4 =	sld [smem:$0x3FA3]  }
0x2a: {  	p0 =	seq.s32 s5, $0x0;
	s5 =	sld [smem:$0x3FA4]  }
0x2b: {  	s6 =	sld [smem:$0x3FA5]  }
0x2c: {  	s7 =	sld [smem:$0x3FA6]  }
0x2d: {  	s3 =	simm.s32 $0x108;
	s8 =	sld [smem:$0x3FA7]  }
0x2e: {  	s3 =	simm.s32 @!p0 $0x1082;
	s9 =	sld [smem:$0x3FA8]  }
0x2f: {  	lr =	sadd.s32 s0, s3;
	s0 =	sld [smem:$0x3F9F]  }
0x30: {  	s3 =	sld [smem:$0x3FA2]  }
0x31: {  	[smem:$0x3FAB] =	sst s10  }
0x32: {  	s10 =	sld [smem:$0x3FA9];
	_ =	sdelay $0x3  }
0x33: {  	p0 =	seq.s32 s10, $0x1;
	s10 =	sld [smem:$0x3FAB];
	_ =	sdelay $0x3  }
0x34: {  	[smem:$0x3FAB] =	sst s10  }
0x35: {  	s10 =	sld [smem:$0x3FAA];
	_ =	sdelay $0x3  }
0x36: {  	p1 =	seq.s32 s10, $0x1;
	s10 =	sld [smem:$0x3FAB];
	_ =	sdelay $0x3  }
0x37: {  	[smem:$0x3FAB] =	sst s10  }
0x38: {  	s10 =	sld [smem:$0x3FAC]  }
0x39: {  	_ = 	snop;
	(pc) =	sbr.ind lr, $3  }
0x3a: {  	_ = 	snop  }
0x3b: {  	_ = 	snop  }
0x3c: {  	p2 =	seq.s32 s10, $0x1;
	s10 =	sld [smem:$0x3FAB]  }
0x3d: {  	_ =	shalt  }
0x3e: {  	_ =	shalt  }
0x3f: {  	_ =	shalt  }
0x40: {  	_ =	shalt  }
0x41: {  	_ =	shalt  }
0x42: {  	_ =	shalt  }
0x43: {  	_ =	shalt  }
0x44: {  	_ =	shalt  }
0x45: {  	_ =	shalt  }
0x46: {  	_ =	shalt  }
0x47: {  	_ =	shalt  }
0x48: {  	_ =	shalt  }
0x49: {  	_ =	shalt  }
0x4a: {  	_ =	shalt  }
0x4b: {  	_ =	shalt  }
0x4c: {  	_ =	shalt  }
0x4d: {  	_ =	shalt  }
0x4e: {  	_ =	shalt  }
0x4f: {  	_ =	shalt  }
0x50: {  	_ =	shalt  }
0x51: {  	_ =	shalt  }
0x52: {  	_ =	shalt  }
0x53: {  	_ =	shalt  }
0x54: {  	_ =	shalt  }
0x55: {  	_ =	shalt  }
0x56: {  	_ =	shalt  }
0x57: {  	_ =	shalt  }
0x58: {  	_ =	shalt  }
0x59: {  	_ =	shalt  }
0x5a: {  	_ =	shalt  }
0x5b: {  	_ =	shalt  }
0x5c: {  	_ =	shalt  }
0x5d: {  	_ =	shalt  }
0x5e: {  	_ =	shalt  }
0x5f: {  	_ =	shalt  }
0x60: {  	_ =	shalt  }
0x61: {  	_ =	shalt  }
0x62: {  	_ =	shalt  }
0x63: {  	_ =	shalt  }
0x64: {  	_ =	shalt  }
0x65: {  	_ =	shalt  }
0x66: {  	_ =	shalt  }
0x67: {  	_ =	shalt  }
0x68: {  	_ =	shalt  }
0x69: {  	_ =	shalt  }
0x6a: {  	_ =	shalt  }
0x6b: {  	_ =	shalt  }
0x6c: {  	_ =	shalt  }
0x6d: {  	_ =	shalt  }
0x6e: {  	_ =	shalt  }
0x6f: {  	_ =	shalt  }
0x70: {  	_ =	shalt  }
0x71: {  	_ =	shalt  }
0x72: {  	_ =	shalt  }
0x73: {  	_ =	shalt  }
0x74: {  	_ =	shalt  }
0x75: {  	_ =	shalt  }
0x76: {  	_ =	shalt  }
0x77: {  	_ =	shalt  }
0x78: {  	_ =	shalt  }
0x79: {  	_ =	shalt  }
0x7a: {  	_ =	shalt  }
0x7b: {  	_ =	shalt  }
0x7c: {  	_ =	shalt  }
0x7d: {  	_ =	shalt  }
0x7e: {  	_ =	shalt  }
0x7f: {  	_ =	shalt  }
0x80: {  	_ =	shalt  }
0x81: {  	_ =	shalt  }
0x82: {  	_ =	shalt  }
0x83: {  	_ =	shalt  }
0x84: {  	_ =	shalt  }
0x85: {  	_ =	shalt  }
0x86: {  	_ =	shalt  }
0x87: {  	_ =	shalt  }
.Lfunc_end0:
.L_simem_size_0:
called_computation.4_lowered:
.L_overlay_start_0:
0x88: {  	s2 =	sld [smem:$0x3FD9]  }
0x89: {  	s3 =	sld [smem:$0x3FFE];
	_ =	sdelay $0x1  }
0x8a: {  	s1 =	srdreg.scid  }
0x8b: {  	s0 =	sand.u32 $0x1, s1  }
0x8c: {  	s14 =	sshll.u32 s0, $0xA;
	s2 =	sadd.s32 s3, s2  }
0x8d: {  	s2 =	sadd.s32 s2, s14  }
0x8e: {  	[smem:$0x3FB7] =	sst s2  }
0x8f: {  	_ = 	snop  }
0x90: {  	s2 =	sld [smem:$0x3FD0];
	_ =	sdelay $0x2  }
0x91: {  	s15 =	simm.s32 $0xA;
	s4 =	simm.s32 $0x10  }
0x92: {  	[smem:s4], [sflag:s15] =	dma.local [hbm:s2], $0x1  }
0x93: {  	_ =	swait.eq [sflag:s15], $0x1  }
0x94: {  	[sflag:s15] =	ssyncset.done $0x0  }
0x95: {  	[sflag:s15] =	ssyncadd.s32 $0xFFFFFFFF  }
0x96: {  	s16 =	sld [smem:$0x12];
	(tm) =	ssettm $0x1  }
0x97: {  	s17 =	sld [smem:$0x3FFB];
	_ =	sdelay $0x3  }
0x98: {  	_ =	strace s17  }
0x99: {  	s3 =	sld [smem:$0x3FFC];
	_ =	sdelay $0x3  }
0x9a: {  	_ =	strace s3  }
0x9b: {  	s3 =	sld [smem:$0x3FFD];
	_ =	sdelay $0x3  }
0x9c: {  	_ =	strace s3  }
0x9d: {  	_ =	strace $0x8FFFFFFF  }
0x9e: {  	s18 =	sld [smem:$0x3FDB];
	_ =	sdelay $0x1  }
0x9f: {  	s19 =	simm.s32 $_scs_section_size  }
0xa0: {  	s5 =	simm.s32 $_size__tile_overlayer_lowered;
	s6 =	simm.s32 $_tile_overlayer_lowered  }
0xa1: {  	s22 =	simm.s32 $0x1BFF;
	s21 =	sshll.u32 s6, $0x1;
	s3 =	sadd.s32 s19, s18  }
0xa2: {  	s7 =	simm.s32 $0x0;
	s20 =	sshll.u32 s5, $0x1;
	s5 =	sadd.s32 s21, s3  }
0xa3: {  	[timem:s7], [sflag:s22] =	dma.local [hbm:s5], s20  }
0xa4: {  	_ =	swait.ge [sflag:s22], s20  }
0xa5: {  	s4 =	ssub.s32 $0x0, s20;
	[sflag:s22] =	ssyncset.done $0x0  }
0xa6: {  	[sflag:s22] =	ssyncadd.s32 s4;
	_ =	sdelay $0x1  }
0xa7: {  	s23 =	simm.s32 $0x1B8B  }
0xa8: {  	_ =	swait.ge [sflag:s23], $0x1  }
0xa9: {  	[sflag:s23] =	ssyncset.done $0x0  }
0xaa: {  	s25 =	simm.s32 $0x1B8E;
	s24 =	sld [smem:$0x3FFE];
	[sflag:s23] =	ssyncadd.s32 $0xFFFFFFFF  }
0xab: {  	s26 =	simm.s32 $execute0_lowered;
	[smem:$0x3FD2] =	sst s25  }
0xac: {  	s5 =	sshll.u32 s26, $0x1;
	_ =	strace $0x80000052;
	[dreg:$0x1] =	wrdreg $0xFFFFFFFF  }
0xad: {  	s28 =	simm.s32 $_size_execute0_lowered;
	s3 =	sadd.s32 s3, s5;
	[dreg:$0x0] =	wrdreg $0x0  }
0xae: {  	s5 =	sshll.u32 s28, $0x1;
	[dreg:$0x2] =	wrdreg s3  }
0xaf: {  	[dreg:$0x3] =	wrdreg s5  }
0xb0: {  	[dreg:$0x4] =	wrdreg $0xC0  }
0xb1: {  	_ =	task [dreg:s7], $0x5FFFF  }
0xb2: {  	[dreg:$0x1] =	wrdreg $0xFFFFFFFF  }
0xb3: {  	[dreg:$0x0] =	wrdreg $0x60  }
0xb4: {  	[dreg:$0x2] =	wrdreg s24  }
0xb5: {  	[dreg:$0x3] =	wrdreg s16  }
0xb6: {  	[dreg:$0x4] =	wrdreg $0xBC000  }
0xb7: {  	[dreg:$0x5] =	wrdreg $0x9  }
0xb8: {  	_ =	task.clear_ibuf [dreg:s7], $0x6FFFF;
	_ =	strace $0x90000052  }
0xb9: {  	s29 =	simm.s32 $0x9;
	_ =	strace $0x80000054  }
0xba: {  	_ =	swait.ge [sflag:s29], $0x1  }
0xbb: {  	[sflag:s29] =	ssyncadd.s32 $0xFFFFFFFF  }
0xbc: {  	_ =	strace $0x90000054  }
0xbd: {  	_ =	sfence  }
0xbe: {  	s30 =	sld [smem:$0x0];
	_ =	sdelay $0x2  }
0xbf: {  	s31 =	sshll.u32 s1, $0xD;
	s1 =	sshrl.u32 s1, $0x2  }
0xc0: {  	s3 =	sand.u32 $0x4000, s31;
	s1 =	sadd.s32 s1, s30  }
0xc1: {  	s0 =	sor.u32 s3, s0;
	s1 =	sshll.u32 s1, $0x11  }
0xc2: {  	s0 =	sor.u32 s1, s0  }
0xc3: {  	s0 =	sadd.s32 $0x8F2B, s0  }
0xc4: {  	[sflag:s0] =	ssyncadd.remote.s32 $0x1  }
0xc5: {  	_ =	sfence.sel $0xFFFF  }
0xc6: {  	[dreg:$0x0] =	wrdreg $0xFFFFFFFF;
	(pc) =	sbr.abs _section_cstart, $3  }
0xc7: {  	[dreg:$0x1] =	wrdreg $0xFFFFFFFF  }
0xc8: {  	_ =	task.clear_ibuf [dreg:s7], $0x2FFFF;
	_ =	strace $0x9FFFFFFF  }
0xc9: {  	(tm) =	ssettm $0x7FFFFFFF  }
tec
execute0_lowered:
.L_overlay_start_1:
0x0: {  	(tag) =	ssettag $0x1  }
0x1: {  	s9 =	rddreg [dreg:$0x0]  }
0x2: {  	s2 =	rddreg [dreg:$0x1]  }
0x3: {  	s3 =	rddreg [dreg:$0x2]  }
0x4: {  	s0 =	rddreg [dreg:$0x3];
	s1 =	stileid.u32  }
0x5: {  	s5 =	srdreg.scid;
	s4 =	simm.s32 $0x0;
	s15 =	simm.s32 $0x64  }
0x6: {  	s16 =	simm.s32 $0x1;
	s17 =	simm.s32 $0x1C00;
	s18 =	simm.s32 $0x2000  }
0x7: {  	s19 =	simm.s32 $0x4;
	s20 =	simm.s32 $0x5;
	s21 =	simm.s32 $0x6  }
0x8: {  	s6 =	smul.u32 $0x13C00, s1;
	s7 =	sand.u32 $0x1, s5;
	[smem:$0x7FF] =	sst s4  }
0x9: {  	s5 =	sadd.s32 $0x5A00, s9;
	s28 =	smul.u32 $0x4F000, s1;
	s30 =	sshll.u32 s1, $0x6  }
0xa: {  	s14 =	sshll.u32 s1, $0xB;
	s8 =	smul.u32 $0x13C000, s7;
	_ =	strace $0x80000053  }
0xb: {  	s11 =	ssub.s32 $0x2, s7;
	s31 =	sshll.u32 s7, $0xF;
	s7 =	sor.u32 $0x1C07, s30  }
0xc: {  	s10 =	sshrl.u32 s6, $0x3;
	s29 =	sshrl.u32 s11, $0x1;
	s6 =	sadd.s32 s6, s8  }
.Ltmp0:
0xd: {  	s10 =	sadd.s32 s10, s9;
	s8 =	sshrl.u32 s28, $0x2;
	(pc) =	sbr.rel .LBB2_1-.Ltmp0, $4  }
0xe: {  	s11 =	ssub.s32 s11, s29;
	s6 =	sshrl.u32 s6, $0x3;
	s13 =	sadd.s32 s8, s3  }
0xf: {  	s8 =	sor.u32 s14, s31;
	s11 =	smax.u32 s11, $0x1;
	s14 =	simm.s32 $0x1000  }
0x10: {  	s12 =	sadd.s32 s6, s9;
	s6 =	sadd.s32 $0x25A00, s10;
	s9 =	sadd.s32 $0x15A00, s9  }
0x11: {  	s10 =	sadd.s32 $0x4D200, s12;
	s12 =	sshrl.u32 s13, $0x3;
	s13 =	simm.s32 $0x7  }
.LBB2_9:
0x12: {  	s4 =	sadd.s32 $0x1, s4  }
0x13: {  	p0 =	sne.s32 s4, s11  }
.Ltmp1:
0x14: {  	[bflag:$0x0] =	sbarrier.arrive $0xFFFF;
	(pc) =	sbr.rel @!p0 .LBB2_10-.Ltmp1, $4  }
0x15: {  	[hbm:s10], [sflag:s7] =	dma.local [spmem:s12], $0x2780  }
0x16: {  	_ =	swait.ge [sflag:s13], $0x2780  }
0x17: {  	[sflag:s13] =	ssyncset.done $0x0  }
0x18: {  	[sflag:s13] =	ssyncadd.s32 $0xFFFFD880  }
.LBB2_1:
0x19: {  	[spmem:s12], [sflag:s7] =	dma.local [hbm:s6], $0x2780  }
.Ltmp2:
0x1a: {  	_ =	swait.ge [sflag:s13], $0x2780;
	(pc) =	sbr.rel .LBB2_2-.Ltmp2, $4  }
0x1b: {  	[sflag:s13] =	ssyncset.done $0x0  }
0x1c: {  	[sflag:s13] =	ssyncadd.s32 $0xFFFFD880  }
0x1d: {  	[bflag:$0x0] =	sbarrier.arrive $0xFFFF  }
0x1e: {  	s22 =	simm.s32 $0x0  }
.LBB2_8:
0x1f: {  	_ =	swait.ge [sflag:s16], $0x3200  }
0x20: {  	[sflag:s16] =	ssyncset.done $0x0  }
0x21: {  	[sflag:s16] =	ssyncadd.s32 $0xFFFFCE00  }
0x22: {  	[spmem:s3] =	stream.indirect.scatter.add.f32 [tilespmem:s18], [sflag:$0x4], $0x80, s17, s15, $0xb8;
	[tilespmem:$0x1F800] =	vst v63  }
0x23: {  	_ =	swait.ge [sflag:s19], $0x3200  }
0x24: {  	[sflag:s19] =	ssyncset.done $0x0  }
0x25: {  	s22 =	sadd.s32 $0x1, s22;
	[sflag:s19] =	ssyncadd.s32 $0xFFFFCE00  }
0x26: {  	p0 =	sne.s32 s22, $0x4;
	_ =	swait.ge [sflag:s20], $0x3200  }
.Ltmp3:
0x27: {  	[sflag:s20] =	ssyncset.done $0x0;
	(pc) =	sbr.rel @!p0 .LBB2_9-.Ltmp3, $4  }
0x28: {  	[sflag:s20] =	ssyncadd.s32 $0xFFFFCE00  }
0x29: {  	_ =	swait.ge [sflag:s21], $0x3200  }
0x2a: {  	[sflag:s21] =	ssyncset.done $0x0  }
0x2b: {  	[sflag:s21] =	ssyncadd.s32 $0xFFFFCE00  }
.LBB2_2:
0x2c: {  	s23 =	sshll.u32 s22, $0x9  }
0x2d: {  	s24 =	sadd.s32 s8, s23  }
0x2e: {  	s23 =	simm.s32 $0x0;
	s25 =	sadd.s32 s5, s24  }
0x2f: {  	[tilespmem:s23], [sflag:$0x7] =	stream.linear.gather [hbm4b:s25+s23], $0xC80, $0x38;
	[tilespmem:$0x1F800] =	vst v63  }
0x30: {  	_ =	swait.ge [sflag:s13], $0xC80  }
0x31: {  	[sflag:s13] =	ssyncset.done $0x0  }
.Ltmp4:
0x32: {  	s24 =	sadd.s32 s24, s9;
	[sflag:s13] =	ssyncadd.s32 $0xFFFFF380;
	(pc) =	sbr.rel .LBB2_3-.Ltmp4, $4  }
0x33: {  	[tilespmem:s14], [sflag:$0x7] =	stream.linear.gather [hbm4b:s24+s23], $0xC80, $0x38;
	[tilespmem:$0x1F800] =	vst v63  }
0x34: {  	_ =	swait.ge [sflag:s13], $0xC80  }
0x35: {  	[sflag:s13] =	ssyncset.done $0x0  }
0x36: {  	s25 =	simm.s32 $0x0;
	s24 =	simm.s32 $0xF80;
	[sflag:s13] =	ssyncadd.s32 $0xFFFFF380  }
.LBB2_4:
0x37: {  	s28 =	sadd.s32 $0x4, s26;
	s29 =	smul.u32 $0xD000, s26  }
0x38: {  	_ =	swait.ge [sflag:s28], $0x3200  }
0x39: {  	[sflag:s28] =	ssyncset.done $0x0;
	s29 =	sshrl.u32 s29, $0x2  }
0x3a: {  	s31 =	sadd.s32 $0x1, s26;
	[sflag:s28] =	ssyncadd.s32 $0xFFFFCE00;
	s30 =	sadd.s32 $0x2000, s29  }
0x3b: {  	[tilespmem:s30], [sflag:s31] =	stream.indirect.gather [hbm4b:s2+s15], $0x80, s23, s15, $0xb8;
	[tilespmem:$0x1F800] =	vst v63  }
.LBB2_6:
0x3c: {  	s26 =	sadd.s32 $0x2, s25  }
0x3d: {  	s28 =	sand.u32 $0xFF, s26  }
0x3e: {  	s28 =	smul.u32 $0xAB, s28;
	_ =	sdelay $0x1  }
0x3f: {  	s28 =	sshrl.u32 s28, $0x9  }
0x40: {  	s28 =	smul.u32 $0x3, s28;
	_ =	sdelay $0x1  }
0x41: {  	s26 =	ssub.s32 s26, s28  }
0x42: {  	s26 =	sand.u32 $0xFF, s26  }
0x43: {  	s31 =	smul.u32 $0xD000, s26;
	s29 =	sadd.s32 $0x1, s26  }
0x44: {  	_ =	swait.ge [sflag:s29], $0x3200  }
0x45: {  	s28 =	sshrl.u32 s31, $0x2;
	[sflag:s29] =	ssyncset.done $0x0  }
0x46: {  	s26 =	sadd.s32 $0x4, s26;
	s28 =	sadd.s32 $0x2000, s28;
	[sflag:s29] =	ssyncadd.s32 $0xFFFFCE00  }
0x47: {  	[spmem:s3] =	stream.indirect.scatter.add.f32 [tilespmem:s28], [sflag:s26], $0x80, s24, s15, $0xb8;
	[tilespmem:$0x1F800] =	vst v63  }
.LBB2_7:
0x48: {  	s25 =	sadd.s32 $0x1, s25  }
0x49: {  	p0 =	sne.s32 s25, $0x19  }
.Ltmp5:
0x4a: {  	_ = 	snop;
	(pc) =	sbr.rel @!p0 .LBB2_8-.Ltmp5, $2  }
0x4b: {  	_ =	sdelay $0x2  }
0x4c: {  	s24 =	sadd.s32 $0x80, s24;
	s23 =	sadd.s32 $0x80, s23  }
.LBB2_3:
0x4d: {  	s26 =	smul.u32 $0xAB, s25;
	_ =	sdelay $0x1  }
0x4e: {  	p0 =	slt.u32 s25, $0x3;
	s26 =	sshrl.u32 s26, $0x9  }
.Ltmp6:
0x4f: {  	s26 =	sand.u32 $0x7F, s26;
	(pc) =	sbr.rel @!p0 .LBB2_4-.Ltmp6, $3  }
0x50: {  	s26 =	smul.u32 $0x3, s26;
	_ =	sdelay $0x1  }
0x51: {  	s26 =	ssub.s32 s25, s26  }
0x52: {  	s26 =	sand.u32 $0xFF, s26  }
0x53: {  	s28 =	smul.u32 $0xD000, s26;
	p0 =	seq.s32 s25, $0x0  }
.Ltmp7:
0x54: {  	_ = 	snop;
	(pc) =	sbr.rel @!p0 .LBB2_6-.Ltmp7, $4  }
.Ltmp8:
0x55: {  	_ = 	snop;
	(pc) =	sbr.rel @p0 .LBB2_7-.Ltmp8, $4  }
0x56: {  	s28 =	sshrl.u32 s28, $0x2  }
0x57: {  	s31 =	sadd.s32 $0x1, s26;
	s28 =	sadd.s32 $0x2000, s28  }
0x58: {  	[tilespmem:s28], [sflag:s31] =	stream.indirect.gather [hbm4b:s2+s15], $0x80, s23, s15, $0xb8;
	[tilespmem:$0x1F800] =	vst v63  }
0x59: {  	_ = 	snop  }
.LBB2_10:
0x5a: {  	_ =	sfence.sel $0x180000  }
0x5b: {  	[bflag:$0x0] =	sbarrier.arrive $0xFFFF  }
0x5c: {  	p0 =	sne.s32 s1, $0x0;
	_ =	strace $0x90000053  }
0x5d: {  	s0 =	sadd.s32 @!p0 $0x100000, s0;
	[bflag:$0x2] =	sbarrier.arrive $0xFFFF  }
0x5e: {  	[sflag:s0] =	ssyncadd.tile.s32 @!p0 $0x1;
	_ =	shalt  }
.Lfunc_end2:
_tile_overlayer_lowered:
.L_overlay_start_2:
0x5f: {  	(tag) =	ssettag $0x2  }
0x60: {  	s0 =	rddreg [dreg:$0x0];
	s2 =	stileid.u32  }
0x61: {  	s1 =	rddreg [dreg:$0x1];
	p0 =	sne.s32 s2, $0x0  }
0x62: {  	s3 =	rddreg [dreg:$0x2];
	[bflag:$0x3] =	sbarrier.arrive $0xFFFF;
	s2 =	simm.s32 @!p0 $0x1C07  }
0x63: {  	[timem:s3], [sflag:s2] =	dma.local @!p0 [hbm:s0], s1  }
0x64: {  	s0 =	simm.s32 @!p0 $0x7  }
0x65: {  	_ =	swait.ge @!p0 [sflag:s0], s1  }
0x66: {  	s1 =	ssub.s32 @!p0 $0x0, s1;
	[sflag:s0] =	ssyncset.done @!p0 $0x0  }
0x67: {  	[sflag:s0] =	ssyncadd.s32 @!p0 s1  }
0x68: {  	[bflag:$0x3] =	sbarrier.arrive $0xFFFF  }
0x69: {  	_ =	shalt  }

// kernel: kernel.29.cloned.1.call-start
scs
__scs_entry_jumppad:
0x0: {  	(pc) =	sbr.rel $0x88, $3  }
0x1: {  	(tag) =	ssettag $0x0;
	lr =	simm.s32 $0x1  }
0x2: {  	[smem:$0x3F90] =	sst lr;
	_ =	strace $0xD0000000  }
0x3: {  	_ = 	snop  }
0x4: {  	_ = 	snop  }
0x5: {  	_ = 	snop  }
0x6: {  	_ = 	snop  }
0x7: {  	_ = 	snop  }
__scs_overlays_trampoline_lowered:
0x8: {  	[smem:$0x3F9F] =	sst s0  }
0x9: {  	[smem:$0x3FA0] =	sst s1  }
0xa: {  	[smem:$0x3FA1] =	sst s2  }
0xb: {  	[smem:$0x3FA2] =	sst s3  }
0xc: {  	[smem:$0x3FA3] =	sst s4  }
0xd: {  	[smem:$0x3FA4] =	sst s5  }
0xe: {  	[smem:$0x3FA5] =	sst s6  }
0xf: {  	[smem:$0x3FA6] =	sst s7  }
0x10: {  	[smem:$0x3FA7] =	sst s8  }
0x11: {  	[smem:$0x3FA8] =	sst s9;
	s0 =	simm.s32 @!p0 $0x0  }
0x12: {  	s1 =	sld [smem:$0x3F8E];
	s0 =	simm.s32 @p0 $0x1  }
0x13: {  	[smem:$0x3FA9] =	sst s0;
	s0 =	simm.s32 @!p1 $0x0  }
0x14: {  	s2 =	sld [smem:$0x3F8D];
	s0 =	simm.s32 @p1 $0x1  }
0x15: {  	[smem:$0x3FAA] =	sst s0;
	s0 =	simm.s32 @!p2 $0x0  }
0x16: {  	s3 =	sld [smem:$0x3FDB];
	s0 =	simm.s32 @p2 $0x1  }
0x17: {  	s4 =	simm.s32 $0x1BF5;
	[smem:$0x3FAC] =	sst s0  }
0x18: {  	s0 =	sld [smem:$0x3F8F];
	_ =	swait.ge [sflag:s4], $0x0  }
0x19: {  	s7 =	sld [smem:$0x3F90]  }
0x1a: {  	s8 =	sadd.s32 $0xFFFFE003, lr  }
0x1b: {  	s9 =	sadd.s32 $0xFFFFFEF7, lr;
	s5 =	simm.s32 $0xFFFFFFFF;
	p2 =	slt.u32 s8, $0xFFFFF086  }
0x1c: {  	p1 =	slt.u32 s9, $0xF7A;
	s5 =	simm.s32 @!p2 $0x0  }
0x1d: {  	s5 =	simm.s32 @p1 $0x1;
	p0 =	seq.s32 s7, s2  }
0x1e: {  	s7 =	smul.u32 @!p0 $0xF7A, s2;
	p2 =	seq.s32 @!p0 s5, $0x0  }
0x1f: {  	s9 =	smul.u32 $0xF7A, s1;
	s8 =	simm.s32 @!p0 $0x1BF5;
	p2 =	por !p2, p0  }
0x20: {  	[sflag:s8] =	ssyncset.s32 @!p0 $0xFFFFF086;
	s6 =	sadd.s32 @!p0 s3, s7;
	s7 =	simm.s32 @!p0 $0x108  }
0x21: {  	s3 =	sadd.s32 s3, s9;
	s6 =	sadd.s32 @!p0 $0x88, s6;
	s7 =	simm.s32 @p2 $0x1082  }
0x22: {  	[simem:s7], [sflag:s8] =	dma.local @!p0 [hbm:s6], $0xF7A  }
0x23: {  	s9 =	sor.u32 $0xD0000000, s2;
	s6 =	simm.s32 $0x108;
	_ =	swait.ge @!p0 [sflag:s8], $0x0  }
0x24: {  	s3 =	sadd.s32 $0x88, s3;
	s6 =	simm.s32 @!p1 $0x1082;
	[sflag:s4] =	ssyncset.s32 $0xFFFFF086  }
0x25: {  	[simem:s6], [sflag:s4] =	dma.local [hbm:s3], $0xF7A  }
0x26: {  	[smem:$0x3F90] =	sst s1;
	(tag) =	ssettag s2;
	_ =	strace s9  }
0x27: {  	s1 =	sld [smem:$0x3FA0]  }
0x28: {  	s2 =	sld [smem:$0x3FA1]  }
0x29: {  	s4 =	sld [smem:$0x3FA3]  }
0x2a: {  	p0 =	seq.s32 s5, $0x0;
	s5 =	sld [smem:$0x3FA4]  }
0x2b: {  	s6 =	sld [smem:$0x3FA5]  }
0x2c: {  	s7 =	sld [smem:$0x3FA6]  }
0x2d: {  	s3 =	simm.s32 $0x108;
	s8 =	sld [smem:$0x3FA7]  }
0x2e: {  	s3 =	simm.s32 @!p0 $0x1082;
	s9 =	sld [smem:$0x3FA8]  }
0x2f: {  	lr =	sadd.s32 s0, s3;
	s0 =	sld [smem:$0x3F9F]  }
0x30: {  	s3 =	sld [smem:$0x3FA2]  }
0x31: {  	[smem:$0x3FAB] =	sst s10  }
0x32: {  	s10 =	sld [smem:$0x3FA9];
	_ =	sdelay $0x3  }
0x33: {  	p0 =	seq.s32 s10, $0x1;
	s10 =	sld [smem:$0x3FAB];
	_ =	sdelay $0x3  }
0x34: {  	[smem:$0x3FAB] =	sst s10  }
0x35: {  	s10 =	sld [smem:$0x3FAA];
	_ =	sdelay $0x3  }
0x36: {  	p1 =	seq.s32 s10, $0x1;
	s10 =	sld [smem:$0x3FAB];
	_ =	sdelay $0x3  }
0x37: {  	[smem:$0x3FAB] =	sst s10  }
0x38: {  	s10 =	sld [smem:$0x3FAC]  }
0x39: {  	_ = 	snop;
	(pc) =	sbr.ind lr, $3  }
0x3a: {  	_ = 	snop  }
0x3b: {  	_ = 	snop  }
0x3c: {  	p2 =	seq.s32 s10, $0x1;
	s10 =	sld [smem:$0x3FAB]  }
0x3d: {  	_ =	shalt  }
0x3e: {  	_ =	shalt  }
0x3f: {  	_ =	shalt  }
0x40: {  	_ =	shalt  }
0x41: {  	_ =	shalt  }
0x42: {  	_ =	shalt  }
0x43: {  	_ =	shalt  }
0x44: {  	_ =	shalt  }
0x45: {  	_ =	shalt  }
0x46: {  	_ =	shalt  }
0x47: {  	_ =	shalt  }
0x48: {  	_ =	shalt  }
0x49: {  	_ =	shalt  }
0x4a: {  	_ =	shalt  }
0x4b: {  	_ =	shalt  }
0x4c: {  	_ =	shalt  }
0x4d: {  	_ =	shalt  }
0x4e: {  	_ =	shalt  }
0x4f: {  	_ =	shalt  }
0x50: {  	_ =	shalt  }
0x51: {  	_ =	shalt  }
0x52: {  	_ =	shalt  }
0x53: {  	_ =	shalt  }
0x54: {  	_ =	shalt  }
0x55: {  	_ =	shalt  }
0x56: {  	_ =	shalt  }
0x57: {  	_ =	shalt  }
0x58: {  	_ =	shalt  }
0x59: {  	_ =	shalt  }
0x5a: {  	_ =	shalt  }
0x5b: {  	_ =	shalt  }
0x5c: {  	_ =	shalt  }
0x5d: {  	_ =	shalt  }
0x5e: {  	_ =	shalt  }
0x5f: {  	_ =	shalt  }
0x60: {  	_ =	shalt  }
0x61: {  	_ =	shalt  }
0x62: {  	_ =	shalt  }
0x63: {  	_ =	shalt  }
0x64: {  	_ =	shalt  }
0x65: {  	_ =	shalt  }
0x66: {  	_ =	shalt  }
0x67: {  	_ =	shalt  }
0x68: {  	_ =	shalt  }
0x69: {  	_ =	shalt  }
0x6a: {  	_ =	shalt  }
0x6b: {  	_ =	shalt  }
0x6c: {  	_ =	shalt  }
0x6d: {  	_ =	shalt  }
0x6e: {  	_ =	shalt  }
0x6f: {  	_ =	shalt  }
0x70: {  	_ =	shalt  }
0x71: {  	_ =	shalt  }
0x72: {  	_ =	shalt  }
0x73: {  	_ =	shalt  }
0x74: {  	_ =	shalt  }
0x75: {  	_ =	shalt  }
0x76: {  	_ =	shalt  }
0x77: {  	_ =	shalt  }
0x78: {  	_ =	shalt  }
0x79: {  	_ =	shalt  }
0x7a: {  	_ =	shalt  }
0x7b: {  	_ =	shalt  }
0x7c: {  	_ =	shalt  }
0x7d: {  	_ =	shalt  }
0x7e: {  	_ =	shalt  }
0x7f: {  	_ =	shalt  }
0x80: {  	_ =	shalt  }
0x81: {  	_ =	shalt  }
0x82: {  	_ =	shalt  }
0x83: {  	_ =	shalt  }
0x84: {  	_ =	shalt  }
0x85: {  	_ =	shalt  }
0x86: {  	_ =	shalt  }
0x87: {  	_ =	shalt  }
.Lfunc_end0:
.L_simem_size_0:
called_computation.5_lowered:
.L_overlay_start_0:
0x88: {  	s2 =	sld [smem:$0x3FD9]  }
0x89: {  	s3 =	sld [smem:$0x3FFE];
	_ =	sdelay $0x1  }
0x8a: {  	s1 =	srdreg.scid  }
0x8b: {  	s0 =	sand.u32 $0x1, s1  }
0x8c: {  	s14 =	sshll.u32 s0, $0xA;
	s2 =	sadd.s32 s3, s2  }
0x8d: {  	s2 =	sadd.s32 s2, s14  }
0x8e: {  	[smem:$0x3FB7] =	sst s2  }
0x8f: {  	_ = 	snop  }
0x90: {  	s2 =	sld [smem:$0x3FD0];
	_ =	sdelay $0x2  }
0x91: {  	s15 =	simm.s32 $0xA;
	s4 =	simm.s32 $0x10  }
0x92: {  	[smem:s4], [sflag:s15] =	dma.local [hbm:s2], $0x1  }
0x93: {  	_ =	swait.eq [sflag:s15], $0x1  }
0x94: {  	[sflag:s15] =	ssyncset.done $0x0  }
0x95: {  	[sflag:s15] =	ssyncadd.s32 $0xFFFFFFFF  }
0x96: {  	s16 =	sld [smem:$0x12];
	(tm) =	ssettm $0x1  }
0x97: {  	s17 =	sld [smem:$0x3FFB];
	_ =	sdelay $0x3  }
0x98: {  	_ =	strace s17  }
0x99: {  	s3 =	sld [smem:$0x3FFC];
	_ =	sdelay $0x3  }
0x9a: {  	_ =	strace s3  }
0x9b: {  	s3 =	sld [smem:$0x3FFD];
	_ =	sdelay $0x3  }
0x9c: {  	_ =	strace s3  }
0x9d: {  	_ =	strace $0x8FFFFFFF  }
0x9e: {  	s18 =	sld [smem:$0x3FDB];
	_ =	sdelay $0x1  }
0x9f: {  	s19 =	simm.s32 $_scs_section_size  }
0xa0: {  	s5 =	simm.s32 $_size__tile_overlayer_lowered;
	s6 =	simm.s32 $_tile_overlayer_lowered  }
0xa1: {  	s22 =	simm.s32 $0x1BFF;
	s21 =	sshll.u32 s6, $0x1;
	s3 =	sadd.s32 s19, s18  }
0xa2: {  	s7 =	simm.s32 $0x0;
	s20 =	sshll.u32 s5, $0x1;
	s5 =	sadd.s32 s21, s3  }
0xa3: {  	[timem:s7], [sflag:s22] =	dma.local [hbm:s5], s20  }
0xa4: {  	_ =	swait.ge [sflag:s22], s20  }
0xa5: {  	s4 =	ssub.s32 $0x0, s20;
	[sflag:s22] =	ssyncset.done $0x0  }
0xa6: {  	[sflag:s22] =	ssyncadd.s32 s4;
	_ =	sdelay $0x1  }
0xa7: {  	s23 =	simm.s32 $0x1B8B  }
0xa8: {  	_ =	swait.ge [sflag:s23], $0x1  }
0xa9: {  	[sflag:s23] =	ssyncset.done $0x0  }
0xaa: {  	s25 =	simm.s32 $0x1B8E;
	s24 =	sld [smem:$0x3FFE];
	[sflag:s23] =	ssyncadd.s32 $0xFFFFFFFF  }
0xab: {  	s26 =	simm.s32 $execute0_lowered;
	[smem:$0x3FD2] =	sst s25  }
0xac: {  	s5 =	sshll.u32 s26, $0x1;
	_ =	strace $0x80000055;
	[dreg:$0x1] =	wrdreg $0xFFFFFFFF  }
0xad: {  	s28 =	simm.s32 $_size_execute0_lowered;
	s3 =	sadd.s32 s3, s5;
	[dreg:$0x0] =	wrdreg $0x0  }
0xae: {  	s5 =	sshll.u32 s28, $0x1;
	[dreg:$0x2] =	wrdreg s3  }
0xaf: {  	[dreg:$0x3] =	wrdreg s5  }
0xb0: {  	[dreg:$0x4] =	wrdreg $0xC0  }
0xb1: {  	_ =	task [dreg:s7], $0x5FFFF  }
0xb2: {  	[dreg:$0x1] =	wrdreg $0xFFFFFFFF  }
0xb3: {  	[dreg:$0x0] =	wrdreg $0x60  }
0xb4: {  	[dreg:$0x2] =	wrdreg s24  }
0xb5: {  	[dreg:$0x3] =	wrdreg s16  }
0xb6: {  	[dreg:$0x4] =	wrdreg $0xBC000  }
0xb7: {  	[dreg:$0x5] =	wrdreg $0x9  }
0xb8: {  	_ =	task.clear_ibuf [dreg:s7], $0x6FFFF;
	_ =	strace $0x90000055  }
0xb9: {  	s29 =	simm.s32 $0x9;
	_ =	strace $0x80000057  }
0xba: {  	_ =	swait.ge [sflag:s29], $0x1  }
0xbb: {  	[sflag:s29] =	ssyncadd.s32 $0xFFFFFFFF  }
0xbc: {  	_ =	strace $0x90000057  }
0xbd: {  	_ =	sfence  }
0xbe: {  	s30 =	sld [smem:$0x0];
	_ =	sdelay $0x2  }
0xbf: {  	s31 =	sshll.u32 s1, $0xD;
	s1 =	sshrl.u32 s1, $0x2  }
0xc0: {  	s3 =	sand.u32 $0x4000, s31;
	s1 =	sadd.s32 s1, s30  }
0xc1: {  	s0 =	sor.u32 s3, s0;
	s1 =	sshll.u32 s1, $0x11  }
0xc2: {  	s0 =	sor.u32 s1, s0  }
0xc3: {  	s0 =	sadd.s32 $0x8F2B, s0  }
0xc4: {  	[sflag:s0] =	ssyncadd.remote.s32 $0x1  }
0xc5: {  	_ =	sfence.sel $0xFFFF  }
0xc6: {  	[dreg:$0x0] =	wrdreg $0xFFFFFFFF;
	(pc) =	sbr.abs _section_cstart, $3  }
0xc7: {  	[dreg:$0x1] =	wrdreg $0xFFFFFFFF  }
0xc8: {  	_ =	task.clear_ibuf [dreg:s7], $0x2FFFF;
	_ =	strace $0x9FFFFFFF  }
0xc9: {  	(tm) =	ssettm $0x7FFFFFFF  }
tec
execute0_lowered:
.L_overlay_start_1:
0x0: {  	(tag) =	ssettag $0x1  }
0x1: {  	s9 =	rddreg [dreg:$0x0]  }
0x2: {  	s2 =	rddreg [dreg:$0x1]  }
0x3: {  	s3 =	rddreg [dreg:$0x2]  }
0x4: {  	s0 =	rddreg [dreg:$0x3];
	s1 =	stileid.u32  }
0x5: {  	s5 =	srdreg.scid;
	s4 =	simm.s32 $0x0;
	s15 =	simm.s32 $0x64  }
0x6: {  	s16 =	simm.s32 $0x1;
	s17 =	simm.s32 $0x1C00;
	s18 =	simm.s32 $0x2000  }
0x7: {  	s19 =	simm.s32 $0x4;
	s20 =	simm.s32 $0x5;
	s21 =	simm.s32 $0x6  }
0x8: {  	s6 =	smul.u32 $0x13C00, s1;
	s7 =	sand.u32 $0x1, s5;
	[smem:$0x7FF] =	sst s4  }
0x9: {  	s5 =	sadd.s32 $0x5A00, s9;
	s28 =	smul.u32 $0x4F000, s1;
	s30 =	sshll.u32 s1, $0x6  }
0xa: {  	s14 =	sshll.u32 s1, $0xB;
	s8 =	smul.u32 $0x13C000, s7;
	_ =	strace $0x80000056  }
0xb: {  	s11 =	ssub.s32 $0x2, s7;
	s31 =	sshll.u32 s7, $0xF;
	s7 =	sor.u32 $0x1C07, s30  }
0xc: {  	s10 =	sshrl.u32 s6, $0x3;
	s29 =	sshrl.u32 s11, $0x1;
	s6 =	sadd.s32 s6, s8  }
.Ltmp0:
0xd: {  	s10 =	sadd.s32 s10, s9;
	s8 =	sshrl.u32 s28, $0x2;
	(pc) =	sbr.rel .LBB2_1-.Ltmp0, $4  }
0xe: {  	s11 =	ssub.s32 s11, s29;
	s6 =	sshrl.u32 s6, $0x3;
	s13 =	sadd.s32 s8, s3  }
0xf: {  	s8 =	sor.u32 s14, s31;
	s11 =	smax.u32 s11, $0x1;
	s14 =	simm.s32 $0x1000  }
0x10: {  	s12 =	sadd.s32 s6, s9;
	s6 =	sadd.s32 $0x25A00, s10;
	s9 =	sadd.s32 $0x15A00, s9  }
0x11: {  	s10 =	sadd.s32 $0x4D200, s12;
	s12 =	sshrl.u32 s13, $0x3;
	s13 =	simm.s32 $0x7  }
.LBB2_9:
0x12: {  	s4 =	sadd.s32 $0x1, s4  }
0x13: {  	p0 =	sne.s32 s4, s11  }
.Ltmp1:
0x14: {  	[bflag:$0x0] =	sbarrier.arrive $0xFFFF;
	(pc) =	sbr.rel @!p0 .LBB2_10-.Ltmp1, $4  }
0x15: {  	[hbm:s10], [sflag:s7] =	dma.local [spmem:s12], $0x2780  }
0x16: {  	_ =	swait.ge [sflag:s13], $0x2780  }
0x17: {  	[sflag:s13] =	ssyncset.done $0x0  }
0x18: {  	[sflag:s13] =	ssyncadd.s32 $0xFFFFD880  }
.LBB2_1:
0x19: {  	[spmem:s12], [sflag:s7] =	dma.local [hbm:s6], $0x2780  }
.Ltmp2:
0x1a: {  	_ =	swait.ge [sflag:s13], $0x2780;
	(pc) =	sbr.rel .LBB2_2-.Ltmp2, $4  }
0x1b: {  	[sflag:s13] =	ssyncset.done $0x0  }
0x1c: {  	[sflag:s13] =	ssyncadd.s32 $0xFFFFD880  }
0x1d: {  	[bflag:$0x0] =	sbarrier.arrive $0xFFFF  }
0x1e: {  	s22 =	simm.s32 $0x0  }
.LBB2_8:
0x1f: {  	_ =	swait.ge [sflag:s16], $0x3200  }
0x20: {  	[sflag:s16] =	ssyncset.done $0x0  }
0x21: {  	[sflag:s16] =	ssyncadd.s32 $0xFFFFCE00  }
0x22: {  	[spmem:s3] =	stream.indirect.scatter.add.f32 [tilespmem:s18], [sflag:$0x4], $0x80, s17, s15, $0xb8;
	[tilespmem:$0x1F800] =	vst v63  }
0x23: {  	_ =	swait.ge [sflag:s19], $0x3200  }
0x24: {  	[sflag:s19] =	ssyncset.done $0x0  }
0x25: {  	s22 =	sadd.s32 $0x1, s22;
	[sflag:s19] =	ssyncadd.s32 $0xFFFFCE00  }
0x26: {  	p0 =	sne.s32 s22, $0x4;
	_ =	swait.ge [sflag:s20], $0x3200  }
.Ltmp3:
0x27: {  	[sflag:s20] =	ssyncset.done $0x0;
	(pc) =	sbr.rel @!p0 .LBB2_9-.Ltmp3, $4  }
0x28: {  	[sflag:s20] =	ssyncadd.s32 $0xFFFFCE00  }
0x29: {  	_ =	swait.ge [sflag:s21], $0x3200  }
0x2a: {  	[sflag:s21] =	ssyncset.done $0x0  }
0x2b: {  	[sflag:s21] =	ssyncadd.s32 $0xFFFFCE00  }
.LBB2_2:
0x2c: {  	s23 =	sshll.u32 s22, $0x9  }
0x2d: {  	s24 =	sadd.s32 s8, s23  }
0x2e: {  	s23 =	simm.s32 $0x0;
	s25 =	sadd.s32 s5, s24  }
0x2f: {  	[tilespmem:s23], [sflag:$0x7] =	stream.linear.gather [hbm4b:s25+s23], $0xC80, $0x38;
	[tilespmem:$0x1F800] =	vst v63  }
0x30: {  	_ =	swait.ge [sflag:s13], $0xC80  }
0x31: {  	[sflag:s13] =	ssyncset.done $0x0  }
.Ltmp4:
0x32: {  	s24 =	sadd.s32 s24, s9;
	[sflag:s13] =	ssyncadd.s32 $0xFFFFF380;
	(pc) =	sbr.rel .LBB2_3-.Ltmp4, $4  }
0x33: {  	[tilespmem:s14], [sflag:$0x7] =	stream.linear.gather [hbm4b:s24+s23], $0xC80, $0x38;
	[tilespmem:$0x1F800] =	vst v63  }
0x34: {  	_ =	swait.ge [sflag:s13], $0xC80  }
0x35: {  	[sflag:s13] =	ssyncset.done $0x0  }
0x36: {  	s25 =	simm.s32 $0x0;
	s24 =	simm.s32 $0xF80;
	[sflag:s13] =	ssyncadd.s32 $0xFFFFF380  }
.LBB2_4:
0x37: {  	s28 =	sadd.s32 $0x4, s26;
	s29 =	smul.u32 $0xD000, s26  }
0x38: {  	_ =	swait.ge [sflag:s28], $0x3200  }
0x39: {  	[sflag:s28] =	ssyncset.done $0x0;
	s29 =	sshrl.u32 s29, $0x2  }
0x3a: {  	s31 =	sadd.s32 $0x1, s26;
	[sflag:s28] =	ssyncadd.s32 $0xFFFFCE00;
	s30 =	sadd.s32 $0x2000, s29  }
0x3b: {  	[tilespmem:s30], [sflag:s31] =	stream.indirect.gather [hbm4b:s2+s15], $0x80, s23, s15, $0xb8;
	[tilespmem:$0x1F800] =	vst v63  }
.LBB2_6:
0x3c: {  	s26 =	sadd.s32 $0x2, s25  }
0x3d: {  	s28 =	sand.u32 $0xFF, s26  }
0x3e: {  	s28 =	smul.u32 $0xAB, s28;
	_ =	sdelay $0x1  }
0x3f: {  	s28 =	sshrl.u32 s28, $0x9  }
0x40: {  	s28 =	smul.u32 $0x3, s28;
	_ =	sdelay $0x1  }
0x41: {  	s26 =	ssub.s32 s26, s28  }
0x42: {  	s26 =	sand.u32 $0xFF, s26  }
0x43: {  	s31 =	smul.u32 $0xD000, s26;
	s29 =	sadd.s32 $0x1, s26  }
0x44: {  	_ =	swait.ge [sflag:s29], $0x3200  }
0x45: {  	s28 =	sshrl.u32 s31, $0x2;
	[sflag:s29] =	ssyncset.done $0x0  }
0x46: {  	s26 =	sadd.s32 $0x4, s26;
	s28 =	sadd.s32 $0x2000, s28;
	[sflag:s29] =	ssyncadd.s32 $0xFFFFCE00  }
0x47: {  	[spmem:s3] =	stream.indirect.scatter.add.f32 [tilespmem:s28], [sflag:s26], $0x80, s24, s15, $0xb8;
	[tilespmem:$0x1F800] =	vst v63  }
.LBB2_7:
0x48: {  	s25 =	sadd.s32 $0x1, s25  }
0x49: {  	p0 =	sne.s32 s25, $0x19  }
.Ltmp5:
0x4a: {  	_ = 	snop;
	(pc) =	sbr.rel @!p0 .LBB2_8-.Ltmp5, $2  }
0x4b: {  	_ =	sdelay $0x2  }
0x4c: {  	s24 =	sadd.s32 $0x80, s24;
	s23 =	sadd.s32 $0x80, s23  }
.LBB2_3:
0x4d: {  	s26 =	smul.u32 $0xAB, s25;
	_ =	sdelay $0x1  }
0x4e: {  	p0 =	slt.u32 s25, $0x3;
	s26 =	sshrl.u32 s26, $0x9  }
.Ltmp6:
0x4f: {  	s26 =	sand.u32 $0x7F, s26;
	(pc) =	sbr.rel @!p0 .LBB2_4-.Ltmp6, $3  }
0x50: {  	s26 =	smul.u32 $0x3, s26;
	_ =	sdelay $0x1  }
0x51: {  	s26 =	ssub.s32 s25, s26  }
0x52: {  	s26 =	sand.u32 $0xFF, s26  }
0x53: {  	s28 =	smul.u32 $0xD000, s26;
	p0 =	seq.s32 s25, $0x0  }
.Ltmp7:
0x54: {  	_ = 	snop;
	(pc) =	sbr.rel @!p0 .LBB2_6-.Ltmp7, $4  }
.Ltmp8:
0x55: {  	_ = 	snop;
	(pc) =	sbr.rel @p0 .LBB2_7-.Ltmp8, $4  }
0x56: {  	s28 =	sshrl.u32 s28, $0x2  }
0x57: {  	s31 =	sadd.s32 $0x1, s26;
	s28 =	sadd.s32 $0x2000, s28  }
0x58: {  	[tilespmem:s28], [sflag:s31] =	stream.indirect.gather [hbm4b:s2+s15], $0x80, s23, s15, $0xb8;
	[tilespmem:$0x1F800] =	vst v63  }
0x59: {  	_ = 	snop  }
.LBB2_10:
0x5a: {  	_ =	sfence.sel $0x180000  }
0x5b: {  	[bflag:$0x0] =	sbarrier.arrive $0xFFFF  }
0x5c: {  	p0 =	sne.s32 s1, $0x0;
	_ =	strace $0x90000056  }
0x5d: {  	s0 =	sadd.s32 @!p0 $0x100000, s0;
	[bflag:$0x2] =	sbarrier.arrive $0xFFFF  }
0x5e: {  	[sflag:s0] =	ssyncadd.tile.s32 @!p0 $0x1;
	_ =	shalt  }
.Lfunc_end2:
_tile_overlayer_lowered:
.L_overlay_start_2:
0x5f: {  	(tag) =	ssettag $0x2  }
0x60: {  	s0 =	rddreg [dreg:$0x0];
	s2 =	stileid.u32  }
0x61: {  	s1 =	rddreg [dreg:$0x1];
	p0 =	sne.s32 s2, $0x0  }
0x62: {  	s3 =	rddreg [dreg:$0x2];
	[bflag:$0x3] =	sbarrier.arrive $0xFFFF;
	s2 =	simm.s32 @!p0 $0x1C07  }
0x63: {  	[timem:s3], [sflag:s2] =	dma.local @!p0 [hbm:s0], s1  }
0x64: {  	s0 =	simm.s32 @!p0 $0x7  }
0x65: {  	_ =	swait.ge @!p0 [sflag:s0], s1  }
0x66: {  	s1 =	ssub.s32 @!p0 $0x0, s1;
	[sflag:s0] =	ssyncset.done @!p0 $0x0  }
0x67: {  	[sflag:s0] =	ssyncadd.s32 @!p0 s1  }
0x68: {  	[bflag:$0x3] =	sbarrier.arrive $0xFFFF  }
0x69: {  	_ =	shalt  }

</sc_bundles>
